<compile_context>
chip_gen: v7x
topology: tpu7x:2x2x1
jax: 0.10.2.dev20260603
libtpu: 0.0.44.dev20260713+nightly
codegen_flags: <defaults>
</compile_context>

<pallas_src>
import functools

import jax
import jax.numpy as jnp
from jax import lax
from jax.experimental import pallas as pl
from jax.experimental.pallas import tpu as pltpu
from jax.experimental.pallas import tpu_sc as plsc

N = 10000
E = 320000
NPAD = 10240
ROWS_PT = NPAD // 16
NACC = 10112
ROWS_ACC = NACC // 16
CH = 88
KG = 4
SUPER = 8
GROUPS = (4, 4)
CPT = 232
EP = 16 * CPT * CH
CPT4 = 120
EP4 = 32 * CPT4 * CH
NSUP = CPT // SUPER
NSUP4 = CPT4 // SUPER

TN = 1024
GRID = NPAD // TN

f32 = jnp.float32
i32 = jnp.int32

_MESH = dict(core_axis_name="c", subcore_axis_name="s")


def _seg_loop(tab, src_h, dst_h, w, nsup, src_v, dst_v, bufs, acc, sem, sem2,
              gather=True):
  def sup(u, carry):
    if gather:
      pltpu.sync_copy(src_h.at[w, pl.ds(u * SUPER, SUPER)], src_v)
    pltpu.sync_copy(dst_h.at[w, pl.ds(u * SUPER, SUPER)], dst_v)

    base = 0
    for gs in GROUPS:
      if gather:
        gd = [pltpu.async_copy(tab.at[src_v.at[base + k]], bufs[k], sem)
              for k in range(gs)]
      sd = []
      for k in range(gs):
        if gather:
          gd[k].wait()
        sd.append(pltpu.async_copy(bufs[k], acc.at[dst_v.at[base + k]],
                                   sem2, add=True))
      for d in sd:
        d.wait()
      base += gs
    return carry
  lax.fori_loop(0, nsup, sup, 0)


def _make_sc_layer1():
  out_type = [jax.ShapeDtypeStruct((NPAD, 128), f32),
              jax.ShapeDtypeStruct((NPAD, 128), f32)]
  scratch = (
      [pltpu.VMEM((SUPER, CH), i32), pltpu.VMEM((SUPER, CH), i32)]
      + [pltpu.VMEM((CH, 128), f32) for _ in range(KG)]
      + [pltpu.VMEM_SHARED((NACC, 128), f32),
         pltpu.SemaphoreType.DMA, pltpu.SemaphoreType.DMA])

  def body(src_h, dst_h, xtab, zrows, e0_h, agg_out, cnt_out,
           src_v, dst_v, *rest):
    bufs = list(rest[:KG])
    acc, sem, sem2 = rest[KG:]
    c = lax.axis_index("c")
    s = lax.axis_index("s")
    rows = pl.ds(s * ROWS_ACC, ROWS_ACC)

    pltpu.sync_copy(zrows, acc.at[rows])

    @pl.when(c == 1)
    def _():
      for b in bufs:
        pltpu.sync_copy(e0_h, b)

    plsc.subcore_barrier()

    @pl.when(c == 0)
    def _():
      _seg_loop(xtab, src_h, dst_h, s, NSUP, src_v, dst_v, bufs, acc,
                sem, sem2)

    @pl.when(c == 1)
    def _():
      _seg_loop(xtab, src_h, dst_h, s, NSUP, src_v, dst_v, bufs, acc,
                sem, sem2, gather=False)

    plsc.subcore_barrier()

    @pl.when(c == 0)
    def _():
      pltpu.sync_copy(acc.at[rows], agg_out.at[rows])

    @pl.when(c == 1)
    def _():
      pltpu.sync_copy(acc.at[rows], cnt_out.at[rows])

  return pl.kernel(body, out_type=out_type,
                   mesh=plsc.VectorSubcoreMesh(**_MESH),
                   scratch_types=scratch)


def _make_sc_mid():
  out_type = [jax.ShapeDtypeStruct((NPAD, 128), f32),
              jax.ShapeDtypeStruct((NPAD, 128), f32)]
  scratch = (
      [pltpu.VMEM((SUPER, CH), i32), pltpu.VMEM((SUPER, CH), i32)]
      + [pltpu.VMEM((CH, 128), f32) for _ in range(KG)]
      + [pltpu.VMEM_SHARED((NACC, 128), f32),
         pltpu.SemaphoreType.DMA, pltpu.SemaphoreType.DMA])

  def body(src_h, dst_h, tabL, tabR, zrows, outL, outR, src_v, dst_v, *rest):
    bufs = list(rest[:KG])
    acc, sem, sem2 = rest[KG:]
    c = lax.axis_index("c")
    s = lax.axis_index("s")
    rows = pl.ds(s * ROWS_ACC, ROWS_ACC)

    pltpu.sync_copy(zrows, acc.at[rows])
    plsc.subcore_barrier()

    @pl.when(c == 0)
    def _():
      _seg_loop(tabL, src_h, dst_h, s, NSUP, src_v, dst_v, bufs, acc,
                sem, sem2)

    @pl.when(c == 1)
    def _():
      _seg_loop(tabR, src_h, dst_h, s, NSUP, src_v, dst_v, bufs, acc,
                sem, sem2)

    plsc.subcore_barrier()

    @pl.when(c == 0)
    def _():
      pltpu.sync_copy(acc.at[rows], outL.at[rows])

    @pl.when(c == 1)
    def _():
      pltpu.sync_copy(acc.at[rows], outR.at[rows])

  return pl.kernel(body, out_type=out_type,
                   mesh=plsc.VectorSubcoreMesh(**_MESH),
                   scratch_types=scratch)


def _make_sc_l4():
  out_type = [jax.ShapeDtypeStruct((NPAD, 128), f32),
              jax.ShapeDtypeStruct((NPAD, 128), f32)]
  scratch = (
      [pltpu.VMEM((SUPER, CH), i32), pltpu.VMEM((SUPER, CH), i32)]
      + [pltpu.VMEM((CH, 128), f32) for _ in range(KG)]
      + [pltpu.VMEM_SHARED((NACC, 128), f32),
         pltpu.SemaphoreType.DMA, pltpu.SemaphoreType.DMA])

  def body(src_h, dst_h, ytab, zrows, pA, pB, src_v, dst_v, *rest):
    bufs = list(rest[:KG])
    acc, sem, sem2 = rest[KG:]
    c = lax.axis_index("c")
    s = lax.axis_index("s")
    w = c * 16 + s
    rows = pl.ds(s * ROWS_ACC, ROWS_ACC)

    pltpu.sync_copy(zrows, acc.at[rows])
    plsc.subcore_barrier()

    _seg_loop(ytab, src_h, dst_h, w, NSUP4, src_v, dst_v, bufs, acc,
              sem, sem2)

    plsc.subcore_barrier()

    @pl.when(c == 0)
    def _():
      pltpu.sync_copy(acc.at[rows], pA.at[rows])

    @pl.when(c == 1)
    def _():
      pltpu.sync_copy(acc.at[rows], pB.at[rows])

  return pl.kernel(body, out_type=out_type,
                   mesh=plsc.VectorSubcoreMesh(**_MESH),
                   scratch_types=scratch)


def _row_spec(w):
  return pl.BlockSpec((TN, w), lambda i: (i, 0))


def _w_spec(r, cols):
  return pl.BlockSpec((r, cols), lambda i: (0, 0))


def _make_tc1():
  def body(x_ref, agg, cnt, wl, bl, wr, g, bln, wres, brs, outL, outR):
    scale = 1.0 / jnp.maximum(cnt[...][:, :1], 1.0)
    seg = jnp.dot(agg[...], wl[...], preferred_element_type=f32)
    pre = (seg * scale + bl[...]
           + jnp.dot(x_ref[...], wr[...], preferred_element_type=f32))
    mu = jnp.mean(pre, axis=1, keepdims=True)
    var = jnp.mean((pre - mu) ** 2, axis=1, keepdims=True)
    h = (pre - mu) * lax.rsqrt(var + 1e-5) * g[...] + bln[...]
    h = (jnp.maximum(h, 0.0)
         + jnp.dot(x_ref[...], wres[...], preferred_element_type=f32)
         + brs[...])
    outL[...] = h[:, :128]
    outR[...] = h[:, 128:]

  return pl.pallas_call(
      body,
      grid=(GRID,),
      in_specs=[
          _row_spec(128), _row_spec(128), _row_spec(128),
          _w_spec(128, 256), _w_spec(1, 256), _w_spec(128, 256),
          _w_spec(1, 256), _w_spec(1, 256),
          _w_spec(128, 256), _w_spec(1, 256),
      ],
      out_specs=[_row_spec(128), _row_spec(128)],
      out_shape=[jax.ShapeDtypeStruct((NPAD, 128), f32)] * 2,
  )


def _make_tc_mid():
  def body(hL, hR, aL, aR, cnt, wlt, wlb, bl, wrt, wrb, outL, outR):
    scale = 1.0 / jnp.maximum(cnt[...][:, :1], 1.0)
    seg = (jnp.dot(aL[...], wlt[...], preferred_element_type=f32)
           + jnp.dot(aR[...], wlb[...], preferred_element_type=f32))
    h = (seg * scale + bl[...]
         + jnp.dot(hL[...], wrt[...], preferred_element_type=f32)
         + jnp.dot(hR[...], wrb[...], preferred_element_type=f32))
    h = jnp.maximum(h, 0.0)
    outL[...] = h[:, :128]
    outR[...] = h[:, 128:]

  return pl.pallas_call(
      body,
      grid=(GRID,),
      in_specs=[
          _row_spec(128), _row_spec(128), _row_spec(128), _row_spec(128),
          _row_spec(128),
          _w_spec(128, 256), _w_spec(128, 256), _w_spec(1, 256),
          _w_spec(128, 256), _w_spec(128, 256),
      ],
      out_specs=[_row_spec(128), _row_spec(128)],
      out_shape=[jax.ShapeDtypeStruct((NPAD, 128), f32)] * 2,
  )


def _make_tc3():
  def body(hL, hR, aL, aR, cnt, wlt, wlb, bl, wrt, wrb, w4l, w4r, b4,
           y_out, r_out):
    scale = 1.0 / jnp.maximum(cnt[...][:, :1], 1.0)
    seg = (jnp.dot(aL[...], wlt[...], preferred_element_type=f32)
           + jnp.dot(aR[...], wlb[...], preferred_element_type=f32))
    h = (seg * scale + bl[...]
         + jnp.dot(hL[...], wrt[...], preferred_element_type=f32)
         + jnp.dot(hR[...], wrb[...], preferred_element_type=f32))
    h = jnp.maximum(h, 0.0)
    y_out[...] = jnp.dot(h, w4l[...], preferred_element_type=f32)
    r_out[...] = jnp.dot(h, w4r[...], preferred_element_type=f32) + b4[...]

  return pl.pallas_call(
      body,
      grid=(GRID,),
      in_specs=[
          _row_spec(128), _row_spec(128), _row_spec(128), _row_spec(128),
          _row_spec(128),
          _w_spec(128, 256), _w_spec(128, 256), _w_spec(1, 256),
          _w_spec(128, 256), _w_spec(128, 256),
          _w_spec(256, 128), _w_spec(256, 128), _w_spec(1, 128),
      ],
      out_specs=[_row_spec(128), _row_spec(128)],
      out_shape=[jax.ShapeDtypeStruct((NPAD, 128), f32)] * 2,
  )


def _make_tc4():
  def body(pA, pB, cnt, r, out):
    scale = 1.0 / jnp.maximum(cnt[...][:, :1], 1.0)
    out[...] = (pA[...] + pB[...]) * scale + r[...]

  return pl.pallas_call(
      body,
      grid=(GRID,),
      in_specs=[_row_spec(128)] * 4,
      out_specs=_row_spec(128),
      out_shape=jax.ShapeDtypeStruct((NPAD, 128), f32),
  )


@functools.cache
def _kernels():
  return (_make_sc_layer1(), _make_sc_mid(), _make_sc_l4(),
          _make_tc1(), _make_tc_mid(), _make_tc3(), _make_tc4())


def kernel(x, edge_index, W1l, b1l, W1r, ln_g, ln_b, Wres, bres,
           W2l, b2l, W2r, W3l, b3l, W3r, W4l, b4l, W4r):
  sc1, sc_mid, sc4, tc1, tc_mid, tc3, tc4 = _kernels()

  src = edge_index[0].astype(i32)
  dst = edge_index[1].astype(i32)

  def padded(v, ep, pad_junk):
    pidx = jnp.arange(ep - E, dtype=i32)
    fill = (pidx * 509) % (NACC - N) + N if pad_junk else (pidx * 509) % N
    return jnp.concatenate([v, fill])

  src_p = padded(src, EP, False).reshape(16, CPT, CH)
  dst_p = padded(dst, EP, True).reshape(16, CPT, CH)
  src_p4 = padded(src, EP4, False).reshape(32, CPT4, CH)
  dst_p4 = padded(dst, EP4, True).reshape(32, CPT4, CH)

  xpad = jnp.pad(x, ((0, NPAD - N), (0, 0)))
  z128 = jnp.zeros((ROWS_ACC, 128), f32)
  e0 = jnp.zeros((CH, 128), f32).at[:, 0].set(1.0)

  r1 = lambda a: a.reshape(1, -1)
  ecol = lambda w: jnp.pad(w, ((0, 0), (0, 127)))

  agg1, cnt = sc1(src_p, dst_p, xpad, z128, e0)
  h1L, h1R = tc1(xpad, agg1, cnt, W1l, r1(b1l), W1r, r1(ln_g), r1(ln_b),
                 Wres, r1(bres))
  aggL2, aggR2 = sc_mid(src_p, dst_p, h1L, h1R, z128)
  h2L, h2R = tc_mid(h1L, h1R, aggL2, aggR2, cnt,
                    W2l[:128], W2l[128:], r1(b2l), W2r[:128], W2r[128:])
  aggL3, aggR3 = sc_mid(src_p, dst_p, h2L, h2R, z128)
  y128, r128 = tc3(h2L, h2R, aggL3, aggR3, cnt,
                   W3l[:128], W3l[128:], r1(b3l), W3r[:128], W3r[128:],
                   ecol(W4l), ecol(W4r), ecol(r1(b4l)))
  pA, pB = sc4(src_p4, dst_p4, y128, z128)
  out = tc4(pA, pB, cnt, r128)
  return out[:N, 0]

# --- scband reference (transcript-rebuilt; emitter-appended) ---
"""Pipeline reference for scband-enhanced-classifier-27169963114789 (READ-ONLY COPY).

The authoritative reference and input builder live on the scoring server;
editing this copy changes nothing except your own understanding.
"""

import jax, jax.numpy as jnp
import numpy as np

N = 10000
E = 320000
IN = 128
H = 256
OUT = 1


def setup_inputs(seed: int = 0) -> dict:
    key = jax.random.key(seed)
    ks = jax.random.split(key, 24)
    x = jax.random.normal(ks[0], (N, IN), dtype=jnp.float32)
    edge_index = jax.random.randint(ks[1], (2, E), 0, N, dtype=jnp.int64)

    def lin(k, fi, fo):
        return jax.random.normal(k, (fi, fo), dtype=jnp.float32) / np.sqrt(fi)

    inp = {
        "x": x,
        "edge_index": edge_index,
        # conv1: SAGEConv(IN, H)  -> lin_l (with bias) on aggregated, lin_r (no bias) on root
        "W1l": lin(ks[2], IN, H), "b1l": jnp.zeros((H,), jnp.float32), "W1r": lin(ks[3], IN, H),
        # LayerNorm(H)
        "ln_g": jnp.ones((H,), jnp.float32), "ln_b": jnp.zeros((H,), jnp.float32),
        # residual Linear(IN, H)
        "Wres": lin(ks[4], IN, H), "bres": jnp.zeros((H,), jnp.float32),
        # conv2: SAGEConv(H, H)
        "W2l": lin(ks[5], H, H), "b2l": jnp.zeros((H,), jnp.float32), "W2r": lin(ks[6], H, H),
        # conv3: SAGEConv(H, H)
        "W3l": lin(ks[7], H, H), "b3l": jnp.zeros((H,), jnp.float32), "W3r": lin(ks[8], H, H),
        # conv4: SAGEConv(H, OUT)
        "W4l": lin(ks[9], H, OUT), "b4l": jnp.zeros((OUT,), jnp.float32), "W4r": lin(ks[10], H, OUT),
    }
    return inp


def _sage(x, src, dst, Wl, bl, Wr):
    msgs = jnp.take(x, src, axis=0)
    agg = jax.ops.segment_sum(msgs, dst, num_segments=N)
    cnt = jax.ops.segment_sum(jnp.ones((src.shape[0], 1), x.dtype), dst, num_segments=N)
    agg = agg / jnp.maximum(cnt, 1.0)
    return agg @ Wl + bl + x @ Wr


def _layernorm(h, g, b, eps=1e-5):
    mu = jnp.mean(h, axis=-1, keepdims=True)
    var = jnp.var(h, axis=-1, keepdims=True)
    return (h - mu) / jnp.sqrt(var + eps) * g + b


def reference(x, edge_index, W1l, b1l, W1r, ln_g, ln_b, Wres, bres,
              W2l, b2l, W2r, W3l, b3l, W3r, W4l, b4l, W4r):
    src = edge_index[0]
    dst = edge_index[1]
    identity = x
    h = jax.nn.relu(_layernorm(_sage(x, src, dst, W1l, b1l, W1r), ln_g, ln_b))
    # residual exists since in_channel (128) != hidden_channel (256)
    h = h + identity @ Wres + bres
    # dropout is identity in eval mode
    h = jax.nn.relu(_sage(h, src, dst, W2l, b2l, W2r))
    h = jax.nn.relu(_sage(h, src, dst, W3l, b3l, W3r))
    h = _sage(h, src, dst, W4l, b4l, W4r)
    return jnp.squeeze(h, axis=-1)

if __name__ == "__main__":
    import jax
    _d = setup_inputs()
    print(jax.jit(kernel)(*tuple(_d.values())))

</pallas_src>

<mosaic_0001>
#map = affine_map<(d0, d1) -> (0, 0, 0)>
#map1 = affine_map<(d0, d1) -> (0, 0)>
module attributes {stable_mosaic.version = 14 : i64} {
  func.func @body(%arg0: i32, %arg1: i32, %arg2: memref<32x120x88xi32, #tpu.memory_space<hbm>>, %arg3: memref<32x120x88xi32, #tpu.memory_space<hbm>>, %arg4: memref<10240x128xf32, #tpu.memory_space<hbm>>, %arg5: memref<632x128xf32, #tpu.memory_space<hbm>>, %arg6: memref<10240x128xf32, #tpu.memory_space<hbm>>, %arg7: memref<10240x128xf32, #tpu.memory_space<hbm>>, %arg8: memref<8x88xi32, #tpu.memory_space<vmem>>, %arg9: memref<8x88xi32, #tpu.memory_space<vmem>>, %arg10: memref<88x128xf32, #tpu.memory_space<vmem>>, %arg11: memref<88x128xf32, #tpu.memory_space<vmem>>, %arg12: memref<88x128xf32, #tpu.memory_space<vmem>>, %arg13: memref<88x128xf32, #tpu.memory_space<vmem>>, %arg14: memref<10112x128xf32, #tpu.memory_space<vmem_shared>>, %arg15: memref<!tpu.dma_semaphore, #tpu.memory_space<semaphore_mem>>, %arg16: memref<!tpu.dma_semaphore, #tpu.memory_space<semaphore_mem>>) attributes {dimension_semantics = [#tpu.dimension_semantics<core_parallel>, #tpu.dimension_semantics<subcore_parallel>], iteration_bounds = array<i64: 2, 16>, scalar_prefetch = 0 : i64, scratch_operands = 9 : i64, tpu.core_type = #tpu.core_type<sc_vector_subcore>, window_params = [{transform_indices = #map}, {transform_indices = #map}, {transform_indices = #map1}, {transform_indices = #map1}, {transform_indices = #map1}, {transform_indices = #map1}]} {
    %mul3A = arith.constant 16 : i32
    %mul3A_0 = arith.muli %arg0, %mul3A : i32
    %add3A = arith.addi %mul3A_0, %arg1 : i32
    %mul3A_1 = arith.constant 632 : i32
    %mul3A_2 = arith.muli %arg1, %mul3A_1 : i32
    "tpu.region"() ({
      %run_scoped3A = tpu.sem_alloc : memref<!tpu.dma_semaphore, #tpu.memory_space<semaphore_mem>>
      %dma_start3A = arith.constant 0 : i32
      %dma_start3A_16 = tpu.memref_slice %arg14[%mul3A_2, %dma_start3A] : memref<10112x128xf32, #tpu.memory_space<vmem_shared>> -> memref<632x128xf32, #tpu.memory_space<vmem_shared>>
      tpu.enqueue_dma source(%arg5 : memref<632x128xf32, #tpu.memory_space<hbm>>) target(%dma_start3A_16 : memref<632x128xf32, #tpu.memory_space<vmem_shared>>) target_semaphore(%run_scoped3A : memref<!tpu.dma_semaphore, #tpu.memory_space<semaphore_mem>>)
      %dma_wait3A = arith.constant 0 : i32
      %dma_wait3A_17 = tpu.memref_slice %arg14[%mul3A_2, %dma_wait3A] : memref<10112x128xf32, #tpu.memory_space<vmem_shared>> -> memref<632x128xf32, #tpu.memory_space<vmem_shared>>
      tpu.wait_dma2 semaphore(%run_scoped3A : memref<!tpu.dma_semaphore, #tpu.memory_space<semaphore_mem>>) src(%arg5 : memref<632x128xf32, #tpu.memory_space<hbm>>) dst(%dma_wait3A_17 : memref<632x128xf32, #tpu.memory_space<vmem_shared>>)
      tpu.yield
    }) : () -> ()
    %barrier3A = arith.constant 0 : index
    tpu.barrier barrier_id(%barrier3A)
    %scan3A = arith.constant 0 : i32
    %scan3A_3 = arith.constant 0 : i32
    %scan3A_4 = arith.constant 15 : i32
    %scan3A_5 = arith.addi %scan3A_3, %scan3A_4 : i32
    %scan3A_6 = arith.constant 1 : i32
    scf.for %scan3A_16 = %scan3A_3 to %scan3A_5 step %scan3A_6  : i32 {
      %mul3A_17 = arith.constant 8 : i32
      %mul3A_18 = arith.muli %scan3A_16, %mul3A_17 : i32
      "tpu.region"() ({
        %run_scoped3A = tpu.sem_alloc : memref<!tpu.dma_semaphore, #tpu.memory_space<semaphore_mem>>
        %dma_start3A_243 = arith.constant 0 : i32
        %dma_start3A_244 = tpu.memref_slice %arg2[%add3A, %mul3A_18, %dma_start3A_243] : memref<32x120x88xi32, #tpu.memory_space<hbm>> -> memref<1x8x88xi32, #tpu.memory_space<hbm>>
        %dma_start3A_245 = tpu.memref_squeeze %dma_start3A_244 : memref<1x8x88xi32, #tpu.memory_space<hbm>> -> memref<8x88xi32, #tpu.memory_space<hbm>>
        %dma_start3A_246 = arith.constant 0 : i32
        %dma_start3A_247 = tpu.memref_slice %arg2[%add3A, %mul3A_18, %dma_start3A_246] : memref<32x120x88xi32, #tpu.memory_space<hbm>> -> memref<1x8x88xi32, #tpu.memory_space<hbm>>
        %dma_start3A_248 = tpu.memref_squeeze %dma_start3A_247 : memref<1x8x88xi32, #tpu.memory_space<hbm>> -> memref<8x88xi32, #tpu.memory_space<hbm>>
        tpu.enqueue_dma source(%dma_start3A_248 : memref<8x88xi32, #tpu.memory_space<hbm>>) target(%arg8 : memref<8x88xi32, #tpu.memory_space<vmem>>) target_semaphore(%run_scoped3A : memref<!tpu.dma_semaphore, #tpu.memory_space<semaphore_mem>>)
        %dma_wait3A_249 = arith.constant 0 : i32
        %dma_wait3A_250 = tpu.memref_slice %arg2[%add3A, %mul3A_18, %dma_wait3A_249] : memref<32x120x88xi32, #tpu.memory_space<hbm>> -> memref<1x8x88xi32, #tpu.memory_space<hbm>>
        %dma_wait3A_251 = tpu.memref_squeeze %dma_wait3A_250 : memref<1x8x88xi32, #tpu.memory_space<hbm>> -> memref<8x88xi32, #tpu.memory_space<hbm>>
        %dma_wait3A_252 = arith.constant 0 : i32
        %dma_wait3A_253 = tpu.memref_slice %arg2[%add3A, %mul3A_18, %dma_wait3A_252] : memref<32x120x88xi32, #tpu.memory_space<hbm>> -> memref<1x8x88xi32, #tpu.memory_space<hbm>>
        %dma_wait3A_254 = tpu.memref_squeeze %dma_wait3A_253 : memref<1x8x88xi32, #tpu.memory_space<hbm>> -> memref<8x88xi32, #tpu.memory_space<hbm>>
        tpu.wait_dma2 semaphore(%run_scoped3A : memref<!tpu.dma_semaphore, #tpu.memory_space<semaphore_mem>>) src(%dma_wait3A_254 : memref<8x88xi32, #tpu.memory_space<hbm>>) dst(%arg8 : memref<8x88xi32, #tpu.memory_space<vmem>>)
        tpu.yield
      }) : () -> ()
      %mul3A_19 = arith.constant 8 : i32
      %mul3A_20 = arith.muli %scan3A_16, %mul3A_19 : i32
      "tpu.region"() ({
        %run_scoped3A = tpu.sem_alloc : memref<!tpu.dma_semaphore, #tpu.memory_space<semaphore_mem>>
        %dma_start3A_243 = arith.constant 0 : i32
        %dma_start3A_244 = tpu.memref_slice %arg3[%add3A, %mul3A_20, %dma_start3A_243] : memref<32x120x88xi32, #tpu.memory_space<hbm>> -> memref<1x8x88xi32, #tpu.memory_space<hbm>>
        %dma_start3A_245 = tpu.memref_squeeze %dma_start3A_244 : memref<1x8x88xi32, #tpu.memory_space<hbm>> -> memref<8x88xi32, #tpu.memory_space<hbm>>
        %dma_start3A_246 = arith.constant 0 : i32
        %dma_start3A_247 = tpu.memref_slice %arg3[%add3A, %mul3A_20, %dma_start3A_246] : memref<32x120x88xi32, #tpu.memory_space<hbm>> -> memref<1x8x88xi32, #tpu.memory_space<hbm>>
        %dma_start3A_248 = tpu.memref_squeeze %dma_start3A_247 : memref<1x8x88xi32, #tpu.memory_space<hbm>> -> memref<8x88xi32, #tpu.memory_space<hbm>>
        tpu.enqueue_dma source(%dma_start3A_248 : memref<8x88xi32, #tpu.memory_space<hbm>>) target(%arg9 : memref<8x88xi32, #tpu.memory_space<vmem>>) target_semaphore(%run_scoped3A : memref<!tpu.dma_semaphore, #tpu.memory_space<semaphore_mem>>)
        %dma_wait3A_249 = arith.constant 0 : i32
        %dma_wait3A_250 = tpu.memref_slice %arg3[%add3A, %mul3A_20, %dma_wait3A_249] : memref<32x120x88xi32, #tpu.memory_space<hbm>> -> memref<1x8x88xi32, #tpu.memory_space<hbm>>
        %dma_wait3A_251 = tpu.memref_squeeze %dma_wait3A_250 : memref<1x8x88xi32, #tpu.memory_space<hbm>> -> memref<8x88xi32, #tpu.memory_space<hbm>>
        %dma_wait3A_252 = arith.constant 0 : i32
        %dma_wait3A_253 = tpu.memref_slice %arg3[%add3A, %mul3A_20, %dma_wait3A_252] : memref<32x120x88xi32, #tpu.memory_space<hbm>> -> memref<1x8x88xi32, #tpu.memory_space<hbm>>
        %dma_wait3A_254 = tpu.memref_squeeze %dma_wait3A_253 : memref<1x8x88xi32, #tpu.memory_space<hbm>> -> memref<8x88xi32, #tpu.memory_space<hbm>>
        tpu.wait_dma2 semaphore(%run_scoped3A : memref<!tpu.dma_semaphore, #tpu.memory_space<semaphore_mem>>) src(%dma_wait3A_254 : memref<8x88xi32, #tpu.memory_space<hbm>>) dst(%arg9 : memref<8x88xi32, #tpu.memory_space<vmem>>)
        tpu.yield
      }) : () -> ()
      %dma_start3A = arith.constant 0 : i32
      %dma_start3A_21 = arith.constant 0 : i32
      %dma_start3A_22 = tpu.memref_slice %arg8[%dma_start3A, %dma_start3A_21] : memref<8x88xi32, #tpu.memory_space<vmem>> -> memref<1x88xi32, #tpu.memory_space<vmem>>
      %dma_start3A_23 = tpu.memref_squeeze %dma_start3A_22 : memref<1x88xi32, #tpu.memory_space<vmem>> -> memref<88xi32, #tpu.memory_space<vmem>>
      %dma_start3A_24 = arith.constant 0 : i32
      %dma_start3A_25 = arith.constant 0 : i32
      %dma_start3A_26 = tpu.memref_slice %arg4[%dma_start3A_24, %dma_start3A_25] : memref<10240x128xf32, #tpu.memory_space<hbm>> -> memref<10240x128xf32, #tpu.memory_space<hbm>>
      tpu.enqueue_indirect_dma source(%dma_start3A_26 : memref<10240x128xf32, #tpu.memory_space<hbm>>) target(%arg10 : memref<88x128xf32, #tpu.memory_space<vmem>>) offsets(%dma_start3A_23 : memref<88xi32, #tpu.memory_space<vmem>>) semaphore(%arg15 : memref<!tpu.dma_semaphore, #tpu.memory_space<semaphore_mem>>)
      %dma_start3A_27 = arith.constant 1 : i32
      %dma_start3A_28 = arith.constant 0 : i32
      %dma_start3A_29 = tpu.memref_slice %arg8[%dma_start3A_27, %dma_start3A_28] : memref<8x88xi32, #tpu.memory_space<vmem>> -> memref<1x88xi32, #tpu.memory_space<vmem>>
      %dma_start3A_30 = tpu.memref_squeeze %dma_start3A_29 : memref<1x88xi32, #tpu.memory_space<vmem>> -> memref<88xi32, #tpu.memory_space<vmem>>
      %dma_start3A_31 = arith.constant 0 : i32
      %dma_start3A_32 = arith.constant 0 : i32
      %dma_start3A_33 = tpu.memref_slice %arg4[%dma_start3A_31, %dma_start3A_32] : memref<10240x128xf32, #tpu.memory_space<hbm>> -> memref<10240x128xf32, #tpu.memory_space<hbm>>
      tpu.enqueue_indirect_dma source(%dma_start3A_33 : memref<10240x128xf32, #tpu.memory_space<hbm>>) target(%arg11 : memref<88x128xf32, #tpu.memory_space<vmem>>) offsets(%dma_start3A_30 : memref<88xi32, #tpu.memory_space<vmem>>) semaphore(%arg15 : memref<!tpu.dma_semaphore, #tpu.memory_space<semaphore_mem>>)
      %dma_start3A_34 = arith.constant 2 : i32
      %dma_start3A_35 = arith.constant 0 : i32
      %dma_start3A_36 = tpu.memref_slice %arg8[%dma_start3A_34, %dma_start3A_35] : memref<8x88xi32, #tpu.memory_space<vmem>> -> memref<1x88xi32, #tpu.memory_space<vmem>>
      %dma_start3A_37 = tpu.memref_squeeze %dma_start3A_36 : memref<1x88xi32, #tpu.memory_space<vmem>> -> memref<88xi32, #tpu.memory_space<vmem>>
      %dma_start3A_38 = arith.constant 0 : i32
      %dma_start3A_39 = arith.constant 0 : i32
      %dma_start3A_40 = tpu.memref_slice %arg4[%dma_start3A_38, %dma_start3A_39] : memref<10240x128xf32, #tpu.memory_space<hbm>> -> memref<10240x128xf32, #tpu.memory_space<hbm>>
      tpu.enqueue_indirect_dma source(%dma_start3A_40 : memref<10240x128xf32, #tpu.memory_space<hbm>>) target(%arg12 : memref<88x128xf32, #tpu.memory_space<vmem>>) offsets(%dma_start3A_37 : memref<88xi32, #tpu.memory_space<vmem>>) semaphore(%arg15 : memref<!tpu.dma_semaphore, #tpu.memory_space<semaphore_mem>>)
      %dma_start3A_41 = arith.constant 3 : i32
      %dma_start3A_42 = arith.constant 0 : i32
      %dma_start3A_43 = tpu.memref_slice %arg8[%dma_start3A_41, %dma_start3A_42] : memref<8x88xi32, #tpu.memory_space<vmem>> -> memref<1x88xi32, #tpu.memory_space<vmem>>
      %dma_start3A_44 = tpu.memref_squeeze %dma_start3A_43 : memref<1x88xi32, #tpu.memory_space<vmem>> -> memref<88xi32, #tpu.memory_space<vmem>>
      %dma_start3A_45 = arith.constant 0 : i32
      %dma_start3A_46 = arith.constant 0 : i32
      %dma_start3A_47 = tpu.memref_slice %arg4[%dma_start3A_45, %dma_start3A_46] : memref<10240x128xf32, #tpu.memory_space<hbm>> -> memref<10240x128xf32, #tpu.memory_space<hbm>>
      tpu.enqueue_indirect_dma source(%dma_start3A_47 : memref<10240x128xf32, #tpu.memory_space<hbm>>) target(%arg13 : memref<88x128xf32, #tpu.memory_space<vmem>>) offsets(%dma_start3A_44 : memref<88xi32, #tpu.memory_space<vmem>>) semaphore(%arg15 : memref<!tpu.dma_semaphore, #tpu.memory_space<semaphore_mem>>)
      %dma_wait3A = arith.constant 0 : i32
      %dma_wait3A_48 = arith.constant 0 : i32
      %dma_wait3A_49 = tpu.memref_slice %arg8[%dma_wait3A, %dma_wait3A_48] : memref<8x88xi32, #tpu.memory_space<vmem>> -> memref<1x88xi32, #tpu.memory_space<vmem>>
      %dma_wait3A_50 = tpu.memref_squeeze %dma_wait3A_49 : memref<1x88xi32, #tpu.memory_space<vmem>> -> memref<88xi32, #tpu.memory_space<vmem>>
      %dma_wait3A_51 = arith.constant 0 : i32
      %dma_wait3A_52 = arith.constant 0 : i32
      %dma_wait3A_53 = tpu.memref_slice %arg4[%dma_wait3A_51, %dma_wait3A_52] : memref<10240x128xf32, #tpu.memory_space<hbm>> -> memref<10240x128xf32, #tpu.memory_space<hbm>>
      tpu.wait_indirect_dma semaphore(%arg15 : memref<!tpu.dma_semaphore, #tpu.memory_space<semaphore_mem>>) src(%dma_wait3A_53 : memref<10240x128xf32, #tpu.memory_space<hbm>>) dst(%arg10 : memref<88x128xf32, #tpu.memory_space<vmem>>)
      %dma_start3A_54 = arith.constant 0 : i32
      %dma_start3A_55 = arith.constant 0 : i32
      %dma_start3A_56 = tpu.memref_slice %arg9[%dma_start3A_54, %dma_start3A_55] : memref<8x88xi32, #tpu.memory_space<vmem>> -> memref<1x88xi32, #tpu.memory_space<vmem>>
      %dma_start3A_57 = tpu.memref_squeeze %dma_start3A_56 : memref<1x88xi32, #tpu.memory_space<vmem>> -> memref<88xi32, #tpu.memory_space<vmem>>
      %dma_start3A_58 = arith.constant 0 : i32
      %dma_start3A_59 = arith.constant 0 : i32
      %dma_start3A_60 = tpu.memref_slice %arg14[%dma_start3A_58, %dma_start3A_59] : memref<10112x128xf32, #tpu.memory_space<vmem_shared>> -> memref<10112x128xf32, #tpu.memory_space<vmem_shared>>
      tpu.enqueue_indirect_dma source(%arg10 : memref<88x128xf32, #tpu.memory_space<vmem>>) target(%dma_start3A_60 : memref<10112x128xf32, #tpu.memory_space<vmem_shared>>) offsets(%dma_start3A_57 : memref<88xi32, #tpu.memory_space<vmem>>) semaphore(%arg16 : memref<!tpu.dma_semaphore, #tpu.memory_space<semaphore_mem>>) {add = true}
      %dma_wait3A_61 = arith.constant 1 : i32
      %dma_wait3A_62 = arith.constant 0 : i32
      %dma_wait3A_63 = tpu.memref_slice %arg8[%dma_wait3A_61, %dma_wait3A_62] : memref<8x88xi32, #tpu.memory_space<vmem>> -> memref<1x88xi32, #tpu.memory_space<vmem>>
      %dma_wait3A_64 = tpu.memref_squeeze %dma_wait3A_63 : memref<1x88xi32, #tpu.memory_space<vmem>> -> memref<88xi32, #tpu.memory_space<vmem>>
      %dma_wait3A_65 = arith.constant 0 : i32
      %dma_wait3A_66 = arith.constant 0 : i32
      %dma_wait3A_67 = tpu.memref_slice %arg4[%dma_wait3A_65, %dma_wait3A_66] : memref<10240x128xf32, #tpu.memory_space<hbm>> -> memref<10240x128xf32, #tpu.memory_space<hbm>>
      tpu.wait_indirect_dma semaphore(%arg15 : memref<!tpu.dma_semaphore, #tpu.memory_space<semaphore_mem>>) src(%dma_wait3A_67 : memref<10240x128xf32, #tpu.memory_space<hbm>>) dst(%arg11 : memref<88x128xf32, #tpu.memory_space<vmem>>)
      %dma_start3A_68 = arith.constant 1 : i32
      %dma_start3A_69 = arith.constant 0 : i32
      %dma_start3A_70 = tpu.memref_slice %arg9[%dma_start3A_68, %dma_start3A_69] : memref<8x88xi32, #tpu.memory_space<vmem>> -> memref<1x88xi32, #tpu.memory_space<vmem>>
      %dma_start3A_71 = tpu.memref_squeeze %dma_start3A_70 : memref<1x88xi32, #tpu.memory_space<vmem>> -> memref<88xi32, #tpu.memory_space<vmem>>
      %dma_start3A_72 = arith.constant 0 : i32
      %dma_start3A_73 = arith.constant 0 : i32
      %dma_start3A_74 = tpu.memref_slice %arg14[%dma_start3A_72, %dma_start3A_73] : memref<10112x128xf32, #tpu.memory_space<vmem_shared>> -> memref<10112x128xf32, #tpu.memory_space<vmem_shared>>
      tpu.enqueue_indirect_dma source(%arg11 : memref<88x128xf32, #tpu.memory_space<vmem>>) target(%dma_start3A_74 : memref<10112x128xf32, #tpu.memory_space<vmem_shared>>) offsets(%dma_start3A_71 : memref<88xi32, #tpu.memory_space<vmem>>) semaphore(%arg16 : memref<!tpu.dma_semaphore, #tpu.memory_space<semaphore_mem>>) {add = true}
      %dma_wait3A_75 = arith.constant 2 : i32
      %dma_wait3A_76 = arith.constant 0 : i32
      %dma_wait3A_77 = tpu.memref_slice %arg8[%dma_wait3A_75, %dma_wait3A_76] : memref<8x88xi32, #tpu.memory_space<vmem>> -> memref<1x88xi32, #tpu.memory_space<vmem>>
      %dma_wait3A_78 = tpu.memref_squeeze %dma_wait3A_77 : memref<1x88xi32, #tpu.memory_space<vmem>> -> memref<88xi32, #tpu.memory_space<vmem>>
      %dma_wait3A_79 = arith.constant 0 : i32
      %dma_wait3A_80 = arith.constant 0 : i32
      %dma_wait3A_81 = tpu.memref_slice %arg4[%dma_wait3A_79, %dma_wait3A_80] : memref<10240x128xf32, #tpu.memory_space<hbm>> -> memref<10240x128xf32, #tpu.memory_space<hbm>>
      tpu.wait_indirect_dma semaphore(%arg15 : memref<!tpu.dma_semaphore, #tpu.memory_space<semaphore_mem>>) src(%dma_wait3A_81 : memref<10240x128xf32, #tpu.memory_space<hbm>>) dst(%arg12 : memref<88x128xf32, #tpu.memory_space<vmem>>)
      %dma_start3A_82 = arith.constant 2 : i32
      %dma_start3A_83 = arith.constant 0 : i32
      %dma_start3A_84 = tpu.memref_slice %arg9[%dma_start3A_82, %dma_start3A_83] : memref<8x88xi32, #tpu.memory_space<vmem>> -> memref<1x88xi32, #tpu.memory_space<vmem>>
      %dma_start3A_85 = tpu.memref_squeeze %dma_start3A_84 : memref<1x88xi32, #tpu.memory_space<vmem>> -> memref<88xi32, #tpu.memory_space<vmem>>
      %dma_start3A_86 = arith.constant 0 : i32
      %dma_start3A_87 = arith.constant 0 : i32
      %dma_start3A_88 = tpu.memref_slice %arg14[%dma_start3A_86, %dma_start3A_87] : memref<10112x128xf32, #tpu.memory_space<vmem_shared>> -> memref<10112x128xf32, #tpu.memory_space<vmem_shared>>
      tpu.enqueue_indirect_dma source(%arg12 : memref<88x128xf32, #tpu.memory_space<vmem>>) target(%dma_start3A_88 : memref<10112x128xf32, #tpu.memory_space<vmem_shared>>) offsets(%dma_start3A_85 : memref<88xi32, #tpu.memory_space<vmem>>) semaphore(%arg16 : memref<!tpu.dma_semaphore, #tpu.memory_space<semaphore_mem>>) {add = true}
      %dma_wait3A_89 = arith.constant 3 : i32
      %dma_wait3A_90 = arith.constant 0 : i32
      %dma_wait3A_91 = tpu.memref_slice %arg8[%dma_wait3A_89, %dma_wait3A_90] : memref<8x88xi32, #tpu.memory_space<vmem>> -> memref<1x88xi32, #tpu.memory_space<vmem>>
      %dma_wait3A_92 = tpu.memref_squeeze %dma_wait3A_91 : memref<1x88xi32, #tpu.memory_space<vmem>> -> memref<88xi32, #tpu.memory_space<vmem>>
      %dma_wait3A_93 = arith.constant 0 : i32
      %dma_wait3A_94 = arith.constant 0 : i32
      %dma_wait3A_95 = tpu.memref_slice %arg4[%dma_wait3A_93, %dma_wait3A_94] : memref<10240x128xf32, #tpu.memory_space<hbm>> -> memref<10240x128xf32, #tpu.memory_space<hbm>>
      tpu.wait_indirect_dma semaphore(%arg15 : memref<!tpu.dma_semaphore, #tpu.memory_space<semaphore_mem>>) src(%dma_wait3A_95 : memref<10240x128xf32, #tpu.memory_space<hbm>>) dst(%arg13 : memref<88x128xf32, #tpu.memory_space<vmem>>)
      %dma_start3A_96 = arith.constant 3 : i32
      %dma_start3A_97 = arith.constant 0 : i32
      %dma_start3A_98 = tpu.memref_slice %arg9[%dma_start3A_96, %dma_start3A_97] : memref<8x88xi32, #tpu.memory_space<vmem>> -> memref<1x88xi32, #tpu.memory_space<vmem>>
      %dma_start3A_99 = tpu.memref_squeeze %dma_start3A_98 : memref<1x88xi32, #tpu.memory_space<vmem>> -> memref<88xi32, #tpu.memory_space<vmem>>
      %dma_start3A_100 = arith.constant 0 : i32
      %dma_start3A_101 = arith.constant 0 : i32
      %dma_start3A_102 = tpu.memref_slice %arg14[%dma_start3A_100, %dma_start3A_101] : memref<10112x128xf32, #tpu.memory_space<vmem_shared>> -> memref<10112x128xf32, #tpu.memory_space<vmem_shared>>
      tpu.enqueue_indirect_dma source(%arg13 : memref<88x128xf32, #tpu.memory_space<vmem>>) target(%dma_start3A_102 : memref<10112x128xf32, #tpu.memory_space<vmem_shared>>) offsets(%dma_start3A_99 : memref<88xi32, #tpu.memory_space<vmem>>) semaphore(%arg16 : memref<!tpu.dma_semaphore, #tpu.memory_space<semaphore_mem>>) {add = true}
      %dma_wait3A_103 = arith.constant 0 : i32
      %dma_wait3A_104 = arith.constant 0 : i32
      %dma_wait3A_105 = tpu.memref_slice %arg9[%dma_wait3A_103, %dma_wait3A_104] : memref<8x88xi32, #tpu.memory_space<vmem>> -> memref<1x88xi32, #tpu.memory_space<vmem>>
      %dma_wait3A_106 = tpu.memref_squeeze %dma_wait3A_105 : memref<1x88xi32, #tpu.memory_space<vmem>> -> memref<88xi32, #tpu.memory_space<vmem>>
      %dma_wait3A_107 = arith.constant 0 : i32
      %dma_wait3A_108 = arith.constant 0 : i32
      %dma_wait3A_109 = tpu.memref_slice %arg14[%dma_wait3A_107, %dma_wait3A_108] : memref<10112x128xf32, #tpu.memory_space<vmem_shared>> -> memref<10112x128xf32, #tpu.memory_space<vmem_shared>>
      tpu.wait_indirect_dma semaphore(%arg16 : memref<!tpu.dma_semaphore, #tpu.memory_space<semaphore_mem>>) src(%arg10 : memref<88x128xf32, #tpu.memory_space<vmem>>) dst(%dma_wait3A_109 : memref<10112x128xf32, #tpu.memory_space<vmem_shared>>)
      %dma_wait3A_110 = arith.constant 1 : i32
      %dma_wait3A_111 = arith.constant 0 : i32
      %dma_wait3A_112 = tpu.memref_slice %arg9[%dma_wait3A_110, %dma_wait3A_111] : memref<8x88xi32, #tpu.memory_space<vmem>> -> memref<1x88xi32, #tpu.memory_space<vmem>>
      %dma_wait3A_113 = tpu.memref_squeeze %dma_wait3A_112 : memref<1x88xi32, #tpu.memory_space<vmem>> -> memref<88xi32, #tpu.memory_space<vmem>>
      %dma_wait3A_114 = arith.constant 0 : i32
      %dma_wait3A_115 = arith.constant 0 : i32
      %dma_wait3A_116 = tpu.memref_slice %arg14[%dma_wait3A_114, %dma_wait3A_115] : memref<10112x128xf32, #tpu.memory_space<vmem_shared>> -> memref<10112x128xf32, #tpu.memory_space<vmem_shared>>
      tpu.wait_indirect_dma semaphore(%arg16 : memref<!tpu.dma_semaphore, #tpu.memory_space<semaphore_mem>>) src(%arg11 : memref<88x128xf32, #tpu.memory_space<vmem>>) dst(%dma_wait3A_116 : memref<10112x128xf32, #tpu.memory_space<vmem_shared>>)
      %dma_wait3A_117 = arith.constant 2 : i32
      %dma_wait3A_118 = arith.constant 0 : i32
      %dma_wait3A_119 = tpu.memref_slice %arg9[%dma_wait3A_117, %dma_wait3A_118] : memref<8x88xi32, #tpu.memory_space<vmem>> -> memref<1x88xi32, #tpu.memory_space<vmem>>
      %dma_wait3A_120 = tpu.memref_squeeze %dma_wait3A_119 : memref<1x88xi32, #tpu.memory_space<vmem>> -> memref<88xi32, #tpu.memory_space<vmem>>
      %dma_wait3A_121 = arith.constant 0 : i32
      %dma_wait3A_122 = arith.constant 0 : i32
      %dma_wait3A_123 = tpu.memref_slice %arg14[%dma_wait3A_121, %dma_wait3A_122] : memref<10112x128xf32, #tpu.memory_space<vmem_shared>> -> memref<10112x128xf32, #tpu.memory_space<vmem_shared>>
      tpu.wait_indirect_dma semaphore(%arg16 : memref<!tpu.dma_semaphore, #tpu.memory_space<semaphore_mem>>) src(%arg12 : memref<88x128xf32, #tpu.memory_space<vmem>>) dst(%dma_wait3A_123 : memref<10112x128xf32, #tpu.memory_space<vmem_shared>>)
      %dma_wait3A_124 = arith.constant 3 : i32
      %dma_wait3A_125 = arith.constant 0 : i32
      %dma_wait3A_126 = tpu.memref_slice %arg9[%dma_wait3A_124, %dma_wait3A_125] : memref<8x88xi32, #tpu.memory_space<vmem>> -> memref<1x88xi32, #tpu.memory_space<vmem>>
      %dma_wait3A_127 = tpu.memref_squeeze %dma_wait3A_126 : memref<1x88xi32, #tpu.memory_space<vmem>> -> memref<88xi32, #tpu.memory_space<vmem>>
      %dma_wait3A_128 = arith.constant 0 : i32
      %dma_wait3A_129 = arith.constant 0 : i32
      %dma_wait3A_130 = tpu.memref_slice %arg14[%dma_wait3A_128, %dma_wait3A_129] : memref<10112x128xf32, #tpu.memory_space<vmem_shared>> -> memref<10112x128xf32, #tpu.memory_space<vmem_shared>>
      tpu.wait_indirect_dma semaphore(%arg16 : memref<!tpu.dma_semaphore, #tpu.memory_space<semaphore_mem>>) src(%arg13 : memref<88x128xf32, #tpu.memory_space<vmem>>) dst(%dma_wait3A_130 : memref<10112x128xf32, #tpu.memory_space<vmem_shared>>)
      %dma_start3A_131 = arith.constant 4 : i32
      %dma_start3A_132 = arith.constant 0 : i32
      %dma_start3A_133 = tpu.memref_slice %arg8[%dma_start3A_131, %dma_start3A_132] : memref<8x88xi32, #tpu.memory_space<vmem>> -> memref<1x88xi32, #tpu.memory_space<vmem>>
      %dma_start3A_134 = tpu.memref_squeeze %dma_start3A_133 : memref<1x88xi32, #tpu.memory_space<vmem>> -> memref<88xi32, #tpu.memory_space<vmem>>
      %dma_start3A_135 = arith.constant 0 : i32
      %dma_start3A_136 = arith.constant 0 : i32
      %dma_start3A_137 = tpu.memref_slice %arg4[%dma_start3A_135, %dma_start3A_136] : memref<10240x128xf32, #tpu.memory_space<hbm>> -> memref<10240x128xf32, #tpu.memory_space<hbm>>
      tpu.enqueue_indirect_dma source(%dma_start3A_137 : memref<10240x128xf32, #tpu.memory_space<hbm>>) target(%arg10 : memref<88x128xf32, #tpu.memory_space<vmem>>) offsets(%dma_start3A_134 : memref<88xi32, #tpu.memory_space<vmem>>) semaphore(%arg15 : memref<!tpu.dma_semaphore, #tpu.memory_space<semaphore_mem>>)
      %dma_start3A_138 = arith.constant 5 : i32
      %dma_start3A_139 = arith.constant 0 : i32
      %dma_start3A_140 = tpu.memref_slice %arg8[%dma_start3A_138, %dma_start3A_139] : memref<8x88xi32, #tpu.memory_space<vmem>> -> memref<1x88xi32, #tpu.memory_space<vmem>>
      %dma_start3A_141 = tpu.memref_squeeze %dma_start3A_140 : memref<1x88xi32, #tpu.memory_space<vmem>> -> memref<88xi32, #tpu.memory_space<vmem>>
      %dma_start3A_142 = arith.constant 0 : i32
      %dma_start3A_143 = arith.constant 0 : i32
      %dma_start3A_144 = tpu.memref_slice %arg4[%dma_start3A_142, %dma_start3A_143] : memref<10240x128xf32, #tpu.memory_space<hbm>> -> memref<10240x128xf32, #tpu.memory_space<hbm>>
      tpu.enqueue_indirect_dma source(%dma_start3A_144 : memref<10240x128xf32, #tpu.memory_space<hbm>>) target(%arg11 : memref<88x128xf32, #tpu.memory_space<vmem>>) offsets(%dma_start3A_141 : memref<88xi32, #tpu.memory_space<vmem>>) semaphore(%arg15 : memref<!tpu.dma_semaphore, #tpu.memory_space<semaphore_mem>>)
      %dma_start3A_145 = arith.constant 6 : i32
      %dma_start3A_146 = arith.constant 0 : i32
      %dma_start3A_147 = tpu.memref_slice %arg8[%dma_start3A_145, %dma_start3A_146] : memref<8x88xi32, #tpu.memory_space<vmem>> -> memref<1x88xi32, #tpu.memory_space<vmem>>
      %dma_start3A_148 = tpu.memref_squeeze %dma_start3A_147 : memref<1x88xi32, #tpu.memory_space<vmem>> -> memref<88xi32, #tpu.memory_space<vmem>>
      %dma_start3A_149 = arith.constant 0 : i32
      %dma_start3A_150 = arith.constant 0 : i32
      %dma_start3A_151 = tpu.memref_slice %arg4[%dma_start3A_149, %dma_start3A_150] : memref<10240x128xf32, #tpu.memory_space<hbm>> -> memref<10240x128xf32, #tpu.memory_space<hbm>>
      tpu.enqueue_indirect_dma source(%dma_start3A_151 : memref<10240x128xf32, #tpu.memory_space<hbm>>) target(%arg12 : memref<88x128xf32, #tpu.memory_space<vmem>>) offsets(%dma_start3A_148 : memref<88xi32, #tpu.memory_space<vmem>>) semaphore(%arg15 : memref<!tpu.dma_semaphore, #tpu.memory_space<semaphore_mem>>)
      %dma_start3A_152 = arith.constant 7 : i32
      %dma_start3A_153 = arith.constant 0 : i32
      %dma_start3A_154 = tpu.memref_slice %arg8[%dma_start3A_152, %dma_start3A_153] : memref<8x88xi32, #tpu.memory_space<vmem>> -> memref<1x88xi32, #tpu.memory_space<vmem>>
      %dma_start3A_155 = tpu.memref_squeeze %dma_start3A_154 : memref<1x88xi32, #tpu.memory_space<vmem>> -> memref<88xi32, #tpu.memory_space<vmem>>
      %dma_start3A_156 = arith.constant 0 : i32
      %dma_start3A_157 = arith.constant 0 : i32
      %dma_start3A_158 = tpu.memref_slice %arg4[%dma_start3A_156, %dma_start3A_157] : memref<10240x128xf32, #tpu.memory_space<hbm>> -> memref<10240x128xf32, #tpu.memory_space<hbm>>
      tpu.enqueue_indirect_dma source(%dma_start3A_158 : memref<10240x128xf32, #tpu.memory_space<hbm>>) target(%arg13 : memref<88x128xf32, #tpu.memory_space<vmem>>) offsets(%dma_start3A_155 : memref<88xi32, #tpu.memory_space<vmem>>) semaphore(%arg15 : memref<!tpu.dma_semaphore, #tpu.memory_space<semaphore_mem>>)
      %dma_wait3A_159 = arith.constant 4 : i32
      %dma_wait3A_160 = arith.constant 0 : i32
      %dma_wait3A_161 = tpu.memref_slice %arg8[%dma_wait3A_159, %dma_wait3A_160] : memref<8x88xi32, #tpu.memory_space<vmem>> -> memref<1x88xi32, #tpu.memory_space<vmem>>
      %dma_wait3A_162 = tpu.memref_squeeze %dma_wait3A_161 : memref<1x88xi32, #tpu.memory_space<vmem>> -> memref<88xi32, #tpu.memory_space<vmem>>
      %dma_wait3A_163 = arith.constant 0 : i32
      %dma_wait3A_164 = arith.constant 0 : i32
      %dma_wait3A_165 = tpu.memref_slice %arg4[%dma_wait3A_163, %dma_wait3A_164] : memref<10240x128xf32, #tpu.memory_space<hbm>> -> memref<10240x128xf32, #tpu.memory_space<hbm>>
      tpu.wait_indirect_dma semaphore(%arg15 : memref<!tpu.dma_semaphore, #tpu.memory_space<semaphore_mem>>) src(%dma_wait3A_165 : memref<10240x128xf32, #tpu.memory_space<hbm>>) dst(%arg10 : memref<88x128xf32, #tpu.memory_space<vmem>>)
      %dma_start3A_166 = arith.constant 4 : i32
      %dma_start3A_167 = arith.constant 0 : i32
      %dma_start3A_168 = tpu.memref_slice %arg9[%dma_start3A_166, %dma_start3A_167] : memref<8x88xi32, #tpu.memory_space<vmem>> -> memref<1x88xi32, #tpu.memory_space<vmem>>
      %dma_start3A_169 = tpu.memref_squeeze %dma_start3A_168 : memref<1x88xi32, #tpu.memory_space<vmem>> -> memref<88xi32, #tpu.memory_space<vmem>>
      %dma_start3A_170 = arith.constant 0 : i32
      %dma_start3A_171 = arith.constant 0 : i32
      %dma_start3A_172 = tpu.memref_slice %arg14[%dma_start3A_170, %dma_start3A_171] : memref<10112x128xf32, #tpu.memory_space<vmem_shared>> -> memref<10112x128xf32, #tpu.memory_space<vmem_shared>>
      tpu.enqueue_indirect_dma source(%arg10 : memref<88x128xf32, #tpu.memory_space<vmem>>) target(%dma_start3A_172 : memref<10112x128xf32, #tpu.memory_space<vmem_shared>>) offsets(%dma_start3A_169 : memref<88xi32, #tpu.memory_space<vmem>>) semaphore(%arg16 : memref<!tpu.dma_semaphore, #tpu.memory_space<semaphore_mem>>) {add = true}
      %dma_wait3A_173 = arith.constant 5 : i32
      %dma_wait3A_174 = arith.constant 0 : i32
      %dma_wait3A_175 = tpu.memref_slice %arg8[%dma_wait3A_173, %dma_wait3A_174] : memref<8x88xi32, #tpu.memory_space<vmem>> -> memref<1x88xi32, #tpu.memory_space<vmem>>
      %dma_wait3A_176 = tpu.memref_squeeze %dma_wait3A_175 : memref<1x88xi32, #tpu.memory_space<vmem>> -> memref<88xi32, #tpu.memory_space<vmem>>
      %dma_wait3A_177 = arith.constant 0 : i32
      %dma_wait3A_178 = arith.constant 0 : i32
      %dma_wait3A_179 = tpu.memref_slice %arg4[%dma_wait3A_177, %dma_wait3A_178] : memref<10240x128xf32, #tpu.memory_space<hbm>> -> memref<10240x128xf32, #tpu.memory_space<hbm>>
      tpu.wait_indirect_dma semaphore(%arg15 : memref<!tpu.dma_semaphore, #tpu.memory_space<semaphore_mem>>) src(%dma_wait3A_179 : memref<10240x128xf32, #tpu.memory_space<hbm>>) dst(%arg11 : memref<88x128xf32, #tpu.memory_space<vmem>>)
      %dma_start3A_180 = arith.constant 5 : i32
      %dma_start3A_181 = arith.constant 0 : i32
      %dma_start3A_182 = tpu.memref_slice %arg9[%dma_start3A_180, %dma_start3A_181] : memref<8x88xi32, #tpu.memory_space<vmem>> -> memref<1x88xi32, #tpu.memory_space<vmem>>
      %dma_start3A_183 = tpu.memref_squeeze %dma_start3A_182 : memref<1x88xi32, #tpu.memory_space<vmem>> -> memref<88xi32, #tpu.memory_space<vmem>>
      %dma_start3A_184 = arith.constant 0 : i32
      %dma_start3A_185 = arith.constant 0 : i32
      %dma_start3A_186 = tpu.memref_slice %arg14[%dma_start3A_184, %dma_start3A_185] : memref<10112x128xf32, #tpu.memory_space<vmem_shared>> -> memref<10112x128xf32, #tpu.memory_space<vmem_shared>>
      tpu.enqueue_indirect_dma source(%arg11 : memref<88x128xf32, #tpu.memory_space<vmem>>) target(%dma_start3A_186 : memref<10112x128xf32, #tpu.memory_space<vmem_shared>>) offsets(%dma_start3A_183 : memref<88xi32, #tpu.memory_space<vmem>>) semaphore(%arg16 : memref<!tpu.dma_semaphore, #tpu.memory_space<semaphore_mem>>) {add = true}
      %dma_wait3A_187 = arith.constant 6 : i32
      %dma_wait3A_188 = arith.constant 0 : i32
      %dma_wait3A_189 = tpu.memref_slice %arg8[%dma_wait3A_187, %dma_wait3A_188] : memref<8x88xi32, #tpu.memory_space<vmem>> -> memref<1x88xi32, #tpu.memory_space<vmem>>
      %dma_wait3A_190 = tpu.memref_squeeze %dma_wait3A_189 : memref<1x88xi32, #tpu.memory_space<vmem>> -> memref<88xi32, #tpu.memory_space<vmem>>
      %dma_wait3A_191 = arith.constant 0 : i32
      %dma_wait3A_192 = arith.constant 0 : i32
      %dma_wait3A_193 = tpu.memref_slice %arg4[%dma_wait3A_191, %dma_wait3A_192] : memref<10240x128xf32, #tpu.memory_space<hbm>> -> memref<10240x128xf32, #tpu.memory_space<hbm>>
      tpu.wait_indirect_dma semaphore(%arg15 : memref<!tpu.dma_semaphore, #tpu.memory_space<semaphore_mem>>) src(%dma_wait3A_193 : memref<10240x128xf32, #tpu.memory_space<hbm>>) dst(%arg12 : memref<88x128xf32, #tpu.memory_space<vmem>>)
      %dma_start3A_194 = arith.constant 6 : i32
      %dma_start3A_195 = arith.constant 0 : i32
      %dma_start3A_196 = tpu.memref_slice %arg9[%dma_start3A_194, %dma_start3A_195] : memref<8x88xi32, #tpu.memory_space<vmem>> -> memref<1x88xi32, #tpu.memory_space<vmem>>
      %dma_start3A_197 = tpu.memref_squeeze %dma_start3A_196 : memref<1x88xi32, #tpu.memory_space<vmem>> -> memref<88xi32, #tpu.memory_space<vmem>>
      %dma_start3A_198 = arith.constant 0 : i32
      %dma_start3A_199 = arith.constant 0 : i32
      %dma_start3A_200 = tpu.memref_slice %arg14[%dma_start3A_198, %dma_start3A_199] : memref<10112x128xf32, #tpu.memory_space<vmem_shared>> -> memref<10112x128xf32, #tpu.memory_space<vmem_shared>>
      tpu.enqueue_indirect_dma source(%arg12 : memref<88x128xf32, #tpu.memory_space<vmem>>) target(%dma_start3A_200 : memref<10112x128xf32, #tpu.memory_space<vmem_shared>>) offsets(%dma_start3A_197 : memref<88xi32, #tpu.memory_space<vmem>>) semaphore(%arg16 : memref<!tpu.dma_semaphore, #tpu.memory_space<semaphore_mem>>) {add = true}
      %dma_wait3A_201 = arith.constant 7 : i32
      %dma_wait3A_202 = arith.constant 0 : i32
      %dma_wait3A_203 = tpu.memref_slice %arg8[%dma_wait3A_201, %dma_wait3A_202] : memref<8x88xi32, #tpu.memory_space<vmem>> -> memref<1x88xi32, #tpu.memory_space<vmem>>
      %dma_wait3A_204 = tpu.memref_squeeze %dma_wait3A_203 : memref<1x88xi32, #tpu.memory_space<vmem>> -> memref<88xi32, #tpu.memory_space<vmem>>
      %dma_wait3A_205 = arith.constant 0 : i32
      %dma_wait3A_206 = arith.constant 0 : i32
      %dma_wait3A_207 = tpu.memref_slice %arg4[%dma_wait3A_205, %dma_wait3A_206] : memref<10240x128xf32, #tpu.memory_space<hbm>> -> memref<10240x128xf32, #tpu.memory_space<hbm>>
      tpu.wait_indirect_dma semaphore(%arg15 : memref<!tpu.dma_semaphore, #tpu.memory_space<semaphore_mem>>) src(%dma_wait3A_207 : memref<10240x128xf32, #tpu.memory_space<hbm>>) dst(%arg13 : memref<88x128xf32, #tpu.memory_space<vmem>>)
      %dma_start3A_208 = arith.constant 7 : i32
      %dma_start3A_209 = arith.constant 0 : i32
      %dma_start3A_210 = tpu.memref_slice %arg9[%dma_start3A_208, %dma_start3A_209] : memref<8x88xi32, #tpu.memory_space<vmem>> -> memref<1x88xi32, #tpu.memory_space<vmem>>
      %dma_start3A_211 = tpu.memref_squeeze %dma_start3A_210 : memref<1x88xi32, #tpu.memory_space<vmem>> -> memref<88xi32, #tpu.memory_space<vmem>>
      %dma_start3A_212 = arith.constant 0 : i32
      %dma_start3A_213 = arith.constant 0 : i32
      %dma_start3A_214 = tpu.memref_slice %arg14[%dma_start3A_212, %dma_start3A_213] : memref<10112x128xf32, #tpu.memory_space<vmem_shared>> -> memref<10112x128xf32, #tpu.memory_space<vmem_shared>>
      tpu.enqueue_indirect_dma source(%arg13 : memref<88x128xf32, #tpu.memory_space<vmem>>) target(%dma_start3A_214 : memref<10112x128xf32, #tpu.memory_space<vmem_shared>>) offsets(%dma_start3A_211 : memref<88xi32, #tpu.memory_space<vmem>>) semaphore(%arg16 : memref<!tpu.dma_semaphore, #tpu.memory_space<semaphore_mem>>) {add = true}
      %dma_wait3A_215 = arith.constant 4 : i32
      %dma_wait3A_216 = arith.constant 0 : i32
      %dma_wait3A_217 = tpu.memref_slice %arg9[%dma_wait3A_215, %dma_wait3A_216] : memref<8x88xi32, #tpu.memory_space<vmem>> -> memref<1x88xi32, #tpu.memory_space<vmem>>
      %dma_wait3A_218 = tpu.memref_squeeze %dma_wait3A_217 : memref<1x88xi32, #tpu.memory_space<vmem>> -> memref<88xi32, #tpu.memory_space<vmem>>
      %dma_wait3A_219 = arith.constant 0 : i32
      %dma_wait3A_220 = arith.constant 0 : i32
      %dma_wait3A_221 = tpu.memref_slice %arg14[%dma_wait3A_219, %dma_wait3A_220] : memref<10112x128xf32, #tpu.memory_space<vmem_shared>> -> memref<10112x128xf32, #tpu.memory_space<vmem_shared>>
      tpu.wait_indirect_dma semaphore(%arg16 : memref<!tpu.dma_semaphore, #tpu.memory_space<semaphore_mem>>) src(%arg10 : memref<88x128xf32, #tpu.memory_space<vmem>>) dst(%dma_wait3A_221 : memref<10112x128xf32, #tpu.memory_space<vmem_shared>>)
      %dma_wait3A_222 = arith.constant 5 : i32
      %dma_wait3A_223 = arith.constant 0 : i32
      %dma_wait3A_224 = tpu.memref_slice %arg9[%dma_wait3A_222, %dma_wait3A_223] : memref<8x88xi32, #tpu.memory_space<vmem>> -> memref<1x88xi32, #tpu.memory_space<vmem>>
      %dma_wait3A_225 = tpu.memref_squeeze %dma_wait3A_224 : memref<1x88xi32, #tpu.memory_space<vmem>> -> memref<88xi32, #tpu.memory_space<vmem>>
      %dma_wait3A_226 = arith.constant 0 : i32
      %dma_wait3A_227 = arith.constant 0 : i32
      %dma_wait3A_228 = tpu.memref_slice %arg14[%dma_wait3A_226, %dma_wait3A_227] : memref<10112x128xf32, #tpu.memory_space<vmem_shared>> -> memref<10112x128xf32, #tpu.memory_space<vmem_shared>>
      tpu.wait_indirect_dma semaphore(%arg16 : memref<!tpu.dma_semaphore, #tpu.memory_space<semaphore_mem>>) src(%arg11 : memref<88x128xf32, #tpu.memory_space<vmem>>) dst(%dma_wait3A_228 : memref<10112x128xf32, #tpu.memory_space<vmem_shared>>)
      %dma_wait3A_229 = arith.constant 6 : i32
      %dma_wait3A_230 = arith.constant 0 : i32
      %dma_wait3A_231 = tpu.memref_slice %arg9[%dma_wait3A_229, %dma_wait3A_230] : memref<8x88xi32, #tpu.memory_space<vmem>> -> memref<1x88xi32, #tpu.memory_space<vmem>>
      %dma_wait3A_232 = tpu.memref_squeeze %dma_wait3A_231 : memref<1x88xi32, #tpu.memory_space<vmem>> -> memref<88xi32, #tpu.memory_space<vmem>>
      %dma_wait3A_233 = arith.constant 0 : i32
      %dma_wait3A_234 = arith.constant 0 : i32
      %dma_wait3A_235 = tpu.memref_slice %arg14[%dma_wait3A_233, %dma_wait3A_234] : memref<10112x128xf32, #tpu.memory_space<vmem_shared>> -> memref<10112x128xf32, #tpu.memory_space<vmem_shared>>
      tpu.wait_indirect_dma semaphore(%arg16 : memref<!tpu.dma_semaphore, #tpu.memory_space<semaphore_mem>>) src(%arg12 : memref<88x128xf32, #tpu.memory_space<vmem>>) dst(%dma_wait3A_235 : memref<10112x128xf32, #tpu.memory_space<vmem_shared>>)
      %dma_wait3A_236 = arith.constant 7 : i32
      %dma_wait3A_237 = arith.constant 0 : i32
      %dma_wait3A_238 = tpu.memref_slice %arg9[%dma_wait3A_236, %dma_wait3A_237] : memref<8x88xi32, #tpu.memory_space<vmem>> -> memref<1x88xi32, #tpu.memory_space<vmem>>
      %dma_wait3A_239 = tpu.memref_squeeze %dma_wait3A_238 : memref<1x88xi32, #tpu.memory_space<vmem>> -> memref<88xi32, #tpu.memory_space<vmem>>
      %dma_wait3A_240 = arith.constant 0 : i32
      %dma_wait3A_241 = arith.constant 0 : i32
      %dma_wait3A_242 = tpu.memref_slice %arg14[%dma_wait3A_240, %dma_wait3A_241] : memref<10112x128xf32, #tpu.memory_space<vmem_shared>> -> memref<10112x128xf32, #tpu.memory_space<vmem_shared>>
      tpu.wait_indirect_dma semaphore(%arg16 : memref<!tpu.dma_semaphore, #tpu.memory_space<semaphore_mem>>) src(%arg13 : memref<88x128xf32, #tpu.memory_space<vmem>>) dst(%dma_wait3A_242 : memref<10112x128xf32, #tpu.memory_space<vmem_shared>>)
    }
    %scan3A_7 = arith.constant 15 : i32
    %barrier3A_8 = arith.constant 0 : index
    tpu.barrier barrier_id(%barrier3A_8)
    %eq3A = arith.constant 0 : i32
    %eq3A_9 = arith.cmpi eq, %arg0, %eq3A : i32
    %convert_element_type3A = arith.extui %eq3A_9 : i1 to i32
    %cond3A = arith.constant 0 : i32
    %cond3A_10 = arith.cmpi ne, %convert_element_type3A, %cond3A : i32
    scf.if %cond3A_10 {
      "tpu.region"() ({
        %run_scoped3A = tpu.sem_alloc : memref<!tpu.dma_semaphore, #tpu.memory_space<semaphore_mem>>
        %dma_start3A = arith.constant 0 : i32
        %dma_start3A_16 = tpu.memref_slice %arg6[%mul3A_2, %dma_start3A] : memref<10240x128xf32, #tpu.memory_space<hbm>> -> memref<632x128xf32, #tpu.memory_space<hbm>>
        %dma_start3A_17 = arith.constant 0 : i32
        %dma_start3A_18 = tpu.memref_slice %arg14[%mul3A_2, %dma_start3A_17] : memref<10112x128xf32, #tpu.memory_space<vmem_shared>> -> memref<632x128xf32, #tpu.memory_space<vmem_shared>>
        tpu.enqueue_dma source(%dma_start3A_18 : memref<632x128xf32, #tpu.memory_space<vmem_shared>>) target(%dma_start3A_16 : memref<632x128xf32, #tpu.memory_space<hbm>>) target_semaphore(%run_scoped3A : memref<!tpu.dma_semaphore, #tpu.memory_space<semaphore_mem>>)
        %dma_wait3A = arith.constant 0 : i32
        %dma_wait3A_19 = tpu.memref_slice %arg6[%mul3A_2, %dma_wait3A] : memref<10240x128xf32, #tpu.memory_space<hbm>> -> memref<632x128xf32, #tpu.memory_space<hbm>>
        %dma_wait3A_20 = arith.constant 0 : i32
        %dma_wait3A_21 = tpu.memref_slice %arg14[%mul3A_2, %dma_wait3A_20] : memref<10112x128xf32, #tpu.memory_space<vmem_shared>> -> memref<632x128xf32, #tpu.memory_space<vmem_shared>>
        tpu.wait_dma2 semaphore(%run_scoped3A : memref<!tpu.dma_semaphore, #tpu.memory_space<semaphore_mem>>) src(%dma_wait3A_21 : memref<632x128xf32, #tpu.memory_space<vmem_shared>>) dst(%dma_wait3A_19 : memref<632x128xf32, #tpu.memory_space<hbm>>)
        tpu.yield
      }) : () -> ()
    } else {
    }
    %eq3A_11 = arith.constant 1 : i32
    %eq3A_12 = arith.cmpi eq, %arg0, %eq3A_11 : i32
    %convert_element_type3A_13 = arith.extui %eq3A_12 : i1 to i32
    %cond3A_14 = arith.constant 0 : i32
    %cond3A_15 = arith.cmpi ne, %convert_element_type3A_13, %cond3A_14 : i32
    scf.if %cond3A_15 {
      "tpu.region"() ({
        %run_scoped3A = tpu.sem_alloc : memref<!tpu.dma_semaphore, #tpu.memory_space<semaphore_mem>>
        %dma_start3A = arith.constant 0 : i32
        %dma_start3A_16 = tpu.memref_slice %arg7[%mul3A_2, %dma_start3A] : memref<10240x128xf32, #tpu.memory_space<hbm>> -> memref<632x128xf32, #tpu.memory_space<hbm>>
        %dma_start3A_17 = arith.constant 0 : i32
        %dma_start3A_18 = tpu.memref_slice %arg14[%mul3A_2, %dma_start3A_17] : memref<10112x128xf32, #tpu.memory_space<vmem_shared>> -> memref<632x128xf32, #tpu.memory_space<vmem_shared>>
        tpu.enqueue_dma source(%dma_start3A_18 : memref<632x128xf32, #tpu.memory_space<vmem_shared>>) target(%dma_start3A_16 : memref<632x128xf32, #tpu.memory_space<hbm>>) target_semaphore(%run_scoped3A : memref<!tpu.dma_semaphore, #tpu.memory_space<semaphore_mem>>)
        %dma_wait3A = arith.constant 0 : i32
        %dma_wait3A_19 = tpu.memref_slice %arg7[%mul3A_2, %dma_wait3A] : memref<10240x128xf32, #tpu.memory_space<hbm>> -> memref<632x128xf32, #tpu.memory_space<hbm>>
        %dma_wait3A_20 = arith.constant 0 : i32
        %dma_wait3A_21 = tpu.memref_slice %arg14[%mul3A_2, %dma_wait3A_20] : memref<10112x128xf32, #tpu.memory_space<vmem_shared>> -> memref<632x128xf32, #tpu.memory_space<vmem_shared>>
        tpu.wait_dma2 semaphore(%run_scoped3A : memref<!tpu.dma_semaphore, #tpu.memory_space<semaphore_mem>>) src(%dma_wait3A_21 : memref<632x128xf32, #tpu.memory_space<vmem_shared>>) dst(%dma_wait3A_19 : memref<632x128xf32, #tpu.memory_space<hbm>>)
        tpu.yield
      }) : () -> ()
    } else {
    }
    return
  }
}

#map = affine_map<(d0, d1) -> (0, 0, 0)>
#map1 = affine_map<(d0, d1) -> (0, 0)>
module attributes {stable_mosaic.version = 14 : i64} {
  func.func @body(%arg0: i32, %arg1: i32, %arg2: memref<16x232x88xi32, #tpu.memory_space<hbm>>, %arg3: memref<16x232x88xi32, #tpu.memory_space<hbm>>, %arg4: memref<10240x128xf32, #tpu.memory_space<hbm>>, %arg5: memref<10240x128xf32, #tpu.memory_space<hbm>>, %arg6: memref<632x128xf32, #tpu.memory_space<hbm>>, %arg7: memref<10240x128xf32, #tpu.memory_space<hbm>>, %arg8: memref<10240x128xf32, #tpu.memory_space<hbm>>, %arg9: memref<8x88xi32, #tpu.memory_space<vmem>>, %arg10: memref<8x88xi32, #tpu.memory_space<vmem>>, %arg11: memref<88x128xf32, #tpu.memory_space<vmem>>, %arg12: memref<88x128xf32, #tpu.memory_space<vmem>>, %arg13: memref<88x128xf32, #tpu.memory_space<vmem>>, %arg14: memref<88x128xf32, #tpu.memory_space<vmem>>, %arg15: memref<10112x128xf32, #tpu.memory_space<vmem_shared>>, %arg16: memref<!tpu.dma_semaphore, #tpu.memory_space<semaphore_mem>>, %arg17: memref<!tpu.dma_semaphore, #tpu.memory_space<semaphore_mem>>) attributes {dimension_semantics = [#tpu.dimension_semantics<core_parallel>, #tpu.dimension_semantics<subcore_parallel>], iteration_bounds = array<i64: 2, 16>, scalar_prefetch = 0 : i64, scratch_operands = 9 : i64, tpu.core_type = #tpu.core_type<sc_vector_subcore>, window_params = [{transform_indices = #map}, {transform_indices = #map}, {transform_indices = #map1}, {transform_indices = #map1}, {transform_indices = #map1}, {transform_indices = #map1}, {transform_indices = #map1}]} {
    %mul3A = arith.constant 632 : i32
    %mul3A_0 = arith.muli %arg1, %mul3A : i32
    "tpu.region"() ({
      %run_scoped3A = tpu.sem_alloc : memref<!tpu.dma_semaphore, #tpu.memory_space<semaphore_mem>>
      %dma_start3A = arith.constant 0 : i32
      %dma_start3A_19 = tpu.memref_slice %arg15[%mul3A_0, %dma_start3A] : memref<10112x128xf32, #tpu.memory_space<vmem_shared>> -> memref<632x128xf32, #tpu.memory_space<vmem_shared>>
      tpu.enqueue_dma source(%arg6 : memref<632x128xf32, #tpu.memory_space<hbm>>) target(%dma_start3A_19 : memref<632x128xf32, #tpu.memory_space<vmem_shared>>) target_semaphore(%run_scoped3A : memref<!tpu.dma_semaphore, #tpu.memory_space<semaphore_mem>>)
      %dma_wait3A = arith.constant 0 : i32
      %dma_wait3A_20 = tpu.memref_slice %arg15[%mul3A_0, %dma_wait3A] : memref<10112x128xf32, #tpu.memory_space<vmem_shared>> -> memref<632x128xf32, #tpu.memory_space<vmem_shared>>
      tpu.wait_dma2 semaphore(%run_scoped3A : memref<!tpu.dma_semaphore, #tpu.memory_space<semaphore_mem>>) src(%arg6 : memref<632x128xf32, #tpu.memory_space<hbm>>) dst(%dma_wait3A_20 : memref<632x128xf32, #tpu.memory_space<vmem_shared>>)
      tpu.yield
    }) : () -> ()
    %barrier3A = arith.constant 0 : index
    tpu.barrier barrier_id(%barrier3A)
    %eq3A = arith.constant 0 : i32
    %eq3A_1 = arith.cmpi eq, %arg0, %eq3A : i32
    %convert_element_type3A = arith.extui %eq3A_1 : i1 to i32
    %cond3A = arith.constant 0 : i32
    %cond3A_2 = arith.cmpi ne, %convert_element_type3A, %cond3A : i32
    scf.if %cond3A_2 {
      %scan3A = arith.constant 0 : i32
      %scan3A_19 = arith.constant 0 : i32
      %scan3A_20 = arith.constant 29 : i32
      %scan3A_21 = arith.addi %scan3A_19, %scan3A_20 : i32
      %scan3A_22 = arith.constant 1 : i32
      scf.for %scan3A_24 = %scan3A_19 to %scan3A_21 step %scan3A_22  : i32 {
        %mul3A_25 = arith.constant 8 : i32
        %mul3A_26 = arith.muli %scan3A_24, %mul3A_25 : i32
        "tpu.region"() ({
          %run_scoped3A = tpu.sem_alloc : memref<!tpu.dma_semaphore, #tpu.memory_space<semaphore_mem>>
          %dma_start3A_251 = arith.constant 0 : i32
          %dma_start3A_252 = tpu.memref_slice %arg2[%arg1, %mul3A_26, %dma_start3A_251] : memref<16x232x88xi32, #tpu.memory_space<hbm>> -> memref<1x8x88xi32, #tpu.memory_space<hbm>>
          %dma_start3A_253 = tpu.memref_squeeze %dma_start3A_252 : memref<1x8x88xi32, #tpu.memory_space<hbm>> -> memref<8x88xi32, #tpu.memory_space<hbm>>
          %dma_start3A_254 = arith.constant 0 : i32
          %dma_start3A_255 = tpu.memref_slice %arg2[%arg1, %mul3A_26, %dma_start3A_254] : memref<16x232x88xi32, #tpu.memory_space<hbm>> -> memref<1x8x88xi32, #tpu.memory_space<hbm>>
          %dma_start3A_256 = tpu.memref_squeeze %dma_start3A_255 : memref<1x8x88xi32, #tpu.memory_space<hbm>> -> memref<8x88xi32, #tpu.memory_space<hbm>>
          tpu.enqueue_dma source(%dma_start3A_256 : memref<8x88xi32, #tpu.memory_space<hbm>>) target(%arg9 : memref<8x88xi32, #tpu.memory_space<vmem>>) target_semaphore(%run_scoped3A : memref<!tpu.dma_semaphore, #tpu.memory_space<semaphore_mem>>)
          %dma_wait3A_257 = arith.constant 0 : i32
          %dma_wait3A_258 = tpu.memref_slice %arg2[%arg1, %mul3A_26, %dma_wait3A_257] : memref<16x232x88xi32, #tpu.memory_space<hbm>> -> memref<1x8x88xi32, #tpu.memory_space<hbm>>
          %dma_wait3A_259 = tpu.memref_squeeze %dma_wait3A_258 : memref<1x8x88xi32, #tpu.memory_space<hbm>> -> memref<8x88xi32, #tpu.memory_space<hbm>>
          %dma_wait3A_260 = arith.constant 0 : i32
          %dma_wait3A_261 = tpu.memref_slice %arg2[%arg1, %mul3A_26, %dma_wait3A_260] : memref<16x232x88xi32, #tpu.memory_space<hbm>> -> memref<1x8x88xi32, #tpu.memory_space<hbm>>
          %dma_wait3A_262 = tpu.memref_squeeze %dma_wait3A_261 : memref<1x8x88xi32, #tpu.memory_space<hbm>> -> memref<8x88xi32, #tpu.memory_space<hbm>>
          tpu.wait_dma2 semaphore(%run_scoped3A : memref<!tpu.dma_semaphore, #tpu.memory_space<semaphore_mem>>) src(%dma_wait3A_262 : memref<8x88xi32, #tpu.memory_space<hbm>>) dst(%arg9 : memref<8x88xi32, #tpu.memory_space<vmem>>)
          tpu.yield
        }) : () -> ()
        %mul3A_27 = arith.constant 8 : i32
        %mul3A_28 = arith.muli %scan3A_24, %mul3A_27 : i32
        "tpu.region"() ({
          %run_scoped3A = tpu.sem_alloc : memref<!tpu.dma_semaphore, #tpu.memory_space<semaphore_mem>>
          %dma_start3A_251 = arith.constant 0 : i32
          %dma_start3A_252 = tpu.memref_slice %arg3[%arg1, %mul3A_28, %dma_start3A_251] : memref<16x232x88xi32, #tpu.memory_space<hbm>> -> memref<1x8x88xi32, #tpu.memory_space<hbm>>
          %dma_start3A_253 = tpu.memref_squeeze %dma_start3A_252 : memref<1x8x88xi32, #tpu.memory_space<hbm>> -> memref<8x88xi32, #tpu.memory_space<hbm>>
          %dma_start3A_254 = arith.constant 0 : i32
          %dma_start3A_255 = tpu.memref_slice %arg3[%arg1, %mul3A_28, %dma_start3A_254] : memref<16x232x88xi32, #tpu.memory_space<hbm>> -> memref<1x8x88xi32, #tpu.memory_space<hbm>>
          %dma_start3A_256 = tpu.memref_squeeze %dma_start3A_255 : memref<1x8x88xi32, #tpu.memory_space<hbm>> -> memref<8x88xi32, #tpu.memory_space<hbm>>
          tpu.enqueue_dma source(%dma_start3A_256 : memref<8x88xi32, #tpu.memory_space<hbm>>) target(%arg10 : memref<8x88xi32, #tpu.memory_space<vmem>>) target_semaphore(%run_scoped3A : memref<!tpu.dma_semaphore, #tpu.memory_space<semaphore_mem>>)
          %dma_wait3A_257 = arith.constant 0 : i32
          %dma_wait3A_258 = tpu.memref_slice %arg3[%arg1, %mul3A_28, %dma_wait3A_257] : memref<16x232x88xi32, #tpu.memory_space<hbm>> -> memref<1x8x88xi32, #tpu.memory_space<hbm>>
          %dma_wait3A_259 = tpu.memref_squeeze %dma_wait3A_258 : memref<1x8x88xi32, #tpu.memory_space<hbm>> -> memref<8x88xi32, #tpu.memory_space<hbm>>
          %dma_wait3A_260 = arith.constant 0 : i32
          %dma_wait3A_261 = tpu.memref_slice %arg3[%arg1, %mul3A_28, %dma_wait3A_260] : memref<16x232x88xi32, #tpu.memory_space<hbm>> -> memref<1x8x88xi32, #tpu.memory_space<hbm>>
          %dma_wait3A_262 = tpu.memref_squeeze %dma_wait3A_261 : memref<1x8x88xi32, #tpu.memory_space<hbm>> -> memref<8x88xi32, #tpu.memory_space<hbm>>
          tpu.wait_dma2 semaphore(%run_scoped3A : memref<!tpu.dma_semaphore, #tpu.memory_space<semaphore_mem>>) src(%dma_wait3A_262 : memref<8x88xi32, #tpu.memory_space<hbm>>) dst(%arg10 : memref<8x88xi32, #tpu.memory_space<vmem>>)
          tpu.yield
        }) : () -> ()
        %dma_start3A = arith.constant 0 : i32
        %dma_start3A_29 = arith.constant 0 : i32
        %dma_start3A_30 = tpu.memref_slice %arg9[%dma_start3A, %dma_start3A_29] : memref<8x88xi32, #tpu.memory_space<vmem>> -> memref<1x88xi32, #tpu.memory_space<vmem>>
        %dma_start3A_31 = tpu.memref_squeeze %dma_start3A_30 : memref<1x88xi32, #tpu.memory_space<vmem>> -> memref<88xi32, #tpu.memory_space<vmem>>
        %dma_start3A_32 = arith.constant 0 : i32
        %dma_start3A_33 = arith.constant 0 : i32
        %dma_start3A_34 = tpu.memref_slice %arg4[%dma_start3A_32, %dma_start3A_33] : memref<10240x128xf32, #tpu.memory_space<hbm>> -> memref<10240x128xf32, #tpu.memory_space<hbm>>
        tpu.enqueue_indirect_dma source(%dma_start3A_34 : memref<10240x128xf32, #tpu.memory_space<hbm>>) target(%arg11 : memref<88x128xf32, #tpu.memory_space<vmem>>) offsets(%dma_start3A_31 : memref<88xi32, #tpu.memory_space<vmem>>) semaphore(%arg16 : memref<!tpu.dma_semaphore, #tpu.memory_space<semaphore_mem>>)
        %dma_start3A_35 = arith.constant 1 : i32
        %dma_start3A_36 = arith.constant 0 : i32
        %dma_start3A_37 = tpu.memref_slice %arg9[%dma_start3A_35, %dma_start3A_36] : memref<8x88xi32, #tpu.memory_space<vmem>> -> memref<1x88xi32, #tpu.memory_space<vmem>>
        %dma_start3A_38 = tpu.memref_squeeze %dma_start3A_37 : memref<1x88xi32, #tpu.memory_space<vmem>> -> memref<88xi32, #tpu.memory_space<vmem>>
        %dma_start3A_39 = arith.constant 0 : i32
        %dma_start3A_40 = arith.constant 0 : i32
        %dma_start3A_41 = tpu.memref_slice %arg4[%dma_start3A_39, %dma_start3A_40] : memref<10240x128xf32, #tpu.memory_space<hbm>> -> memref<10240x128xf32, #tpu.memory_space<hbm>>
        tpu.enqueue_indirect_dma source(%dma_start3A_41 : memref<10240x128xf32, #tpu.memory_space<hbm>>) target(%arg12 : memref<88x128xf32, #tpu.memory_space<vmem>>) offsets(%dma_start3A_38 : memref<88xi32, #tpu.memory_space<vmem>>) semaphore(%arg16 : memref<!tpu.dma_semaphore, #tpu.memory_space<semaphore_mem>>)
        %dma_start3A_42 = arith.constant 2 : i32
        %dma_start3A_43 = arith.constant 0 : i32
        %dma_start3A_44 = tpu.memref_slice %arg9[%dma_start3A_42, %dma_start3A_43] : memref<8x88xi32, #tpu.memory_space<vmem>> -> memref<1x88xi32, #tpu.memory_space<vmem>>
        %dma_start3A_45 = tpu.memref_squeeze %dma_start3A_44 : memref<1x88xi32, #tpu.memory_space<vmem>> -> memref<88xi32, #tpu.memory_space<vmem>>
        %dma_start3A_46 = arith.constant 0 : i32
        %dma_start3A_47 = arith.constant 0 : i32
        %dma_start3A_48 = tpu.memref_slice %arg4[%dma_start3A_46, %dma_start3A_47] : memref<10240x128xf32, #tpu.memory_space<hbm>> -> memref<10240x128xf32, #tpu.memory_space<hbm>>
        tpu.enqueue_indirect_dma source(%dma_start3A_48 : memref<10240x128xf32, #tpu.memory_space<hbm>>) target(%arg13 : memref<88x128xf32, #tpu.memory_space<vmem>>) offsets(%dma_start3A_45 : memref<88xi32, #tpu.memory_space<vmem>>) semaphore(%arg16 : memref<!tpu.dma_semaphore, #tpu.memory_space<semaphore_mem>>)
        %dma_start3A_49 = arith.constant 3 : i32
        %dma_start3A_50 = arith.constant 0 : i32
        %dma_start3A_51 = tpu.memref_slice %arg9[%dma_start3A_49, %dma_start3A_50] : memref<8x88xi32, #tpu.memory_space<vmem>> -> memref<1x88xi32, #tpu.memory_space<vmem>>
        %dma_start3A_52 = tpu.memref_squeeze %dma_start3A_51 : memref<1x88xi32, #tpu.memory_space<vmem>> -> memref<88xi32, #tpu.memory_space<vmem>>
        %dma_start3A_53 = arith.constant 0 : i32
        %dma_start3A_54 = arith.constant 0 : i32
        %dma_start3A_55 = tpu.memref_slice %arg4[%dma_start3A_53, %dma_start3A_54] : memref<10240x128xf32, #tpu.memory_space<hbm>> -> memref<10240x128xf32, #tpu.memory_space<hbm>>
        tpu.enqueue_indirect_dma source(%dma_start3A_55 : memref<10240x128xf32, #tpu.memory_space<hbm>>) target(%arg14 : memref<88x128xf32, #tpu.memory_space<vmem>>) offsets(%dma_start3A_52 : memref<88xi32, #tpu.memory_space<vmem>>) semaphore(%arg16 : memref<!tpu.dma_semaphore, #tpu.memory_space<semaphore_mem>>)
        %dma_wait3A = arith.constant 0 : i32
        %dma_wait3A_56 = arith.constant 0 : i32
        %dma_wait3A_57 = tpu.memref_slice %arg9[%dma_wait3A, %dma_wait3A_56] : memref<8x88xi32, #tpu.memory_space<vmem>> -> memref<1x88xi32, #tpu.memory_space<vmem>>
        %dma_wait3A_58 = tpu.memref_squeeze %dma_wait3A_57 : memref<1x88xi32, #tpu.memory_space<vmem>> -> memref<88xi32, #tpu.memory_space<vmem>>
        %dma_wait3A_59 = arith.constant 0 : i32
        %dma_wait3A_60 = arith.constant 0 : i32
        %dma_wait3A_61 = tpu.memref_slice %arg4[%dma_wait3A_59, %dma_wait3A_60] : memref<10240x128xf32, #tpu.memory_space<hbm>> -> memref<10240x128xf32, #tpu.memory_space<hbm>>
        tpu.wait_indirect_dma semaphore(%arg16 : memref<!tpu.dma_semaphore, #tpu.memory_space<semaphore_mem>>) src(%dma_wait3A_61 : memref<10240x128xf32, #tpu.memory_space<hbm>>) dst(%arg11 : memref<88x128xf32, #tpu.memory_space<vmem>>)
        %dma_start3A_62 = arith.constant 0 : i32
        %dma_start3A_63 = arith.constant 0 : i32
        %dma_start3A_64 = tpu.memref_slice %arg10[%dma_start3A_62, %dma_start3A_63] : memref<8x88xi32, #tpu.memory_space<vmem>> -> memref<1x88xi32, #tpu.memory_space<vmem>>
        %dma_start3A_65 = tpu.memref_squeeze %dma_start3A_64 : memref<1x88xi32, #tpu.memory_space<vmem>> -> memref<88xi32, #tpu.memory_space<vmem>>
        %dma_start3A_66 = arith.constant 0 : i32
        %dma_start3A_67 = arith.constant 0 : i32
        %dma_start3A_68 = tpu.memref_slice %arg15[%dma_start3A_66, %dma_start3A_67] : memref<10112x128xf32, #tpu.memory_space<vmem_shared>> -> memref<10112x128xf32, #tpu.memory_space<vmem_shared>>
        tpu.enqueue_indirect_dma source(%arg11 : memref<88x128xf32, #tpu.memory_space<vmem>>) target(%dma_start3A_68 : memref<10112x128xf32, #tpu.memory_space<vmem_shared>>) offsets(%dma_start3A_65 : memref<88xi32, #tpu.memory_space<vmem>>) semaphore(%arg17 : memref<!tpu.dma_semaphore, #tpu.memory_space<semaphore_mem>>) {add = true}
        %dma_wait3A_69 = arith.constant 1 : i32
        %dma_wait3A_70 = arith.constant 0 : i32
        %dma_wait3A_71 = tpu.memref_slice %arg9[%dma_wait3A_69, %dma_wait3A_70] : memref<8x88xi32, #tpu.memory_space<vmem>> -> memref<1x88xi32, #tpu.memory_space<vmem>>
        %dma_wait3A_72 = tpu.memref_squeeze %dma_wait3A_71 : memref<1x88xi32, #tpu.memory_space<vmem>> -> memref<88xi32, #tpu.memory_space<vmem>>
        %dma_wait3A_73 = arith.constant 0 : i32
        %dma_wait3A_74 = arith.constant 0 : i32
        %dma_wait3A_75 = tpu.memref_slice %arg4[%dma_wait3A_73, %dma_wait3A_74] : memref<10240x128xf32, #tpu.memory_space<hbm>> -> memref<10240x128xf32, #tpu.memory_space<hbm>>
        tpu.wait_indirect_dma semaphore(%arg16 : memref<!tpu.dma_semaphore, #tpu.memory_space<semaphore_mem>>) src(%dma_wait3A_75 : memref<10240x128xf32, #tpu.memory_space<hbm>>) dst(%arg12 : memref<88x128xf32, #tpu.memory_space<vmem>>)
        %dma_start3A_76 = arith.constant 1 : i32
        %dma_start3A_77 = arith.constant 0 : i32
        %dma_start3A_78 = tpu.memref_slice %arg10[%dma_start3A_76, %dma_start3A_77] : memref<8x88xi32, #tpu.memory_space<vmem>> -> memref<1x88xi32, #tpu.memory_space<vmem>>
        %dma_start3A_79 = tpu.memref_squeeze %dma_start3A_78 : memref<1x88xi32, #tpu.memory_space<vmem>> -> memref<88xi32, #tpu.memory_space<vmem>>
        %dma_start3A_80 = arith.constant 0 : i32
        %dma_start3A_81 = arith.constant 0 : i32
        %dma_start3A_82 = tpu.memref_slice %arg15[%dma_start3A_80, %dma_start3A_81] : memref<10112x128xf32, #tpu.memory_space<vmem_shared>> -> memref<10112x128xf32, #tpu.memory_space<vmem_shared>>
        tpu.enqueue_indirect_dma source(%arg12 : memref<88x128xf32, #tpu.memory_space<vmem>>) target(%dma_start3A_82 : memref<10112x128xf32, #tpu.memory_space<vmem_shared>>) offsets(%dma_start3A_79 : memref<88xi32, #tpu.memory_space<vmem>>) semaphore(%arg17 : memref<!tpu.dma_semaphore, #tpu.memory_space<semaphore_mem>>) {add = true}
        %dma_wait3A_83 = arith.constant 2 : i32
        %dma_wait3A_84 = arith.constant 0 : i32
        %dma_wait3A_85 = tpu.memref_slice %arg9[%dma_wait3A_83, %dma_wait3A_84] : memref<8x88xi32, #tpu.memory_space<vmem>> -> memref<1x88xi32, #tpu.memory_space<vmem>>
        %dma_wait3A_86 = tpu.memref_squeeze %dma_wait3A_85 : memref<1x88xi32, #tpu.memory_space<vmem>> -> memref<88xi32, #tpu.memory_space<vmem>>
        %dma_wait3A_87 = arith.constant 0 : i32
        %dma_wait3A_88 = arith.constant 0 : i32
        %dma_wait3A_89 = tpu.memref_slice %arg4[%dma_wait3A_87, %dma_wait3A_88] : memref<10240x128xf32, #tpu.memory_space<hbm>> -> memref<10240x128xf32, #tpu.memory_space<hbm>>
        tpu.wait_indirect_dma semaphore(%arg16 : memref<!tpu.dma_semaphore, #tpu.memory_space<semaphore_mem>>) src(%dma_wait3A_89 : memref<10240x128xf32, #tpu.memory_space<hbm>>) dst(%arg13 : memref<88x128xf32, #tpu.memory_space<vmem>>)
        %dma_start3A_90 = arith.constant 2 : i32
        %dma_start3A_91 = arith.constant 0 : i32
        %dma_start3A_92 = tpu.memref_slice %arg10[%dma_start3A_90, %dma_start3A_91] : memref<8x88xi32, #tpu.memory_space<vmem>> -> memref<1x88xi32, #tpu.memory_space<vmem>>
        %dma_start3A_93 = tpu.memref_squeeze %dma_start3A_92 : memref<1x88xi32, #tpu.memory_space<vmem>> -> memref<88xi32, #tpu.memory_space<vmem>>
        %dma_start3A_94 = arith.constant 0 : i32
        %dma_start3A_95 = arith.constant 0 : i32
        %dma_start3A_96 = tpu.memref_slice %arg15[%dma_start3A_94, %dma_start3A_95] : memref<10112x128xf32, #tpu.memory_space<vmem_shared>> -> memref<10112x128xf32, #tpu.memory_space<vmem_shared>>
        tpu.enqueue_indirect_dma source(%arg13 : memref<88x128xf32, #tpu.memory_space<vmem>>) target(%dma_start3A_96 : memref<10112x128xf32, #tpu.memory_space<vmem_shared>>) offsets(%dma_start3A_93 : memref<88xi32, #tpu.memory_space<vmem>>) semaphore(%arg17 : memref<!tpu.dma_semaphore, #tpu.memory_space<semaphore_mem>>) {add = true}
        %dma_wait3A_97 = arith.constant 3 : i32
        %dma_wait3A_98 = arith.constant 0 : i32
        %dma_wait3A_99 = tpu.memref_slice %arg9[%dma_wait3A_97, %dma_wait3A_98] : memref<8x88xi32, #tpu.memory_space<vmem>> -> memref<1x88xi32, #tpu.memory_space<vmem>>
        %dma_wait3A_100 = tpu.memref_squeeze %dma_wait3A_99 : memref<1x88xi32, #tpu.memory_space<vmem>> -> memref<88xi32, #tpu.memory_space<vmem>>
        %dma_wait3A_101 = arith.constant 0 : i32
        %dma_wait3A_102 = arith.constant 0 : i32
        %dma_wait3A_103 = tpu.memref_slice %arg4[%dma_wait3A_101, %dma_wait3A_102] : memref<10240x128xf32, #tpu.memory_space<hbm>> -> memref<10240x128xf32, #tpu.memory_space<hbm>>
        tpu.wait_indirect_dma semaphore(%arg16 : memref<!tpu.dma_semaphore, #tpu.memory_space<semaphore_mem>>) src(%dma_wait3A_103 : memref<10240x128xf32, #tpu.memory_space<hbm>>) dst(%arg14 : memref<88x128xf32, #tpu.memory_space<vmem>>)
        %dma_start3A_104 = arith.constant 3 : i32
        %dma_start3A_105 = arith.constant 0 : i32
        %dma_start3A_106 = tpu.memref_slice %arg10[%dma_start3A_104, %dma_start3A_105] : memref<8x88xi32, #tpu.memory_space<vmem>> -> memref<1x88xi32, #tpu.memory_space<vmem>>
        %dma_start3A_107 = tpu.memref_squeeze %dma_start3A_106 : memref<1x88xi32, #tpu.memory_space<vmem>> -> memref<88xi32, #tpu.memory_space<vmem>>
        %dma_start3A_108 = arith.constant 0 : i32
        %dma_start3A_109 = arith.constant 0 : i32
        %dma_start3A_110 = tpu.memref_slice %arg15[%dma_start3A_108, %dma_start3A_109] : memref<10112x128xf32, #tpu.memory_space<vmem_shared>> -> memref<10112x128xf32, #tpu.memory_space<vmem_shared>>
        tpu.enqueue_indirect_dma source(%arg14 : memref<88x128xf32, #tpu.memory_space<vmem>>) target(%dma_start3A_110 : memref<10112x128xf32, #tpu.memory_space<vmem_shared>>) offsets(%dma_start3A_107 : memref<88xi32, #tpu.memory_space<vmem>>) semaphore(%arg17 : memref<!tpu.dma_semaphore, #tpu.memory_space<semaphore_mem>>) {add = true}
        %dma_wait3A_111 = arith.constant 0 : i32
        %dma_wait3A_112 = arith.constant 0 : i32
        %dma_wait3A_113 = tpu.memref_slice %arg10[%dma_wait3A_111, %dma_wait3A_112] : memref<8x88xi32, #tpu.memory_space<vmem>> -> memref<1x88xi32, #tpu.memory_space<vmem>>
        %dma_wait3A_114 = tpu.memref_squeeze %dma_wait3A_113 : memref<1x88xi32, #tpu.memory_space<vmem>> -> memref<88xi32, #tpu.memory_space<vmem>>
        %dma_wait3A_115 = arith.constant 0 : i32
        %dma_wait3A_116 = arith.constant 0 : i32
        %dma_wait3A_117 = tpu.memref_slice %arg15[%dma_wait3A_115, %dma_wait3A_116] : memref<10112x128xf32, #tpu.memory_space<vmem_shared>> -> memref<10112x128xf32, #tpu.memory_space<vmem_shared>>
        tpu.wait_indirect_dma semaphore(%arg17 : memref<!tpu.dma_semaphore, #tpu.memory_space<semaphore_mem>>) src(%arg11 : memref<88x128xf32, #tpu.memory_space<vmem>>) dst(%dma_wait3A_117 : memref<10112x128xf32, #tpu.memory_space<vmem_shared>>)
        %dma_wait3A_118 = arith.constant 1 : i32
        %dma_wait3A_119 = arith.constant 0 : i32
        %dma_wait3A_120 = tpu.memref_slice %arg10[%dma_wait3A_118, %dma_wait3A_119] : memref<8x88xi32, #tpu.memory_space<vmem>> -> memref<1x88xi32, #tpu.memory_space<vmem>>
        %dma_wait3A_121 = tpu.memref_squeeze %dma_wait3A_120 : memref<1x88xi32, #tpu.memory_space<vmem>> -> memref<88xi32, #tpu.memory_space<vmem>>
        %dma_wait3A_122 = arith.constant 0 : i32
        %dma_wait3A_123 = arith.constant 0 : i32
        %dma_wait3A_124 = tpu.memref_slice %arg15[%dma_wait3A_122, %dma_wait3A_123] : memref<10112x128xf32, #tpu.memory_space<vmem_shared>> -> memref<10112x128xf32, #tpu.memory_space<vmem_shared>>
        tpu.wait_indirect_dma semaphore(%arg17 : memref<!tpu.dma_semaphore, #tpu.memory_space<semaphore_mem>>) src(%arg12 : memref<88x128xf32, #tpu.memory_space<vmem>>) dst(%dma_wait3A_124 : memref<10112x128xf32, #tpu.memory_space<vmem_shared>>)
        %dma_wait3A_125 = arith.constant 2 : i32
        %dma_wait3A_126 = arith.constant 0 : i32
        %dma_wait3A_127 = tpu.memref_slice %arg10[%dma_wait3A_125, %dma_wait3A_126] : memref<8x88xi32, #tpu.memory_space<vmem>> -> memref<1x88xi32, #tpu.memory_space<vmem>>
        %dma_wait3A_128 = tpu.memref_squeeze %dma_wait3A_127 : memref<1x88xi32, #tpu.memory_space<vmem>> -> memref<88xi32, #tpu.memory_space<vmem>>
        %dma_wait3A_129 = arith.constant 0 : i32
        %dma_wait3A_130 = arith.constant 0 : i32
        %dma_wait3A_131 = tpu.memref_slice %arg15[%dma_wait3A_129, %dma_wait3A_130] : memref<10112x128xf32, #tpu.memory_space<vmem_shared>> -> memref<10112x128xf32, #tpu.memory_space<vmem_shared>>
        tpu.wait_indirect_dma semaphore(%arg17 : memref<!tpu.dma_semaphore, #tpu.memory_space<semaphore_mem>>) src(%arg13 : memref<88x128xf32, #tpu.memory_space<vmem>>) dst(%dma_wait3A_131 : memref<10112x128xf32, #tpu.memory_space<vmem_shared>>)
        %dma_wait3A_132 = arith.constant 3 : i32
        %dma_wait3A_133 = arith.constant 0 : i32
        %dma_wait3A_134 = tpu.memref_slice %arg10[%dma_wait3A_132, %dma_wait3A_133] : memref<8x88xi32, #tpu.memory_space<vmem>> -> memref<1x88xi32, #tpu.memory_space<vmem>>
        %dma_wait3A_135 = tpu.memref_squeeze %dma_wait3A_134 : memref<1x88xi32, #tpu.memory_space<vmem>> -> memref<88xi32, #tpu.memory_space<vmem>>
        %dma_wait3A_136 = arith.constant 0 : i32
        %dma_wait3A_137 = arith.constant 0 : i32
        %dma_wait3A_138 = tpu.memref_slice %arg15[%dma_wait3A_136, %dma_wait3A_137] : memref<10112x128xf32, #tpu.memory_space<vmem_shared>> -> memref<10112x128xf32, #tpu.memory_space<vmem_shared>>
        tpu.wait_indirect_dma semaphore(%arg17 : memref<!tpu.dma_semaphore, #tpu.memory_space<semaphore_mem>>) src(%arg14 : memref<88x128xf32, #tpu.memory_space<vmem>>) dst(%dma_wait3A_138 : memref<10112x128xf32, #tpu.memory_space<vmem_shared>>)
        %dma_start3A_139 = arith.constant 4 : i32
        %dma_start3A_140 = arith.constant 0 : i32
        %dma_start3A_141 = tpu.memref_slice %arg9[%dma_start3A_139, %dma_start3A_140] : memref<8x88xi32, #tpu.memory_space<vmem>> -> memref<1x88xi32, #tpu.memory_space<vmem>>
        %dma_start3A_142 = tpu.memref_squeeze %dma_start3A_141 : memref<1x88xi32, #tpu.memory_space<vmem>> -> memref<88xi32, #tpu.memory_space<vmem>>
        %dma_start3A_143 = arith.constant 0 : i32
        %dma_start3A_144 = arith.constant 0 : i32
        %dma_start3A_145 = tpu.memref_slice %arg4[%dma_start3A_143, %dma_start3A_144] : memref<10240x128xf32, #tpu.memory_space<hbm>> -> memref<10240x128xf32, #tpu.memory_space<hbm>>
        tpu.enqueue_indirect_dma source(%dma_start3A_145 : memref<10240x128xf32, #tpu.memory_space<hbm>>) target(%arg11 : memref<88x128xf32, #tpu.memory_space<vmem>>) offsets(%dma_start3A_142 : memref<88xi32, #tpu.memory_space<vmem>>) semaphore(%arg16 : memref<!tpu.dma_semaphore, #tpu.memory_space<semaphore_mem>>)
        %dma_start3A_146 = arith.constant 5 : i32
        %dma_start3A_147 = arith.constant 0 : i32
        %dma_start3A_148 = tpu.memref_slice %arg9[%dma_start3A_146, %dma_start3A_147] : memref<8x88xi32, #tpu.memory_space<vmem>> -> memref<1x88xi32, #tpu.memory_space<vmem>>
        %dma_start3A_149 = tpu.memref_squeeze %dma_start3A_148 : memref<1x88xi32, #tpu.memory_space<vmem>> -> memref<88xi32, #tpu.memory_space<vmem>>
        %dma_start3A_150 = arith.constant 0 : i32
        %dma_start3A_151 = arith.constant 0 : i32
        %dma_start3A_152 = tpu.memref_slice %arg4[%dma_start3A_150, %dma_start3A_151] : memref<10240x128xf32, #tpu.memory_space<hbm>> -> memref<10240x128xf32, #tpu.memory_space<hbm>>
        tpu.enqueue_indirect_dma source(%dma_start3A_152 : memref<10240x128xf32, #tpu.memory_space<hbm>>) target(%arg12 : memref<88x128xf32, #tpu.memory_space<vmem>>) offsets(%dma_start3A_149 : memref<88xi32, #tpu.memory_space<vmem>>) semaphore(%arg16 : memref<!tpu.dma_semaphore, #tpu.memory_space<semaphore_mem>>)
        %dma_start3A_153 = arith.constant 6 : i32
        %dma_start3A_154 = arith.constant 0 : i32
        %dma_start3A_155 = tpu.memref_slice %arg9[%dma_start3A_153, %dma_start3A_154] : memref<8x88xi32, #tpu.memory_space<vmem>> -> memref<1x88xi32, #tpu.memory_space<vmem>>
        %dma_start3A_156 = tpu.memref_squeeze %dma_start3A_155 : memref<1x88xi32, #tpu.memory_space<vmem>> -> memref<88xi32, #tpu.memory_space<vmem>>
        %dma_start3A_157 = arith.constant 0 : i32
        %dma_start3A_158 = arith.constant 0 : i32
        %dma_start3A_159 = tpu.memref_slice %arg4[%dma_start3A_157, %dma_start3A_158] : memref<10240x128xf32, #tpu.memory_space<hbm>> -> memref<10240x128xf32, #tpu.memory_space<hbm>>
        tpu.enqueue_indirect_dma source(%dma_start3A_159 : memref<10240x128xf32, #tpu.memory_space<hbm>>) target(%arg13 : memref<88x128xf32, #tpu.memory_space<vmem>>) offsets(%dma_start3A_156 : memref<88xi32, #tpu.memory_space<vmem>>) semaphore(%arg16 : memref<!tpu.dma_semaphore, #tpu.memory_space<semaphore_mem>>)
        %dma_start3A_160 = arith.constant 7 : i32
        %dma_start3A_161 = arith.constant 0 : i32
        %dma_start3A_162 = tpu.memref_slice %arg9[%dma_start3A_160, %dma_start3A_161] : memref<8x88xi32, #tpu.memory_space<vmem>> -> memref<1x88xi32, #tpu.memory_space<vmem>>
        %dma_start3A_163 = tpu.memref_squeeze %dma_start3A_162 : memref<1x88xi32, #tpu.memory_space<vmem>> -> memref<88xi32, #tpu.memory_space<vmem>>
        %dma_start3A_164 = arith.constant 0 : i32
        %dma_start3A_165 = arith.constant 0 : i32
        %dma_start3A_166 = tpu.memref_slice %arg4[%dma_start3A_164, %dma_start3A_165] : memref<10240x128xf32, #tpu.memory_space<hbm>> -> memref<10240x128xf32, #tpu.memory_space<hbm>>
        tpu.enqueue_indirect_dma source(%dma_start3A_166 : memref<10240x128xf32, #tpu.memory_space<hbm>>) target(%arg14 : memref<88x128xf32, #tpu.memory_space<vmem>>) offsets(%dma_start3A_163 : memref<88xi32, #tpu.memory_space<vmem>>) semaphore(%arg16 : memref<!tpu.dma_semaphore, #tpu.memory_space<semaphore_mem>>)
        %dma_wait3A_167 = arith.constant 4 : i32
        %dma_wait3A_168 = arith.constant 0 : i32
        %dma_wait3A_169 = tpu.memref_slice %arg9[%dma_wait3A_167, %dma_wait3A_168] : memref<8x88xi32, #tpu.memory_space<vmem>> -> memref<1x88xi32, #tpu.memory_space<vmem>>
        %dma_wait3A_170 = tpu.memref_squeeze %dma_wait3A_169 : memref<1x88xi32, #tpu.memory_space<vmem>> -> memref<88xi32, #tpu.memory_space<vmem>>
        %dma_wait3A_171 = arith.constant 0 : i32
        %dma_wait3A_172 = arith.constant 0 : i32
        %dma_wait3A_173 = tpu.memref_slice %arg4[%dma_wait3A_171, %dma_wait3A_172] : memref<10240x128xf32, #tpu.memory_space<hbm>> -> memref<10240x128xf32, #tpu.memory_space<hbm>>
        tpu.wait_indirect_dma semaphore(%arg16 : memref<!tpu.dma_semaphore, #tpu.memory_space<semaphore_mem>>) src(%dma_wait3A_173 : memref<10240x128xf32, #tpu.memory_space<hbm>>) dst(%arg11 : memref<88x128xf32, #tpu.memory_space<vmem>>)
        %dma_start3A_174 = arith.constant 4 : i32
        %dma_start3A_175 = arith.constant 0 : i32
        %dma_start3A_176 = tpu.memref_slice %arg10[%dma_start3A_174, %dma_start3A_175] : memref<8x88xi32, #tpu.memory_space<vmem>> -> memref<1x88xi32, #tpu.memory_space<vmem>>
        %dma_start3A_177 = tpu.memref_squeeze %dma_start3A_176 : memref<1x88xi32, #tpu.memory_space<vmem>> -> memref<88xi32, #tpu.memory_space<vmem>>
        %dma_start3A_178 = arith.constant 0 : i32
        %dma_start3A_179 = arith.constant 0 : i32
        %dma_start3A_180 = tpu.memref_slice %arg15[%dma_start3A_178, %dma_start3A_179] : memref<10112x128xf32, #tpu.memory_space<vmem_shared>> -> memref<10112x128xf32, #tpu.memory_space<vmem_shared>>
        tpu.enqueue_indirect_dma source(%arg11 : memref<88x128xf32, #tpu.memory_space<vmem>>) target(%dma_start3A_180 : memref<10112x128xf32, #tpu.memory_space<vmem_shared>>) offsets(%dma_start3A_177 : memref<88xi32, #tpu.memory_space<vmem>>) semaphore(%arg17 : memref<!tpu.dma_semaphore, #tpu.memory_space<semaphore_mem>>) {add = true}
        %dma_wait3A_181 = arith.constant 5 : i32
        %dma_wait3A_182 = arith.constant 0 : i32
        %dma_wait3A_183 = tpu.memref_slice %arg9[%dma_wait3A_181, %dma_wait3A_182] : memref<8x88xi32, #tpu.memory_space<vmem>> -> memref<1x88xi32, #tpu.memory_space<vmem>>
        %dma_wait3A_184 = tpu.memref_squeeze %dma_wait3A_183 : memref<1x88xi32, #tpu.memory_space<vmem>> -> memref<88xi32, #tpu.memory_space<vmem>>
        %dma_wait3A_185 = arith.constant 0 : i32
        %dma_wait3A_186 = arith.constant 0 : i32
        %dma_wait3A_187 = tpu.memref_slice %arg4[%dma_wait3A_185, %dma_wait3A_186] : memref<10240x128xf32, #tpu.memory_space<hbm>> -> memref<10240x128xf32, #tpu.memory_space<hbm>>
        tpu.wait_indirect_dma semaphore(%arg16 : memref<!tpu.dma_semaphore, #tpu.memory_space<semaphore_mem>>) src(%dma_wait3A_187 : memref<10240x128xf32, #tpu.memory_space<hbm>>) dst(%arg12 : memref<88x128xf32, #tpu.memory_space<vmem>>)
        %dma_start3A_188 = arith.constant 5 : i32
        %dma_start3A_189 = arith.constant 0 : i32
        %dma_start3A_190 = tpu.memref_slice %arg10[%dma_start3A_188, %dma_start3A_189] : memref<8x88xi32, #tpu.memory_space<vmem>> -> memref<1x88xi32, #tpu.memory_space<vmem>>
        %dma_start3A_191 = tpu.memref_squeeze %dma_start3A_190 : memref<1x88xi32, #tpu.memory_space<vmem>> -> memref<88xi32, #tpu.memory_space<vmem>>
        %dma_start3A_192 = arith.constant 0 : i32
        %dma_start3A_193 = arith.constant 0 : i32
        %dma_start3A_194 = tpu.memref_slice %arg15[%dma_start3A_192, %dma_start3A_193] : memref<10112x128xf32, #tpu.memory_space<vmem_shared>> -> memref<10112x128xf32, #tpu.memory_space<vmem_shared>>
        tpu.enqueue_indirect_dma source(%arg12 : memref<88x128xf32, #tpu.memory_space<vmem>>) target(%dma_start3A_194 : memref<10112x128xf32, #tpu.memory_space<vmem_shared>>) offsets(%dma_start3A_191 : memref<88xi32, #tpu.memory_space<vmem>>) semaphore(%arg17 : memref<!tpu.dma_semaphore, #tpu.memory_space<semaphore_mem>>) {add = true}
        %dma_wait3A_195 = arith.constant 6 : i32
        %dma_wait3A_196 = arith.constant 0 : i32
        %dma_wait3A_197 = tpu.memref_slice %arg9[%dma_wait3A_195, %dma_wait3A_196] : memref<8x88xi32, #tpu.memory_space<vmem>> -> memref<1x88xi32, #tpu.memory_space<vmem>>
        %dma_wait3A_198 = tpu.memref_squeeze %dma_wait3A_197 : memref<1x88xi32, #tpu.memory_space<vmem>> -> memref<88xi32, #tpu.memory_space<vmem>>
        %dma_wait3A_199 = arith.constant 0 : i32
        %dma_wait3A_200 = arith.constant 0 : i32
        %dma_wait3A_201 = tpu.memref_slice %arg4[%dma_wait3A_199, %dma_wait3A_200] : memref<10240x128xf32, #tpu.memory_space<hbm>> -> memref<10240x128xf32, #tpu.memory_space<hbm>>
        tpu.wait_indirect_dma semaphore(%arg16 : memref<!tpu.dma_semaphore, #tpu.memory_space<semaphore_mem>>) src(%dma_wait3A_201 : memref<10240x128xf32, #tpu.memory_space<hbm>>) dst(%arg13 : memref<88x128xf32, #tpu.memory_space<vmem>>)
        %dma_start3A_202 = arith.constant 6 : i32
        %dma_start3A_203 = arith.constant 0 : i32
        %dma_start3A_204 = tpu.memref_slice %arg10[%dma_start3A_202, %dma_start3A_203] : memref<8x88xi32, #tpu.memory_space<vmem>> -> memref<1x88xi32, #tpu.memory_space<vmem>>
        %dma_start3A_205 = tpu.memref_squeeze %dma_start3A_204 : memref<1x88xi32, #tpu.memory_space<vmem>> -> memref<88xi32, #tpu.memory_space<vmem>>
        %dma_start3A_206 = arith.constant 0 : i32
        %dma_start3A_207 = arith.constant 0 : i32
        %dma_start3A_208 = tpu.memref_slice %arg15[%dma_start3A_206, %dma_start3A_207] : memref<10112x128xf32, #tpu.memory_space<vmem_shared>> -> memref<10112x128xf32, #tpu.memory_space<vmem_shared>>
        tpu.enqueue_indirect_dma source(%arg13 : memref<88x128xf32, #tpu.memory_space<vmem>>) target(%dma_start3A_208 : memref<10112x128xf32, #tpu.memory_space<vmem_shared>>) offsets(%dma_start3A_205 : memref<88xi32, #tpu.memory_space<vmem>>) semaphore(%arg17 : memref<!tpu.dma_semaphore, #tpu.memory_space<semaphore_mem>>) {add = true}
        %dma_wait3A_209 = arith.constant 7 : i32
        %dma_wait3A_210 = arith.constant 0 : i32
        %dma_wait3A_211 = tpu.memref_slice %arg9[%dma_wait3A_209, %dma_wait3A_210] : memref<8x88xi32, #tpu.memory_space<vmem>> -> memref<1x88xi32, #tpu.memory_space<vmem>>
        %dma_wait3A_212 = tpu.memref_squeeze %dma_wait3A_211 : memref<1x88xi32, #tpu.memory_space<vmem>> -> memref<88xi32, #tpu.memory_space<vmem>>
        %dma_wait3A_213 = arith.constant 0 : i32
        %dma_wait3A_214 = arith.constant 0 : i32
        %dma_wait3A_215 = tpu.memref_slice %arg4[%dma_wait3A_213, %dma_wait3A_214] : memref<10240x128xf32, #tpu.memory_space<hbm>> -> memref<10240x128xf32, #tpu.memory_space<hbm>>
        tpu.wait_indirect_dma semaphore(%arg16 : memref<!tpu.dma_semaphore, #tpu.memory_space<semaphore_mem>>) src(%dma_wait3A_215 : memref<10240x128xf32, #tpu.memory_space<hbm>>) dst(%arg14 : memref<88x128xf32, #tpu.memory_space<vmem>>)
        %dma_start3A_216 = arith.constant 7 : i32
        %dma_start3A_217 = arith.constant 0 : i32
        %dma_start3A_218 = tpu.memref_slice %arg10[%dma_start3A_216, %dma_start3A_217] : memref<8x88xi32, #tpu.memory_space<vmem>> -> memref<1x88xi32, #tpu.memory_space<vmem>>
        %dma_start3A_219 = tpu.memref_squeeze %dma_start3A_218 : memref<1x88xi32, #tpu.memory_space<vmem>> -> memref<88xi32, #tpu.memory_space<vmem>>
        %dma_start3A_220 = arith.constant 0 : i32
        %dma_start3A_221 = arith.constant 0 : i32
        %dma_start3A_222 = tpu.memref_slice %arg15[%dma_start3A_220, %dma_start3A_221] : memref<10112x128xf32, #tpu.memory_space<vmem_shared>> -> memref<10112x128xf32, #tpu.memory_space<vmem_shared>>
        tpu.enqueue_indirect_dma source(%arg14 : memref<88x128xf32, #tpu.memory_space<vmem>>) target(%dma_start3A_222 : memref<10112x128xf32, #tpu.memory_space<vmem_shared>>) offsets(%dma_start3A_219 : memref<88xi32, #tpu.memory_space<vmem>>) semaphore(%arg17 : memref<!tpu.dma_semaphore, #tpu.memory_space<semaphore_mem>>) {add = true}
        %dma_wait3A_223 = arith.constant 4 : i32
        %dma_wait3A_224 = arith.constant 0 : i32
        %dma_wait3A_225 = tpu.memref_slice %arg10[%dma_wait3A_223, %dma_wait3A_224] : memref<8x88xi32, #tpu.memory_space<vmem>> -> memref<1x88xi32, #tpu.memory_space<vmem>>
        %dma_wait3A_226 = tpu.memref_squeeze %dma_wait3A_225 : memref<1x88xi32, #tpu.memory_space<vmem>> -> memref<88xi32, #tpu.memory_space<vmem>>
        %dma_wait3A_227 = arith.constant 0 : i32
        %dma_wait3A_228 = arith.constant 0 : i32
        %dma_wait3A_229 = tpu.memref_slice %arg15[%dma_wait3A_227, %dma_wait3A_228] : memref<10112x128xf32, #tpu.memory_space<vmem_shared>> -> memref<10112x128xf32, #tpu.memory_space<vmem_shared>>
        tpu.wait_indirect_dma semaphore(%arg17 : memref<!tpu.dma_semaphore, #tpu.memory_space<semaphore_mem>>) src(%arg11 : memref<88x128xf32, #tpu.memory_space<vmem>>) dst(%dma_wait3A_229 : memref<10112x128xf32, #tpu.memory_space<vmem_shared>>)
        %dma_wait3A_230 = arith.constant 5 : i32
        %dma_wait3A_231 = arith.constant 0 : i32
        %dma_wait3A_232 = tpu.memref_slice %arg10[%dma_wait3A_230, %dma_wait3A_231] : memref<8x88xi32, #tpu.memory_space<vmem>> -> memref<1x88xi32, #tpu.memory_space<vmem>>
        %dma_wait3A_233 = tpu.memref_squeeze %dma_wait3A_232 : memref<1x88xi32, #tpu.memory_space<vmem>> -> memref<88xi32, #tpu.memory_space<vmem>>
        %dma_wait3A_234 = arith.constant 0 : i32
        %dma_wait3A_235 = arith.constant 0 : i32
        %dma_wait3A_236 = tpu.memref_slice %arg15[%dma_wait3A_234, %dma_wait3A_235] : memref<10112x128xf32, #tpu.memory_space<vmem_shared>> -> memref<10112x128xf32, #tpu.memory_space<vmem_shared>>
        tpu.wait_indirect_dma semaphore(%arg17 : memref<!tpu.dma_semaphore, #tpu.memory_space<semaphore_mem>>) src(%arg12 : memref<88x128xf32, #tpu.memory_space<vmem>>) dst(%dma_wait3A_236 : memref<10112x128xf32, #tpu.memory_space<vmem_shared>>)
        %dma_wait3A_237 = arith.constant 6 : i32
        %dma_wait3A_238 = arith.constant 0 : i32
        %dma_wait3A_239 = tpu.memref_slice %arg10[%dma_wait3A_237, %dma_wait3A_238] : memref<8x88xi32, #tpu.memory_space<vmem>> -> memref<1x88xi32, #tpu.memory_space<vmem>>
        %dma_wait3A_240 = tpu.memref_squeeze %dma_wait3A_239 : memref<1x88xi32, #tpu.memory_space<vmem>> -> memref<88xi32, #tpu.memory_space<vmem>>
        %dma_wait3A_241 = arith.constant 0 : i32
        %dma_wait3A_242 = arith.constant 0 : i32
        %dma_wait3A_243 = tpu.memref_slice %arg15[%dma_wait3A_241, %dma_wait3A_242] : memref<10112x128xf32, #tpu.memory_space<vmem_shared>> -> memref<10112x128xf32, #tpu.memory_space<vmem_shared>>
        tpu.wait_indirect_dma semaphore(%arg17 : memref<!tpu.dma_semaphore, #tpu.memory_space<semaphore_mem>>) src(%arg13 : memref<88x128xf32, #tpu.memory_space<vmem>>) dst(%dma_wait3A_243 : memref<10112x128xf32, #tpu.memory_space<vmem_shared>>)
        %dma_wait3A_244 = arith.constant 7 : i32
        %dma_wait3A_245 = arith.constant 0 : i32
        %dma_wait3A_246 = tpu.memref_slice %arg10[%dma_wait3A_244, %dma_wait3A_245] : memref<8x88xi32, #tpu.memory_space<vmem>> -> memref<1x88xi32, #tpu.memory_space<vmem>>
        %dma_wait3A_247 = tpu.memref_squeeze %dma_wait3A_246 : memref<1x88xi32, #tpu.memory_space<vmem>> -> memref<88xi32, #tpu.memory_space<vmem>>
        %dma_wait3A_248 = arith.constant 0 : i32
        %dma_wait3A_249 = arith.constant 0 : i32
        %dma_wait3A_250 = tpu.memref_slice %arg15[%dma_wait3A_248, %dma_wait3A_249] : memref<10112x128xf32, #tpu.memory_space<vmem_shared>> -> memref<10112x128xf32, #tpu.memory_space<vmem_shared>>
        tpu.wait_indirect_dma semaphore(%arg17 : memref<!tpu.dma_semaphore, #tpu.memory_space<semaphore_mem>>) src(%arg14 : memref<88x128xf32, #tpu.memory_space<vmem>>) dst(%dma_wait3A_250 : memref<10112x128xf32, #tpu.memory_space<vmem_shared>>)
      }
      %scan3A_23 = arith.constant 29 : i32
    } else {
    }
    %eq3A_3 = arith.constant 1 : i32
    %eq3A_4 = arith.cmpi eq, %arg0, %eq3A_3 : i32
    %convert_element_type3A_5 = arith.extui %eq3A_4 : i1 to i32
    %cond3A_6 = arith.constant 0 : i32
    %cond3A_7 = arith.cmpi ne, %convert_element_type3A_5, %cond3A_6 : i32
    scf.if %cond3A_7 {
      %scan3A = arith.constant 0 : i32
      %scan3A_19 = arith.constant 0 : i32
      %scan3A_20 = arith.constant 29 : i32
      %scan3A_21 = arith.addi %scan3A_19, %scan3A_20 : i32
      %scan3A_22 = arith.constant 1 : i32
      scf.for %scan3A_24 = %scan3A_19 to %scan3A_21 step %scan3A_22  : i32 {
        %mul3A_25 = arith.constant 8 : i32
        %mul3A_26 = arith.muli %scan3A_24, %mul3A_25 : i32
        "tpu.region"() ({
          %run_scoped3A = tpu.sem_alloc : memref<!tpu.dma_semaphore, #tpu.memory_space<semaphore_mem>>
          %dma_start3A_251 = arith.constant 0 : i32
          %dma_start3A_252 = tpu.memref_slice %arg2[%arg1, %mul3A_26, %dma_start3A_251] : memref<16x232x88xi32, #tpu.memory_space<hbm>> -> memref<1x8x88xi32, #tpu.memory_space<hbm>>
          %dma_start3A_253 = tpu.memref_squeeze %dma_start3A_252 : memref<1x8x88xi32, #tpu.memory_space<hbm>> -> memref<8x88xi32, #tpu.memory_space<hbm>>
          %dma_start3A_254 = arith.constant 0 : i32
          %dma_start3A_255 = tpu.memref_slice %arg2[%arg1, %mul3A_26, %dma_start3A_254] : memref<16x232x88xi32, #tpu.memory_space<hbm>> -> memref<1x8x88xi32, #tpu.memory_space<hbm>>
          %dma_start3A_256 = tpu.memref_squeeze %dma_start3A_255 : memref<1x8x88xi32, #tpu.memory_space<hbm>> -> memref<8x88xi32, #tpu.memory_space<hbm>>
          tpu.enqueue_dma source(%dma_start3A_256 : memref<8x88xi32, #tpu.memory_space<hbm>>) target(%arg9 : memref<8x88xi32, #tpu.memory_space<vmem>>) target_semaphore(%run_scoped3A : memref<!tpu.dma_semaphore, #tpu.memory_space<semaphore_mem>>)
          %dma_wait3A_257 = arith.constant 0 : i32
          %dma_wait3A_258 = tpu.memref_slice %arg2[%arg1, %mul3A_26, %dma_wait3A_257] : memref<16x232x88xi32, #tpu.memory_space<hbm>> -> memref<1x8x88xi32, #tpu.memory_space<hbm>>
          %dma_wait3A_259 = tpu.memref_squeeze %dma_wait3A_258 : memref<1x8x88xi32, #tpu.memory_space<hbm>> -> memref<8x88xi32, #tpu.memory_space<hbm>>
          %dma_wait3A_260 = arith.constant 0 : i32
          %dma_wait3A_261 = tpu.memref_slice %arg2[%arg1, %mul3A_26, %dma_wait3A_260] : memref<16x232x88xi32, #tpu.memory_space<hbm>> -> memref<1x8x88xi32, #tpu.memory_space<hbm>>
          %dma_wait3A_262 = tpu.memref_squeeze %dma_wait3A_261 : memref<1x8x88xi32, #tpu.memory_space<hbm>> -> memref<8x88xi32, #tpu.memory_space<hbm>>
          tpu.wait_dma2 semaphore(%run_scoped3A : memref<!tpu.dma_semaphore, #tpu.memory_space<semaphore_mem>>) src(%dma_wait3A_262 : memref<8x88xi32, #tpu.memory_space<hbm>>) dst(%arg9 : memref<8x88xi32, #tpu.memory_space<vmem>>)
          tpu.yield
        }) : () -> ()
        %mul3A_27 = arith.constant 8 : i32
        %mul3A_28 = arith.muli %scan3A_24, %mul3A_27 : i32
        "tpu.region"() ({
          %run_scoped3A = tpu.sem_alloc : memref<!tpu.dma_semaphore, #tpu.memory_space<semaphore_mem>>
          %dma_start3A_251 = arith.constant 0 : i32
          %dma_start3A_252 = tpu.memref_slice %arg3[%arg1, %mul3A_28, %dma_start3A_251] : memref<16x232x88xi32, #tpu.memory_space<hbm>> -> memref<1x8x88xi32, #tpu.memory_space<hbm>>
          %dma_start3A_253 = tpu.memref_squeeze %dma_start3A_252 : memref<1x8x88xi32, #tpu.memory_space<hbm>> -> memref<8x88xi32, #tpu.memory_space<hbm>>
          %dma_start3A_254 = arith.constant 0 : i32
          %dma_start3A_255 = tpu.memref_slice %arg3[%arg1, %mul3A_28, %dma_start3A_254] : memref<16x232x88xi32, #tpu.memory_space<hbm>> -> memref<1x8x88xi32, #tpu.memory_space<hbm>>
          %dma_start3A_256 = tpu.memref_squeeze %dma_start3A_255 : memref<1x8x88xi32, #tpu.memory_space<hbm>> -> memref<8x88xi32, #tpu.memory_space<hbm>>
          tpu.enqueue_dma source(%dma_start3A_256 : memref<8x88xi32, #tpu.memory_space<hbm>>) target(%arg10 : memref<8x88xi32, #tpu.memory_space<vmem>>) target_semaphore(%run_scoped3A : memref<!tpu.dma_semaphore, #tpu.memory_space<semaphore_mem>>)
          %dma_wait3A_257 = arith.constant 0 : i32
          %dma_wait3A_258 = tpu.memref_slice %arg3[%arg1, %mul3A_28, %dma_wait3A_257] : memref<16x232x88xi32, #tpu.memory_space<hbm>> -> memref<1x8x88xi32, #tpu.memory_space<hbm>>
          %dma_wait3A_259 = tpu.memref_squeeze %dma_wait3A_258 : memref<1x8x88xi32, #tpu.memory_space<hbm>> -> memref<8x88xi32, #tpu.memory_space<hbm>>
          %dma_wait3A_260 = arith.constant 0 : i32
          %dma_wait3A_261 = tpu.memref_slice %arg3[%arg1, %mul3A_28, %dma_wait3A_260] : memref<16x232x88xi32, #tpu.memory_space<hbm>> -> memref<1x8x88xi32, #tpu.memory_space<hbm>>
          %dma_wait3A_262 = tpu.memref_squeeze %dma_wait3A_261 : memref<1x8x88xi32, #tpu.memory_space<hbm>> -> memref<8x88xi32, #tpu.memory_space<hbm>>
          tpu.wait_dma2 semaphore(%run_scoped3A : memref<!tpu.dma_semaphore, #tpu.memory_space<semaphore_mem>>) src(%dma_wait3A_262 : memref<8x88xi32, #tpu.memory_space<hbm>>) dst(%arg10 : memref<8x88xi32, #tpu.memory_space<vmem>>)
          tpu.yield
        }) : () -> ()
        %dma_start3A = arith.constant 0 : i32
        %dma_start3A_29 = arith.constant 0 : i32
        %dma_start3A_30 = tpu.memref_slice %arg9[%dma_start3A, %dma_start3A_29] : memref<8x88xi32, #tpu.memory_space<vmem>> -> memref<1x88xi32, #tpu.memory_space<vmem>>
        %dma_start3A_31 = tpu.memref_squeeze %dma_start3A_30 : memref<1x88xi32, #tpu.memory_space<vmem>> -> memref<88xi32, #tpu.memory_space<vmem>>
        %dma_start3A_32 = arith.constant 0 : i32
        %dma_start3A_33 = arith.constant 0 : i32
        %dma_start3A_34 = tpu.memref_slice %arg5[%dma_start3A_32, %dma_start3A_33] : memref<10240x128xf32, #tpu.memory_space<hbm>> -> memref<10240x128xf32, #tpu.memory_space<hbm>>
        tpu.enqueue_indirect_dma source(%dma_start3A_34 : memref<10240x128xf32, #tpu.memory_space<hbm>>) target(%arg11 : memref<88x128xf32, #tpu.memory_space<vmem>>) offsets(%dma_start3A_31 : memref<88xi32, #tpu.memory_space<vmem>>) semaphore(%arg16 : memref<!tpu.dma_semaphore, #tpu.memory_space<semaphore_mem>>)
        %dma_start3A_35 = arith.constant 1 : i32
        %dma_start3A_36 = arith.constant 0 : i32
        %dma_start3A_37 = tpu.memref_slice %arg9[%dma_start3A_35, %dma_start3A_36] : memref<8x88xi32, #tpu.memory_space<vmem>> -> memref<1x88xi32, #tpu.memory_space<vmem>>
        %dma_start3A_38 = tpu.memref_squeeze %dma_start3A_37 : memref<1x88xi32, #tpu.memory_space<vmem>> -> memref<88xi32, #tpu.memory_space<vmem>>
        %dma_start3A_39 = arith.constant 0 : i32
        %dma_start3A_40 = arith.constant 0 : i32
        %dma_start3A_41 = tpu.memref_slice %arg5[%dma_start3A_39, %dma_start3A_40] : memref<10240x128xf32, #tpu.memory_space<hbm>> -> memref<10240x128xf32, #tpu.memory_space<hbm>>
        tpu.enqueue_indirect_dma source(%dma_start3A_41 : memref<10240x128xf32, #tpu.memory_space<hbm>>) target(%arg12 : memref<88x128xf32, #tpu.memory_space<vmem>>) offsets(%dma_start3A_38 : memref<88xi32, #tpu.memory_space<vmem>>) semaphore(%arg16 : memref<!tpu.dma_semaphore, #tpu.memory_space<semaphore_mem>>)
        %dma_start3A_42 = arith.constant 2 : i32
        %dma_start3A_43 = arith.constant 0 : i32
        %dma_start3A_44 = tpu.memref_slice %arg9[%dma_start3A_42, %dma_start3A_43] : memref<8x88xi32, #tpu.memory_space<vmem>> -> memref<1x88xi32, #tpu.memory_space<vmem>>
        %dma_start3A_45 = tpu.memref_squeeze %dma_start3A_44 : memref<1x88xi32, #tpu.memory_space<vmem>> -> memref<88xi32, #tpu.memory_space<vmem>>
        %dma_start3A_46 = arith.constant 0 : i32
        %dma_start3A_47 = arith.constant 0 : i32
        %dma_start3A_48 = tpu.memref_slice %arg5[%dma_start3A_46, %dma_start3A_47] : memref<10240x128xf32, #tpu.memory_space<hbm>> -> memref<10240x128xf32, #tpu.memory_space<hbm>>
        tpu.enqueue_indirect_dma source(%dma_start3A_48 : memref<10240x128xf32, #tpu.memory_space<hbm>>) target(%arg13 : memref<88x128xf32, #tpu.memory_space<vmem>>) offsets(%dma_start3A_45 : memref<88xi32, #tpu.memory_space<vmem>>) semaphore(%arg16 : memref<!tpu.dma_semaphore, #tpu.memory_space<semaphore_mem>>)
        %dma_start3A_49 = arith.constant 3 : i32
        %dma_start3A_50 = arith.constant 0 : i32
        %dma_start3A_51 = tpu.memref_slice %arg9[%dma_start3A_49, %dma_start3A_50] : memref<8x88xi32, #tpu.memory_space<vmem>> -> memref<1x88xi32, #tpu.memory_space<vmem>>
        %dma_start3A_52 = tpu.memref_squeeze %dma_start3A_51 : memref<1x88xi32, #tpu.memory_space<vmem>> -> memref<88xi32, #tpu.memory_space<vmem>>
        %dma_start3A_53 = arith.constant 0 : i32
        %dma_start3A_54 = arith.constant 0 : i32
        %dma_start3A_55 = tpu.memref_slice %arg5[%dma_start3A_53, %dma_start3A_54] : memref<10240x128xf32, #tpu.memory_space<hbm>> -> memref<10240x128xf32, #tpu.memory_space<hbm>>
        tpu.enqueue_indirect_dma source(%dma_start3A_55 : memref<10240x128xf32, #tpu.memory_space<hbm>>) target(%arg14 : memref<88x128xf32, #tpu.memory_space<vmem>>) offsets(%dma_start3A_52 : memref<88xi32, #tpu.memory_space<vmem>>) semaphore(%arg16 : memref<!tpu.dma_semaphore, #tpu.memory_space<semaphore_mem>>)
        %dma_wait3A = arith.constant 0 : i32
        %dma_wait3A_56 = arith.constant 0 : i32
        %dma_wait3A_57 = tpu.memref_slice %arg9[%dma_wait3A, %dma_wait3A_56] : memref<8x88xi32, #tpu.memory_space<vmem>> -> memref<1x88xi32, #tpu.memory_space<vmem>>
        %dma_wait3A_58 = tpu.memref_squeeze %dma_wait3A_57 : memref<1x88xi32, #tpu.memory_space<vmem>> -> memref<88xi32, #tpu.memory_space<vmem>>
        %dma_wait3A_59 = arith.constant 0 : i32
        %dma_wait3A_60 = arith.constant 0 : i32
        %dma_wait3A_61 = tpu.memref_slice %arg5[%dma_wait3A_59, %dma_wait3A_60] : memref<10240x128xf32, #tpu.memory_space<hbm>> -> memref<10240x128xf32, #tpu.memory_space<hbm>>
        tpu.wait_indirect_dma semaphore(%arg16 : memref<!tpu.dma_semaphore, #tpu.memory_space<semaphore_mem>>) src(%dma_wait3A_61 : memref<10240x128xf32, #tpu.memory_space<hbm>>) dst(%arg11 : memref<88x128xf32, #tpu.memory_space<vmem>>)
        %dma_start3A_62 = arith.constant 0 : i32
        %dma_start3A_63 = arith.constant 0 : i32
        %dma_start3A_64 = tpu.memref_slice %arg10[%dma_start3A_62, %dma_start3A_63] : memref<8x88xi32, #tpu.memory_space<vmem>> -> memref<1x88xi32, #tpu.memory_space<vmem>>
        %dma_start3A_65 = tpu.memref_squeeze %dma_start3A_64 : memref<1x88xi32, #tpu.memory_space<vmem>> -> memref<88xi32, #tpu.memory_space<vmem>>
        %dma_start3A_66 = arith.constant 0 : i32
        %dma_start3A_67 = arith.constant 0 : i32
        %dma_start3A_68 = tpu.memref_slice %arg15[%dma_start3A_66, %dma_start3A_67] : memref<10112x128xf32, #tpu.memory_space<vmem_shared>> -> memref<10112x128xf32, #tpu.memory_space<vmem_shared>>
        tpu.enqueue_indirect_dma source(%arg11 : memref<88x128xf32, #tpu.memory_space<vmem>>) target(%dma_start3A_68 : memref<10112x128xf32, #tpu.memory_space<vmem_shared>>) offsets(%dma_start3A_65 : memref<88xi32, #tpu.memory_space<vmem>>) semaphore(%arg17 : memref<!tpu.dma_semaphore, #tpu.memory_space<semaphore_mem>>) {add = true}
        %dma_wait3A_69 = arith.constant 1 : i32
        %dma_wait3A_70 = arith.constant 0 : i32
        %dma_wait3A_71 = tpu.memref_slice %arg9[%dma_wait3A_69, %dma_wait3A_70] : memref<8x88xi32, #tpu.memory_space<vmem>> -> memref<1x88xi32, #tpu.memory_space<vmem>>
        %dma_wait3A_72 = tpu.memref_squeeze %dma_wait3A_71 : memref<1x88xi32, #tpu.memory_space<vmem>> -> memref<88xi32, #tpu.memory_space<vmem>>
        %dma_wait3A_73 = arith.constant 0 : i32
        %dma_wait3A_74 = arith.constant 0 : i32
        %dma_wait3A_75 = tpu.memref_slice %arg5[%dma_wait3A_73, %dma_wait3A_74] : memref<10240x128xf32, #tpu.memory_space<hbm>> -> memref<10240x128xf32, #tpu.memory_space<hbm>>
        tpu.wait_indirect_dma semaphore(%arg16 : memref<!tpu.dma_semaphore, #tpu.memory_space<semaphore_mem>>) src(%dma_wait3A_75 : memref<10240x128xf32, #tpu.memory_space<hbm>>) dst(%arg12 : memref<88x128xf32, #tpu.memory_space<vmem>>)
        %dma_start3A_76 = arith.constant 1 : i32
        %dma_start3A_77 = arith.constant 0 : i32
        %dma_start3A_78 = tpu.memref_slice %arg10[%dma_start3A_76, %dma_start3A_77] : memref<8x88xi32, #tpu.memory_space<vmem>> -> memref<1x88xi32, #tpu.memory_space<vmem>>
        %dma_start3A_79 = tpu.memref_squeeze %dma_start3A_78 : memref<1x88xi32, #tpu.memory_space<vmem>> -> memref<88xi32, #tpu.memory_space<vmem>>
        %dma_start3A_80 = arith.constant 0 : i32
        %dma_start3A_81 = arith.constant 0 : i32
        %dma_start3A_82 = tpu.memref_slice %arg15[%dma_start3A_80, %dma_start3A_81] : memref<10112x128xf32, #tpu.memory_space<vmem_shared>> -> memref<10112x128xf32, #tpu.memory_space<vmem_shared>>
        tpu.enqueue_indirect_dma source(%arg12 : memref<88x128xf32, #tpu.memory_space<vmem>>) target(%dma_start3A_82 : memref<10112x128xf32, #tpu.memory_space<vmem_shared>>) offsets(%dma_start3A_79 : memref<88xi32, #tpu.memory_space<vmem>>) semaphore(%arg17 : memref<!tpu.dma_semaphore, #tpu.memory_space<semaphore_mem>>) {add = true}
        %dma_wait3A_83 = arith.constant 2 : i32
        %dma_wait3A_84 = arith.constant 0 : i32
        %dma_wait3A_85 = tpu.memref_slice %arg9[%dma_wait3A_83, %dma_wait3A_84] : memref<8x88xi32, #tpu.memory_space<vmem>> -> memref<1x88xi32, #tpu.memory_space<vmem>>
        %dma_wait3A_86 = tpu.memref_squeeze %dma_wait3A_85 : memref<1x88xi32, #tpu.memory_space<vmem>> -> memref<88xi32, #tpu.memory_space<vmem>>
        %dma_wait3A_87 = arith.constant 0 : i32
        %dma_wait3A_88 = arith.constant 0 : i32
        %dma_wait3A_89 = tpu.memref_slice %arg5[%dma_wait3A_87, %dma_wait3A_88] : memref<10240x128xf32, #tpu.memory_space<hbm>> -> memref<10240x128xf32, #tpu.memory_space<hbm>>
        tpu.wait_indirect_dma semaphore(%arg16 : memref<!tpu.dma_semaphore, #tpu.memory_space<semaphore_mem>>) src(%dma_wait3A_89 : memref<10240x128xf32, #tpu.memory_space<hbm>>) dst(%arg13 : memref<88x128xf32, #tpu.memory_space<vmem>>)
        %dma_start3A_90 = arith.constant 2 : i32
        %dma_start3A_91 = arith.constant 0 : i32
        %dma_start3A_92 = tpu.memref_slice %arg10[%dma_start3A_90, %dma_start3A_91] : memref<8x88xi32, #tpu.memory_space<vmem>> -> memref<1x88xi32, #tpu.memory_space<vmem>>
        %dma_start3A_93 = tpu.memref_squeeze %dma_start3A_92 : memref<1x88xi32, #tpu.memory_space<vmem>> -> memref<88xi32, #tpu.memory_space<vmem>>
        %dma_start3A_94 = arith.constant 0 : i32
        %dma_start3A_95 = arith.constant 0 : i32
        %dma_start3A_96 = tpu.memref_slice %arg15[%dma_start3A_94, %dma_start3A_95] : memref<10112x128xf32, #tpu.memory_space<vmem_shared>> -> memref<10112x128xf32, #tpu.memory_space<vmem_shared>>
        tpu.enqueue_indirect_dma source(%arg13 : memref<88x128xf32, #tpu.memory_space<vmem>>) target(%dma_start3A_96 : memref<10112x128xf32, #tpu.memory_space<vmem_shared>>) offsets(%dma_start3A_93 : memref<88xi32, #tpu.memory_space<vmem>>) semaphore(%arg17 : memref<!tpu.dma_semaphore, #tpu.memory_space<semaphore_mem>>) {add = true}
        %dma_wait3A_97 = arith.constant 3 : i32
        %dma_wait3A_98 = arith.constant 0 : i32
        %dma_wait3A_99 = tpu.memref_slice %arg9[%dma_wait3A_97, %dma_wait3A_98] : memref<8x88xi32, #tpu.memory_space<vmem>> -> memref<1x88xi32, #tpu.memory_space<vmem>>
        %dma_wait3A_100 = tpu.memref_squeeze %dma_wait3A_99 : memref<1x88xi32, #tpu.memory_space<vmem>> -> memref<88xi32, #tpu.memory_space<vmem>>
        %dma_wait3A_101 = arith.constant 0 : i32
        %dma_wait3A_102 = arith.constant 0 : i32
        %dma_wait3A_103 = tpu.memref_slice %arg5[%dma_wait3A_101, %dma_wait3A_102] : memref<10240x128xf32, #tpu.memory_space<hbm>> -> memref<10240x128xf32, #tpu.memory_space<hbm>>
        tpu.wait_indirect_dma semaphore(%arg16 : memref<!tpu.dma_semaphore, #tpu.memory_space<semaphore_mem>>) src(%dma_wait3A_103 : memref<10240x128xf32, #tpu.memory_space<hbm>>) dst(%arg14 : memref<88x128xf32, #tpu.memory_space<vmem>>)
        %dma_start3A_104 = arith.constant 3 : i32
        %dma_start3A_105 = arith.constant 0 : i32
        %dma_start3A_106 = tpu.memref_slice %arg10[%dma_start3A_104, %dma_start3A_105] : memref<8x88xi32, #tpu.memory_space<vmem>> -> memref<1x88xi32, #tpu.memory_space<vmem>>
        %dma_start3A_107 = tpu.memref_squeeze %dma_start3A_106 : memref<1x88xi32, #tpu.memory_space<vmem>> -> memref<88xi32, #tpu.memory_space<vmem>>
        %dma_start3A_108 = arith.constant 0 : i32
        %dma_start3A_109 = arith.constant 0 : i32
        %dma_start3A_110 = tpu.memref_slice %arg15[%dma_start3A_108, %dma_start3A_109] : memref<10112x128xf32, #tpu.memory_space<vmem_shared>> -> memref<10112x128xf32, #tpu.memory_space<vmem_shared>>
        tpu.enqueue_indirect_dma source(%arg14 : memref<88x128xf32, #tpu.memory_space<vmem>>) target(%dma_start3A_110 : memref<10112x128xf32, #tpu.memory_space<vmem_shared>>) offsets(%dma_start3A_107 : memref<88xi32, #tpu.memory_space<vmem>>) semaphore(%arg17 : memref<!tpu.dma_semaphore, #tpu.memory_space<semaphore_mem>>) {add = true}
        %dma_wait3A_111 = arith.constant 0 : i32
        %dma_wait3A_112 = arith.constant 0 : i32
        %dma_wait3A_113 = tpu.memref_slice %arg10[%dma_wait3A_111, %dma_wait3A_112] : memref<8x88xi32, #tpu.memory_space<vmem>> -> memref<1x88xi32, #tpu.memory_space<vmem>>
        %dma_wait3A_114 = tpu.memref_squeeze %dma_wait3A_113 : memref<1x88xi32, #tpu.memory_space<vmem>> -> memref<88xi32, #tpu.memory_space<vmem>>
        %dma_wait3A_115 = arith.constant 0 : i32
        %dma_wait3A_116 = arith.constant 0 : i32
        %dma_wait3A_117 = tpu.memref_slice %arg15[%dma_wait3A_115, %dma_wait3A_116] : memref<10112x128xf32, #tpu.memory_space<vmem_shared>> -> memref<10112x128xf32, #tpu.memory_space<vmem_shared>>
        tpu.wait_indirect_dma semaphore(%arg17 : memref<!tpu.dma_semaphore, #tpu.memory_space<semaphore_mem>>) src(%arg11 : memref<88x128xf32, #tpu.memory_space<vmem>>) dst(%dma_wait3A_117 : memref<10112x128xf32, #tpu.memory_space<vmem_shared>>)
        %dma_wait3A_118 = arith.constant 1 : i32
        %dma_wait3A_119 = arith.constant 0 : i32
        %dma_wait3A_120 = tpu.memref_slice %arg10[%dma_wait3A_118, %dma_wait3A_119] : memref<8x88xi32, #tpu.memory_space<vmem>> -> memref<1x88xi32, #tpu.memory_space<vmem>>
        %dma_wait3A_121 = tpu.memref_squeeze %dma_wait3A_120 : memref<1x88xi32, #tpu.memory_space<vmem>> -> memref<88xi32, #tpu.memory_space<vmem>>
        %dma_wait3A_122 = arith.constant 0 : i32
        %dma_wait3A_123 = arith.constant 0 : i32
        %dma_wait3A_124 = tpu.memref_slice %arg15[%dma_wait3A_122, %dma_wait3A_123] : memref<10112x128xf32, #tpu.memory_space<vmem_shared>> -> memref<10112x128xf32, #tpu.memory_space<vmem_shared>>
        tpu.wait_indirect_dma semaphore(%arg17 : memref<!tpu.dma_semaphore, #tpu.memory_space<semaphore_mem>>) src(%arg12 : memref<88x128xf32, #tpu.memory_space<vmem>>) dst(%dma_wait3A_124 : memref<10112x128xf32, #tpu.memory_space<vmem_shared>>)
        %dma_wait3A_125 = arith.constant 2 : i32
        %dma_wait3A_126 = arith.constant 0 : i32
        %dma_wait3A_127 = tpu.memref_slice %arg10[%dma_wait3A_125, %dma_wait3A_126] : memref<8x88xi32, #tpu.memory_space<vmem>> -> memref<1x88xi32, #tpu.memory_space<vmem>>
        %dma_wait3A_128 = tpu.memref_squeeze %dma_wait3A_127 : memref<1x88xi32, #tpu.memory_space<vmem>> -> memref<88xi32, #tpu.memory_space<vmem>>
        %dma_wait3A_129 = arith.constant 0 : i32
        %dma_wait3A_130 = arith.constant 0 : i32
        %dma_wait3A_131 = tpu.memref_slice %arg15[%dma_wait3A_129, %dma_wait3A_130] : memref<10112x128xf32, #tpu.memory_space<vmem_shared>> -> memref<10112x128xf32, #tpu.memory_space<vmem_shared>>
        tpu.wait_indirect_dma semaphore(%arg17 : memref<!tpu.dma_semaphore, #tpu.memory_space<semaphore_mem>>) src(%arg13 : memref<88x128xf32, #tpu.memory_space<vmem>>) dst(%dma_wait3A_131 : memref<10112x128xf32, #tpu.memory_space<vmem_shared>>)
        %dma_wait3A_132 = arith.constant 3 : i32
        %dma_wait3A_133 = arith.constant 0 : i32
        %dma_wait3A_134 = tpu.memref_slice %arg10[%dma_wait3A_132, %dma_wait3A_133] : memref<8x88xi32, #tpu.memory_space<vmem>> -> memref<1x88xi32, #tpu.memory_space<vmem>>
        %dma_wait3A_135 = tpu.memref_squeeze %dma_wait3A_134 : memref<1x88xi32, #tpu.memory_space<vmem>> -> memref<88xi32, #tpu.memory_space<vmem>>
        %dma_wait3A_136 = arith.constant 0 : i32
        %dma_wait3A_137 = arith.constant 0 : i32
        %dma_wait3A_138 = tpu.memref_slice %arg15[%dma_wait3A_136, %dma_wait3A_137] : memref<10112x128xf32, #tpu.memory_space<vmem_shared>> -> memref<10112x128xf32, #tpu.memory_space<vmem_shared>>
        tpu.wait_indirect_dma semaphore(%arg17 : memref<!tpu.dma_semaphore, #tpu.memory_space<semaphore_mem>>) src(%arg14 : memref<88x128xf32, #tpu.memory_space<vmem>>) dst(%dma_wait3A_138 : memref<10112x128xf32, #tpu.memory_space<vmem_shared>>)
        %dma_start3A_139 = arith.constant 4 : i32
        %dma_start3A_140 = arith.constant 0 : i32
        %dma_start3A_141 = tpu.memref_slice %arg9[%dma_start3A_139, %dma_start3A_140] : memref<8x88xi32, #tpu.memory_space<vmem>> -> memref<1x88xi32, #tpu.memory_space<vmem>>
        %dma_start3A_142 = tpu.memref_squeeze %dma_start3A_141 : memref<1x88xi32, #tpu.memory_space<vmem>> -> memref<88xi32, #tpu.memory_space<vmem>>
        %dma_start3A_143 = arith.constant 0 : i32
        %dma_start3A_144 = arith.constant 0 : i32
        %dma_start3A_145 = tpu.memref_slice %arg5[%dma_start3A_143, %dma_start3A_144] : memref<10240x128xf32, #tpu.memory_space<hbm>> -> memref<10240x128xf32, #tpu.memory_space<hbm>>
        tpu.enqueue_indirect_dma source(%dma_start3A_145 : memref<10240x128xf32, #tpu.memory_space<hbm>>) target(%arg11 : memref<88x128xf32, #tpu.memory_space<vmem>>) offsets(%dma_start3A_142 : memref<88xi32, #tpu.memory_space<vmem>>) semaphore(%arg16 : memref<!tpu.dma_semaphore, #tpu.memory_space<semaphore_mem>>)
        %dma_start3A_146 = arith.constant 5 : i32
        %dma_start3A_147 = arith.constant 0 : i32
        %dma_start3A_148 = tpu.memref_slice %arg9[%dma_start3A_146, %dma_start3A_147] : memref<8x88xi32, #tpu.memory_space<vmem>> -> memref<1x88xi32, #tpu.memory_space<vmem>>
        %dma_start3A_149 = tpu.memref_squeeze %dma_start3A_148 : memref<1x88xi32, #tpu.memory_space<vmem>> -> memref<88xi32, #tpu.memory_space<vmem>>
        %dma_start3A_150 = arith.constant 0 : i32
        %dma_start3A_151 = arith.constant 0 : i32
        %dma_start3A_152 = tpu.memref_slice %arg5[%dma_start3A_150, %dma_start3A_151] : memref<10240x128xf32, #tpu.memory_space<hbm>> -> memref<10240x128xf32, #tpu.memory_space<hbm>>
        tpu.enqueue_indirect_dma source(%dma_start3A_152 : memref<10240x128xf32, #tpu.memory_space<hbm>>) target(%arg12 : memref<88x128xf32, #tpu.memory_space<vmem>>) offsets(%dma_start3A_149 : memref<88xi32, #tpu.memory_space<vmem>>) semaphore(%arg16 : memref<!tpu.dma_semaphore, #tpu.memory_space<semaphore_mem>>)
        %dma_start3A_153 = arith.constant 6 : i32
        %dma_start3A_154 = arith.constant 0 : i32
        %dma_start3A_155 = tpu.memref_slice %arg9[%dma_start3A_153, %dma_start3A_154] : memref<8x88xi32, #tpu.memory_space<vmem>> -> memref<1x88xi32, #tpu.memory_space<vmem>>
        %dma_start3A_156 = tpu.memref_squeeze %dma_start3A_155 : memref<1x88xi32, #tpu.memory_space<vmem>> -> memref<88xi32, #tpu.memory_space<vmem>>
        %dma_start3A_157 = arith.constant 0 : i32
        %dma_start3A_158 = arith.constant 0 : i32
        %dma_start3A_159 = tpu.memref_slice %arg5[%dma_start3A_157, %dma_start3A_158] : memref<10240x128xf32, #tpu.memory_space<hbm>> -> memref<10240x128xf32, #tpu.memory_space<hbm>>
        tpu.enqueue_indirect_dma source(%dma_start3A_159 : memref<10240x128xf32, #tpu.memory_space<hbm>>) target(%arg13 : memref<88x128xf32, #tpu.memory_space<vmem>>) offsets(%dma_start3A_156 : memref<88xi32, #tpu.memory_space<vmem>>) semaphore(%arg16 : memref<!tpu.dma_semaphore, #tpu.memory_space<semaphore_mem>>)
        %dma_start3A_160 = arith.constant 7 : i32
        %dma_start3A_161 = arith.constant 0 : i32
        %dma_start3A_162 = tpu.memref_slice %arg9[%dma_start3A_160, %dma_start3A_161] : memref<8x88xi32, #tpu.memory_space<vmem>> -> memref<1x88xi32, #tpu.memory_space<vmem>>
        %dma_start3A_163 = tpu.memref_squeeze %dma_start3A_162 : memref<1x88xi32, #tpu.memory_space<vmem>> -> memref<88xi32, #tpu.memory_space<vmem>>
        %dma_start3A_164 = arith.constant 0 : i32
        %dma_start3A_165 = arith.constant 0 : i32
        %dma_start3A_166 = tpu.memref_slice %arg5[%dma_start3A_164, %dma_start3A_165] : memref<10240x128xf32, #tpu.memory_space<hbm>> -> memref<10240x128xf32, #tpu.memory_space<hbm>>
        tpu.enqueue_indirect_dma source(%dma_start3A_166 : memref<10240x128xf32, #tpu.memory_space<hbm>>) target(%arg14 : memref<88x128xf32, #tpu.memory_space<vmem>>) offsets(%dma_start3A_163 : memref<88xi32, #tpu.memory_space<vmem>>) semaphore(%arg16 : memref<!tpu.dma_semaphore, #tpu.memory_space<semaphore_mem>>)
        %dma_wait3A_167 = arith.constant 4 : i32
        %dma_wait3A_168 = arith.constant 0 : i32
        %dma_wait3A_169 = tpu.memref_slice %arg9[%dma_wait3A_167, %dma_wait3A_168] : memref<8x88xi32, #tpu.memory_space<vmem>> -> memref<1x88xi32, #tpu.memory_space<vmem>>
        %dma_wait3A_170 = tpu.memref_squeeze %dma_wait3A_169 : memref<1x88xi32, #tpu.memory_space<vmem>> -> memref<88xi32, #tpu.memory_space<vmem>>
        %dma_wait3A_171 = arith.constant 0 : i32
        %dma_wait3A_172 = arith.constant 0 : i32
        %dma_wait3A_173 = tpu.memref_slice %arg5[%dma_wait3A_171, %dma_wait3A_172] : memref<10240x128xf32, #tpu.memory_space<hbm>> -> memref<10240x128xf32, #tpu.memory_space<hbm>>
        tpu.wait_indirect_dma semaphore(%arg16 : memref<!tpu.dma_semaphore, #tpu.memory_space<semaphore_mem>>) src(%dma_wait3A_173 : memref<10240x128xf32, #tpu.memory_space<hbm>>) dst(%arg11 : memref<88x128xf32, #tpu.memory_space<vmem>>)
        %dma_start3A_174 = arith.constant 4 : i32
        %dma_start3A_175 = arith.constant 0 : i32
        %dma_start3A_176 = tpu.memref_slice %arg10[%dma_start3A_174, %dma_start3A_175] : memref<8x88xi32, #tpu.memory_space<vmem>> -> memref<1x88xi32, #tpu.memory_space<vmem>>
        %dma_start3A_177 = tpu.memref_squeeze %dma_start3A_176 : memref<1x88xi32, #tpu.memory_space<vmem>> -> memref<88xi32, #tpu.memory_space<vmem>>
        %dma_start3A_178 = arith.constant 0 : i32
        %dma_start3A_179 = arith.constant 0 : i32
        %dma_start3A_180 = tpu.memref_slice %arg15[%dma_start3A_178, %dma_start3A_179] : memref<10112x128xf32, #tpu.memory_space<vmem_shared>> -> memref<10112x128xf32, #tpu.memory_space<vmem_shared>>
        tpu.enqueue_indirect_dma source(%arg11 : memref<88x128xf32, #tpu.memory_space<vmem>>) target(%dma_start3A_180 : memref<10112x128xf32, #tpu.memory_space<vmem_shared>>) offsets(%dma_start3A_177 : memref<88xi32, #tpu.memory_space<vmem>>) semaphore(%arg17 : memref<!tpu.dma_semaphore, #tpu.memory_space<semaphore_mem>>) {add = true}
        %dma_wait3A_181 = arith.constant 5 : i32
        %dma_wait3A_182 = arith.constant 0 : i32
        %dma_wait3A_183 = tpu.memref_slice %arg9[%dma_wait3A_181, %dma_wait3A_182] : memref<8x88xi32, #tpu.memory_space<vmem>> -> memref<1x88xi32, #tpu.memory_space<vmem>>
        %dma_wait3A_184 = tpu.memref_squeeze %dma_wait3A_183 : memref<1x88xi32, #tpu.memory_space<vmem>> -> memref<88xi32, #tpu.memory_space<vmem>>
        %dma_wait3A_185 = arith.constant 0 : i32
        %dma_wait3A_186 = arith.constant 0 : i32
        %dma_wait3A_187 = tpu.memref_slice %arg5[%dma_wait3A_185, %dma_wait3A_186] : memref<10240x128xf32, #tpu.memory_space<hbm>> -> memref<10240x128xf32, #tpu.memory_space<hbm>>
        tpu.wait_indirect_dma semaphore(%arg16 : memref<!tpu.dma_semaphore, #tpu.memory_space<semaphore_mem>>) src(%dma_wait3A_187 : memref<10240x128xf32, #tpu.memory_space<hbm>>) dst(%arg12 : memref<88x128xf32, #tpu.memory_space<vmem>>)
        %dma_start3A_188 = arith.constant 5 : i32
        %dma_start3A_189 = arith.constant 0 : i32
        %dma_start3A_190 = tpu.memref_slice %arg10[%dma_start3A_188, %dma_start3A_189] : memref<8x88xi32, #tpu.memory_space<vmem>> -> memref<1x88xi32, #tpu.memory_space<vmem>>
        %dma_start3A_191 = tpu.memref_squeeze %dma_start3A_190 : memref<1x88xi32, #tpu.memory_space<vmem>> -> memref<88xi32, #tpu.memory_space<vmem>>
        %dma_start3A_192 = arith.constant 0 : i32
        %dma_start3A_193 = arith.constant 0 : i32
        %dma_start3A_194 = tpu.memref_slice %arg15[%dma_start3A_192, %dma_start3A_193] : memref<10112x128xf32, #tpu.memory_space<vmem_shared>> -> memref<10112x128xf32, #tpu.memory_space<vmem_shared>>
        tpu.enqueue_indirect_dma source(%arg12 : memref<88x128xf32, #tpu.memory_space<vmem>>) target(%dma_start3A_194 : memref<10112x128xf32, #tpu.memory_space<vmem_shared>>) offsets(%dma_start3A_191 : memref<88xi32, #tpu.memory_space<vmem>>) semaphore(%arg17 : memref<!tpu.dma_semaphore, #tpu.memory_space<semaphore_mem>>) {add = true}
        %dma_wait3A_195 = arith.constant 6 : i32
        %dma_wait3A_196 = arith.constant 0 : i32
        %dma_wait3A_197 = tpu.memref_slice %arg9[%dma_wait3A_195, %dma_wait3A_196] : memref<8x88xi32, #tpu.memory_space<vmem>> -> memref<1x88xi32, #tpu.memory_space<vmem>>
        %dma_wait3A_198 = tpu.memref_squeeze %dma_wait3A_197 : memref<1x88xi32, #tpu.memory_space<vmem>> -> memref<88xi32, #tpu.memory_space<vmem>>
        %dma_wait3A_199 = arith.constant 0 : i32
        %dma_wait3A_200 = arith.constant 0 : i32
        %dma_wait3A_201 = tpu.memref_slice %arg5[%dma_wait3A_199, %dma_wait3A_200] : memref<10240x128xf32, #tpu.memory_space<hbm>> -> memref<10240x128xf32, #tpu.memory_space<hbm>>
        tpu.wait_indirect_dma semaphore(%arg16 : memref<!tpu.dma_semaphore, #tpu.memory_space<semaphore_mem>>) src(%dma_wait3A_201 : memref<10240x128xf32, #tpu.memory_space<hbm>>) dst(%arg13 : memref<88x128xf32, #tpu.memory_space<vmem>>)
        %dma_start3A_202 = arith.constant 6 : i32
        %dma_start3A_203 = arith.constant 0 : i32
        %dma_start3A_204 = tpu.memref_slice %arg10[%dma_start3A_202, %dma_start3A_203] : memref<8x88xi32, #tpu.memory_space<vmem>> -> memref<1x88xi32, #tpu.memory_space<vmem>>
        %dma_start3A_205 = tpu.memref_squeeze %dma_start3A_204 : memref<1x88xi32, #tpu.memory_space<vmem>> -> memref<88xi32, #tpu.memory_space<vmem>>
        %dma_start3A_206 = arith.constant 0 : i32
        %dma_start3A_207 = arith.constant 0 : i32
        %dma_start3A_208 = tpu.memref_slice %arg15[%dma_start3A_206, %dma_start3A_207] : memref<10112x128xf32, #tpu.memory_space<vmem_shared>> -> memref<10112x128xf32, #tpu.memory_space<vmem_shared>>
        tpu.enqueue_indirect_dma source(%arg13 : memref<88x128xf32, #tpu.memory_space<vmem>>) target(%dma_start3A_208 : memref<10112x128xf32, #tpu.memory_space<vmem_shared>>) offsets(%dma_start3A_205 : memref<88xi32, #tpu.memory_space<vmem>>) semaphore(%arg17 : memref<!tpu.dma_semaphore, #tpu.memory_space<semaphore_mem>>) {add = true}
        %dma_wait3A_209 = arith.constant 7 : i32
        %dma_wait3A_210 = arith.constant 0 : i32
        %dma_wait3A_211 = tpu.memref_slice %arg9[%dma_wait3A_209, %dma_wait3A_210] : memref<8x88xi32, #tpu.memory_space<vmem>> -> memref<1x88xi32, #tpu.memory_space<vmem>>
        %dma_wait3A_212 = tpu.memref_squeeze %dma_wait3A_211 : memref<1x88xi32, #tpu.memory_space<vmem>> -> memref<88xi32, #tpu.memory_space<vmem>>
        %dma_wait3A_213 = arith.constant 0 : i32
        %dma_wait3A_214 = arith.constant 0 : i32
        %dma_wait3A_215 = tpu.memref_slice %arg5[%dma_wait3A_213, %dma_wait3A_214] : memref<10240x128xf32, #tpu.memory_space<hbm>> -> memref<10240x128xf32, #tpu.memory_space<hbm>>
        tpu.wait_indirect_dma semaphore(%arg16 : memref<!tpu.dma_semaphore, #tpu.memory_space<semaphore_mem>>) src(%dma_wait3A_215 : memref<10240x128xf32, #tpu.memory_space<hbm>>) dst(%arg14 : memref<88x128xf32, #tpu.memory_space<vmem>>)
        %dma_start3A_216 = arith.constant 7 : i32
        %dma_start3A_217 = arith.constant 0 : i32
        %dma_start3A_218 = tpu.memref_slice %arg10[%dma_start3A_216, %dma_start3A_217] : memref<8x88xi32, #tpu.memory_space<vmem>> -> memref<1x88xi32, #tpu.memory_space<vmem>>
        %dma_start3A_219 = tpu.memref_squeeze %dma_start3A_218 : memref<1x88xi32, #tpu.memory_space<vmem>> -> memref<88xi32, #tpu.memory_space<vmem>>
        %dma_start3A_220 = arith.constant 0 : i32
        %dma_start3A_221 = arith.constant 0 : i32
        %dma_start3A_222 = tpu.memref_slice %arg15[%dma_start3A_220, %dma_start3A_221] : memref<10112x128xf32, #tpu.memory_space<vmem_shared>> -> memref<10112x128xf32, #tpu.memory_space<vmem_shared>>
        tpu.enqueue_indirect_dma source(%arg14 : memref<88x128xf32, #tpu.memory_space<vmem>>) target(%dma_start3A_222 : memref<10112x128xf32, #tpu.memory_space<vmem_shared>>) offsets(%dma_start3A_219 : memref<88xi32, #tpu.memory_space<vmem>>) semaphore(%arg17 : memref<!tpu.dma_semaphore, #tpu.memory_space<semaphore_mem>>) {add = true}
        %dma_wait3A_223 = arith.constant 4 : i32
        %dma_wait3A_224 = arith.constant 0 : i32
        %dma_wait3A_225 = tpu.memref_slice %arg10[%dma_wait3A_223, %dma_wait3A_224] : memref<8x88xi32, #tpu.memory_space<vmem>> -> memref<1x88xi32, #tpu.memory_space<vmem>>
        %dma_wait3A_226 = tpu.memref_squeeze %dma_wait3A_225 : memref<1x88xi32, #tpu.memory_space<vmem>> -> memref<88xi32, #tpu.memory_space<vmem>>
        %dma_wait3A_227 = arith.constant 0 : i32
        %dma_wait3A_228 = arith.constant 0 : i32
        %dma_wait3A_229 = tpu.memref_slice %arg15[%dma_wait3A_227, %dma_wait3A_228] : memref<10112x128xf32, #tpu.memory_space<vmem_shared>> -> memref<10112x128xf32, #tpu.memory_space<vmem_shared>>
        tpu.wait_indirect_dma semaphore(%arg17 : memref<!tpu.dma_semaphore, #tpu.memory_space<semaphore_mem>>) src(%arg11 : memref<88x128xf32, #tpu.memory_space<vmem>>) dst(%dma_wait3A_229 : memref<10112x128xf32, #tpu.memory_space<vmem_shared>>)
        %dma_wait3A_230 = arith.constant 5 : i32
        %dma_wait3A_231 = arith.constant 0 : i32
        %dma_wait3A_232 = tpu.memref_slice %arg10[%dma_wait3A_230, %dma_wait3A_231] : memref<8x88xi32, #tpu.memory_space<vmem>> -> memref<1x88xi32, #tpu.memory_space<vmem>>
        %dma_wait3A_233 = tpu.memref_squeeze %dma_wait3A_232 : memref<1x88xi32, #tpu.memory_space<vmem>> -> memref<88xi32, #tpu.memory_space<vmem>>
        %dma_wait3A_234 = arith.constant 0 : i32
        %dma_wait3A_235 = arith.constant 0 : i32
        %dma_wait3A_236 = tpu.memref_slice %arg15[%dma_wait3A_234, %dma_wait3A_235] : memref<10112x128xf32, #tpu.memory_space<vmem_shared>> -> memref<10112x128xf32, #tpu.memory_space<vmem_shared>>
        tpu.wait_indirect_dma semaphore(%arg17 : memref<!tpu.dma_semaphore, #tpu.memory_space<semaphore_mem>>) src(%arg12 : memref<88x128xf32, #tpu.memory_space<vmem>>) dst(%dma_wait3A_236 : memref<10112x128xf32, #tpu.memory_space<vmem_shared>>)
        %dma_wait3A_237 = arith.constant 6 : i32
        %dma_wait3A_238 = arith.constant 0 : i32
        %dma_wait3A_239 = tpu.memref_slice %arg10[%dma_wait3A_237, %dma_wait3A_238] : memref<8x88xi32, #tpu.memory_space<vmem>> -> memref<1x88xi32, #tpu.memory_space<vmem>>
        %dma_wait3A_240 = tpu.memref_squeeze %dma_wait3A_239 : memref<1x88xi32, #tpu.memory_space<vmem>> -> memref<88xi32, #tpu.memory_space<vmem>>
        %dma_wait3A_241 = arith.constant 0 : i32
        %dma_wait3A_242 = arith.constant 0 : i32
        %dma_wait3A_243 = tpu.memref_slice %arg15[%dma_wait3A_241, %dma_wait3A_242] : memref<10112x128xf32, #tpu.memory_space<vmem_shared>> -> memref<10112x128xf32, #tpu.memory_space<vmem_shared>>
        tpu.wait_indirect_dma semaphore(%arg17 : memref<!tpu.dma_semaphore, #tpu.memory_space<semaphore_mem>>) src(%arg13 : memref<88x128xf32, #tpu.memory_space<vmem>>) dst(%dma_wait3A_243 : memref<10112x128xf32, #tpu.memory_space<vmem_shared>>)
        %dma_wait3A_244 = arith.constant 7 : i32
        %dma_wait3A_245 = arith.constant 0 : i32
        %dma_wait3A_246 = tpu.memref_slice %arg10[%dma_wait3A_244, %dma_wait3A_245] : memref<8x88xi32, #tpu.memory_space<vmem>> -> memref<1x88xi32, #tpu.memory_space<vmem>>
        %dma_wait3A_247 = tpu.memref_squeeze %dma_wait3A_246 : memref<1x88xi32, #tpu.memory_space<vmem>> -> memref<88xi32, #tpu.memory_space<vmem>>
        %dma_wait3A_248 = arith.constant 0 : i32
        %dma_wait3A_249 = arith.constant 0 : i32
        %dma_wait3A_250 = tpu.memref_slice %arg15[%dma_wait3A_248, %dma_wait3A_249] : memref<10112x128xf32, #tpu.memory_space<vmem_shared>> -> memref<10112x128xf32, #tpu.memory_space<vmem_shared>>
        tpu.wait_indirect_dma semaphore(%arg17 : memref<!tpu.dma_semaphore, #tpu.memory_space<semaphore_mem>>) src(%arg14 : memref<88x128xf32, #tpu.memory_space<vmem>>) dst(%dma_wait3A_250 : memref<10112x128xf32, #tpu.memory_space<vmem_shared>>)
      }
      %scan3A_23 = arith.constant 29 : i32
    } else {
    }
    %barrier3A_8 = arith.constant 0 : index
    tpu.barrier barrier_id(%barrier3A_8)
    %eq3A_9 = arith.constant 0 : i32
    %eq3A_10 = arith.cmpi eq, %arg0, %eq3A_9 : i32
    %convert_element_type3A_11 = arith.extui %eq3A_10 : i1 to i32
    %cond3A_12 = arith.constant 0 : i32
    %cond3A_13 = arith.cmpi ne, %convert_element_type3A_11, %cond3A_12 : i32
    scf.if %cond3A_13 {
      "tpu.region"() ({
        %run_scoped3A = tpu.sem_alloc : memref<!tpu.dma_semaphore, #tpu.memory_space<semaphore_mem>>
        %dma_start3A = arith.constant 0 : i32
        %dma_start3A_19 = tpu.memref_slice %arg7[%mul3A_0, %dma_start3A] : memref<10240x128xf32, #tpu.memory_space<hbm>> -> memref<632x128xf32, #tpu.memory_space<hbm>>
        %dma_start3A_20 = arith.constant 0 : i32
        %dma_start3A_21 = tpu.memref_slice %arg15[%mul3A_0, %dma_start3A_20] : memref<10112x128xf32, #tpu.memory_space<vmem_shared>> -> memref<632x128xf32, #tpu.memory_space<vmem_shared>>
        tpu.enqueue_dma source(%dma_start3A_21 : memref<632x128xf32, #tpu.memory_space<vmem_shared>>) target(%dma_start3A_19 : memref<632x128xf32, #tpu.memory_space<hbm>>) target_semaphore(%run_scoped3A : memref<!tpu.dma_semaphore, #tpu.memory_space<semaphore_mem>>)
        %dma_wait3A = arith.constant 0 : i32
        %dma_wait3A_22 = tpu.memref_slice %arg7[%mul3A_0, %dma_wait3A] : memref<10240x128xf32, #tpu.memory_space<hbm>> -> memref<632x128xf32, #tpu.memory_space<hbm>>
        %dma_wait3A_23 = arith.constant 0 : i32
        %dma_wait3A_24 = tpu.memref_slice %arg15[%mul3A_0, %dma_wait3A_23] : memref<10112x128xf32, #tpu.memory_space<vmem_shared>> -> memref<632x128xf32, #tpu.memory_space<vmem_shared>>
        tpu.wait_dma2 semaphore(%run_scoped3A : memref<!tpu.dma_semaphore, #tpu.memory_space<semaphore_mem>>) src(%dma_wait3A_24 : memref<632x128xf32, #tpu.memory_space<vmem_shared>>) dst(%dma_wait3A_22 : memref<632x128xf32, #tpu.memory_space<hbm>>)
        tpu.yield
      }) : () -> ()
    } else {
    }
    %eq3A_14 = arith.constant 1 : i32
    %eq3A_15 = arith.cmpi eq, %arg0, %eq3A_14 : i32
    %convert_element_type3A_16 = arith.extui %eq3A_15 : i1 to i32
    %cond3A_17 = arith.constant 0 : i32
    %cond3A_18 = arith.cmpi ne, %convert_element_type3A_16, %cond3A_17 : i32
    scf.if %cond3A_18 {
      "tpu.region"() ({
        %run_scoped3A = tpu.sem_alloc : memref<!tpu.dma_semaphore, #tpu.memory_space<semaphore_mem>>
        %dma_start3A = arith.constant 0 : i32
        %dma_start3A_19 = tpu.memref_slice %arg8[%mul3A_0, %dma_start3A] : memref<10240x128xf32, #tpu.memory_space<hbm>> -> memref<632x128xf32, #tpu.memory_space<hbm>>
        %dma_start3A_20 = arith.constant 0 : i32
        %dma_start3A_21 = tpu.memref_slice %arg15[%mul3A_0, %dma_start3A_20] : memref<10112x128xf32, #tpu.memory_space<vmem_shared>> -> memref<632x128xf32, #tpu.memory_space<vmem_shared>>
        tpu.enqueue_dma source(%dma_start3A_21 : memref<632x128xf32, #tpu.memory_space<vmem_shared>>) target(%dma_start3A_19 : memref<632x128xf32, #tpu.memory_space<hbm>>) target_semaphore(%run_scoped3A : memref<!tpu.dma_semaphore, #tpu.memory_space<semaphore_mem>>)
        %dma_wait3A = arith.constant 0 : i32
        %dma_wait3A_22 = tpu.memref_slice %arg8[%mul3A_0, %dma_wait3A] : memref<10240x128xf32, #tpu.memory_space<hbm>> -> memref<632x128xf32, #tpu.memory_space<hbm>>
        %dma_wait3A_23 = arith.constant 0 : i32
        %dma_wait3A_24 = tpu.memref_slice %arg15[%mul3A_0, %dma_wait3A_23] : memref<10112x128xf32, #tpu.memory_space<vmem_shared>> -> memref<632x128xf32, #tpu.memory_space<vmem_shared>>
        tpu.wait_dma2 semaphore(%run_scoped3A : memref<!tpu.dma_semaphore, #tpu.memory_space<semaphore_mem>>) src(%dma_wait3A_24 : memref<632x128xf32, #tpu.memory_space<vmem_shared>>) dst(%dma_wait3A_22 : memref<632x128xf32, #tpu.memory_space<hbm>>)
        tpu.yield
      }) : () -> ()
    } else {
    }
    return
  }
}

#map = affine_map<(d0, d1) -> (0, 0, 0)>
#map1 = affine_map<(d0, d1) -> (0, 0)>
module attributes {stable_mosaic.version = 14 : i64} {
  func.func @body(%arg0: i32, %arg1: i32, %arg2: memref<16x232x88xi32, #tpu.memory_space<hbm>>, %arg3: memref<16x232x88xi32, #tpu.memory_space<hbm>>, %arg4: memref<10240x128xf32, #tpu.memory_space<hbm>>, %arg5: memref<10240x128xf32, #tpu.memory_space<hbm>>, %arg6: memref<632x128xf32, #tpu.memory_space<hbm>>, %arg7: memref<10240x128xf32, #tpu.memory_space<hbm>>, %arg8: memref<10240x128xf32, #tpu.memory_space<hbm>>, %arg9: memref<8x88xi32, #tpu.memory_space<vmem>>, %arg10: memref<8x88xi32, #tpu.memory_space<vmem>>, %arg11: memref<88x128xf32, #tpu.memory_space<vmem>>, %arg12: memref<88x128xf32, #tpu.memory_space<vmem>>, %arg13: memref<88x128xf32, #tpu.memory_space<vmem>>, %arg14: memref<88x128xf32, #tpu.memory_space<vmem>>, %arg15: memref<10112x128xf32, #tpu.memory_space<vmem_shared>>, %arg16: memref<!tpu.dma_semaphore, #tpu.memory_space<semaphore_mem>>, %arg17: memref<!tpu.dma_semaphore, #tpu.memory_space<semaphore_mem>>) attributes {dimension_semantics = [#tpu.dimension_semantics<core_parallel>, #tpu.dimension_semantics<subcore_parallel>], iteration_bounds = array<i64: 2, 16>, scalar_prefetch = 0 : i64, scratch_operands = 9 : i64, tpu.core_type = #tpu.core_type<sc_vector_subcore>, window_params = [{transform_indices = #map}, {transform_indices = #map}, {transform_indices = #map1}, {transform_indices = #map1}, {transform_indices = #map1}, {transform_indices = #map1}, {transform_indices = #map1}]} {
    %mul3A = arith.constant 632 : i32
    %mul3A_0 = arith.muli %arg1, %mul3A : i32
    "tpu.region"() ({
      %run_scoped3A = tpu.sem_alloc : memref<!tpu.dma_semaphore, #tpu.memory_space<semaphore_mem>>
      %dma_start3A = arith.constant 0 : i32
      %dma_start3A_19 = tpu.memref_slice %arg15[%mul3A_0, %dma_start3A] : memref<10112x128xf32, #tpu.memory_space<vmem_shared>> -> memref<632x128xf32, #tpu.memory_space<vmem_shared>>
      tpu.enqueue_dma source(%arg6 : memref<632x128xf32, #tpu.memory_space<hbm>>) target(%dma_start3A_19 : memref<632x128xf32, #tpu.memory_space<vmem_shared>>) target_semaphore(%run_scoped3A : memref<!tpu.dma_semaphore, #tpu.memory_space<semaphore_mem>>)
      %dma_wait3A = arith.constant 0 : i32
      %dma_wait3A_20 = tpu.memref_slice %arg15[%mul3A_0, %dma_wait3A] : memref<10112x128xf32, #tpu.memory_space<vmem_shared>> -> memref<632x128xf32, #tpu.memory_space<vmem_shared>>
      tpu.wait_dma2 semaphore(%run_scoped3A : memref<!tpu.dma_semaphore, #tpu.memory_space<semaphore_mem>>) src(%arg6 : memref<632x128xf32, #tpu.memory_space<hbm>>) dst(%dma_wait3A_20 : memref<632x128xf32, #tpu.memory_space<vmem_shared>>)
      tpu.yield
    }) : () -> ()
    %barrier3A = arith.constant 0 : index
    tpu.barrier barrier_id(%barrier3A)
    %eq3A = arith.constant 0 : i32
    %eq3A_1 = arith.cmpi eq, %arg0, %eq3A : i32
    %convert_element_type3A = arith.extui %eq3A_1 : i1 to i32
    %cond3A = arith.constant 0 : i32
    %cond3A_2 = arith.cmpi ne, %convert_element_type3A, %cond3A : i32
    scf.if %cond3A_2 {
      %scan3A = arith.constant 0 : i32
      %scan3A_19 = arith.constant 0 : i32
      %scan3A_20 = arith.constant 29 : i32
      %scan3A_21 = arith.addi %scan3A_19, %scan3A_20 : i32
      %scan3A_22 = arith.constant 1 : i32
      scf.for %scan3A_24 = %scan3A_19 to %scan3A_21 step %scan3A_22  : i32 {
        %mul3A_25 = arith.constant 8 : i32
        %mul3A_26 = arith.muli %scan3A_24, %mul3A_25 : i32
        "tpu.region"() ({
          %run_scoped3A = tpu.sem_alloc : memref<!tpu.dma_semaphore, #tpu.memory_space<semaphore_mem>>
          %dma_start3A_251 = arith.constant 0 : i32
          %dma_start3A_252 = tpu.memref_slice %arg2[%arg1, %mul3A_26, %dma_start3A_251] : memref<16x232x88xi32, #tpu.memory_space<hbm>> -> memref<1x8x88xi32, #tpu.memory_space<hbm>>
          %dma_start3A_253 = tpu.memref_squeeze %dma_start3A_252 : memref<1x8x88xi32, #tpu.memory_space<hbm>> -> memref<8x88xi32, #tpu.memory_space<hbm>>
          %dma_start3A_254 = arith.constant 0 : i32
          %dma_start3A_255 = tpu.memref_slice %arg2[%arg1, %mul3A_26, %dma_start3A_254] : memref<16x232x88xi32, #tpu.memory_space<hbm>> -> memref<1x8x88xi32, #tpu.memory_space<hbm>>
          %dma_start3A_256 = tpu.memref_squeeze %dma_start3A_255 : memref<1x8x88xi32, #tpu.memory_space<hbm>> -> memref<8x88xi32, #tpu.memory_space<hbm>>
          tpu.enqueue_dma source(%dma_start3A_256 : memref<8x88xi32, #tpu.memory_space<hbm>>) target(%arg9 : memref<8x88xi32, #tpu.memory_space<vmem>>) target_semaphore(%run_scoped3A : memref<!tpu.dma_semaphore, #tpu.memory_space<semaphore_mem>>)
          %dma_wait3A_257 = arith.constant 0 : i32
          %dma_wait3A_258 = tpu.memref_slice %arg2[%arg1, %mul3A_26, %dma_wait3A_257] : memref<16x232x88xi32, #tpu.memory_space<hbm>> -> memref<1x8x88xi32, #tpu.memory_space<hbm>>
          %dma_wait3A_259 = tpu.memref_squeeze %dma_wait3A_258 : memref<1x8x88xi32, #tpu.memory_space<hbm>> -> memref<8x88xi32, #tpu.memory_space<hbm>>
          %dma_wait3A_260 = arith.constant 0 : i32
          %dma_wait3A_261 = tpu.memref_slice %arg2[%arg1, %mul3A_26, %dma_wait3A_260] : memref<16x232x88xi32, #tpu.memory_space<hbm>> -> memref<1x8x88xi32, #tpu.memory_space<hbm>>
          %dma_wait3A_262 = tpu.memref_squeeze %dma_wait3A_261 : memref<1x8x88xi32, #tpu.memory_space<hbm>> -> memref<8x88xi32, #tpu.memory_space<hbm>>
          tpu.wait_dma2 semaphore(%run_scoped3A : memref<!tpu.dma_semaphore, #tpu.memory_space<semaphore_mem>>) src(%dma_wait3A_262 : memref<8x88xi32, #tpu.memory_space<hbm>>) dst(%arg9 : memref<8x88xi32, #tpu.memory_space<vmem>>)
          tpu.yield
        }) : () -> ()
        %mul3A_27 = arith.constant 8 : i32
        %mul3A_28 = arith.muli %scan3A_24, %mul3A_27 : i32
        "tpu.region"() ({
          %run_scoped3A = tpu.sem_alloc : memref<!tpu.dma_semaphore, #tpu.memory_space<semaphore_mem>>
          %dma_start3A_251 = arith.constant 0 : i32
          %dma_start3A_252 = tpu.memref_slice %arg3[%arg1, %mul3A_28, %dma_start3A_251] : memref<16x232x88xi32, #tpu.memory_space<hbm>> -> memref<1x8x88xi32, #tpu.memory_space<hbm>>
          %dma_start3A_253 = tpu.memref_squeeze %dma_start3A_252 : memref<1x8x88xi32, #tpu.memory_space<hbm>> -> memref<8x88xi32, #tpu.memory_space<hbm>>
          %dma_start3A_254 = arith.constant 0 : i32
          %dma_start3A_255 = tpu.memref_slice %arg3[%arg1, %mul3A_28, %dma_start3A_254] : memref<16x232x88xi32, #tpu.memory_space<hbm>> -> memref<1x8x88xi32, #tpu.memory_space<hbm>>
          %dma_start3A_256 = tpu.memref_squeeze %dma_start3A_255 : memref<1x8x88xi32, #tpu.memory_space<hbm>> -> memref<8x88xi32, #tpu.memory_space<hbm>>
          tpu.enqueue_dma source(%dma_start3A_256 : memref<8x88xi32, #tpu.memory_space<hbm>>) target(%arg10 : memref<8x88xi32, #tpu.memory_space<vmem>>) target_semaphore(%run_scoped3A : memref<!tpu.dma_semaphore, #tpu.memory_space<semaphore_mem>>)
          %dma_wait3A_257 = arith.constant 0 : i32
          %dma_wait3A_258 = tpu.memref_slice %arg3[%arg1, %mul3A_28, %dma_wait3A_257] : memref<16x232x88xi32, #tpu.memory_space<hbm>> -> memref<1x8x88xi32, #tpu.memory_space<hbm>>
          %dma_wait3A_259 = tpu.memref_squeeze %dma_wait3A_258 : memref<1x8x88xi32, #tpu.memory_space<hbm>> -> memref<8x88xi32, #tpu.memory_space<hbm>>
          %dma_wait3A_260 = arith.constant 0 : i32
          %dma_wait3A_261 = tpu.memref_slice %arg3[%arg1, %mul3A_28, %dma_wait3A_260] : memref<16x232x88xi32, #tpu.memory_space<hbm>> -> memref<1x8x88xi32, #tpu.memory_space<hbm>>
          %dma_wait3A_262 = tpu.memref_squeeze %dma_wait3A_261 : memref<1x8x88xi32, #tpu.memory_space<hbm>> -> memref<8x88xi32, #tpu.memory_space<hbm>>
          tpu.wait_dma2 semaphore(%run_scoped3A : memref<!tpu.dma_semaphore, #tpu.memory_space<semaphore_mem>>) src(%dma_wait3A_262 : memref<8x88xi32, #tpu.memory_space<hbm>>) dst(%arg10 : memref<8x88xi32, #tpu.memory_space<vmem>>)
          tpu.yield
        }) : () -> ()
        %dma_start3A = arith.constant 0 : i32
        %dma_start3A_29 = arith.constant 0 : i32
        %dma_start3A_30 = tpu.memref_slice %arg9[%dma_start3A, %dma_start3A_29] : memref<8x88xi32, #tpu.memory_space<vmem>> -> memref<1x88xi32, #tpu.memory_space<vmem>>
        %dma_start3A_31 = tpu.memref_squeeze %dma_start3A_30 : memref<1x88xi32, #tpu.memory_space<vmem>> -> memref<88xi32, #tpu.memory_space<vmem>>
        %dma_start3A_32 = arith.constant 0 : i32
        %dma_start3A_33 = arith.constant 0 : i32
        %dma_start3A_34 = tpu.memref_slice %arg4[%dma_start3A_32, %dma_start3A_33] : memref<10240x128xf32, #tpu.memory_space<hbm>> -> memref<10240x128xf32, #tpu.memory_space<hbm>>
        tpu.enqueue_indirect_dma source(%dma_start3A_34 : memref<10240x128xf32, #tpu.memory_space<hbm>>) target(%arg11 : memref<88x128xf32, #tpu.memory_space<vmem>>) offsets(%dma_start3A_31 : memref<88xi32, #tpu.memory_space<vmem>>) semaphore(%arg16 : memref<!tpu.dma_semaphore, #tpu.memory_space<semaphore_mem>>)
        %dma_start3A_35 = arith.constant 1 : i32
        %dma_start3A_36 = arith.constant 0 : i32
        %dma_start3A_37 = tpu.memref_slice %arg9[%dma_start3A_35, %dma_start3A_36] : memref<8x88xi32, #tpu.memory_space<vmem>> -> memref<1x88xi32, #tpu.memory_space<vmem>>
        %dma_start3A_38 = tpu.memref_squeeze %dma_start3A_37 : memref<1x88xi32, #tpu.memory_space<vmem>> -> memref<88xi32, #tpu.memory_space<vmem>>
        %dma_start3A_39 = arith.constant 0 : i32
        %dma_start3A_40 = arith.constant 0 : i32
        %dma_start3A_41 = tpu.memref_slice %arg4[%dma_start3A_39, %dma_start3A_40] : memref<10240x128xf32, #tpu.memory_space<hbm>> -> memref<10240x128xf32, #tpu.memory_space<hbm>>
        tpu.enqueue_indirect_dma source(%dma_start3A_41 : memref<10240x128xf32, #tpu.memory_space<hbm>>) target(%arg12 : memref<88x128xf32, #tpu.memory_space<vmem>>) offsets(%dma_start3A_38 : memref<88xi32, #tpu.memory_space<vmem>>) semaphore(%arg16 : memref<!tpu.dma_semaphore, #tpu.memory_space<semaphore_mem>>)
        %dma_start3A_42 = arith.constant 2 : i32
        %dma_start3A_43 = arith.constant 0 : i32
        %dma_start3A_44 = tpu.memref_slice %arg9[%dma_start3A_42, %dma_start3A_43] : memref<8x88xi32, #tpu.memory_space<vmem>> -> memref<1x88xi32, #tpu.memory_space<vmem>>
        %dma_start3A_45 = tpu.memref_squeeze %dma_start3A_44 : memref<1x88xi32, #tpu.memory_space<vmem>> -> memref<88xi32, #tpu.memory_space<vmem>>
        %dma_start3A_46 = arith.constant 0 : i32
        %dma_start3A_47 = arith.constant 0 : i32
        %dma_start3A_48 = tpu.memref_slice %arg4[%dma_start3A_46, %dma_start3A_47] : memref<10240x128xf32, #tpu.memory_space<hbm>> -> memref<10240x128xf32, #tpu.memory_space<hbm>>
        tpu.enqueue_indirect_dma source(%dma_start3A_48 : memref<10240x128xf32, #tpu.memory_space<hbm>>) target(%arg13 : memref<88x128xf32, #tpu.memory_space<vmem>>) offsets(%dma_start3A_45 : memref<88xi32, #tpu.memory_space<vmem>>) semaphore(%arg16 : memref<!tpu.dma_semaphore, #tpu.memory_space<semaphore_mem>>)
        %dma_start3A_49 = arith.constant 3 : i32
        %dma_start3A_50 = arith.constant 0 : i32
        %dma_start3A_51 = tpu.memref_slice %arg9[%dma_start3A_49, %dma_start3A_50] : memref<8x88xi32, #tpu.memory_space<vmem>> -> memref<1x88xi32, #tpu.memory_space<vmem>>
        %dma_start3A_52 = tpu.memref_squeeze %dma_start3A_51 : memref<1x88xi32, #tpu.memory_space<vmem>> -> memref<88xi32, #tpu.memory_space<vmem>>
        %dma_start3A_53 = arith.constant 0 : i32
        %dma_start3A_54 = arith.constant 0 : i32
        %dma_start3A_55 = tpu.memref_slice %arg4[%dma_start3A_53, %dma_start3A_54] : memref<10240x128xf32, #tpu.memory_space<hbm>> -> memref<10240x128xf32, #tpu.memory_space<hbm>>
        tpu.enqueue_indirect_dma source(%dma_start3A_55 : memref<10240x128xf32, #tpu.memory_space<hbm>>) target(%arg14 : memref<88x128xf32, #tpu.memory_space<vmem>>) offsets(%dma_start3A_52 : memref<88xi32, #tpu.memory_space<vmem>>) semaphore(%arg16 : memref<!tpu.dma_semaphore, #tpu.memory_space<semaphore_mem>>)
        %dma_wait3A = arith.constant 0 : i32
        %dma_wait3A_56 = arith.constant 0 : i32
        %dma_wait3A_57 = tpu.memref_slice %arg9[%dma_wait3A, %dma_wait3A_56] : memref<8x88xi32, #tpu.memory_space<vmem>> -> memref<1x88xi32, #tpu.memory_space<vmem>>
        %dma_wait3A_58 = tpu.memref_squeeze %dma_wait3A_57 : memref<1x88xi32, #tpu.memory_space<vmem>> -> memref<88xi32, #tpu.memory_space<vmem>>
        %dma_wait3A_59 = arith.constant 0 : i32
        %dma_wait3A_60 = arith.constant 0 : i32
        %dma_wait3A_61 = tpu.memref_slice %arg4[%dma_wait3A_59, %dma_wait3A_60] : memref<10240x128xf32, #tpu.memory_space<hbm>> -> memref<10240x128xf32, #tpu.memory_space<hbm>>
        tpu.wait_indirect_dma semaphore(%arg16 : memref<!tpu.dma_semaphore, #tpu.memory_space<semaphore_mem>>) src(%dma_wait3A_61 : memref<10240x128xf32, #tpu.memory_space<hbm>>) dst(%arg11 : memref<88x128xf32, #tpu.memory_space<vmem>>)
        %dma_start3A_62 = arith.constant 0 : i32
        %dma_start3A_63 = arith.constant 0 : i32
        %dma_start3A_64 = tpu.memref_slice %arg10[%dma_start3A_62, %dma_start3A_63] : memref<8x88xi32, #tpu.memory_space<vmem>> -> memref<1x88xi32, #tpu.memory_space<vmem>>
        %dma_start3A_65 = tpu.memref_squeeze %dma_start3A_64 : memref<1x88xi32, #tpu.memory_space<vmem>> -> memref<88xi32, #tpu.memory_space<vmem>>
        %dma_start3A_66 = arith.constant 0 : i32
        %dma_start3A_67 = arith.constant 0 : i32
        %dma_start3A_68 = tpu.memref_slice %arg15[%dma_start3A_66, %dma_start3A_67] : memref<10112x128xf32, #tpu.memory_space<vmem_shared>> -> memref<10112x128xf32, #tpu.memory_space<vmem_shared>>
        tpu.enqueue_indirect_dma source(%arg11 : memref<88x128xf32, #tpu.memory_space<vmem>>) target(%dma_start3A_68 : memref<10112x128xf32, #tpu.memory_space<vmem_shared>>) offsets(%dma_start3A_65 : memref<88xi32, #tpu.memory_space<vmem>>) semaphore(%arg17 : memref<!tpu.dma_semaphore, #tpu.memory_space<semaphore_mem>>) {add = true}
        %dma_wait3A_69 = arith.constant 1 : i32
        %dma_wait3A_70 = arith.constant 0 : i32
        %dma_wait3A_71 = tpu.memref_slice %arg9[%dma_wait3A_69, %dma_wait3A_70] : memref<8x88xi32, #tpu.memory_space<vmem>> -> memref<1x88xi32, #tpu.memory_space<vmem>>
        %dma_wait3A_72 = tpu.memref_squeeze %dma_wait3A_71 : memref<1x88xi32, #tpu.memory_space<vmem>> -> memref<88xi32, #tpu.memory_space<vmem>>
        %dma_wait3A_73 = arith.constant 0 : i32
        %dma_wait3A_74 = arith.constant 0 : i32
        %dma_wait3A_75 = tpu.memref_slice %arg4[%dma_wait3A_73, %dma_wait3A_74] : memref<10240x128xf32, #tpu.memory_space<hbm>> -> memref<10240x128xf32, #tpu.memory_space<hbm>>
        tpu.wait_indirect_dma semaphore(%arg16 : memref<!tpu.dma_semaphore, #tpu.memory_space<semaphore_mem>>) src(%dma_wait3A_75 : memref<10240x128xf32, #tpu.memory_space<hbm>>) dst(%arg12 : memref<88x128xf32, #tpu.memory_space<vmem>>)
        %dma_start3A_76 = arith.constant 1 : i32
        %dma_start3A_77 = arith.constant 0 : i32
        %dma_start3A_78 = tpu.memref_slice %arg10[%dma_start3A_76, %dma_start3A_77] : memref<8x88xi32, #tpu.memory_space<vmem>> -> memref<1x88xi32, #tpu.memory_space<vmem>>
        %dma_start3A_79 = tpu.memref_squeeze %dma_start3A_78 : memref<1x88xi32, #tpu.memory_space<vmem>> -> memref<88xi32, #tpu.memory_space<vmem>>
        %dma_start3A_80 = arith.constant 0 : i32
        %dma_start3A_81 = arith.constant 0 : i32
        %dma_start3A_82 = tpu.memref_slice %arg15[%dma_start3A_80, %dma_start3A_81] : memref<10112x128xf32, #tpu.memory_space<vmem_shared>> -> memref<10112x128xf32, #tpu.memory_space<vmem_shared>>
        tpu.enqueue_indirect_dma source(%arg12 : memref<88x128xf32, #tpu.memory_space<vmem>>) target(%dma_start3A_82 : memref<10112x128xf32, #tpu.memory_space<vmem_shared>>) offsets(%dma_start3A_79 : memref<88xi32, #tpu.memory_space<vmem>>) semaphore(%arg17 : memref<!tpu.dma_semaphore, #tpu.memory_space<semaphore_mem>>) {add = true}
        %dma_wait3A_83 = arith.constant 2 : i32
        %dma_wait3A_84 = arith.constant 0 : i32
        %dma_wait3A_85 = tpu.memref_slice %arg9[%dma_wait3A_83, %dma_wait3A_84] : memref<8x88xi32, #tpu.memory_space<vmem>> -> memref<1x88xi32, #tpu.memory_space<vmem>>
        %dma_wait3A_86 = tpu.memref_squeeze %dma_wait3A_85 : memref<1x88xi32, #tpu.memory_space<vmem>> -> memref<88xi32, #tpu.memory_space<vmem>>
        %dma_wait3A_87 = arith.constant 0 : i32
        %dma_wait3A_88 = arith.constant 0 : i32
        %dma_wait3A_89 = tpu.memref_slice %arg4[%dma_wait3A_87, %dma_wait3A_88] : memref<10240x128xf32, #tpu.memory_space<hbm>> -> memref<10240x128xf32, #tpu.memory_space<hbm>>
        tpu.wait_indirect_dma semaphore(%arg16 : memref<!tpu.dma_semaphore, #tpu.memory_space<semaphore_mem>>) src(%dma_wait3A_89 : memref<10240x128xf32, #tpu.memory_space<hbm>>) dst(%arg13 : memref<88x128xf32, #tpu.memory_space<vmem>>)
        %dma_start3A_90 = arith.constant 2 : i32
        %dma_start3A_91 = arith.constant 0 : i32
        %dma_start3A_92 = tpu.memref_slice %arg10[%dma_start3A_90, %dma_start3A_91] : memref<8x88xi32, #tpu.memory_space<vmem>> -> memref<1x88xi32, #tpu.memory_space<vmem>>
        %dma_start3A_93 = tpu.memref_squeeze %dma_start3A_92 : memref<1x88xi32, #tpu.memory_space<vmem>> -> memref<88xi32, #tpu.memory_space<vmem>>
        %dma_start3A_94 = arith.constant 0 : i32
        %dma_start3A_95 = arith.constant 0 : i32
        %dma_start3A_96 = tpu.memref_slice %arg15[%dma_start3A_94, %dma_start3A_95] : memref<10112x128xf32, #tpu.memory_space<vmem_shared>> -> memref<10112x128xf32, #tpu.memory_space<vmem_shared>>
        tpu.enqueue_indirect_dma source(%arg13 : memref<88x128xf32, #tpu.memory_space<vmem>>) target(%dma_start3A_96 : memref<10112x128xf32, #tpu.memory_space<vmem_shared>>) offsets(%dma_start3A_93 : memref<88xi32, #tpu.memory_space<vmem>>) semaphore(%arg17 : memref<!tpu.dma_semaphore, #tpu.memory_space<semaphore_mem>>) {add = true}
        %dma_wait3A_97 = arith.constant 3 : i32
        %dma_wait3A_98 = arith.constant 0 : i32
        %dma_wait3A_99 = tpu.memref_slice %arg9[%dma_wait3A_97, %dma_wait3A_98] : memref<8x88xi32, #tpu.memory_space<vmem>> -> memref<1x88xi32, #tpu.memory_space<vmem>>
        %dma_wait3A_100 = tpu.memref_squeeze %dma_wait3A_99 : memref<1x88xi32, #tpu.memory_space<vmem>> -> memref<88xi32, #tpu.memory_space<vmem>>
        %dma_wait3A_101 = arith.constant 0 : i32
        %dma_wait3A_102 = arith.constant 0 : i32
        %dma_wait3A_103 = tpu.memref_slice %arg4[%dma_wait3A_101, %dma_wait3A_102] : memref<10240x128xf32, #tpu.memory_space<hbm>> -> memref<10240x128xf32, #tpu.memory_space<hbm>>
        tpu.wait_indirect_dma semaphore(%arg16 : memref<!tpu.dma_semaphore, #tpu.memory_space<semaphore_mem>>) src(%dma_wait3A_103 : memref<10240x128xf32, #tpu.memory_space<hbm>>) dst(%arg14 : memref<88x128xf32, #tpu.memory_space<vmem>>)
        %dma_start3A_104 = arith.constant 3 : i32
        %dma_start3A_105 = arith.constant 0 : i32
        %dma_start3A_106 = tpu.memref_slice %arg10[%dma_start3A_104, %dma_start3A_105] : memref<8x88xi32, #tpu.memory_space<vmem>> -> memref<1x88xi32, #tpu.memory_space<vmem>>
        %dma_start3A_107 = tpu.memref_squeeze %dma_start3A_106 : memref<1x88xi32, #tpu.memory_space<vmem>> -> memref<88xi32, #tpu.memory_space<vmem>>
        %dma_start3A_108 = arith.constant 0 : i32
        %dma_start3A_109 = arith.constant 0 : i32
        %dma_start3A_110 = tpu.memref_slice %arg15[%dma_start3A_108, %dma_start3A_109] : memref<10112x128xf32, #tpu.memory_space<vmem_shared>> -> memref<10112x128xf32, #tpu.memory_space<vmem_shared>>
        tpu.enqueue_indirect_dma source(%arg14 : memref<88x128xf32, #tpu.memory_space<vmem>>) target(%dma_start3A_110 : memref<10112x128xf32, #tpu.memory_space<vmem_shared>>) offsets(%dma_start3A_107 : memref<88xi32, #tpu.memory_space<vmem>>) semaphore(%arg17 : memref<!tpu.dma_semaphore, #tpu.memory_space<semaphore_mem>>) {add = true}
        %dma_wait3A_111 = arith.constant 0 : i32
        %dma_wait3A_112 = arith.constant 0 : i32
        %dma_wait3A_113 = tpu.memref_slice %arg10[%dma_wait3A_111, %dma_wait3A_112] : memref<8x88xi32, #tpu.memory_space<vmem>> -> memref<1x88xi32, #tpu.memory_space<vmem>>
        %dma_wait3A_114 = tpu.memref_squeeze %dma_wait3A_113 : memref<1x88xi32, #tpu.memory_space<vmem>> -> memref<88xi32, #tpu.memory_space<vmem>>
        %dma_wait3A_115 = arith.constant 0 : i32
        %dma_wait3A_116 = arith.constant 0 : i32
        %dma_wait3A_117 = tpu.memref_slice %arg15[%dma_wait3A_115, %dma_wait3A_116] : memref<10112x128xf32, #tpu.memory_space<vmem_shared>> -> memref<10112x128xf32, #tpu.memory_space<vmem_shared>>
        tpu.wait_indirect_dma semaphore(%arg17 : memref<!tpu.dma_semaphore, #tpu.memory_space<semaphore_mem>>) src(%arg11 : memref<88x128xf32, #tpu.memory_space<vmem>>) dst(%dma_wait3A_117 : memref<10112x128xf32, #tpu.memory_space<vmem_shared>>)
        %dma_wait3A_118 = arith.constant 1 : i32
        %dma_wait3A_119 = arith.constant 0 : i32
        %dma_wait3A_120 = tpu.memref_slice %arg10[%dma_wait3A_118, %dma_wait3A_119] : memref<8x88xi32, #tpu.memory_space<vmem>> -> memref<1x88xi32, #tpu.memory_space<vmem>>
        %dma_wait3A_121 = tpu.memref_squeeze %dma_wait3A_120 : memref<1x88xi32, #tpu.memory_space<vmem>> -> memref<88xi32, #tpu.memory_space<vmem>>
        %dma_wait3A_122 = arith.constant 0 : i32
        %dma_wait3A_123 = arith.constant 0 : i32
        %dma_wait3A_124 = tpu.memref_slice %arg15[%dma_wait3A_122, %dma_wait3A_123] : memref<10112x128xf32, #tpu.memory_space<vmem_shared>> -> memref<10112x128xf32, #tpu.memory_space<vmem_shared>>
        tpu.wait_indirect_dma semaphore(%arg17 : memref<!tpu.dma_semaphore, #tpu.memory_space<semaphore_mem>>) src(%arg12 : memref<88x128xf32, #tpu.memory_space<vmem>>) dst(%dma_wait3A_124 : memref<10112x128xf32, #tpu.memory_space<vmem_shared>>)
        %dma_wait3A_125 = arith.constant 2 : i32
        %dma_wait3A_126 = arith.constant 0 : i32
        %dma_wait3A_127 = tpu.memref_slice %arg10[%dma_wait3A_125, %dma_wait3A_126] : memref<8x88xi32, #tpu.memory_space<vmem>> -> memref<1x88xi32, #tpu.memory_space<vmem>>
        %dma_wait3A_128 = tpu.memref_squeeze %dma_wait3A_127 : memref<1x88xi32, #tpu.memory_space<vmem>> -> memref<88xi32, #tpu.memory_space<vmem>>
        %dma_wait3A_129 = arith.constant 0 : i32
        %dma_wait3A_130 = arith.constant 0 : i32
        %dma_wait3A_131 = tpu.memref_slice %arg15[%dma_wait3A_129, %dma_wait3A_130] : memref<10112x128xf32, #tpu.memory_space<vmem_shared>> -> memref<10112x128xf32, #tpu.memory_space<vmem_shared>>
        tpu.wait_indirect_dma semaphore(%arg17 : memref<!tpu.dma_semaphore, #tpu.memory_space<semaphore_mem>>) src(%arg13 : memref<88x128xf32, #tpu.memory_space<vmem>>) dst(%dma_wait3A_131 : memref<10112x128xf32, #tpu.memory_space<vmem_shared>>)
        %dma_wait3A_132 = arith.constant 3 : i32
        %dma_wait3A_133 = arith.constant 0 : i32
        %dma_wait3A_134 = tpu.memref_slice %arg10[%dma_wait3A_132, %dma_wait3A_133] : memref<8x88xi32, #tpu.memory_space<vmem>> -> memref<1x88xi32, #tpu.memory_space<vmem>>
        %dma_wait3A_135 = tpu.memref_squeeze %dma_wait3A_134 : memref<1x88xi32, #tpu.memory_space<vmem>> -> memref<88xi32, #tpu.memory_space<vmem>>
        %dma_wait3A_136 = arith.constant 0 : i32
        %dma_wait3A_137 = arith.constant 0 : i32
        %dma_wait3A_138 = tpu.memref_slice %arg15[%dma_wait3A_136, %dma_wait3A_137] : memref<10112x128xf32, #tpu.memory_space<vmem_shared>> -> memref<10112x128xf32, #tpu.memory_space<vmem_shared>>
        tpu.wait_indirect_dma semaphore(%arg17 : memref<!tpu.dma_semaphore, #tpu.memory_space<semaphore_mem>>) src(%arg14 : memref<88x128xf32, #tpu.memory_space<vmem>>) dst(%dma_wait3A_138 : memref<10112x128xf32, #tpu.memory_space<vmem_shared>>)
        %dma_start3A_139 = arith.constant 4 : i32
        %dma_start3A_140 = arith.constant 0 : i32
        %dma_start3A_141 = tpu.memref_slice %arg9[%dma_start3A_139, %dma_start3A_140] : memref<8x88xi32, #tpu.memory_space<vmem>> -> memref<1x88xi32, #tpu.memory_space<vmem>>
        %dma_start3A_142 = tpu.memref_squeeze %dma_start3A_141 : memref<1x88xi32, #tpu.memory_space<vmem>> -> memref<88xi32, #tpu.memory_space<vmem>>
        %dma_start3A_143 = arith.constant 0 : i32
        %dma_start3A_144 = arith.constant 0 : i32
        %dma_start3A_145 = tpu.memref_slice %arg4[%dma_start3A_143, %dma_start3A_144] : memref<10240x128xf32, #tpu.memory_space<hbm>> -> memref<10240x128xf32, #tpu.memory_space<hbm>>
        tpu.enqueue_indirect_dma source(%dma_start3A_145 : memref<10240x128xf32, #tpu.memory_space<hbm>>) target(%arg11 : memref<88x128xf32, #tpu.memory_space<vmem>>) offsets(%dma_start3A_142 : memref<88xi32, #tpu.memory_space<vmem>>) semaphore(%arg16 : memref<!tpu.dma_semaphore, #tpu.memory_space<semaphore_mem>>)
        %dma_start3A_146 = arith.constant 5 : i32
        %dma_start3A_147 = arith.constant 0 : i32
        %dma_start3A_148 = tpu.memref_slice %arg9[%dma_start3A_146, %dma_start3A_147] : memref<8x88xi32, #tpu.memory_space<vmem>> -> memref<1x88xi32, #tpu.memory_space<vmem>>
        %dma_start3A_149 = tpu.memref_squeeze %dma_start3A_148 : memref<1x88xi32, #tpu.memory_space<vmem>> -> memref<88xi32, #tpu.memory_space<vmem>>
        %dma_start3A_150 = arith.constant 0 : i32
        %dma_start3A_151 = arith.constant 0 : i32
        %dma_start3A_152 = tpu.memref_slice %arg4[%dma_start3A_150, %dma_start3A_151] : memref<10240x128xf32, #tpu.memory_space<hbm>> -> memref<10240x128xf32, #tpu.memory_space<hbm>>
        tpu.enqueue_indirect_dma source(%dma_start3A_152 : memref<10240x128xf32, #tpu.memory_space<hbm>>) target(%arg12 : memref<88x128xf32, #tpu.memory_space<vmem>>) offsets(%dma_start3A_149 : memref<88xi32, #tpu.memory_space<vmem>>) semaphore(%arg16 : memref<!tpu.dma_semaphore, #tpu.memory_space<semaphore_mem>>)
        %dma_start3A_153 = arith.constant 6 : i32
        %dma_start3A_154 = arith.constant 0 : i32
        %dma_start3A_155 = tpu.memref_slice %arg9[%dma_start3A_153, %dma_start3A_154] : memref<8x88xi32, #tpu.memory_space<vmem>> -> memref<1x88xi32, #tpu.memory_space<vmem>>
        %dma_start3A_156 = tpu.memref_squeeze %dma_start3A_155 : memref<1x88xi32, #tpu.memory_space<vmem>> -> memref<88xi32, #tpu.memory_space<vmem>>
        %dma_start3A_157 = arith.constant 0 : i32
        %dma_start3A_158 = arith.constant 0 : i32
        %dma_start3A_159 = tpu.memref_slice %arg4[%dma_start3A_157, %dma_start3A_158] : memref<10240x128xf32, #tpu.memory_space<hbm>> -> memref<10240x128xf32, #tpu.memory_space<hbm>>
        tpu.enqueue_indirect_dma source(%dma_start3A_159 : memref<10240x128xf32, #tpu.memory_space<hbm>>) target(%arg13 : memref<88x128xf32, #tpu.memory_space<vmem>>) offsets(%dma_start3A_156 : memref<88xi32, #tpu.memory_space<vmem>>) semaphore(%arg16 : memref<!tpu.dma_semaphore, #tpu.memory_space<semaphore_mem>>)
        %dma_start3A_160 = arith.constant 7 : i32
        %dma_start3A_161 = arith.constant 0 : i32
        %dma_start3A_162 = tpu.memref_slice %arg9[%dma_start3A_160, %dma_start3A_161] : memref<8x88xi32, #tpu.memory_space<vmem>> -> memref<1x88xi32, #tpu.memory_space<vmem>>
        %dma_start3A_163 = tpu.memref_squeeze %dma_start3A_162 : memref<1x88xi32, #tpu.memory_space<vmem>> -> memref<88xi32, #tpu.memory_space<vmem>>
        %dma_start3A_164 = arith.constant 0 : i32
        %dma_start3A_165 = arith.constant 0 : i32
        %dma_start3A_166 = tpu.memref_slice %arg4[%dma_start3A_164, %dma_start3A_165] : memref<10240x128xf32, #tpu.memory_space<hbm>> -> memref<10240x128xf32, #tpu.memory_space<hbm>>
        tpu.enqueue_indirect_dma source(%dma_start3A_166 : memref<10240x128xf32, #tpu.memory_space<hbm>>) target(%arg14 : memref<88x128xf32, #tpu.memory_space<vmem>>) offsets(%dma_start3A_163 : memref<88xi32, #tpu.memory_space<vmem>>) semaphore(%arg16 : memref<!tpu.dma_semaphore, #tpu.memory_space<semaphore_mem>>)
        %dma_wait3A_167 = arith.constant 4 : i32
        %dma_wait3A_168 = arith.constant 0 : i32
        %dma_wait3A_169 = tpu.memref_slice %arg9[%dma_wait3A_167, %dma_wait3A_168] : memref<8x88xi32, #tpu.memory_space<vmem>> -> memref<1x88xi32, #tpu.memory_space<vmem>>
        %dma_wait3A_170 = tpu.memref_squeeze %dma_wait3A_169 : memref<1x88xi32, #tpu.memory_space<vmem>> -> memref<88xi32, #tpu.memory_space<vmem>>
        %dma_wait3A_171 = arith.constant 0 : i32
        %dma_wait3A_172 = arith.constant 0 : i32
        %dma_wait3A_173 = tpu.memref_slice %arg4[%dma_wait3A_171, %dma_wait3A_172] : memref<10240x128xf32, #tpu.memory_space<hbm>> -> memref<10240x128xf32, #tpu.memory_space<hbm>>
        tpu.wait_indirect_dma semaphore(%arg16 : memref<!tpu.dma_semaphore, #tpu.memory_space<semaphore_mem>>) src(%dma_wait3A_173 : memref<10240x128xf32, #tpu.memory_space<hbm>>) dst(%arg11 : memref<88x128xf32, #tpu.memory_space<vmem>>)
        %dma_start3A_174 = arith.constant 4 : i32
        %dma_start3A_175 = arith.constant 0 : i32
        %dma_start3A_176 = tpu.memref_slice %arg10[%dma_start3A_174, %dma_start3A_175] : memref<8x88xi32, #tpu.memory_space<vmem>> -> memref<1x88xi32, #tpu.memory_space<vmem>>
        %dma_start3A_177 = tpu.memref_squeeze %dma_start3A_176 : memref<1x88xi32, #tpu.memory_space<vmem>> -> memref<88xi32, #tpu.memory_space<vmem>>
        %dma_start3A_178 = arith.constant 0 : i32
        %dma_start3A_179 = arith.constant 0 : i32
        %dma_start3A_180 = tpu.memref_slice %arg15[%dma_start3A_178, %dma_start3A_179] : memref<10112x128xf32, #tpu.memory_space<vmem_shared>> -> memref<10112x128xf32, #tpu.memory_space<vmem_shared>>
        tpu.enqueue_indirect_dma source(%arg11 : memref<88x128xf32, #tpu.memory_space<vmem>>) target(%dma_start3A_180 : memref<10112x128xf32, #tpu.memory_space<vmem_shared>>) offsets(%dma_start3A_177 : memref<88xi32, #tpu.memory_space<vmem>>) semaphore(%arg17 : memref<!tpu.dma_semaphore, #tpu.memory_space<semaphore_mem>>) {add = true}
        %dma_wait3A_181 = arith.constant 5 : i32
        %dma_wait3A_182 = arith.constant 0 : i32
        %dma_wait3A_183 = tpu.memref_slice %arg9[%dma_wait3A_181, %dma_wait3A_182] : memref<8x88xi32, #tpu.memory_space<vmem>> -> memref<1x88xi32, #tpu.memory_space<vmem>>
        %dma_wait3A_184 = tpu.memref_squeeze %dma_wait3A_183 : memref<1x88xi32, #tpu.memory_space<vmem>> -> memref<88xi32, #tpu.memory_space<vmem>>
        %dma_wait3A_185 = arith.constant 0 : i32
        %dma_wait3A_186 = arith.constant 0 : i32
        %dma_wait3A_187 = tpu.memref_slice %arg4[%dma_wait3A_185, %dma_wait3A_186] : memref<10240x128xf32, #tpu.memory_space<hbm>> -> memref<10240x128xf32, #tpu.memory_space<hbm>>
        tpu.wait_indirect_dma semaphore(%arg16 : memref<!tpu.dma_semaphore, #tpu.memory_space<semaphore_mem>>) src(%dma_wait3A_187 : memref<10240x128xf32, #tpu.memory_space<hbm>>) dst(%arg12 : memref<88x128xf32, #tpu.memory_space<vmem>>)
        %dma_start3A_188 = arith.constant 5 : i32
        %dma_start3A_189 = arith.constant 0 : i32
        %dma_start3A_190 = tpu.memref_slice %arg10[%dma_start3A_188, %dma_start3A_189] : memref<8x88xi32, #tpu.memory_space<vmem>> -> memref<1x88xi32, #tpu.memory_space<vmem>>
        %dma_start3A_191 = tpu.memref_squeeze %dma_start3A_190 : memref<1x88xi32, #tpu.memory_space<vmem>> -> memref<88xi32, #tpu.memory_space<vmem>>
        %dma_start3A_192 = arith.constant 0 : i32
        %dma_start3A_193 = arith.constant 0 : i32
        %dma_start3A_194 = tpu.memref_slice %arg15[%dma_start3A_192, %dma_start3A_193] : memref<10112x128xf32, #tpu.memory_space<vmem_shared>> -> memref<10112x128xf32, #tpu.memory_space<vmem_shared>>
        tpu.enqueue_indirect_dma source(%arg12 : memref<88x128xf32, #tpu.memory_space<vmem>>) target(%dma_start3A_194 : memref<10112x128xf32, #tpu.memory_space<vmem_shared>>) offsets(%dma_start3A_191 : memref<88xi32, #tpu.memory_space<vmem>>) semaphore(%arg17 : memref<!tpu.dma_semaphore, #tpu.memory_space<semaphore_mem>>) {add = true}
        %dma_wait3A_195 = arith.constant 6 : i32
        %dma_wait3A_196 = arith.constant 0 : i32
        %dma_wait3A_197 = tpu.memref_slice %arg9[%dma_wait3A_195, %dma_wait3A_196] : memref<8x88xi32, #tpu.memory_space<vmem>> -> memref<1x88xi32, #tpu.memory_space<vmem>>
        %dma_wait3A_198 = tpu.memref_squeeze %dma_wait3A_197 : memref<1x88xi32, #tpu.memory_space<vmem>> -> memref<88xi32, #tpu.memory_space<vmem>>
        %dma_wait3A_199 = arith.constant 0 : i32
        %dma_wait3A_200 = arith.constant 0 : i32
        %dma_wait3A_201 = tpu.memref_slice %arg4[%dma_wait3A_199, %dma_wait3A_200] : memref<10240x128xf32, #tpu.memory_space<hbm>> -> memref<10240x128xf32, #tpu.memory_space<hbm>>
        tpu.wait_indirect_dma semaphore(%arg16 : memref<!tpu.dma_semaphore, #tpu.memory_space<semaphore_mem>>) src(%dma_wait3A_201 : memref<10240x128xf32, #tpu.memory_space<hbm>>) dst(%arg13 : memref<88x128xf32, #tpu.memory_space<vmem>>)
        %dma_start3A_202 = arith.constant 6 : i32
        %dma_start3A_203 = arith.constant 0 : i32
        %dma_start3A_204 = tpu.memref_slice %arg10[%dma_start3A_202, %dma_start3A_203] : memref<8x88xi32, #tpu.memory_space<vmem>> -> memref<1x88xi32, #tpu.memory_space<vmem>>
        %dma_start3A_205 = tpu.memref_squeeze %dma_start3A_204 : memref<1x88xi32, #tpu.memory_space<vmem>> -> memref<88xi32, #tpu.memory_space<vmem>>
        %dma_start3A_206 = arith.constant 0 : i32
        %dma_start3A_207 = arith.constant 0 : i32
        %dma_start3A_208 = tpu.memref_slice %arg15[%dma_start3A_206, %dma_start3A_207] : memref<10112x128xf32, #tpu.memory_space<vmem_shared>> -> memref<10112x128xf32, #tpu.memory_space<vmem_shared>>
        tpu.enqueue_indirect_dma source(%arg13 : memref<88x128xf32, #tpu.memory_space<vmem>>) target(%dma_start3A_208 : memref<10112x128xf32, #tpu.memory_space<vmem_shared>>) offsets(%dma_start3A_205 : memref<88xi32, #tpu.memory_space<vmem>>) semaphore(%arg17 : memref<!tpu.dma_semaphore, #tpu.memory_space<semaphore_mem>>) {add = true}
        %dma_wait3A_209 = arith.constant 7 : i32
        %dma_wait3A_210 = arith.constant 0 : i32
        %dma_wait3A_211 = tpu.memref_slice %arg9[%dma_wait3A_209, %dma_wait3A_210] : memref<8x88xi32, #tpu.memory_space<vmem>> -> memref<1x88xi32, #tpu.memory_space<vmem>>
        %dma_wait3A_212 = tpu.memref_squeeze %dma_wait3A_211 : memref<1x88xi32, #tpu.memory_space<vmem>> -> memref<88xi32, #tpu.memory_space<vmem>>
        %dma_wait3A_213 = arith.constant 0 : i32
        %dma_wait3A_214 = arith.constant 0 : i32
        %dma_wait3A_215 = tpu.memref_slice %arg4[%dma_wait3A_213, %dma_wait3A_214] : memref<10240x128xf32, #tpu.memory_space<hbm>> -> memref<10240x128xf32, #tpu.memory_space<hbm>>
        tpu.wait_indirect_dma semaphore(%arg16 : memref<!tpu.dma_semaphore, #tpu.memory_space<semaphore_mem>>) src(%dma_wait3A_215 : memref<10240x128xf32, #tpu.memory_space<hbm>>) dst(%arg14 : memref<88x128xf32, #tpu.memory_space<vmem>>)
        %dma_start3A_216 = arith.constant 7 : i32
        %dma_start3A_217 = arith.constant 0 : i32
        %dma_start3A_218 = tpu.memref_slice %arg10[%dma_start3A_216, %dma_start3A_217] : memref<8x88xi32, #tpu.memory_space<vmem>> -> memref<1x88xi32, #tpu.memory_space<vmem>>
        %dma_start3A_219 = tpu.memref_squeeze %dma_start3A_218 : memref<1x88xi32, #tpu.memory_space<vmem>> -> memref<88xi32, #tpu.memory_space<vmem>>
        %dma_start3A_220 = arith.constant 0 : i32
        %dma_start3A_221 = arith.constant 0 : i32
        %dma_start3A_222 = tpu.memref_slice %arg15[%dma_start3A_220, %dma_start3A_221] : memref<10112x128xf32, #tpu.memory_space<vmem_shared>> -> memref<10112x128xf32, #tpu.memory_space<vmem_shared>>
        tpu.enqueue_indirect_dma source(%arg14 : memref<88x128xf32, #tpu.memory_space<vmem>>) target(%dma_start3A_222 : memref<10112x128xf32, #tpu.memory_space<vmem_shared>>) offsets(%dma_start3A_219 : memref<88xi32, #tpu.memory_space<vmem>>) semaphore(%arg17 : memref<!tpu.dma_semaphore, #tpu.memory_space<semaphore_mem>>) {add = true}
        %dma_wait3A_223 = arith.constant 4 : i32
        %dma_wait3A_224 = arith.constant 0 : i32
        %dma_wait3A_225 = tpu.memref_slice %arg10[%dma_wait3A_223, %dma_wait3A_224] : memref<8x88xi32, #tpu.memory_space<vmem>> -> memref<1x88xi32, #tpu.memory_space<vmem>>
        %dma_wait3A_226 = tpu.memref_squeeze %dma_wait3A_225 : memref<1x88xi32, #tpu.memory_space<vmem>> -> memref<88xi32, #tpu.memory_space<vmem>>
        %dma_wait3A_227 = arith.constant 0 : i32
        %dma_wait3A_228 = arith.constant 0 : i32
        %dma_wait3A_229 = tpu.memref_slice %arg15[%dma_wait3A_227, %dma_wait3A_228] : memref<10112x128xf32, #tpu.memory_space<vmem_shared>> -> memref<10112x128xf32, #tpu.memory_space<vmem_shared>>
        tpu.wait_indirect_dma semaphore(%arg17 : memref<!tpu.dma_semaphore, #tpu.memory_space<semaphore_mem>>) src(%arg11 : memref<88x128xf32, #tpu.memory_space<vmem>>) dst(%dma_wait3A_229 : memref<10112x128xf32, #tpu.memory_space<vmem_shared>>)
        %dma_wait3A_230 = arith.constant 5 : i32
        %dma_wait3A_231 = arith.constant 0 : i32
        %dma_wait3A_232 = tpu.memref_slice %arg10[%dma_wait3A_230, %dma_wait3A_231] : memref<8x88xi32, #tpu.memory_space<vmem>> -> memref<1x88xi32, #tpu.memory_space<vmem>>
        %dma_wait3A_233 = tpu.memref_squeeze %dma_wait3A_232 : memref<1x88xi32, #tpu.memory_space<vmem>> -> memref<88xi32, #tpu.memory_space<vmem>>
        %dma_wait3A_234 = arith.constant 0 : i32
        %dma_wait3A_235 = arith.constant 0 : i32
        %dma_wait3A_236 = tpu.memref_slice %arg15[%dma_wait3A_234, %dma_wait3A_235] : memref<10112x128xf32, #tpu.memory_space<vmem_shared>> -> memref<10112x128xf32, #tpu.memory_space<vmem_shared>>
        tpu.wait_indirect_dma semaphore(%arg17 : memref<!tpu.dma_semaphore, #tpu.memory_space<semaphore_mem>>) src(%arg12 : memref<88x128xf32, #tpu.memory_space<vmem>>) dst(%dma_wait3A_236 : memref<10112x128xf32, #tpu.memory_space<vmem_shared>>)
        %dma_wait3A_237 = arith.constant 6 : i32
        %dma_wait3A_238 = arith.constant 0 : i32
        %dma_wait3A_239 = tpu.memref_slice %arg10[%dma_wait3A_237, %dma_wait3A_238] : memref<8x88xi32, #tpu.memory_space<vmem>> -> memref<1x88xi32, #tpu.memory_space<vmem>>
        %dma_wait3A_240 = tpu.memref_squeeze %dma_wait3A_239 : memref<1x88xi32, #tpu.memory_space<vmem>> -> memref<88xi32, #tpu.memory_space<vmem>>
        %dma_wait3A_241 = arith.constant 0 : i32
        %dma_wait3A_242 = arith.constant 0 : i32
        %dma_wait3A_243 = tpu.memref_slice %arg15[%dma_wait3A_241, %dma_wait3A_242] : memref<10112x128xf32, #tpu.memory_space<vmem_shared>> -> memref<10112x128xf32, #tpu.memory_space<vmem_shared>>
        tpu.wait_indirect_dma semaphore(%arg17 : memref<!tpu.dma_semaphore, #tpu.memory_space<semaphore_mem>>) src(%arg13 : memref<88x128xf32, #tpu.memory_space<vmem>>) dst(%dma_wait3A_243 : memref<10112x128xf32, #tpu.memory_space<vmem_shared>>)
        %dma_wait3A_244 = arith.constant 7 : i32
        %dma_wait3A_245 = arith.constant 0 : i32
        %dma_wait3A_246 = tpu.memref_slice %arg10[%dma_wait3A_244, %dma_wait3A_245] : memref<8x88xi32, #tpu.memory_space<vmem>> -> memref<1x88xi32, #tpu.memory_space<vmem>>
        %dma_wait3A_247 = tpu.memref_squeeze %dma_wait3A_246 : memref<1x88xi32, #tpu.memory_space<vmem>> -> memref<88xi32, #tpu.memory_space<vmem>>
        %dma_wait3A_248 = arith.constant 0 : i32
        %dma_wait3A_249 = arith.constant 0 : i32
        %dma_wait3A_250 = tpu.memref_slice %arg15[%dma_wait3A_248, %dma_wait3A_249] : memref<10112x128xf32, #tpu.memory_space<vmem_shared>> -> memref<10112x128xf32, #tpu.memory_space<vmem_shared>>
        tpu.wait_indirect_dma semaphore(%arg17 : memref<!tpu.dma_semaphore, #tpu.memory_space<semaphore_mem>>) src(%arg14 : memref<88x128xf32, #tpu.memory_space<vmem>>) dst(%dma_wait3A_250 : memref<10112x128xf32, #tpu.memory_space<vmem_shared>>)
      }
      %scan3A_23 = arith.constant 29 : i32
    } else {
    }
    %eq3A_3 = arith.constant 1 : i32
    %eq3A_4 = arith.cmpi eq, %arg0, %eq3A_3 : i32
    %convert_element_type3A_5 = arith.extui %eq3A_4 : i1 to i32
    %cond3A_6 = arith.constant 0 : i32
    %cond3A_7 = arith.cmpi ne, %convert_element_type3A_5, %cond3A_6 : i32
    scf.if %cond3A_7 {
      %scan3A = arith.constant 0 : i32
      %scan3A_19 = arith.constant 0 : i32
      %scan3A_20 = arith.constant 29 : i32
      %scan3A_21 = arith.addi %scan3A_19, %scan3A_20 : i32
      %scan3A_22 = arith.constant 1 : i32
      scf.for %scan3A_24 = %scan3A_19 to %scan3A_21 step %scan3A_22  : i32 {
        %mul3A_25 = arith.constant 8 : i32
        %mul3A_26 = arith.muli %scan3A_24, %mul3A_25 : i32
        "tpu.region"() ({
          %run_scoped3A = tpu.sem_alloc : memref<!tpu.dma_semaphore, #tpu.memory_space<semaphore_mem>>
          %dma_start3A_251 = arith.constant 0 : i32
          %dma_start3A_252 = tpu.memref_slice %arg2[%arg1, %mul3A_26, %dma_start3A_251] : memref<16x232x88xi32, #tpu.memory_space<hbm>> -> memref<1x8x88xi32, #tpu.memory_space<hbm>>
          %dma_start3A_253 = tpu.memref_squeeze %dma_start3A_252 : memref<1x8x88xi32, #tpu.memory_space<hbm>> -> memref<8x88xi32, #tpu.memory_space<hbm>>
          %dma_start3A_254 = arith.constant 0 : i32
          %dma_start3A_255 = tpu.memref_slice %arg2[%arg1, %mul3A_26, %dma_start3A_254] : memref<16x232x88xi32, #tpu.memory_space<hbm>> -> memref<1x8x88xi32, #tpu.memory_space<hbm>>
          %dma_start3A_256 = tpu.memref_squeeze %dma_start3A_255 : memref<1x8x88xi32, #tpu.memory_space<hbm>> -> memref<8x88xi32, #tpu.memory_space<hbm>>
          tpu.enqueue_dma source(%dma_start3A_256 : memref<8x88xi32, #tpu.memory_space<hbm>>) target(%arg9 : memref<8x88xi32, #tpu.memory_space<vmem>>) target_semaphore(%run_scoped3A : memref<!tpu.dma_semaphore, #tpu.memory_space<semaphore_mem>>)
          %dma_wait3A_257 = arith.constant 0 : i32
          %dma_wait3A_258 = tpu.memref_slice %arg2[%arg1, %mul3A_26, %dma_wait3A_257] : memref<16x232x88xi32, #tpu.memory_space<hbm>> -> memref<1x8x88xi32, #tpu.memory_space<hbm>>
          %dma_wait3A_259 = tpu.memref_squeeze %dma_wait3A_258 : memref<1x8x88xi32, #tpu.memory_space<hbm>> -> memref<8x88xi32, #tpu.memory_space<hbm>>
          %dma_wait3A_260 = arith.constant 0 : i32
          %dma_wait3A_261 = tpu.memref_slice %arg2[%arg1, %mul3A_26, %dma_wait3A_260] : memref<16x232x88xi32, #tpu.memory_space<hbm>> -> memref<1x8x88xi32, #tpu.memory_space<hbm>>
          %dma_wait3A_262 = tpu.memref_squeeze %dma_wait3A_261 : memref<1x8x88xi32, #tpu.memory_space<hbm>> -> memref<8x88xi32, #tpu.memory_space<hbm>>
          tpu.wait_dma2 semaphore(%run_scoped3A : memref<!tpu.dma_semaphore, #tpu.memory_space<semaphore_mem>>) src(%dma_wait3A_262 : memref<8x88xi32, #tpu.memory_space<hbm>>) dst(%arg9 : memref<8x88xi32, #tpu.memory_space<vmem>>)
          tpu.yield
        }) : () -> ()
        %mul3A_27 = arith.constant 8 : i32
        %mul3A_28 = arith.muli %scan3A_24, %mul3A_27 : i32
        "tpu.region"() ({
          %run_scoped3A = tpu.sem_alloc : memref<!tpu.dma_semaphore, #tpu.memory_space<semaphore_mem>>
          %dma_start3A_251 = arith.constant 0 : i32
          %dma_start3A_252 = tpu.memref_slice %arg3[%arg1, %mul3A_28, %dma_start3A_251] : memref<16x232x88xi32, #tpu.memory_space<hbm>> -> memref<1x8x88xi32, #tpu.memory_space<hbm>>
          %dma_start3A_253 = tpu.memref_squeeze %dma_start3A_252 : memref<1x8x88xi32, #tpu.memory_space<hbm>> -> memref<8x88xi32, #tpu.memory_space<hbm>>
          %dma_start3A_254 = arith.constant 0 : i32
          %dma_start3A_255 = tpu.memref_slice %arg3[%arg1, %mul3A_28, %dma_start3A_254] : memref<16x232x88xi32, #tpu.memory_space<hbm>> -> memref<1x8x88xi32, #tpu.memory_space<hbm>>
          %dma_start3A_256 = tpu.memref_squeeze %dma_start3A_255 : memref<1x8x88xi32, #tpu.memory_space<hbm>> -> memref<8x88xi32, #tpu.memory_space<hbm>>
          tpu.enqueue_dma source(%dma_start3A_256 : memref<8x88xi32, #tpu.memory_space<hbm>>) target(%arg10 : memref<8x88xi32, #tpu.memory_space<vmem>>) target_semaphore(%run_scoped3A : memref<!tpu.dma_semaphore, #tpu.memory_space<semaphore_mem>>)
          %dma_wait3A_257 = arith.constant 0 : i32
          %dma_wait3A_258 = tpu.memref_slice %arg3[%arg1, %mul3A_28, %dma_wait3A_257] : memref<16x232x88xi32, #tpu.memory_space<hbm>> -> memref<1x8x88xi32, #tpu.memory_space<hbm>>
          %dma_wait3A_259 = tpu.memref_squeeze %dma_wait3A_258 : memref<1x8x88xi32, #tpu.memory_space<hbm>> -> memref<8x88xi32, #tpu.memory_space<hbm>>
          %dma_wait3A_260 = arith.constant 0 : i32
          %dma_wait3A_261 = tpu.memref_slice %arg3[%arg1, %mul3A_28, %dma_wait3A_260] : memref<16x232x88xi32, #tpu.memory_space<hbm>> -> memref<1x8x88xi32, #tpu.memory_space<hbm>>
          %dma_wait3A_262 = tpu.memref_squeeze %dma_wait3A_261 : memref<1x8x88xi32, #tpu.memory_space<hbm>> -> memref<8x88xi32, #tpu.memory_space<hbm>>
          tpu.wait_dma2 semaphore(%run_scoped3A : memref<!tpu.dma_semaphore, #tpu.memory_space<semaphore_mem>>) src(%dma_wait3A_262 : memref<8x88xi32, #tpu.memory_space<hbm>>) dst(%arg10 : memref<8x88xi32, #tpu.memory_space<vmem>>)
          tpu.yield
        }) : () -> ()
        %dma_start3A = arith.constant 0 : i32
        %dma_start3A_29 = arith.constant 0 : i32
        %dma_start3A_30 = tpu.memref_slice %arg9[%dma_start3A, %dma_start3A_29] : memref<8x88xi32, #tpu.memory_space<vmem>> -> memref<1x88xi32, #tpu.memory_space<vmem>>
        %dma_start3A_31 = tpu.memref_squeeze %dma_start3A_30 : memref<1x88xi32, #tpu.memory_space<vmem>> -> memref<88xi32, #tpu.memory_space<vmem>>
        %dma_start3A_32 = arith.constant 0 : i32
        %dma_start3A_33 = arith.constant 0 : i32
        %dma_start3A_34 = tpu.memref_slice %arg5[%dma_start3A_32, %dma_start3A_33] : memref<10240x128xf32, #tpu.memory_space<hbm>> -> memref<10240x128xf32, #tpu.memory_space<hbm>>
        tpu.enqueue_indirect_dma source(%dma_start3A_34 : memref<10240x128xf32, #tpu.memory_space<hbm>>) target(%arg11 : memref<88x128xf32, #tpu.memory_space<vmem>>) offsets(%dma_start3A_31 : memref<88xi32, #tpu.memory_space<vmem>>) semaphore(%arg16 : memref<!tpu.dma_semaphore, #tpu.memory_space<semaphore_mem>>)
        %dma_start3A_35 = arith.constant 1 : i32
        %dma_start3A_36 = arith.constant 0 : i32
        %dma_start3A_37 = tpu.memref_slice %arg9[%dma_start3A_35, %dma_start3A_36] : memref<8x88xi32, #tpu.memory_space<vmem>> -> memref<1x88xi32, #tpu.memory_space<vmem>>
        %dma_start3A_38 = tpu.memref_squeeze %dma_start3A_37 : memref<1x88xi32, #tpu.memory_space<vmem>> -> memref<88xi32, #tpu.memory_space<vmem>>
        %dma_start3A_39 = arith.constant 0 : i32
        %dma_start3A_40 = arith.constant 0 : i32
        %dma_start3A_41 = tpu.memref_slice %arg5[%dma_start3A_39, %dma_start3A_40] : memref<10240x128xf32, #tpu.memory_space<hbm>> -> memref<10240x128xf32, #tpu.memory_space<hbm>>
        tpu.enqueue_indirect_dma source(%dma_start3A_41 : memref<10240x128xf32, #tpu.memory_space<hbm>>) target(%arg12 : memref<88x128xf32, #tpu.memory_space<vmem>>) offsets(%dma_start3A_38 : memref<88xi32, #tpu.memory_space<vmem>>) semaphore(%arg16 : memref<!tpu.dma_semaphore, #tpu.memory_space<semaphore_mem>>)
        %dma_start3A_42 = arith.constant 2 : i32
        %dma_start3A_43 = arith.constant 0 : i32
        %dma_start3A_44 = tpu.memref_slice %arg9[%dma_start3A_42, %dma_start3A_43] : memref<8x88xi32, #tpu.memory_space<vmem>> -> memref<1x88xi32, #tpu.memory_space<vmem>>
        %dma_start3A_45 = tpu.memref_squeeze %dma_start3A_44 : memref<1x88xi32, #tpu.memory_space<vmem>> -> memref<88xi32, #tpu.memory_space<vmem>>
        %dma_start3A_46 = arith.constant 0 : i32
        %dma_start3A_47 = arith.constant 0 : i32
        %dma_start3A_48 = tpu.memref_slice %arg5[%dma_start3A_46, %dma_start3A_47] : memref<10240x128xf32, #tpu.memory_space<hbm>> -> memref<10240x128xf32, #tpu.memory_space<hbm>>
        tpu.enqueue_indirect_dma source(%dma_start3A_48 : memref<10240x128xf32, #tpu.memory_space<hbm>>) target(%arg13 : memref<88x128xf32, #tpu.memory_space<vmem>>) offsets(%dma_start3A_45 : memref<88xi32, #tpu.memory_space<vmem>>) semaphore(%arg16 : memref<!tpu.dma_semaphore, #tpu.memory_space<semaphore_mem>>)
        %dma_start3A_49 = arith.constant 3 : i32
        %dma_start3A_50 = arith.constant 0 : i32
        %dma_start3A_51 = tpu.memref_slice %arg9[%dma_start3A_49, %dma_start3A_50] : memref<8x88xi32, #tpu.memory_space<vmem>> -> memref<1x88xi32, #tpu.memory_space<vmem>>
        %dma_start3A_52 = tpu.memref_squeeze %dma_start3A_51 : memref<1x88xi32, #tpu.memory_space<vmem>> -> memref<88xi32, #tpu.memory_space<vmem>>
        %dma_start3A_53 = arith.constant 0 : i32
        %dma_start3A_54 = arith.constant 0 : i32
        %dma_start3A_55 = tpu.memref_slice %arg5[%dma_start3A_53, %dma_start3A_54] : memref<10240x128xf32, #tpu.memory_space<hbm>> -> memref<10240x128xf32, #tpu.memory_space<hbm>>
        tpu.enqueue_indirect_dma source(%dma_start3A_55 : memref<10240x128xf32, #tpu.memory_space<hbm>>) target(%arg14 : memref<88x128xf32, #tpu.memory_space<vmem>>) offsets(%dma_start3A_52 : memref<88xi32, #tpu.memory_space<vmem>>) semaphore(%arg16 : memref<!tpu.dma_semaphore, #tpu.memory_space<semaphore_mem>>)
        %dma_wait3A = arith.constant 0 : i32
        %dma_wait3A_56 = arith.constant 0 : i32
        %dma_wait3A_57 = tpu.memref_slice %arg9[%dma_wait3A, %dma_wait3A_56] : memref<8x88xi32, #tpu.memory_space<vmem>> -> memref<1x88xi32, #tpu.memory_space<vmem>>
        %dma_wait3A_58 = tpu.memref_squeeze %dma_wait3A_57 : memref<1x88xi32, #tpu.memory_space<vmem>> -> memref<88xi32, #tpu.memory_space<vmem>>
        %dma_wait3A_59 = arith.constant 0 : i32
        %dma_wait3A_60 = arith.constant 0 : i32
        %dma_wait3A_61 = tpu.memref_slice %arg5[%dma_wait3A_59, %dma_wait3A_60] : memref<10240x128xf32, #tpu.memory_space<hbm>> -> memref<10240x128xf32, #tpu.memory_space<hbm>>
        tpu.wait_indirect_dma semaphore(%arg16 : memref<!tpu.dma_semaphore, #tpu.memory_space<semaphore_mem>>) src(%dma_wait3A_61 : memref<10240x128xf32, #tpu.memory_space<hbm>>) dst(%arg11 : memref<88x128xf32, #tpu.memory_space<vmem>>)
        %dma_start3A_62 = arith.constant 0 : i32
        %dma_start3A_63 = arith.constant 0 : i32
        %dma_start3A_64 = tpu.memref_slice %arg10[%dma_start3A_62, %dma_start3A_63] : memref<8x88xi32, #tpu.memory_space<vmem>> -> memref<1x88xi32, #tpu.memory_space<vmem>>
        %dma_start3A_65 = tpu.memref_squeeze %dma_start3A_64 : memref<1x88xi32, #tpu.memory_space<vmem>> -> memref<88xi32, #tpu.memory_space<vmem>>
        %dma_start3A_66 = arith.constant 0 : i32
        %dma_start3A_67 = arith.constant 0 : i32
        %dma_start3A_68 = tpu.memref_slice %arg15[%dma_start3A_66, %dma_start3A_67] : memref<10112x128xf32, #tpu.memory_space<vmem_shared>> -> memref<10112x128xf32, #tpu.memory_space<vmem_shared>>
        tpu.enqueue_indirect_dma source(%arg11 : memref<88x128xf32, #tpu.memory_space<vmem>>) target(%dma_start3A_68 : memref<10112x128xf32, #tpu.memory_space<vmem_shared>>) offsets(%dma_start3A_65 : memref<88xi32, #tpu.memory_space<vmem>>) semaphore(%arg17 : memref<!tpu.dma_semaphore, #tpu.memory_space<semaphore_mem>>) {add = true}
        %dma_wait3A_69 = arith.constant 1 : i32
        %dma_wait3A_70 = arith.constant 0 : i32
        %dma_wait3A_71 = tpu.memref_slice %arg9[%dma_wait3A_69, %dma_wait3A_70] : memref<8x88xi32, #tpu.memory_space<vmem>> -> memref<1x88xi32, #tpu.memory_space<vmem>>
        %dma_wait3A_72 = tpu.memref_squeeze %dma_wait3A_71 : memref<1x88xi32, #tpu.memory_space<vmem>> -> memref<88xi32, #tpu.memory_space<vmem>>
        %dma_wait3A_73 = arith.constant 0 : i32
        %dma_wait3A_74 = arith.constant 0 : i32
        %dma_wait3A_75 = tpu.memref_slice %arg5[%dma_wait3A_73, %dma_wait3A_74] : memref<10240x128xf32, #tpu.memory_space<hbm>> -> memref<10240x128xf32, #tpu.memory_space<hbm>>
        tpu.wait_indirect_dma semaphore(%arg16 : memref<!tpu.dma_semaphore, #tpu.memory_space<semaphore_mem>>) src(%dma_wait3A_75 : memref<10240x128xf32, #tpu.memory_space<hbm>>) dst(%arg12 : memref<88x128xf32, #tpu.memory_space<vmem>>)
        %dma_start3A_76 = arith.constant 1 : i32
        %dma_start3A_77 = arith.constant 0 : i32
        %dma_start3A_78 = tpu.memref_slice %arg10[%dma_start3A_76, %dma_start3A_77] : memref<8x88xi32, #tpu.memory_space<vmem>> -> memref<1x88xi32, #tpu.memory_space<vmem>>
        %dma_start3A_79 = tpu.memref_squeeze %dma_start3A_78 : memref<1x88xi32, #tpu.memory_space<vmem>> -> memref<88xi32, #tpu.memory_space<vmem>>
        %dma_start3A_80 = arith.constant 0 : i32
        %dma_start3A_81 = arith.constant 0 : i32
        %dma_start3A_82 = tpu.memref_slice %arg15[%dma_start3A_80, %dma_start3A_81] : memref<10112x128xf32, #tpu.memory_space<vmem_shared>> -> memref<10112x128xf32, #tpu.memory_space<vmem_shared>>
        tpu.enqueue_indirect_dma source(%arg12 : memref<88x128xf32, #tpu.memory_space<vmem>>) target(%dma_start3A_82 : memref<10112x128xf32, #tpu.memory_space<vmem_shared>>) offsets(%dma_start3A_79 : memref<88xi32, #tpu.memory_space<vmem>>) semaphore(%arg17 : memref<!tpu.dma_semaphore, #tpu.memory_space<semaphore_mem>>) {add = true}
        %dma_wait3A_83 = arith.constant 2 : i32
        %dma_wait3A_84 = arith.constant 0 : i32
        %dma_wait3A_85 = tpu.memref_slice %arg9[%dma_wait3A_83, %dma_wait3A_84] : memref<8x88xi32, #tpu.memory_space<vmem>> -> memref<1x88xi32, #tpu.memory_space<vmem>>
        %dma_wait3A_86 = tpu.memref_squeeze %dma_wait3A_85 : memref<1x88xi32, #tpu.memory_space<vmem>> -> memref<88xi32, #tpu.memory_space<vmem>>
        %dma_wait3A_87 = arith.constant 0 : i32
        %dma_wait3A_88 = arith.constant 0 : i32
        %dma_wait3A_89 = tpu.memref_slice %arg5[%dma_wait3A_87, %dma_wait3A_88] : memref<10240x128xf32, #tpu.memory_space<hbm>> -> memref<10240x128xf32, #tpu.memory_space<hbm>>
        tpu.wait_indirect_dma semaphore(%arg16 : memref<!tpu.dma_semaphore, #tpu.memory_space<semaphore_mem>>) src(%dma_wait3A_89 : memref<10240x128xf32, #tpu.memory_space<hbm>>) dst(%arg13 : memref<88x128xf32, #tpu.memory_space<vmem>>)
        %dma_start3A_90 = arith.constant 2 : i32
        %dma_start3A_91 = arith.constant 0 : i32
        %dma_start3A_92 = tpu.memref_slice %arg10[%dma_start3A_90, %dma_start3A_91] : memref<8x88xi32, #tpu.memory_space<vmem>> -> memref<1x88xi32, #tpu.memory_space<vmem>>
        %dma_start3A_93 = tpu.memref_squeeze %dma_start3A_92 : memref<1x88xi32, #tpu.memory_space<vmem>> -> memref<88xi32, #tpu.memory_space<vmem>>
        %dma_start3A_94 = arith.constant 0 : i32
        %dma_start3A_95 = arith.constant 0 : i32
        %dma_start3A_96 = tpu.memref_slice %arg15[%dma_start3A_94, %dma_start3A_95] : memref<10112x128xf32, #tpu.memory_space<vmem_shared>> -> memref<10112x128xf32, #tpu.memory_space<vmem_shared>>
        tpu.enqueue_indirect_dma source(%arg13 : memref<88x128xf32, #tpu.memory_space<vmem>>) target(%dma_start3A_96 : memref<10112x128xf32, #tpu.memory_space<vmem_shared>>) offsets(%dma_start3A_93 : memref<88xi32, #tpu.memory_space<vmem>>) semaphore(%arg17 : memref<!tpu.dma_semaphore, #tpu.memory_space<semaphore_mem>>) {add = true}
        %dma_wait3A_97 = arith.constant 3 : i32
        %dma_wait3A_98 = arith.constant 0 : i32
        %dma_wait3A_99 = tpu.memref_slice %arg9[%dma_wait3A_97, %dma_wait3A_98] : memref<8x88xi32, #tpu.memory_space<vmem>> -> memref<1x88xi32, #tpu.memory_space<vmem>>
        %dma_wait3A_100 = tpu.memref_squeeze %dma_wait3A_99 : memref<1x88xi32, #tpu.memory_space<vmem>> -> memref<88xi32, #tpu.memory_space<vmem>>
        %dma_wait3A_101 = arith.constant 0 : i32
        %dma_wait3A_102 = arith.constant 0 : i32
        %dma_wait3A_103 = tpu.memref_slice %arg5[%dma_wait3A_101, %dma_wait3A_102] : memref<10240x128xf32, #tpu.memory_space<hbm>> -> memref<10240x128xf32, #tpu.memory_space<hbm>>
        tpu.wait_indirect_dma semaphore(%arg16 : memref<!tpu.dma_semaphore, #tpu.memory_space<semaphore_mem>>) src(%dma_wait3A_103 : memref<10240x128xf32, #tpu.memory_space<hbm>>) dst(%arg14 : memref<88x128xf32, #tpu.memory_space<vmem>>)
        %dma_start3A_104 = arith.constant 3 : i32
        %dma_start3A_105 = arith.constant 0 : i32
        %dma_start3A_106 = tpu.memref_slice %arg10[%dma_start3A_104, %dma_start3A_105] : memref<8x88xi32, #tpu.memory_space<vmem>> -> memref<1x88xi32, #tpu.memory_space<vmem>>
        %dma_start3A_107 = tpu.memref_squeeze %dma_start3A_106 : memref<1x88xi32, #tpu.memory_space<vmem>> -> memref<88xi32, #tpu.memory_space<vmem>>
        %dma_start3A_108 = arith.constant 0 : i32
        %dma_start3A_109 = arith.constant 0 : i32
        %dma_start3A_110 = tpu.memref_slice %arg15[%dma_start3A_108, %dma_start3A_109] : memref<10112x128xf32, #tpu.memory_space<vmem_shared>> -> memref<10112x128xf32, #tpu.memory_space<vmem_shared>>
        tpu.enqueue_indirect_dma source(%arg14 : memref<88x128xf32, #tpu.memory_space<vmem>>) target(%dma_start3A_110 : memref<10112x128xf32, #tpu.memory_space<vmem_shared>>) offsets(%dma_start3A_107 : memref<88xi32, #tpu.memory_space<vmem>>) semaphore(%arg17 : memref<!tpu.dma_semaphore, #tpu.memory_space<semaphore_mem>>) {add = true}
        %dma_wait3A_111 = arith.constant 0 : i32
        %dma_wait3A_112 = arith.constant 0 : i32
        %dma_wait3A_113 = tpu.memref_slice %arg10[%dma_wait3A_111, %dma_wait3A_112] : memref<8x88xi32, #tpu.memory_space<vmem>> -> memref<1x88xi32, #tpu.memory_space<vmem>>
        %dma_wait3A_114 = tpu.memref_squeeze %dma_wait3A_113 : memref<1x88xi32, #tpu.memory_space<vmem>> -> memref<88xi32, #tpu.memory_space<vmem>>
        %dma_wait3A_115 = arith.constant 0 : i32
        %dma_wait3A_116 = arith.constant 0 : i32
        %dma_wait3A_117 = tpu.memref_slice %arg15[%dma_wait3A_115, %dma_wait3A_116] : memref<10112x128xf32, #tpu.memory_space<vmem_shared>> -> memref<10112x128xf32, #tpu.memory_space<vmem_shared>>
        tpu.wait_indirect_dma semaphore(%arg17 : memref<!tpu.dma_semaphore, #tpu.memory_space<semaphore_mem>>) src(%arg11 : memref<88x128xf32, #tpu.memory_space<vmem>>) dst(%dma_wait3A_117 : memref<10112x128xf32, #tpu.memory_space<vmem_shared>>)
        %dma_wait3A_118 = arith.constant 1 : i32
        %dma_wait3A_119 = arith.constant 0 : i32
        %dma_wait3A_120 = tpu.memref_slice %arg10[%dma_wait3A_118, %dma_wait3A_119] : memref<8x88xi32, #tpu.memory_space<vmem>> -> memref<1x88xi32, #tpu.memory_space<vmem>>
        %dma_wait3A_121 = tpu.memref_squeeze %dma_wait3A_120 : memref<1x88xi32, #tpu.memory_space<vmem>> -> memref<88xi32, #tpu.memory_space<vmem>>
        %dma_wait3A_122 = arith.constant 0 : i32
        %dma_wait3A_123 = arith.constant 0 : i32
        %dma_wait3A_124 = tpu.memref_slice %arg15[%dma_wait3A_122, %dma_wait3A_123] : memref<10112x128xf32, #tpu.memory_space<vmem_shared>> -> memref<10112x128xf32, #tpu.memory_space<vmem_shared>>
        tpu.wait_indirect_dma semaphore(%arg17 : memref<!tpu.dma_semaphore, #tpu.memory_space<semaphore_mem>>) src(%arg12 : memref<88x128xf32, #tpu.memory_space<vmem>>) dst(%dma_wait3A_124 : memref<10112x128xf32, #tpu.memory_space<vmem_shared>>)
        %dma_wait3A_125 = arith.constant 2 : i32
        %dma_wait3A_126 = arith.constant 0 : i32
        %dma_wait3A_127 = tpu.memref_slice %arg10[%dma_wait3A_125, %dma_wait3A_126] : memref<8x88xi32, #tpu.memory_space<vmem>> -> memref<1x88xi32, #tpu.memory_space<vmem>>
        %dma_wait3A_128 = tpu.memref_squeeze %dma_wait3A_127 : memref<1x88xi32, #tpu.memory_space<vmem>> -> memref<88xi32, #tpu.memory_space<vmem>>
        %dma_wait3A_129 = arith.constant 0 : i32
        %dma_wait3A_130 = arith.constant 0 : i32
        %dma_wait3A_131 = tpu.memref_slice %arg15[%dma_wait3A_129, %dma_wait3A_130] : memref<10112x128xf32, #tpu.memory_space<vmem_shared>> -> memref<10112x128xf32, #tpu.memory_space<vmem_shared>>
        tpu.wait_indirect_dma semaphore(%arg17 : memref<!tpu.dma_semaphore, #tpu.memory_space<semaphore_mem>>) src(%arg13 : memref<88x128xf32, #tpu.memory_space<vmem>>) dst(%dma_wait3A_131 : memref<10112x128xf32, #tpu.memory_space<vmem_shared>>)
        %dma_wait3A_132 = arith.constant 3 : i32
        %dma_wait3A_133 = arith.constant 0 : i32
        %dma_wait3A_134 = tpu.memref_slice %arg10[%dma_wait3A_132, %dma_wait3A_133] : memref<8x88xi32, #tpu.memory_space<vmem>> -> memref<1x88xi32, #tpu.memory_space<vmem>>
        %dma_wait3A_135 = tpu.memref_squeeze %dma_wait3A_134 : memref<1x88xi32, #tpu.memory_space<vmem>> -> memref<88xi32, #tpu.memory_space<vmem>>
        %dma_wait3A_136 = arith.constant 0 : i32
        %dma_wait3A_137 = arith.constant 0 : i32
        %dma_wait3A_138 = tpu.memref_slice %arg15[%dma_wait3A_136, %dma_wait3A_137] : memref<10112x128xf32, #tpu.memory_space<vmem_shared>> -> memref<10112x128xf32, #tpu.memory_space<vmem_shared>>
        tpu.wait_indirect_dma semaphore(%arg17 : memref<!tpu.dma_semaphore, #tpu.memory_space<semaphore_mem>>) src(%arg14 : memref<88x128xf32, #tpu.memory_space<vmem>>) dst(%dma_wait3A_138 : memref<10112x128xf32, #tpu.memory_space<vmem_shared>>)
        %dma_start3A_139 = arith.constant 4 : i32
        %dma_start3A_140 = arith.constant 0 : i32
        %dma_start3A_141 = tpu.memref_slice %arg9[%dma_start3A_139, %dma_start3A_140] : memref<8x88xi32, #tpu.memory_space<vmem>> -> memref<1x88xi32, #tpu.memory_space<vmem>>
        %dma_start3A_142 = tpu.memref_squeeze %dma_start3A_141 : memref<1x88xi32, #tpu.memory_space<vmem>> -> memref<88xi32, #tpu.memory_space<vmem>>
        %dma_start3A_143 = arith.constant 0 : i32
        %dma_start3A_144 = arith.constant 0 : i32
        %dma_start3A_145 = tpu.memref_slice %arg5[%dma_start3A_143, %dma_start3A_144] : memref<10240x128xf32, #tpu.memory_space<hbm>> -> memref<10240x128xf32, #tpu.memory_space<hbm>>
        tpu.enqueue_indirect_dma source(%dma_start3A_145 : memref<10240x128xf32, #tpu.memory_space<hbm>>) target(%arg11 : memref<88x128xf32, #tpu.memory_space<vmem>>) offsets(%dma_start3A_142 : memref<88xi32, #tpu.memory_space<vmem>>) semaphore(%arg16 : memref<!tpu.dma_semaphore, #tpu.memory_space<semaphore_mem>>)
        %dma_start3A_146 = arith.constant 5 : i32
        %dma_start3A_147 = arith.constant 0 : i32
        %dma_start3A_148 = tpu.memref_slice %arg9[%dma_start3A_146, %dma_start3A_147] : memref<8x88xi32, #tpu.memory_space<vmem>> -> memref<1x88xi32, #tpu.memory_space<vmem>>
        %dma_start3A_149 = tpu.memref_squeeze %dma_start3A_148 : memref<1x88xi32, #tpu.memory_space<vmem>> -> memref<88xi32, #tpu.memory_space<vmem>>
        %dma_start3A_150 = arith.constant 0 : i32
        %dma_start3A_151 = arith.constant 0 : i32
        %dma_start3A_152 = tpu.memref_slice %arg5[%dma_start3A_150, %dma_start3A_151] : memref<10240x128xf32, #tpu.memory_space<hbm>> -> memref<10240x128xf32, #tpu.memory_space<hbm>>
        tpu.enqueue_indirect_dma source(%dma_start3A_152 : memref<10240x128xf32, #tpu.memory_space<hbm>>) target(%arg12 : memref<88x128xf32, #tpu.memory_space<vmem>>) offsets(%dma_start3A_149 : memref<88xi32, #tpu.memory_space<vmem>>) semaphore(%arg16 : memref<!tpu.dma_semaphore, #tpu.memory_space<semaphore_mem>>)
        %dma_start3A_153 = arith.constant 6 : i32
        %dma_start3A_154 = arith.constant 0 : i32
        %dma_start3A_155 = tpu.memref_slice %arg9[%dma_start3A_153, %dma_start3A_154] : memref<8x88xi32, #tpu.memory_space<vmem>> -> memref<1x88xi32, #tpu.memory_space<vmem>>
        %dma_start3A_156 = tpu.memref_squeeze %dma_start3A_155 : memref<1x88xi32, #tpu.memory_space<vmem>> -> memref<88xi32, #tpu.memory_space<vmem>>
        %dma_start3A_157 = arith.constant 0 : i32
        %dma_start3A_158 = arith.constant 0 : i32
        %dma_start3A_159 = tpu.memref_slice %arg5[%dma_start3A_157, %dma_start3A_158] : memref<10240x128xf32, #tpu.memory_space<hbm>> -> memref<10240x128xf32, #tpu.memory_space<hbm>>
        tpu.enqueue_indirect_dma source(%dma_start3A_159 : memref<10240x128xf32, #tpu.memory_space<hbm>>) target(%arg13 : memref<88x128xf32, #tpu.memory_space<vmem>>) offsets(%dma_start3A_156 : memref<88xi32, #tpu.memory_space<vmem>>) semaphore(%arg16 : memref<!tpu.dma_semaphore, #tpu.memory_space<semaphore_mem>>)
        %dma_start3A_160 = arith.constant 7 : i32
        %dma_start3A_161 = arith.constant 0 : i32
        %dma_start3A_162 = tpu.memref_slice %arg9[%dma_start3A_160, %dma_start3A_161] : memref<8x88xi32, #tpu.memory_space<vmem>> -> memref<1x88xi32, #tpu.memory_space<vmem>>
        %dma_start3A_163 = tpu.memref_squeeze %dma_start3A_162 : memref<1x88xi32, #tpu.memory_space<vmem>> -> memref<88xi32, #tpu.memory_space<vmem>>
        %dma_start3A_164 = arith.constant 0 : i32
        %dma_start3A_165 = arith.constant 0 : i32
        %dma_start3A_166 = tpu.memref_slice %arg5[%dma_start3A_164, %dma_start3A_165] : memref<10240x128xf32, #tpu.memory_space<hbm>> -> memref<10240x128xf32, #tpu.memory_space<hbm>>
        tpu.enqueue_indirect_dma source(%dma_start3A_166 : memref<10240x128xf32, #tpu.memory_space<hbm>>) target(%arg14 : memref<88x128xf32, #tpu.memory_space<vmem>>) offsets(%dma_start3A_163 : memref<88xi32, #tpu.memory_space<vmem>>) semaphore(%arg16 : memref<!tpu.dma_semaphore, #tpu.memory_space<semaphore_mem>>)
        %dma_wait3A_167 = arith.constant 4 : i32
        %dma_wait3A_168 = arith.constant 0 : i32
        %dma_wait3A_169 = tpu.memref_slice %arg9[%dma_wait3A_167, %dma_wait3A_168] : memref<8x88xi32, #tpu.memory_space<vmem>> -> memref<1x88xi32, #tpu.memory_space<vmem>>
        %dma_wait3A_170 = tpu.memref_squeeze %dma_wait3A_169 : memref<1x88xi32, #tpu.memory_space<vmem>> -> memref<88xi32, #tpu.memory_space<vmem>>
        %dma_wait3A_171 = arith.constant 0 : i32
        %dma_wait3A_172 = arith.constant 0 : i32
        %dma_wait3A_173 = tpu.memref_slice %arg5[%dma_wait3A_171, %dma_wait3A_172] : memref<10240x128xf32, #tpu.memory_space<hbm>> -> memref<10240x128xf32, #tpu.memory_space<hbm>>
        tpu.wait_indirect_dma semaphore(%arg16 : memref<!tpu.dma_semaphore, #tpu.memory_space<semaphore_mem>>) src(%dma_wait3A_173 : memref<10240x128xf32, #tpu.memory_space<hbm>>) dst(%arg11 : memref<88x128xf32, #tpu.memory_space<vmem>>)
        %dma_start3A_174 = arith.constant 4 : i32
        %dma_start3A_175 = arith.constant 0 : i32
        %dma_start3A_176 = tpu.memref_slice %arg10[%dma_start3A_174, %dma_start3A_175] : memref<8x88xi32, #tpu.memory_space<vmem>> -> memref<1x88xi32, #tpu.memory_space<vmem>>
        %dma_start3A_177 = tpu.memref_squeeze %dma_start3A_176 : memref<1x88xi32, #tpu.memory_space<vmem>> -> memref<88xi32, #tpu.memory_space<vmem>>
        %dma_start3A_178 = arith.constant 0 : i32
        %dma_start3A_179 = arith.constant 0 : i32
        %dma_start3A_180 = tpu.memref_slice %arg15[%dma_start3A_178, %dma_start3A_179] : memref<10112x128xf32, #tpu.memory_space<vmem_shared>> -> memref<10112x128xf32, #tpu.memory_space<vmem_shared>>
        tpu.enqueue_indirect_dma source(%arg11 : memref<88x128xf32, #tpu.memory_space<vmem>>) target(%dma_start3A_180 : memref<10112x128xf32, #tpu.memory_space<vmem_shared>>) offsets(%dma_start3A_177 : memref<88xi32, #tpu.memory_space<vmem>>) semaphore(%arg17 : memref<!tpu.dma_semaphore, #tpu.memory_space<semaphore_mem>>) {add = true}
        %dma_wait3A_181 = arith.constant 5 : i32
        %dma_wait3A_182 = arith.constant 0 : i32
        %dma_wait3A_183 = tpu.memref_slice %arg9[%dma_wait3A_181, %dma_wait3A_182] : memref<8x88xi32, #tpu.memory_space<vmem>> -> memref<1x88xi32, #tpu.memory_space<vmem>>
        %dma_wait3A_184 = tpu.memref_squeeze %dma_wait3A_183 : memref<1x88xi32, #tpu.memory_space<vmem>> -> memref<88xi32, #tpu.memory_space<vmem>>
        %dma_wait3A_185 = arith.constant 0 : i32
        %dma_wait3A_186 = arith.constant 0 : i32
        %dma_wait3A_187 = tpu.memref_slice %arg5[%dma_wait3A_185, %dma_wait3A_186] : memref<10240x128xf32, #tpu.memory_space<hbm>> -> memref<10240x128xf32, #tpu.memory_space<hbm>>
        tpu.wait_indirect_dma semaphore(%arg16 : memref<!tpu.dma_semaphore, #tpu.memory_space<semaphore_mem>>) src(%dma_wait3A_187 : memref<10240x128xf32, #tpu.memory_space<hbm>>) dst(%arg12 : memref<88x128xf32, #tpu.memory_space<vmem>>)
        %dma_start3A_188 = arith.constant 5 : i32
        %dma_start3A_189 = arith.constant 0 : i32
        %dma_start3A_190 = tpu.memref_slice %arg10[%dma_start3A_188, %dma_start3A_189] : memref<8x88xi32, #tpu.memory_space<vmem>> -> memref<1x88xi32, #tpu.memory_space<vmem>>
        %dma_start3A_191 = tpu.memref_squeeze %dma_start3A_190 : memref<1x88xi32, #tpu.memory_space<vmem>> -> memref<88xi32, #tpu.memory_space<vmem>>
        %dma_start3A_192 = arith.constant 0 : i32
        %dma_start3A_193 = arith.constant 0 : i32
        %dma_start3A_194 = tpu.memref_slice %arg15[%dma_start3A_192, %dma_start3A_193] : memref<10112x128xf32, #tpu.memory_space<vmem_shared>> -> memref<10112x128xf32, #tpu.memory_space<vmem_shared>>
        tpu.enqueue_indirect_dma source(%arg12 : memref<88x128xf32, #tpu.memory_space<vmem>>) target(%dma_start3A_194 : memref<10112x128xf32, #tpu.memory_space<vmem_shared>>) offsets(%dma_start3A_191 : memref<88xi32, #tpu.memory_space<vmem>>) semaphore(%arg17 : memref<!tpu.dma_semaphore, #tpu.memory_space<semaphore_mem>>) {add = true}
        %dma_wait3A_195 = arith.constant 6 : i32
        %dma_wait3A_196 = arith.constant 0 : i32
        %dma_wait3A_197 = tpu.memref_slice %arg9[%dma_wait3A_195, %dma_wait3A_196] : memref<8x88xi32, #tpu.memory_space<vmem>> -> memref<1x88xi32, #tpu.memory_space<vmem>>
        %dma_wait3A_198 = tpu.memref_squeeze %dma_wait3A_197 : memref<1x88xi32, #tpu.memory_space<vmem>> -> memref<88xi32, #tpu.memory_space<vmem>>
        %dma_wait3A_199 = arith.constant 0 : i32
        %dma_wait3A_200 = arith.constant 0 : i32
        %dma_wait3A_201 = tpu.memref_slice %arg5[%dma_wait3A_199, %dma_wait3A_200] : memref<10240x128xf32, #tpu.memory_space<hbm>> -> memref<10240x128xf32, #tpu.memory_space<hbm>>
        tpu.wait_indirect_dma semaphore(%arg16 : memref<!tpu.dma_semaphore, #tpu.memory_space<semaphore_mem>>) src(%dma_wait3A_201 : memref<10240x128xf32, #tpu.memory_space<hbm>>) dst(%arg13 : memref<88x128xf32, #tpu.memory_space<vmem>>)
        %dma_start3A_202 = arith.constant 6 : i32
        %dma_start3A_203 = arith.constant 0 : i32
        %dma_start3A_204 = tpu.memref_slice %arg10[%dma_start3A_202, %dma_start3A_203] : memref<8x88xi32, #tpu.memory_space<vmem>> -> memref<1x88xi32, #tpu.memory_space<vmem>>
        %dma_start3A_205 = tpu.memref_squeeze %dma_start3A_204 : memref<1x88xi32, #tpu.memory_space<vmem>> -> memref<88xi32, #tpu.memory_space<vmem>>
        %dma_start3A_206 = arith.constant 0 : i32
        %dma_start3A_207 = arith.constant 0 : i32
        %dma_start3A_208 = tpu.memref_slice %arg15[%dma_start3A_206, %dma_start3A_207] : memref<10112x128xf32, #tpu.memory_space<vmem_shared>> -> memref<10112x128xf32, #tpu.memory_space<vmem_shared>>
        tpu.enqueue_indirect_dma source(%arg13 : memref<88x128xf32, #tpu.memory_space<vmem>>) target(%dma_start3A_208 : memref<10112x128xf32, #tpu.memory_space<vmem_shared>>) offsets(%dma_start3A_205 : memref<88xi32, #tpu.memory_space<vmem>>) semaphore(%arg17 : memref<!tpu.dma_semaphore, #tpu.memory_space<semaphore_mem>>) {add = true}
        %dma_wait3A_209 = arith.constant 7 : i32
        %dma_wait3A_210 = arith.constant 0 : i32
        %dma_wait3A_211 = tpu.memref_slice %arg9[%dma_wait3A_209, %dma_wait3A_210] : memref<8x88xi32, #tpu.memory_space<vmem>> -> memref<1x88xi32, #tpu.memory_space<vmem>>
        %dma_wait3A_212 = tpu.memref_squeeze %dma_wait3A_211 : memref<1x88xi32, #tpu.memory_space<vmem>> -> memref<88xi32, #tpu.memory_space<vmem>>
        %dma_wait3A_213 = arith.constant 0 : i32
        %dma_wait3A_214 = arith.constant 0 : i32
        %dma_wait3A_215 = tpu.memref_slice %arg5[%dma_wait3A_213, %dma_wait3A_214] : memref<10240x128xf32, #tpu.memory_space<hbm>> -> memref<10240x128xf32, #tpu.memory_space<hbm>>
        tpu.wait_indirect_dma semaphore(%arg16 : memref<!tpu.dma_semaphore, #tpu.memory_space<semaphore_mem>>) src(%dma_wait3A_215 : memref<10240x128xf32, #tpu.memory_space<hbm>>) dst(%arg14 : memref<88x128xf32, #tpu.memory_space<vmem>>)
        %dma_start3A_216 = arith.constant 7 : i32
        %dma_start3A_217 = arith.constant 0 : i32
        %dma_start3A_218 = tpu.memref_slice %arg10[%dma_start3A_216, %dma_start3A_217] : memref<8x88xi32, #tpu.memory_space<vmem>> -> memref<1x88xi32, #tpu.memory_space<vmem>>
        %dma_start3A_219 = tpu.memref_squeeze %dma_start3A_218 : memref<1x88xi32, #tpu.memory_space<vmem>> -> memref<88xi32, #tpu.memory_space<vmem>>
        %dma_start3A_220 = arith.constant 0 : i32
        %dma_start3A_221 = arith.constant 0 : i32
        %dma_start3A_222 = tpu.memref_slice %arg15[%dma_start3A_220, %dma_start3A_221] : memref<10112x128xf32, #tpu.memory_space<vmem_shared>> -> memref<10112x128xf32, #tpu.memory_space<vmem_shared>>
        tpu.enqueue_indirect_dma source(%arg14 : memref<88x128xf32, #tpu.memory_space<vmem>>) target(%dma_start3A_222 : memref<10112x128xf32, #tpu.memory_space<vmem_shared>>) offsets(%dma_start3A_219 : memref<88xi32, #tpu.memory_space<vmem>>) semaphore(%arg17 : memref<!tpu.dma_semaphore, #tpu.memory_space<semaphore_mem>>) {add = true}
        %dma_wait3A_223 = arith.constant 4 : i32
        %dma_wait3A_224 = arith.constant 0 : i32
        %dma_wait3A_225 = tpu.memref_slice %arg10[%dma_wait3A_223, %dma_wait3A_224] : memref<8x88xi32, #tpu.memory_space<vmem>> -> memref<1x88xi32, #tpu.memory_space<vmem>>
        %dma_wait3A_226 = tpu.memref_squeeze %dma_wait3A_225 : memref<1x88xi32, #tpu.memory_space<vmem>> -> memref<88xi32, #tpu.memory_space<vmem>>
        %dma_wait3A_227 = arith.constant 0 : i32
        %dma_wait3A_228 = arith.constant 0 : i32
        %dma_wait3A_229 = tpu.memref_slice %arg15[%dma_wait3A_227, %dma_wait3A_228] : memref<10112x128xf32, #tpu.memory_space<vmem_shared>> -> memref<10112x128xf32, #tpu.memory_space<vmem_shared>>
        tpu.wait_indirect_dma semaphore(%arg17 : memref<!tpu.dma_semaphore, #tpu.memory_space<semaphore_mem>>) src(%arg11 : memref<88x128xf32, #tpu.memory_space<vmem>>) dst(%dma_wait3A_229 : memref<10112x128xf32, #tpu.memory_space<vmem_shared>>)
        %dma_wait3A_230 = arith.constant 5 : i32
        %dma_wait3A_231 = arith.constant 0 : i32
        %dma_wait3A_232 = tpu.memref_slice %arg10[%dma_wait3A_230, %dma_wait3A_231] : memref<8x88xi32, #tpu.memory_space<vmem>> -> memref<1x88xi32, #tpu.memory_space<vmem>>
        %dma_wait3A_233 = tpu.memref_squeeze %dma_wait3A_232 : memref<1x88xi32, #tpu.memory_space<vmem>> -> memref<88xi32, #tpu.memory_space<vmem>>
        %dma_wait3A_234 = arith.constant 0 : i32
        %dma_wait3A_235 = arith.constant 0 : i32
        %dma_wait3A_236 = tpu.memref_slice %arg15[%dma_wait3A_234, %dma_wait3A_235] : memref<10112x128xf32, #tpu.memory_space<vmem_shared>> -> memref<10112x128xf32, #tpu.memory_space<vmem_shared>>
        tpu.wait_indirect_dma semaphore(%arg17 : memref<!tpu.dma_semaphore, #tpu.memory_space<semaphore_mem>>) src(%arg12 : memref<88x128xf32, #tpu.memory_space<vmem>>) dst(%dma_wait3A_236 : memref<10112x128xf32, #tpu.memory_space<vmem_shared>>)
        %dma_wait3A_237 = arith.constant 6 : i32
        %dma_wait3A_238 = arith.constant 0 : i32
        %dma_wait3A_239 = tpu.memref_slice %arg10[%dma_wait3A_237, %dma_wait3A_238] : memref<8x88xi32, #tpu.memory_space<vmem>> -> memref<1x88xi32, #tpu.memory_space<vmem>>
        %dma_wait3A_240 = tpu.memref_squeeze %dma_wait3A_239 : memref<1x88xi32, #tpu.memory_space<vmem>> -> memref<88xi32, #tpu.memory_space<vmem>>
        %dma_wait3A_241 = arith.constant 0 : i32
        %dma_wait3A_242 = arith.constant 0 : i32
        %dma_wait3A_243 = tpu.memref_slice %arg15[%dma_wait3A_241, %dma_wait3A_242] : memref<10112x128xf32, #tpu.memory_space<vmem_shared>> -> memref<10112x128xf32, #tpu.memory_space<vmem_shared>>
        tpu.wait_indirect_dma semaphore(%arg17 : memref<!tpu.dma_semaphore, #tpu.memory_space<semaphore_mem>>) src(%arg13 : memref<88x128xf32, #tpu.memory_space<vmem>>) dst(%dma_wait3A_243 : memref<10112x128xf32, #tpu.memory_space<vmem_shared>>)
        %dma_wait3A_244 = arith.constant 7 : i32
        %dma_wait3A_245 = arith.constant 0 : i32
        %dma_wait3A_246 = tpu.memref_slice %arg10[%dma_wait3A_244, %dma_wait3A_245] : memref<8x88xi32, #tpu.memory_space<vmem>> -> memref<1x88xi32, #tpu.memory_space<vmem>>
        %dma_wait3A_247 = tpu.memref_squeeze %dma_wait3A_246 : memref<1x88xi32, #tpu.memory_space<vmem>> -> memref<88xi32, #tpu.memory_space<vmem>>
        %dma_wait3A_248 = arith.constant 0 : i32
        %dma_wait3A_249 = arith.constant 0 : i32
        %dma_wait3A_250 = tpu.memref_slice %arg15[%dma_wait3A_248, %dma_wait3A_249] : memref<10112x128xf32, #tpu.memory_space<vmem_shared>> -> memref<10112x128xf32, #tpu.memory_space<vmem_shared>>
        tpu.wait_indirect_dma semaphore(%arg17 : memref<!tpu.dma_semaphore, #tpu.memory_space<semaphore_mem>>) src(%arg14 : memref<88x128xf32, #tpu.memory_space<vmem>>) dst(%dma_wait3A_250 : memref<10112x128xf32, #tpu.memory_space<vmem_shared>>)
      }
      %scan3A_23 = arith.constant 29 : i32
    } else {
    }
    %barrier3A_8 = arith.constant 0 : index
    tpu.barrier barrier_id(%barrier3A_8)
    %eq3A_9 = arith.constant 0 : i32
    %eq3A_10 = arith.cmpi eq, %arg0, %eq3A_9 : i32
    %convert_element_type3A_11 = arith.extui %eq3A_10 : i1 to i32
    %cond3A_12 = arith.constant 0 : i32
    %cond3A_13 = arith.cmpi ne, %convert_element_type3A_11, %cond3A_12 : i32
    scf.if %cond3A_13 {
      "tpu.region"() ({
        %run_scoped3A = tpu.sem_alloc : memref<!tpu.dma_semaphore, #tpu.memory_space<semaphore_mem>>
        %dma_start3A = arith.constant 0 : i32
        %dma_start3A_19 = tpu.memref_slice %arg7[%mul3A_0, %dma_start3A] : memref<10240x128xf32, #tpu.memory_space<hbm>> -> memref<632x128xf32, #tpu.memory_space<hbm>>
        %dma_start3A_20 = arith.constant 0 : i32
        %dma_start3A_21 = tpu.memref_slice %arg15[%mul3A_0, %dma_start3A_20] : memref<10112x128xf32, #tpu.memory_space<vmem_shared>> -> memref<632x128xf32, #tpu.memory_space<vmem_shared>>
        tpu.enqueue_dma source(%dma_start3A_21 : memref<632x128xf32, #tpu.memory_space<vmem_shared>>) target(%dma_start3A_19 : memref<632x128xf32, #tpu.memory_space<hbm>>) target_semaphore(%run_scoped3A : memref<!tpu.dma_semaphore, #tpu.memory_space<semaphore_mem>>)
        %dma_wait3A = arith.constant 0 : i32
        %dma_wait3A_22 = tpu.memref_slice %arg7[%mul3A_0, %dma_wait3A] : memref<10240x128xf32, #tpu.memory_space<hbm>> -> memref<632x128xf32, #tpu.memory_space<hbm>>
        %dma_wait3A_23 = arith.constant 0 : i32
        %dma_wait3A_24 = tpu.memref_slice %arg15[%mul3A_0, %dma_wait3A_23] : memref<10112x128xf32, #tpu.memory_space<vmem_shared>> -> memref<632x128xf32, #tpu.memory_space<vmem_shared>>
        tpu.wait_dma2 semaphore(%run_scoped3A : memref<!tpu.dma_semaphore, #tpu.memory_space<semaphore_mem>>) src(%dma_wait3A_24 : memref<632x128xf32, #tpu.memory_space<vmem_shared>>) dst(%dma_wait3A_22 : memref<632x128xf32, #tpu.memory_space<hbm>>)
        tpu.yield
      }) : () -> ()
    } else {
    }
    %eq3A_14 = arith.constant 1 : i32
    %eq3A_15 = arith.cmpi eq, %arg0, %eq3A_14 : i32
    %convert_element_type3A_16 = arith.extui %eq3A_15 : i1 to i32
    %cond3A_17 = arith.constant 0 : i32
    %cond3A_18 = arith.cmpi ne, %convert_element_type3A_16, %cond3A_17 : i32
    scf.if %cond3A_18 {
      "tpu.region"() ({
        %run_scoped3A = tpu.sem_alloc : memref<!tpu.dma_semaphore, #tpu.memory_space<semaphore_mem>>
        %dma_start3A = arith.constant 0 : i32
        %dma_start3A_19 = tpu.memref_slice %arg8[%mul3A_0, %dma_start3A] : memref<10240x128xf32, #tpu.memory_space<hbm>> -> memref<632x128xf32, #tpu.memory_space<hbm>>
        %dma_start3A_20 = arith.constant 0 : i32
        %dma_start3A_21 = tpu.memref_slice %arg15[%mul3A_0, %dma_start3A_20] : memref<10112x128xf32, #tpu.memory_space<vmem_shared>> -> memref<632x128xf32, #tpu.memory_space<vmem_shared>>
        tpu.enqueue_dma source(%dma_start3A_21 : memref<632x128xf32, #tpu.memory_space<vmem_shared>>) target(%dma_start3A_19 : memref<632x128xf32, #tpu.memory_space<hbm>>) target_semaphore(%run_scoped3A : memref<!tpu.dma_semaphore, #tpu.memory_space<semaphore_mem>>)
        %dma_wait3A = arith.constant 0 : i32
        %dma_wait3A_22 = tpu.memref_slice %arg8[%mul3A_0, %dma_wait3A] : memref<10240x128xf32, #tpu.memory_space<hbm>> -> memref<632x128xf32, #tpu.memory_space<hbm>>
        %dma_wait3A_23 = arith.constant 0 : i32
        %dma_wait3A_24 = tpu.memref_slice %arg15[%mul3A_0, %dma_wait3A_23] : memref<10112x128xf32, #tpu.memory_space<vmem_shared>> -> memref<632x128xf32, #tpu.memory_space<vmem_shared>>
        tpu.wait_dma2 semaphore(%run_scoped3A : memref<!tpu.dma_semaphore, #tpu.memory_space<semaphore_mem>>) src(%dma_wait3A_24 : memref<632x128xf32, #tpu.memory_space<vmem_shared>>) dst(%dma_wait3A_22 : memref<632x128xf32, #tpu.memory_space<hbm>>)
        tpu.yield
      }) : () -> ()
    } else {
    }
    return
  }
}

#map = affine_map<(d0, d1) -> (0, 0, 0)>
#map1 = affine_map<(d0, d1) -> (0, 0)>
module attributes {stable_mosaic.version = 14 : i64} {
  func.func @body(%arg0: i32, %arg1: i32, %arg2: memref<16x232x88xi32, #tpu.memory_space<hbm>>, %arg3: memref<16x232x88xi32, #tpu.memory_space<hbm>>, %arg4: memref<10240x128xf32, #tpu.memory_space<hbm>>, %arg5: memref<632x128xf32, #tpu.memory_space<hbm>>, %arg6: memref<88x128xf32, #tpu.memory_space<hbm>>, %arg7: memref<10240x128xf32, #tpu.memory_space<hbm>>, %arg8: memref<10240x128xf32, #tpu.memory_space<hbm>>, %arg9: memref<8x88xi32, #tpu.memory_space<vmem>>, %arg10: memref<8x88xi32, #tpu.memory_space<vmem>>, %arg11: memref<88x128xf32, #tpu.memory_space<vmem>>, %arg12: memref<88x128xf32, #tpu.memory_space<vmem>>, %arg13: memref<88x128xf32, #tpu.memory_space<vmem>>, %arg14: memref<88x128xf32, #tpu.memory_space<vmem>>, %arg15: memref<10112x128xf32, #tpu.memory_space<vmem_shared>>, %arg16: memref<!tpu.dma_semaphore, #tpu.memory_space<semaphore_mem>>, %arg17: memref<!tpu.dma_semaphore, #tpu.memory_space<semaphore_mem>>) attributes {dimension_semantics = [#tpu.dimension_semantics<core_parallel>, #tpu.dimension_semantics<subcore_parallel>], iteration_bounds = array<i64: 2, 16>, scalar_prefetch = 0 : i64, scratch_operands = 9 : i64, tpu.core_type = #tpu.core_type<sc_vector_subcore>, window_params = [{transform_indices = #map}, {transform_indices = #map}, {transform_indices = #map1}, {transform_indices = #map1}, {transform_indices = #map1}, {transform_indices = #map1}, {transform_indices = #map1}]} {
    %mul3A = arith.constant 632 : i32
    %mul3A_0 = arith.muli %arg1, %mul3A : i32
    "tpu.region"() ({
      %run_scoped3A = tpu.sem_alloc : memref<!tpu.dma_semaphore, #tpu.memory_space<semaphore_mem>>
      %dma_start3A = arith.constant 0 : i32
      %dma_start3A_24 = tpu.memref_slice %arg15[%mul3A_0, %dma_start3A] : memref<10112x128xf32, #tpu.memory_space<vmem_shared>> -> memref<632x128xf32, #tpu.memory_space<vmem_shared>>
      tpu.enqueue_dma source(%arg5 : memref<632x128xf32, #tpu.memory_space<hbm>>) target(%dma_start3A_24 : memref<632x128xf32, #tpu.memory_space<vmem_shared>>) target_semaphore(%run_scoped3A : memref<!tpu.dma_semaphore, #tpu.memory_space<semaphore_mem>>)
      %dma_wait3A = arith.constant 0 : i32
      %dma_wait3A_25 = tpu.memref_slice %arg15[%mul3A_0, %dma_wait3A] : memref<10112x128xf32, #tpu.memory_space<vmem_shared>> -> memref<632x128xf32, #tpu.memory_space<vmem_shared>>
      tpu.wait_dma2 semaphore(%run_scoped3A : memref<!tpu.dma_semaphore, #tpu.memory_space<semaphore_mem>>) src(%arg5 : memref<632x128xf32, #tpu.memory_space<hbm>>) dst(%dma_wait3A_25 : memref<632x128xf32, #tpu.memory_space<vmem_shared>>)
      tpu.yield
    }) : () -> ()
    %eq3A = arith.constant 1 : i32
    %eq3A_1 = arith.cmpi eq, %arg0, %eq3A : i32
    %convert_element_type3A = arith.extui %eq3A_1 : i1 to i32
    %cond3A = arith.constant 0 : i32
    %cond3A_2 = arith.cmpi ne, %convert_element_type3A, %cond3A : i32
    scf.if %cond3A_2 {
      "tpu.region"() ({
        %run_scoped3A = tpu.sem_alloc : memref<!tpu.dma_semaphore, #tpu.memory_space<semaphore_mem>>
        tpu.enqueue_dma source(%arg6 : memref<88x128xf32, #tpu.memory_space<hbm>>) target(%arg11 : memref<88x128xf32, #tpu.memory_space<vmem>>) target_semaphore(%run_scoped3A : memref<!tpu.dma_semaphore, #tpu.memory_space<semaphore_mem>>)
        tpu.wait_dma2 semaphore(%run_scoped3A : memref<!tpu.dma_semaphore, #tpu.memory_space<semaphore_mem>>) src(%arg6 : memref<88x128xf32, #tpu.memory_space<hbm>>) dst(%arg11 : memref<88x128xf32, #tpu.memory_space<vmem>>)
        tpu.yield
      }) : () -> ()
      "tpu.region"() ({
        %run_scoped3A = tpu.sem_alloc : memref<!tpu.dma_semaphore, #tpu.memory_space<semaphore_mem>>
        tpu.enqueue_dma source(%arg6 : memref<88x128xf32, #tpu.memory_space<hbm>>) target(%arg12 : memref<88x128xf32, #tpu.memory_space<vmem>>) target_semaphore(%run_scoped3A : memref<!tpu.dma_semaphore, #tpu.memory_space<semaphore_mem>>)
        tpu.wait_dma2 semaphore(%run_scoped3A : memref<!tpu.dma_semaphore, #tpu.memory_space<semaphore_mem>>) src(%arg6 : memref<88x128xf32, #tpu.memory_space<hbm>>) dst(%arg12 : memref<88x128xf32, #tpu.memory_space<vmem>>)
        tpu.yield
      }) : () -> ()
      "tpu.region"() ({
        %run_scoped3A = tpu.sem_alloc : memref<!tpu.dma_semaphore, #tpu.memory_space<semaphore_mem>>
        tpu.enqueue_dma source(%arg6 : memref<88x128xf32, #tpu.memory_space<hbm>>) target(%arg13 : memref<88x128xf32, #tpu.memory_space<vmem>>) target_semaphore(%run_scoped3A : memref<!tpu.dma_semaphore, #tpu.memory_space<semaphore_mem>>)
        tpu.wait_dma2 semaphore(%run_scoped3A : memref<!tpu.dma_semaphore, #tpu.memory_space<semaphore_mem>>) src(%arg6 : memref<88x128xf32, #tpu.memory_space<hbm>>) dst(%arg13 : memref<88x128xf32, #tpu.memory_space<vmem>>)
        tpu.yield
      }) : () -> ()
      "tpu.region"() ({
        %run_scoped3A = tpu.sem_alloc : memref<!tpu.dma_semaphore, #tpu.memory_space<semaphore_mem>>
        tpu.enqueue_dma source(%arg6 : memref<88x128xf32, #tpu.memory_space<hbm>>) target(%arg14 : memref<88x128xf32, #tpu.memory_space<vmem>>) target_semaphore(%run_scoped3A : memref<!tpu.dma_semaphore, #tpu.memory_space<semaphore_mem>>)
        tpu.wait_dma2 semaphore(%run_scoped3A : memref<!tpu.dma_semaphore, #tpu.memory_space<semaphore_mem>>) src(%arg6 : memref<88x128xf32, #tpu.memory_space<hbm>>) dst(%arg14 : memref<88x128xf32, #tpu.memory_space<vmem>>)
        tpu.yield
      }) : () -> ()
    } else {
    }
    %barrier3A = arith.constant 0 : index
    tpu.barrier barrier_id(%barrier3A)
    %eq3A_3 = arith.constant 0 : i32
    %eq3A_4 = arith.cmpi eq, %arg0, %eq3A_3 : i32
    %convert_element_type3A_5 = arith.extui %eq3A_4 : i1 to i32
    %cond3A_6 = arith.constant 0 : i32
    %cond3A_7 = arith.cmpi ne, %convert_element_type3A_5, %cond3A_6 : i32
    scf.if %cond3A_7 {
      %scan3A = arith.constant 0 : i32
      %scan3A_24 = arith.constant 0 : i32
      %scan3A_25 = arith.constant 29 : i32
      %scan3A_26 = arith.addi %scan3A_24, %scan3A_25 : i32
      %scan3A_27 = arith.constant 1 : i32
      scf.for %scan3A_29 = %scan3A_24 to %scan3A_26 step %scan3A_27  : i32 {
        %mul3A_30 = arith.constant 8 : i32
        %mul3A_31 = arith.muli %scan3A_29, %mul3A_30 : i32
        "tpu.region"() ({
          %run_scoped3A = tpu.sem_alloc : memref<!tpu.dma_semaphore, #tpu.memory_space<semaphore_mem>>
          %dma_start3A_256 = arith.constant 0 : i32
          %dma_start3A_257 = tpu.memref_slice %arg2[%arg1, %mul3A_31, %dma_start3A_256] : memref<16x232x88xi32, #tpu.memory_space<hbm>> -> memref<1x8x88xi32, #tpu.memory_space<hbm>>
          %dma_start3A_258 = tpu.memref_squeeze %dma_start3A_257 : memref<1x8x88xi32, #tpu.memory_space<hbm>> -> memref<8x88xi32, #tpu.memory_space<hbm>>
          %dma_start3A_259 = arith.constant 0 : i32
          %dma_start3A_260 = tpu.memref_slice %arg2[%arg1, %mul3A_31, %dma_start3A_259] : memref<16x232x88xi32, #tpu.memory_space<hbm>> -> memref<1x8x88xi32, #tpu.memory_space<hbm>>
          %dma_start3A_261 = tpu.memref_squeeze %dma_start3A_260 : memref<1x8x88xi32, #tpu.memory_space<hbm>> -> memref<8x88xi32, #tpu.memory_space<hbm>>
          tpu.enqueue_dma source(%dma_start3A_261 : memref<8x88xi32, #tpu.memory_space<hbm>>) target(%arg9 : memref<8x88xi32, #tpu.memory_space<vmem>>) target_semaphore(%run_scoped3A : memref<!tpu.dma_semaphore, #tpu.memory_space<semaphore_mem>>)
          %dma_wait3A_262 = arith.constant 0 : i32
          %dma_wait3A_263 = tpu.memref_slice %arg2[%arg1, %mul3A_31, %dma_wait3A_262] : memref<16x232x88xi32, #tpu.memory_space<hbm>> -> memref<1x8x88xi32, #tpu.memory_space<hbm>>
          %dma_wait3A_264 = tpu.memref_squeeze %dma_wait3A_263 : memref<1x8x88xi32, #tpu.memory_space<hbm>> -> memref<8x88xi32, #tpu.memory_space<hbm>>
          %dma_wait3A_265 = arith.constant 0 : i32
          %dma_wait3A_266 = tpu.memref_slice %arg2[%arg1, %mul3A_31, %dma_wait3A_265] : memref<16x232x88xi32, #tpu.memory_space<hbm>> -> memref<1x8x88xi32, #tpu.memory_space<hbm>>
          %dma_wait3A_267 = tpu.memref_squeeze %dma_wait3A_266 : memref<1x8x88xi32, #tpu.memory_space<hbm>> -> memref<8x88xi32, #tpu.memory_space<hbm>>
          tpu.wait_dma2 semaphore(%run_scoped3A : memref<!tpu.dma_semaphore, #tpu.memory_space<semaphore_mem>>) src(%dma_wait3A_267 : memref<8x88xi32, #tpu.memory_space<hbm>>) dst(%arg9 : memref<8x88xi32, #tpu.memory_space<vmem>>)
          tpu.yield
        }) : () -> ()
        %mul3A_32 = arith.constant 8 : i32
        %mul3A_33 = arith.muli %scan3A_29, %mul3A_32 : i32
        "tpu.region"() ({
          %run_scoped3A = tpu.sem_alloc : memref<!tpu.dma_semaphore, #tpu.memory_space<semaphore_mem>>
          %dma_start3A_256 = arith.constant 0 : i32
          %dma_start3A_257 = tpu.memref_slice %arg3[%arg1, %mul3A_33, %dma_start3A_256] : memref<16x232x88xi32, #tpu.memory_space<hbm>> -> memref<1x8x88xi32, #tpu.memory_space<hbm>>
          %dma_start3A_258 = tpu.memref_squeeze %dma_start3A_257 : memref<1x8x88xi32, #tpu.memory_space<hbm>> -> memref<8x88xi32, #tpu.memory_space<hbm>>
          %dma_start3A_259 = arith.constant 0 : i32
          %dma_start3A_260 = tpu.memref_slice %arg3[%arg1, %mul3A_33, %dma_start3A_259] : memref<16x232x88xi32, #tpu.memory_space<hbm>> -> memref<1x8x88xi32, #tpu.memory_space<hbm>>
          %dma_start3A_261 = tpu.memref_squeeze %dma_start3A_260 : memref<1x8x88xi32, #tpu.memory_space<hbm>> -> memref<8x88xi32, #tpu.memory_space<hbm>>
          tpu.enqueue_dma source(%dma_start3A_261 : memref<8x88xi32, #tpu.memory_space<hbm>>) target(%arg10 : memref<8x88xi32, #tpu.memory_space<vmem>>) target_semaphore(%run_scoped3A : memref<!tpu.dma_semaphore, #tpu.memory_space<semaphore_mem>>)
          %dma_wait3A_262 = arith.constant 0 : i32
          %dma_wait3A_263 = tpu.memref_slice %arg3[%arg1, %mul3A_33, %dma_wait3A_262] : memref<16x232x88xi32, #tpu.memory_space<hbm>> -> memref<1x8x88xi32, #tpu.memory_space<hbm>>
          %dma_wait3A_264 = tpu.memref_squeeze %dma_wait3A_263 : memref<1x8x88xi32, #tpu.memory_space<hbm>> -> memref<8x88xi32, #tpu.memory_space<hbm>>
          %dma_wait3A_265 = arith.constant 0 : i32
          %dma_wait3A_266 = tpu.memref_slice %arg3[%arg1, %mul3A_33, %dma_wait3A_265] : memref<16x232x88xi32, #tpu.memory_space<hbm>> -> memref<1x8x88xi32, #tpu.memory_space<hbm>>
          %dma_wait3A_267 = tpu.memref_squeeze %dma_wait3A_266 : memref<1x8x88xi32, #tpu.memory_space<hbm>> -> memref<8x88xi32, #tpu.memory_space<hbm>>
          tpu.wait_dma2 semaphore(%run_scoped3A : memref<!tpu.dma_semaphore, #tpu.memory_space<semaphore_mem>>) src(%dma_wait3A_267 : memref<8x88xi32, #tpu.memory_space<hbm>>) dst(%arg10 : memref<8x88xi32, #tpu.memory_space<vmem>>)
          tpu.yield
        }) : () -> ()
        %dma_start3A = arith.constant 0 : i32
        %dma_start3A_34 = arith.constant 0 : i32
        %dma_start3A_35 = tpu.memref_slice %arg9[%dma_start3A, %dma_start3A_34] : memref<8x88xi32, #tpu.memory_space<vmem>> -> memref<1x88xi32, #tpu.memory_space<vmem>>
        %dma_start3A_36 = tpu.memref_squeeze %dma_start3A_35 : memref<1x88xi32, #tpu.memory_space<vmem>> -> memref<88xi32, #tpu.memory_space<vmem>>
        %dma_start3A_37 = arith.constant 0 : i32
        %dma_start3A_38 = arith.constant 0 : i32
        %dma_start3A_39 = tpu.memref_slice %arg4[%dma_start3A_37, %dma_start3A_38] : memref<10240x128xf32, #tpu.memory_space<hbm>> -> memref<10240x128xf32, #tpu.memory_space<hbm>>
        tpu.enqueue_indirect_dma source(%dma_start3A_39 : memref<10240x128xf32, #tpu.memory_space<hbm>>) target(%arg11 : memref<88x128xf32, #tpu.memory_space<vmem>>) offsets(%dma_start3A_36 : memref<88xi32, #tpu.memory_space<vmem>>) semaphore(%arg16 : memref<!tpu.dma_semaphore, #tpu.memory_space<semaphore_mem>>)
        %dma_start3A_40 = arith.constant 1 : i32
        %dma_start3A_41 = arith.constant 0 : i32
        %dma_start3A_42 = tpu.memref_slice %arg9[%dma_start3A_40, %dma_start3A_41] : memref<8x88xi32, #tpu.memory_space<vmem>> -> memref<1x88xi32, #tpu.memory_space<vmem>>
        %dma_start3A_43 = tpu.memref_squeeze %dma_start3A_42 : memref<1x88xi32, #tpu.memory_space<vmem>> -> memref<88xi32, #tpu.memory_space<vmem>>
        %dma_start3A_44 = arith.constant 0 : i32
        %dma_start3A_45 = arith.constant 0 : i32
        %dma_start3A_46 = tpu.memref_slice %arg4[%dma_start3A_44, %dma_start3A_45] : memref<10240x128xf32, #tpu.memory_space<hbm>> -> memref<10240x128xf32, #tpu.memory_space<hbm>>
        tpu.enqueue_indirect_dma source(%dma_start3A_46 : memref<10240x128xf32, #tpu.memory_space<hbm>>) target(%arg12 : memref<88x128xf32, #tpu.memory_space<vmem>>) offsets(%dma_start3A_43 : memref<88xi32, #tpu.memory_space<vmem>>) semaphore(%arg16 : memref<!tpu.dma_semaphore, #tpu.memory_space<semaphore_mem>>)
        %dma_start3A_47 = arith.constant 2 : i32
        %dma_start3A_48 = arith.constant 0 : i32
        %dma_start3A_49 = tpu.memref_slice %arg9[%dma_start3A_47, %dma_start3A_48] : memref<8x88xi32, #tpu.memory_space<vmem>> -> memref<1x88xi32, #tpu.memory_space<vmem>>
        %dma_start3A_50 = tpu.memref_squeeze %dma_start3A_49 : memref<1x88xi32, #tpu.memory_space<vmem>> -> memref<88xi32, #tpu.memory_space<vmem>>
        %dma_start3A_51 = arith.constant 0 : i32
        %dma_start3A_52 = arith.constant 0 : i32
        %dma_start3A_53 = tpu.memref_slice %arg4[%dma_start3A_51, %dma_start3A_52] : memref<10240x128xf32, #tpu.memory_space<hbm>> -> memref<10240x128xf32, #tpu.memory_space<hbm>>
        tpu.enqueue_indirect_dma source(%dma_start3A_53 : memref<10240x128xf32, #tpu.memory_space<hbm>>) target(%arg13 : memref<88x128xf32, #tpu.memory_space<vmem>>) offsets(%dma_start3A_50 : memref<88xi32, #tpu.memory_space<vmem>>) semaphore(%arg16 : memref<!tpu.dma_semaphore, #tpu.memory_space<semaphore_mem>>)
        %dma_start3A_54 = arith.constant 3 : i32
        %dma_start3A_55 = arith.constant 0 : i32
        %dma_start3A_56 = tpu.memref_slice %arg9[%dma_start3A_54, %dma_start3A_55] : memref<8x88xi32, #tpu.memory_space<vmem>> -> memref<1x88xi32, #tpu.memory_space<vmem>>
        %dma_start3A_57 = tpu.memref_squeeze %dma_start3A_56 : memref<1x88xi32, #tpu.memory_space<vmem>> -> memref<88xi32, #tpu.memory_space<vmem>>
        %dma_start3A_58 = arith.constant 0 : i32
        %dma_start3A_59 = arith.constant 0 : i32
        %dma_start3A_60 = tpu.memref_slice %arg4[%dma_start3A_58, %dma_start3A_59] : memref<10240x128xf32, #tpu.memory_space<hbm>> -> memref<10240x128xf32, #tpu.memory_space<hbm>>
        tpu.enqueue_indirect_dma source(%dma_start3A_60 : memref<10240x128xf32, #tpu.memory_space<hbm>>) target(%arg14 : memref<88x128xf32, #tpu.memory_space<vmem>>) offsets(%dma_start3A_57 : memref<88xi32, #tpu.memory_space<vmem>>) semaphore(%arg16 : memref<!tpu.dma_semaphore, #tpu.memory_space<semaphore_mem>>)
        %dma_wait3A = arith.constant 0 : i32
        %dma_wait3A_61 = arith.constant 0 : i32
        %dma_wait3A_62 = tpu.memref_slice %arg9[%dma_wait3A, %dma_wait3A_61] : memref<8x88xi32, #tpu.memory_space<vmem>> -> memref<1x88xi32, #tpu.memory_space<vmem>>
        %dma_wait3A_63 = tpu.memref_squeeze %dma_wait3A_62 : memref<1x88xi32, #tpu.memory_space<vmem>> -> memref<88xi32, #tpu.memory_space<vmem>>
        %dma_wait3A_64 = arith.constant 0 : i32
        %dma_wait3A_65 = arith.constant 0 : i32
        %dma_wait3A_66 = tpu.memref_slice %arg4[%dma_wait3A_64, %dma_wait3A_65] : memref<10240x128xf32, #tpu.memory_space<hbm>> -> memref<10240x128xf32, #tpu.memory_space<hbm>>
        tpu.wait_indirect_dma semaphore(%arg16 : memref<!tpu.dma_semaphore, #tpu.memory_space<semaphore_mem>>) src(%dma_wait3A_66 : memref<10240x128xf32, #tpu.memory_space<hbm>>) dst(%arg11 : memref<88x128xf32, #tpu.memory_space<vmem>>)
        %dma_start3A_67 = arith.constant 0 : i32
        %dma_start3A_68 = arith.constant 0 : i32
        %dma_start3A_69 = tpu.memref_slice %arg10[%dma_start3A_67, %dma_start3A_68] : memref<8x88xi32, #tpu.memory_space<vmem>> -> memref<1x88xi32, #tpu.memory_space<vmem>>
        %dma_start3A_70 = tpu.memref_squeeze %dma_start3A_69 : memref<1x88xi32, #tpu.memory_space<vmem>> -> memref<88xi32, #tpu.memory_space<vmem>>
        %dma_start3A_71 = arith.constant 0 : i32
        %dma_start3A_72 = arith.constant 0 : i32
        %dma_start3A_73 = tpu.memref_slice %arg15[%dma_start3A_71, %dma_start3A_72] : memref<10112x128xf32, #tpu.memory_space<vmem_shared>> -> memref<10112x128xf32, #tpu.memory_space<vmem_shared>>
        tpu.enqueue_indirect_dma source(%arg11 : memref<88x128xf32, #tpu.memory_space<vmem>>) target(%dma_start3A_73 : memref<10112x128xf32, #tpu.memory_space<vmem_shared>>) offsets(%dma_start3A_70 : memref<88xi32, #tpu.memory_space<vmem>>) semaphore(%arg17 : memref<!tpu.dma_semaphore, #tpu.memory_space<semaphore_mem>>) {add = true}
        %dma_wait3A_74 = arith.constant 1 : i32
        %dma_wait3A_75 = arith.constant 0 : i32
        %dma_wait3A_76 = tpu.memref_slice %arg9[%dma_wait3A_74, %dma_wait3A_75] : memref<8x88xi32, #tpu.memory_space<vmem>> -> memref<1x88xi32, #tpu.memory_space<vmem>>
        %dma_wait3A_77 = tpu.memref_squeeze %dma_wait3A_76 : memref<1x88xi32, #tpu.memory_space<vmem>> -> memref<88xi32, #tpu.memory_space<vmem>>
        %dma_wait3A_78 = arith.constant 0 : i32
        %dma_wait3A_79 = arith.constant 0 : i32
        %dma_wait3A_80 = tpu.memref_slice %arg4[%dma_wait3A_78, %dma_wait3A_79] : memref<10240x128xf32, #tpu.memory_space<hbm>> -> memref<10240x128xf32, #tpu.memory_space<hbm>>
        tpu.wait_indirect_dma semaphore(%arg16 : memref<!tpu.dma_semaphore, #tpu.memory_space<semaphore_mem>>) src(%dma_wait3A_80 : memref<10240x128xf32, #tpu.memory_space<hbm>>) dst(%arg12 : memref<88x128xf32, #tpu.memory_space<vmem>>)
        %dma_start3A_81 = arith.constant 1 : i32
        %dma_start3A_82 = arith.constant 0 : i32
        %dma_start3A_83 = tpu.memref_slice %arg10[%dma_start3A_81, %dma_start3A_82] : memref<8x88xi32, #tpu.memory_space<vmem>> -> memref<1x88xi32, #tpu.memory_space<vmem>>
        %dma_start3A_84 = tpu.memref_squeeze %dma_start3A_83 : memref<1x88xi32, #tpu.memory_space<vmem>> -> memref<88xi32, #tpu.memory_space<vmem>>
        %dma_start3A_85 = arith.constant 0 : i32
        %dma_start3A_86 = arith.constant 0 : i32
        %dma_start3A_87 = tpu.memref_slice %arg15[%dma_start3A_85, %dma_start3A_86] : memref<10112x128xf32, #tpu.memory_space<vmem_shared>> -> memref<10112x128xf32, #tpu.memory_space<vmem_shared>>
        tpu.enqueue_indirect_dma source(%arg12 : memref<88x128xf32, #tpu.memory_space<vmem>>) target(%dma_start3A_87 : memref<10112x128xf32, #tpu.memory_space<vmem_shared>>) offsets(%dma_start3A_84 : memref<88xi32, #tpu.memory_space<vmem>>) semaphore(%arg17 : memref<!tpu.dma_semaphore, #tpu.memory_space<semaphore_mem>>) {add = true}
        %dma_wait3A_88 = arith.constant 2 : i32
        %dma_wait3A_89 = arith.constant 0 : i32
        %dma_wait3A_90 = tpu.memref_slice %arg9[%dma_wait3A_88, %dma_wait3A_89] : memref<8x88xi32, #tpu.memory_space<vmem>> -> memref<1x88xi32, #tpu.memory_space<vmem>>
        %dma_wait3A_91 = tpu.memref_squeeze %dma_wait3A_90 : memref<1x88xi32, #tpu.memory_space<vmem>> -> memref<88xi32, #tpu.memory_space<vmem>>
        %dma_wait3A_92 = arith.constant 0 : i32
        %dma_wait3A_93 = arith.constant 0 : i32
        %dma_wait3A_94 = tpu.memref_slice %arg4[%dma_wait3A_92, %dma_wait3A_93] : memref<10240x128xf32, #tpu.memory_space<hbm>> -> memref<10240x128xf32, #tpu.memory_space<hbm>>
        tpu.wait_indirect_dma semaphore(%arg16 : memref<!tpu.dma_semaphore, #tpu.memory_space<semaphore_mem>>) src(%dma_wait3A_94 : memref<10240x128xf32, #tpu.memory_space<hbm>>) dst(%arg13 : memref<88x128xf32, #tpu.memory_space<vmem>>)
        %dma_start3A_95 = arith.constant 2 : i32
        %dma_start3A_96 = arith.constant 0 : i32
        %dma_start3A_97 = tpu.memref_slice %arg10[%dma_start3A_95, %dma_start3A_96] : memref<8x88xi32, #tpu.memory_space<vmem>> -> memref<1x88xi32, #tpu.memory_space<vmem>>
        %dma_start3A_98 = tpu.memref_squeeze %dma_start3A_97 : memref<1x88xi32, #tpu.memory_space<vmem>> -> memref<88xi32, #tpu.memory_space<vmem>>
        %dma_start3A_99 = arith.constant 0 : i32
        %dma_start3A_100 = arith.constant 0 : i32
        %dma_start3A_101 = tpu.memref_slice %arg15[%dma_start3A_99, %dma_start3A_100] : memref<10112x128xf32, #tpu.memory_space<vmem_shared>> -> memref<10112x128xf32, #tpu.memory_space<vmem_shared>>
        tpu.enqueue_indirect_dma source(%arg13 : memref<88x128xf32, #tpu.memory_space<vmem>>) target(%dma_start3A_101 : memref<10112x128xf32, #tpu.memory_space<vmem_shared>>) offsets(%dma_start3A_98 : memref<88xi32, #tpu.memory_space<vmem>>) semaphore(%arg17 : memref<!tpu.dma_semaphore, #tpu.memory_space<semaphore_mem>>) {add = true}
        %dma_wait3A_102 = arith.constant 3 : i32
        %dma_wait3A_103 = arith.constant 0 : i32
        %dma_wait3A_104 = tpu.memref_slice %arg9[%dma_wait3A_102, %dma_wait3A_103] : memref<8x88xi32, #tpu.memory_space<vmem>> -> memref<1x88xi32, #tpu.memory_space<vmem>>
        %dma_wait3A_105 = tpu.memref_squeeze %dma_wait3A_104 : memref<1x88xi32, #tpu.memory_space<vmem>> -> memref<88xi32, #tpu.memory_space<vmem>>
        %dma_wait3A_106 = arith.constant 0 : i32
        %dma_wait3A_107 = arith.constant 0 : i32
        %dma_wait3A_108 = tpu.memref_slice %arg4[%dma_wait3A_106, %dma_wait3A_107] : memref<10240x128xf32, #tpu.memory_space<hbm>> -> memref<10240x128xf32, #tpu.memory_space<hbm>>
        tpu.wait_indirect_dma semaphore(%arg16 : memref<!tpu.dma_semaphore, #tpu.memory_space<semaphore_mem>>) src(%dma_wait3A_108 : memref<10240x128xf32, #tpu.memory_space<hbm>>) dst(%arg14 : memref<88x128xf32, #tpu.memory_space<vmem>>)
        %dma_start3A_109 = arith.constant 3 : i32
        %dma_start3A_110 = arith.constant 0 : i32
        %dma_start3A_111 = tpu.memref_slice %arg10[%dma_start3A_109, %dma_start3A_110] : memref<8x88xi32, #tpu.memory_space<vmem>> -> memref<1x88xi32, #tpu.memory_space<vmem>>
        %dma_start3A_112 = tpu.memref_squeeze %dma_start3A_111 : memref<1x88xi32, #tpu.memory_space<vmem>> -> memref<88xi32, #tpu.memory_space<vmem>>
        %dma_start3A_113 = arith.constant 0 : i32
        %dma_start3A_114 = arith.constant 0 : i32
        %dma_start3A_115 = tpu.memref_slice %arg15[%dma_start3A_113, %dma_start3A_114] : memref<10112x128xf32, #tpu.memory_space<vmem_shared>> -> memref<10112x128xf32, #tpu.memory_space<vmem_shared>>
        tpu.enqueue_indirect_dma source(%arg14 : memref<88x128xf32, #tpu.memory_space<vmem>>) target(%dma_start3A_115 : memref<10112x128xf32, #tpu.memory_space<vmem_shared>>) offsets(%dma_start3A_112 : memref<88xi32, #tpu.memory_space<vmem>>) semaphore(%arg17 : memref<!tpu.dma_semaphore, #tpu.memory_space<semaphore_mem>>) {add = true}
        %dma_wait3A_116 = arith.constant 0 : i32
        %dma_wait3A_117 = arith.constant 0 : i32
        %dma_wait3A_118 = tpu.memref_slice %arg10[%dma_wait3A_116, %dma_wait3A_117] : memref<8x88xi32, #tpu.memory_space<vmem>> -> memref<1x88xi32, #tpu.memory_space<vmem>>
        %dma_wait3A_119 = tpu.memref_squeeze %dma_wait3A_118 : memref<1x88xi32, #tpu.memory_space<vmem>> -> memref<88xi32, #tpu.memory_space<vmem>>
        %dma_wait3A_120 = arith.constant 0 : i32
        %dma_wait3A_121 = arith.constant 0 : i32
        %dma_wait3A_122 = tpu.memref_slice %arg15[%dma_wait3A_120, %dma_wait3A_121] : memref<10112x128xf32, #tpu.memory_space<vmem_shared>> -> memref<10112x128xf32, #tpu.memory_space<vmem_shared>>
        tpu.wait_indirect_dma semaphore(%arg17 : memref<!tpu.dma_semaphore, #tpu.memory_space<semaphore_mem>>) src(%arg11 : memref<88x128xf32, #tpu.memory_space<vmem>>) dst(%dma_wait3A_122 : memref<10112x128xf32, #tpu.memory_space<vmem_shared>>)
        %dma_wait3A_123 = arith.constant 1 : i32
        %dma_wait3A_124 = arith.constant 0 : i32
        %dma_wait3A_125 = tpu.memref_slice %arg10[%dma_wait3A_123, %dma_wait3A_124] : memref<8x88xi32, #tpu.memory_space<vmem>> -> memref<1x88xi32, #tpu.memory_space<vmem>>
        %dma_wait3A_126 = tpu.memref_squeeze %dma_wait3A_125 : memref<1x88xi32, #tpu.memory_space<vmem>> -> memref<88xi32, #tpu.memory_space<vmem>>
        %dma_wait3A_127 = arith.constant 0 : i32
        %dma_wait3A_128 = arith.constant 0 : i32
        %dma_wait3A_129 = tpu.memref_slice %arg15[%dma_wait3A_127, %dma_wait3A_128] : memref<10112x128xf32, #tpu.memory_space<vmem_shared>> -> memref<10112x128xf32, #tpu.memory_space<vmem_shared>>
        tpu.wait_indirect_dma semaphore(%arg17 : memref<!tpu.dma_semaphore, #tpu.memory_space<semaphore_mem>>) src(%arg12 : memref<88x128xf32, #tpu.memory_space<vmem>>) dst(%dma_wait3A_129 : memref<10112x128xf32, #tpu.memory_space<vmem_shared>>)
        %dma_wait3A_130 = arith.constant 2 : i32
        %dma_wait3A_131 = arith.constant 0 : i32
        %dma_wait3A_132 = tpu.memref_slice %arg10[%dma_wait3A_130, %dma_wait3A_131] : memref<8x88xi32, #tpu.memory_space<vmem>> -> memref<1x88xi32, #tpu.memory_space<vmem>>
        %dma_wait3A_133 = tpu.memref_squeeze %dma_wait3A_132 : memref<1x88xi32, #tpu.memory_space<vmem>> -> memref<88xi32, #tpu.memory_space<vmem>>
        %dma_wait3A_134 = arith.constant 0 : i32
        %dma_wait3A_135 = arith.constant 0 : i32
        %dma_wait3A_136 = tpu.memref_slice %arg15[%dma_wait3A_134, %dma_wait3A_135] : memref<10112x128xf32, #tpu.memory_space<vmem_shared>> -> memref<10112x128xf32, #tpu.memory_space<vmem_shared>>
        tpu.wait_indirect_dma semaphore(%arg17 : memref<!tpu.dma_semaphore, #tpu.memory_space<semaphore_mem>>) src(%arg13 : memref<88x128xf32, #tpu.memory_space<vmem>>) dst(%dma_wait3A_136 : memref<10112x128xf32, #tpu.memory_space<vmem_shared>>)
        %dma_wait3A_137 = arith.constant 3 : i32
        %dma_wait3A_138 = arith.constant 0 : i32
        %dma_wait3A_139 = tpu.memref_slice %arg10[%dma_wait3A_137, %dma_wait3A_138] : memref<8x88xi32, #tpu.memory_space<vmem>> -> memref<1x88xi32, #tpu.memory_space<vmem>>
        %dma_wait3A_140 = tpu.memref_squeeze %dma_wait3A_139 : memref<1x88xi32, #tpu.memory_space<vmem>> -> memref<88xi32, #tpu.memory_space<vmem>>
        %dma_wait3A_141 = arith.constant 0 : i32
        %dma_wait3A_142 = arith.constant 0 : i32
        %dma_wait3A_143 = tpu.memref_slice %arg15[%dma_wait3A_141, %dma_wait3A_142] : memref<10112x128xf32, #tpu.memory_space<vmem_shared>> -> memref<10112x128xf32, #tpu.memory_space<vmem_shared>>
        tpu.wait_indirect_dma semaphore(%arg17 : memref<!tpu.dma_semaphore, #tpu.memory_space<semaphore_mem>>) src(%arg14 : memref<88x128xf32, #tpu.memory_space<vmem>>) dst(%dma_wait3A_143 : memref<10112x128xf32, #tpu.memory_space<vmem_shared>>)
        %dma_start3A_144 = arith.constant 4 : i32
        %dma_start3A_145 = arith.constant 0 : i32
        %dma_start3A_146 = tpu.memref_slice %arg9[%dma_start3A_144, %dma_start3A_145] : memref<8x88xi32, #tpu.memory_space<vmem>> -> memref<1x88xi32, #tpu.memory_space<vmem>>
        %dma_start3A_147 = tpu.memref_squeeze %dma_start3A_146 : memref<1x88xi32, #tpu.memory_space<vmem>> -> memref<88xi32, #tpu.memory_space<vmem>>
        %dma_start3A_148 = arith.constant 0 : i32
        %dma_start3A_149 = arith.constant 0 : i32
        %dma_start3A_150 = tpu.memref_slice %arg4[%dma_start3A_148, %dma_start3A_149] : memref<10240x128xf32, #tpu.memory_space<hbm>> -> memref<10240x128xf32, #tpu.memory_space<hbm>>
        tpu.enqueue_indirect_dma source(%dma_start3A_150 : memref<10240x128xf32, #tpu.memory_space<hbm>>) target(%arg11 : memref<88x128xf32, #tpu.memory_space<vmem>>) offsets(%dma_start3A_147 : memref<88xi32, #tpu.memory_space<vmem>>) semaphore(%arg16 : memref<!tpu.dma_semaphore, #tpu.memory_space<semaphore_mem>>)
        %dma_start3A_151 = arith.constant 5 : i32
        %dma_start3A_152 = arith.constant 0 : i32
        %dma_start3A_153 = tpu.memref_slice %arg9[%dma_start3A_151, %dma_start3A_152] : memref<8x88xi32, #tpu.memory_space<vmem>> -> memref<1x88xi32, #tpu.memory_space<vmem>>
        %dma_start3A_154 = tpu.memref_squeeze %dma_start3A_153 : memref<1x88xi32, #tpu.memory_space<vmem>> -> memref<88xi32, #tpu.memory_space<vmem>>
        %dma_start3A_155 = arith.constant 0 : i32
        %dma_start3A_156 = arith.constant 0 : i32
        %dma_start3A_157 = tpu.memref_slice %arg4[%dma_start3A_155, %dma_start3A_156] : memref<10240x128xf32, #tpu.memory_space<hbm>> -> memref<10240x128xf32, #tpu.memory_space<hbm>>
        tpu.enqueue_indirect_dma source(%dma_start3A_157 : memref<10240x128xf32, #tpu.memory_space<hbm>>) target(%arg12 : memref<88x128xf32, #tpu.memory_space<vmem>>) offsets(%dma_start3A_154 : memref<88xi32, #tpu.memory_space<vmem>>) semaphore(%arg16 : memref<!tpu.dma_semaphore, #tpu.memory_space<semaphore_mem>>)
        %dma_start3A_158 = arith.constant 6 : i32
        %dma_start3A_159 = arith.constant 0 : i32
        %dma_start3A_160 = tpu.memref_slice %arg9[%dma_start3A_158, %dma_start3A_159] : memref<8x88xi32, #tpu.memory_space<vmem>> -> memref<1x88xi32, #tpu.memory_space<vmem>>
        %dma_start3A_161 = tpu.memref_squeeze %dma_start3A_160 : memref<1x88xi32, #tpu.memory_space<vmem>> -> memref<88xi32, #tpu.memory_space<vmem>>
        %dma_start3A_162 = arith.constant 0 : i32
        %dma_start3A_163 = arith.constant 0 : i32
        %dma_start3A_164 = tpu.memref_slice %arg4[%dma_start3A_162, %dma_start3A_163] : memref<10240x128xf32, #tpu.memory_space<hbm>> -> memref<10240x128xf32, #tpu.memory_space<hbm>>
        tpu.enqueue_indirect_dma source(%dma_start3A_164 : memref<10240x128xf32, #tpu.memory_space<hbm>>) target(%arg13 : memref<88x128xf32, #tpu.memory_space<vmem>>) offsets(%dma_start3A_161 : memref<88xi32, #tpu.memory_space<vmem>>) semaphore(%arg16 : memref<!tpu.dma_semaphore, #tpu.memory_space<semaphore_mem>>)
        %dma_start3A_165 = arith.constant 7 : i32
        %dma_start3A_166 = arith.constant 0 : i32
        %dma_start3A_167 = tpu.memref_slice %arg9[%dma_start3A_165, %dma_start3A_166] : memref<8x88xi32, #tpu.memory_space<vmem>> -> memref<1x88xi32, #tpu.memory_space<vmem>>
        %dma_start3A_168 = tpu.memref_squeeze %dma_start3A_167 : memref<1x88xi32, #tpu.memory_space<vmem>> -> memref<88xi32, #tpu.memory_space<vmem>>
        %dma_start3A_169 = arith.constant 0 : i32
        %dma_start3A_170 = arith.constant 0 : i32
        %dma_start3A_171 = tpu.memref_slice %arg4[%dma_start3A_169, %dma_start3A_170] : memref<10240x128xf32, #tpu.memory_space<hbm>> -> memref<10240x128xf32, #tpu.memory_space<hbm>>
        tpu.enqueue_indirect_dma source(%dma_start3A_171 : memref<10240x128xf32, #tpu.memory_space<hbm>>) target(%arg14 : memref<88x128xf32, #tpu.memory_space<vmem>>) offsets(%dma_start3A_168 : memref<88xi32, #tpu.memory_space<vmem>>) semaphore(%arg16 : memref<!tpu.dma_semaphore, #tpu.memory_space<semaphore_mem>>)
        %dma_wait3A_172 = arith.constant 4 : i32
        %dma_wait3A_173 = arith.constant 0 : i32
        %dma_wait3A_174 = tpu.memref_slice %arg9[%dma_wait3A_172, %dma_wait3A_173] : memref<8x88xi32, #tpu.memory_space<vmem>> -> memref<1x88xi32, #tpu.memory_space<vmem>>
        %dma_wait3A_175 = tpu.memref_squeeze %dma_wait3A_174 : memref<1x88xi32, #tpu.memory_space<vmem>> -> memref<88xi32, #tpu.memory_space<vmem>>
        %dma_wait3A_176 = arith.constant 0 : i32
        %dma_wait3A_177 = arith.constant 0 : i32
        %dma_wait3A_178 = tpu.memref_slice %arg4[%dma_wait3A_176, %dma_wait3A_177] : memref<10240x128xf32, #tpu.memory_space<hbm>> -> memref<10240x128xf32, #tpu.memory_space<hbm>>
        tpu.wait_indirect_dma semaphore(%arg16 : memref<!tpu.dma_semaphore, #tpu.memory_space<semaphore_mem>>) src(%dma_wait3A_178 : memref<10240x128xf32, #tpu.memory_space<hbm>>) dst(%arg11 : memref<88x128xf32, #tpu.memory_space<vmem>>)
        %dma_start3A_179 = arith.constant 4 : i32
        %dma_start3A_180 = arith.constant 0 : i32
        %dma_start3A_181 = tpu.memref_slice %arg10[%dma_start3A_179, %dma_start3A_180] : memref<8x88xi32, #tpu.memory_space<vmem>> -> memref<1x88xi32, #tpu.memory_space<vmem>>
        %dma_start3A_182 = tpu.memref_squeeze %dma_start3A_181 : memref<1x88xi32, #tpu.memory_space<vmem>> -> memref<88xi32, #tpu.memory_space<vmem>>
        %dma_start3A_183 = arith.constant 0 : i32
        %dma_start3A_184 = arith.constant 0 : i32
        %dma_start3A_185 = tpu.memref_slice %arg15[%dma_start3A_183, %dma_start3A_184] : memref<10112x128xf32, #tpu.memory_space<vmem_shared>> -> memref<10112x128xf32, #tpu.memory_space<vmem_shared>>
        tpu.enqueue_indirect_dma source(%arg11 : memref<88x128xf32, #tpu.memory_space<vmem>>) target(%dma_start3A_185 : memref<10112x128xf32, #tpu.memory_space<vmem_shared>>) offsets(%dma_start3A_182 : memref<88xi32, #tpu.memory_space<vmem>>) semaphore(%arg17 : memref<!tpu.dma_semaphore, #tpu.memory_space<semaphore_mem>>) {add = true}
        %dma_wait3A_186 = arith.constant 5 : i32
        %dma_wait3A_187 = arith.constant 0 : i32
        %dma_wait3A_188 = tpu.memref_slice %arg9[%dma_wait3A_186, %dma_wait3A_187] : memref<8x88xi32, #tpu.memory_space<vmem>> -> memref<1x88xi32, #tpu.memory_space<vmem>>
        %dma_wait3A_189 = tpu.memref_squeeze %dma_wait3A_188 : memref<1x88xi32, #tpu.memory_space<vmem>> -> memref<88xi32, #tpu.memory_space<vmem>>
        %dma_wait3A_190 = arith.constant 0 : i32
        %dma_wait3A_191 = arith.constant 0 : i32
        %dma_wait3A_192 = tpu.memref_slice %arg4[%dma_wait3A_190, %dma_wait3A_191] : memref<10240x128xf32, #tpu.memory_space<hbm>> -> memref<10240x128xf32, #tpu.memory_space<hbm>>
        tpu.wait_indirect_dma semaphore(%arg16 : memref<!tpu.dma_semaphore, #tpu.memory_space<semaphore_mem>>) src(%dma_wait3A_192 : memref<10240x128xf32, #tpu.memory_space<hbm>>) dst(%arg12 : memref<88x128xf32, #tpu.memory_space<vmem>>)
        %dma_start3A_193 = arith.constant 5 : i32
        %dma_start3A_194 = arith.constant 0 : i32
        %dma_start3A_195 = tpu.memref_slice %arg10[%dma_start3A_193, %dma_start3A_194] : memref<8x88xi32, #tpu.memory_space<vmem>> -> memref<1x88xi32, #tpu.memory_space<vmem>>
        %dma_start3A_196 = tpu.memref_squeeze %dma_start3A_195 : memref<1x88xi32, #tpu.memory_space<vmem>> -> memref<88xi32, #tpu.memory_space<vmem>>
        %dma_start3A_197 = arith.constant 0 : i32
        %dma_start3A_198 = arith.constant 0 : i32
        %dma_start3A_199 = tpu.memref_slice %arg15[%dma_start3A_197, %dma_start3A_198] : memref<10112x128xf32, #tpu.memory_space<vmem_shared>> -> memref<10112x128xf32, #tpu.memory_space<vmem_shared>>
        tpu.enqueue_indirect_dma source(%arg12 : memref<88x128xf32, #tpu.memory_space<vmem>>) target(%dma_start3A_199 : memref<10112x128xf32, #tpu.memory_space<vmem_shared>>) offsets(%dma_start3A_196 : memref<88xi32, #tpu.memory_space<vmem>>) semaphore(%arg17 : memref<!tpu.dma_semaphore, #tpu.memory_space<semaphore_mem>>) {add = true}
        %dma_wait3A_200 = arith.constant 6 : i32
        %dma_wait3A_201 = arith.constant 0 : i32
        %dma_wait3A_202 = tpu.memref_slice %arg9[%dma_wait3A_200, %dma_wait3A_201] : memref<8x88xi32, #tpu.memory_space<vmem>> -> memref<1x88xi32, #tpu.memory_space<vmem>>
        %dma_wait3A_203 = tpu.memref_squeeze %dma_wait3A_202 : memref<1x88xi32, #tpu.memory_space<vmem>> -> memref<88xi32, #tpu.memory_space<vmem>>
        %dma_wait3A_204 = arith.constant 0 : i32
        %dma_wait3A_205 = arith.constant 0 : i32
        %dma_wait3A_206 = tpu.memref_slice %arg4[%dma_wait3A_204, %dma_wait3A_205] : memref<10240x128xf32, #tpu.memory_space<hbm>> -> memref<10240x128xf32, #tpu.memory_space<hbm>>
        tpu.wait_indirect_dma semaphore(%arg16 : memref<!tpu.dma_semaphore, #tpu.memory_space<semaphore_mem>>) src(%dma_wait3A_206 : memref<10240x128xf32, #tpu.memory_space<hbm>>) dst(%arg13 : memref<88x128xf32, #tpu.memory_space<vmem>>)
        %dma_start3A_207 = arith.constant 6 : i32
        %dma_start3A_208 = arith.constant 0 : i32
        %dma_start3A_209 = tpu.memref_slice %arg10[%dma_start3A_207, %dma_start3A_208] : memref<8x88xi32, #tpu.memory_space<vmem>> -> memref<1x88xi32, #tpu.memory_space<vmem>>
        %dma_start3A_210 = tpu.memref_squeeze %dma_start3A_209 : memref<1x88xi32, #tpu.memory_space<vmem>> -> memref<88xi32, #tpu.memory_space<vmem>>
        %dma_start3A_211 = arith.constant 0 : i32
        %dma_start3A_212 = arith.constant 0 : i32
        %dma_start3A_213 = tpu.memref_slice %arg15[%dma_start3A_211, %dma_start3A_212] : memref<10112x128xf32, #tpu.memory_space<vmem_shared>> -> memref<10112x128xf32, #tpu.memory_space<vmem_shared>>
        tpu.enqueue_indirect_dma source(%arg13 : memref<88x128xf32, #tpu.memory_space<vmem>>) target(%dma_start3A_213 : memref<10112x128xf32, #tpu.memory_space<vmem_shared>>) offsets(%dma_start3A_210 : memref<88xi32, #tpu.memory_space<vmem>>) semaphore(%arg17 : memref<!tpu.dma_semaphore, #tpu.memory_space<semaphore_mem>>) {add = true}
        %dma_wait3A_214 = arith.constant 7 : i32
        %dma_wait3A_215 = arith.constant 0 : i32
        %dma_wait3A_216 = tpu.memref_slice %arg9[%dma_wait3A_214, %dma_wait3A_215] : memref<8x88xi32, #tpu.memory_space<vmem>> -> memref<1x88xi32, #tpu.memory_space<vmem>>
        %dma_wait3A_217 = tpu.memref_squeeze %dma_wait3A_216 : memref<1x88xi32, #tpu.memory_space<vmem>> -> memref<88xi32, #tpu.memory_space<vmem>>
        %dma_wait3A_218 = arith.constant 0 : i32
        %dma_wait3A_219 = arith.constant 0 : i32
        %dma_wait3A_220 = tpu.memref_slice %arg4[%dma_wait3A_218, %dma_wait3A_219] : memref<10240x128xf32, #tpu.memory_space<hbm>> -> memref<10240x128xf32, #tpu.memory_space<hbm>>
        tpu.wait_indirect_dma semaphore(%arg16 : memref<!tpu.dma_semaphore, #tpu.memory_space<semaphore_mem>>) src(%dma_wait3A_220 : memref<10240x128xf32, #tpu.memory_space<hbm>>) dst(%arg14 : memref<88x128xf32, #tpu.memory_space<vmem>>)
        %dma_start3A_221 = arith.constant 7 : i32
        %dma_start3A_222 = arith.constant 0 : i32
        %dma_start3A_223 = tpu.memref_slice %arg10[%dma_start3A_221, %dma_start3A_222] : memref<8x88xi32, #tpu.memory_space<vmem>> -> memref<1x88xi32, #tpu.memory_space<vmem>>
        %dma_start3A_224 = tpu.memref_squeeze %dma_start3A_223 : memref<1x88xi32, #tpu.memory_space<vmem>> -> memref<88xi32, #tpu.memory_space<vmem>>
        %dma_start3A_225 = arith.constant 0 : i32
        %dma_start3A_226 = arith.constant 0 : i32
        %dma_start3A_227 = tpu.memref_slice %arg15[%dma_start3A_225, %dma_start3A_226] : memref<10112x128xf32, #tpu.memory_space<vmem_shared>> -> memref<10112x128xf32, #tpu.memory_space<vmem_shared>>
        tpu.enqueue_indirect_dma source(%arg14 : memref<88x128xf32, #tpu.memory_space<vmem>>) target(%dma_start3A_227 : memref<10112x128xf32, #tpu.memory_space<vmem_shared>>) offsets(%dma_start3A_224 : memref<88xi32, #tpu.memory_space<vmem>>) semaphore(%arg17 : memref<!tpu.dma_semaphore, #tpu.memory_space<semaphore_mem>>) {add = true}
        %dma_wait3A_228 = arith.constant 4 : i32
        %dma_wait3A_229 = arith.constant 0 : i32
        %dma_wait3A_230 = tpu.memref_slice %arg10[%dma_wait3A_228, %dma_wait3A_229] : memref<8x88xi32, #tpu.memory_space<vmem>> -> memref<1x88xi32, #tpu.memory_space<vmem>>
        %dma_wait3A_231 = tpu.memref_squeeze %dma_wait3A_230 : memref<1x88xi32, #tpu.memory_space<vmem>> -> memref<88xi32, #tpu.memory_space<vmem>>
        %dma_wait3A_232 = arith.constant 0 : i32
        %dma_wait3A_233 = arith.constant 0 : i32
        %dma_wait3A_234 = tpu.memref_slice %arg15[%dma_wait3A_232, %dma_wait3A_233] : memref<10112x128xf32, #tpu.memory_space<vmem_shared>> -> memref<10112x128xf32, #tpu.memory_space<vmem_shared>>
        tpu.wait_indirect_dma semaphore(%arg17 : memref<!tpu.dma_semaphore, #tpu.memory_space<semaphore_mem>>) src(%arg11 : memref<88x128xf32, #tpu.memory_space<vmem>>) dst(%dma_wait3A_234 : memref<10112x128xf32, #tpu.memory_space<vmem_shared>>)
        %dma_wait3A_235 = arith.constant 5 : i32
        %dma_wait3A_236 = arith.constant 0 : i32
        %dma_wait3A_237 = tpu.memref_slice %arg10[%dma_wait3A_235, %dma_wait3A_236] : memref<8x88xi32, #tpu.memory_space<vmem>> -> memref<1x88xi32, #tpu.memory_space<vmem>>
        %dma_wait3A_238 = tpu.memref_squeeze %dma_wait3A_237 : memref<1x88xi32, #tpu.memory_space<vmem>> -> memref<88xi32, #tpu.memory_space<vmem>>
        %dma_wait3A_239 = arith.constant 0 : i32
        %dma_wait3A_240 = arith.constant 0 : i32
        %dma_wait3A_241 = tpu.memref_slice %arg15[%dma_wait3A_239, %dma_wait3A_240] : memref<10112x128xf32, #tpu.memory_space<vmem_shared>> -> memref<10112x128xf32, #tpu.memory_space<vmem_shared>>
        tpu.wait_indirect_dma semaphore(%arg17 : memref<!tpu.dma_semaphore, #tpu.memory_space<semaphore_mem>>) src(%arg12 : memref<88x128xf32, #tpu.memory_space<vmem>>) dst(%dma_wait3A_241 : memref<10112x128xf32, #tpu.memory_space<vmem_shared>>)
        %dma_wait3A_242 = arith.constant 6 : i32
        %dma_wait3A_243 = arith.constant 0 : i32
        %dma_wait3A_244 = tpu.memref_slice %arg10[%dma_wait3A_242, %dma_wait3A_243] : memref<8x88xi32, #tpu.memory_space<vmem>> -> memref<1x88xi32, #tpu.memory_space<vmem>>
        %dma_wait3A_245 = tpu.memref_squeeze %dma_wait3A_244 : memref<1x88xi32, #tpu.memory_space<vmem>> -> memref<88xi32, #tpu.memory_space<vmem>>
        %dma_wait3A_246 = arith.constant 0 : i32
        %dma_wait3A_247 = arith.constant 0 : i32
        %dma_wait3A_248 = tpu.memref_slice %arg15[%dma_wait3A_246, %dma_wait3A_247] : memref<10112x128xf32, #tpu.memory_space<vmem_shared>> -> memref<10112x128xf32, #tpu.memory_space<vmem_shared>>
        tpu.wait_indirect_dma semaphore(%arg17 : memref<!tpu.dma_semaphore, #tpu.memory_space<semaphore_mem>>) src(%arg13 : memref<88x128xf32, #tpu.memory_space<vmem>>) dst(%dma_wait3A_248 : memref<10112x128xf32, #tpu.memory_space<vmem_shared>>)
        %dma_wait3A_249 = arith.constant 7 : i32
        %dma_wait3A_250 = arith.constant 0 : i32
        %dma_wait3A_251 = tpu.memref_slice %arg10[%dma_wait3A_249, %dma_wait3A_250] : memref<8x88xi32, #tpu.memory_space<vmem>> -> memref<1x88xi32, #tpu.memory_space<vmem>>
        %dma_wait3A_252 = tpu.memref_squeeze %dma_wait3A_251 : memref<1x88xi32, #tpu.memory_space<vmem>> -> memref<88xi32, #tpu.memory_space<vmem>>
        %dma_wait3A_253 = arith.constant 0 : i32
        %dma_wait3A_254 = arith.constant 0 : i32
        %dma_wait3A_255 = tpu.memref_slice %arg15[%dma_wait3A_253, %dma_wait3A_254] : memref<10112x128xf32, #tpu.memory_space<vmem_shared>> -> memref<10112x128xf32, #tpu.memory_space<vmem_shared>>
        tpu.wait_indirect_dma semaphore(%arg17 : memref<!tpu.dma_semaphore, #tpu.memory_space<semaphore_mem>>) src(%arg14 : memref<88x128xf32, #tpu.memory_space<vmem>>) dst(%dma_wait3A_255 : memref<10112x128xf32, #tpu.memory_space<vmem_shared>>)
      }
      %scan3A_28 = arith.constant 29 : i32
    } else {
    }
    %eq3A_8 = arith.constant 1 : i32
    %eq3A_9 = arith.cmpi eq, %arg0, %eq3A_8 : i32
    %convert_element_type3A_10 = arith.extui %eq3A_9 : i1 to i32
    %cond3A_11 = arith.constant 0 : i32
    %cond3A_12 = arith.cmpi ne, %convert_element_type3A_10, %cond3A_11 : i32
    scf.if %cond3A_12 {
      %scan3A = arith.constant 0 : i32
      %scan3A_24 = arith.constant 0 : i32
      %scan3A_25 = arith.constant 29 : i32
      %scan3A_26 = arith.addi %scan3A_24, %scan3A_25 : i32
      %scan3A_27 = arith.constant 1 : i32
      scf.for %scan3A_29 = %scan3A_24 to %scan3A_26 step %scan3A_27  : i32 {
        %mul3A_30 = arith.constant 8 : i32
        %mul3A_31 = arith.muli %scan3A_29, %mul3A_30 : i32
        "tpu.region"() ({
          %run_scoped3A = tpu.sem_alloc : memref<!tpu.dma_semaphore, #tpu.memory_space<semaphore_mem>>
          %dma_start3A_142 = arith.constant 0 : i32
          %dma_start3A_143 = tpu.memref_slice %arg3[%arg1, %mul3A_31, %dma_start3A_142] : memref<16x232x88xi32, #tpu.memory_space<hbm>> -> memref<1x8x88xi32, #tpu.memory_space<hbm>>
          %dma_start3A_144 = tpu.memref_squeeze %dma_start3A_143 : memref<1x8x88xi32, #tpu.memory_space<hbm>> -> memref<8x88xi32, #tpu.memory_space<hbm>>
          %dma_start3A_145 = arith.constant 0 : i32
          %dma_start3A_146 = tpu.memref_slice %arg3[%arg1, %mul3A_31, %dma_start3A_145] : memref<16x232x88xi32, #tpu.memory_space<hbm>> -> memref<1x8x88xi32, #tpu.memory_space<hbm>>
          %dma_start3A_147 = tpu.memref_squeeze %dma_start3A_146 : memref<1x8x88xi32, #tpu.memory_space<hbm>> -> memref<8x88xi32, #tpu.memory_space<hbm>>
          tpu.enqueue_dma source(%dma_start3A_147 : memref<8x88xi32, #tpu.memory_space<hbm>>) target(%arg10 : memref<8x88xi32, #tpu.memory_space<vmem>>) target_semaphore(%run_scoped3A : memref<!tpu.dma_semaphore, #tpu.memory_space<semaphore_mem>>)
          %dma_wait3A_148 = arith.constant 0 : i32
          %dma_wait3A_149 = tpu.memref_slice %arg3[%arg1, %mul3A_31, %dma_wait3A_148] : memref<16x232x88xi32, #tpu.memory_space<hbm>> -> memref<1x8x88xi32, #tpu.memory_space<hbm>>
          %dma_wait3A_150 = tpu.memref_squeeze %dma_wait3A_149 : memref<1x8x88xi32, #tpu.memory_space<hbm>> -> memref<8x88xi32, #tpu.memory_space<hbm>>
          %dma_wait3A_151 = arith.constant 0 : i32
          %dma_wait3A_152 = tpu.memref_slice %arg3[%arg1, %mul3A_31, %dma_wait3A_151] : memref<16x232x88xi32, #tpu.memory_space<hbm>> -> memref<1x8x88xi32, #tpu.memory_space<hbm>>
          %dma_wait3A_153 = tpu.memref_squeeze %dma_wait3A_152 : memref<1x8x88xi32, #tpu.memory_space<hbm>> -> memref<8x88xi32, #tpu.memory_space<hbm>>
          tpu.wait_dma2 semaphore(%run_scoped3A : memref<!tpu.dma_semaphore, #tpu.memory_space<semaphore_mem>>) src(%dma_wait3A_153 : memref<8x88xi32, #tpu.memory_space<hbm>>) dst(%arg10 : memref<8x88xi32, #tpu.memory_space<vmem>>)
          tpu.yield
        }) : () -> ()
        %dma_start3A = arith.constant 0 : i32
        %dma_start3A_32 = arith.constant 0 : i32
        %dma_start3A_33 = tpu.memref_slice %arg10[%dma_start3A, %dma_start3A_32] : memref<8x88xi32, #tpu.memory_space<vmem>> -> memref<1x88xi32, #tpu.memory_space<vmem>>
        %dma_start3A_34 = tpu.memref_squeeze %dma_start3A_33 : memref<1x88xi32, #tpu.memory_space<vmem>> -> memref<88xi32, #tpu.memory_space<vmem>>
        %dma_start3A_35 = arith.constant 0 : i32
        %dma_start3A_36 = arith.constant 0 : i32
        %dma_start3A_37 = tpu.memref_slice %arg15[%dma_start3A_35, %dma_start3A_36] : memref<10112x128xf32, #tpu.memory_space<vmem_shared>> -> memref<10112x128xf32, #tpu.memory_space<vmem_shared>>
        tpu.enqueue_indirect_dma source(%arg11 : memref<88x128xf32, #tpu.memory_space<vmem>>) target(%dma_start3A_37 : memref<10112x128xf32, #tpu.memory_space<vmem_shared>>) offsets(%dma_start3A_34 : memref<88xi32, #tpu.memory_space<vmem>>) semaphore(%arg17 : memref<!tpu.dma_semaphore, #tpu.memory_space<semaphore_mem>>) {add = true}
        %dma_start3A_38 = arith.constant 1 : i32
        %dma_start3A_39 = arith.constant 0 : i32
        %dma_start3A_40 = tpu.memref_slice %arg10[%dma_start3A_38, %dma_start3A_39] : memref<8x88xi32, #tpu.memory_space<vmem>> -> memref<1x88xi32, #tpu.memory_space<vmem>>
        %dma_start3A_41 = tpu.memref_squeeze %dma_start3A_40 : memref<1x88xi32, #tpu.memory_space<vmem>> -> memref<88xi32, #tpu.memory_space<vmem>>
        %dma_start3A_42 = arith.constant 0 : i32
        %dma_start3A_43 = arith.constant 0 : i32
        %dma_start3A_44 = tpu.memref_slice %arg15[%dma_start3A_42, %dma_start3A_43] : memref<10112x128xf32, #tpu.memory_space<vmem_shared>> -> memref<10112x128xf32, #tpu.memory_space<vmem_shared>>
        tpu.enqueue_indirect_dma source(%arg12 : memref<88x128xf32, #tpu.memory_space<vmem>>) target(%dma_start3A_44 : memref<10112x128xf32, #tpu.memory_space<vmem_shared>>) offsets(%dma_start3A_41 : memref<88xi32, #tpu.memory_space<vmem>>) semaphore(%arg17 : memref<!tpu.dma_semaphore, #tpu.memory_space<semaphore_mem>>) {add = true}
        %dma_start3A_45 = arith.constant 2 : i32
        %dma_start3A_46 = arith.constant 0 : i32
        %dma_start3A_47 = tpu.memref_slice %arg10[%dma_start3A_45, %dma_start3A_46] : memref<8x88xi32, #tpu.memory_space<vmem>> -> memref<1x88xi32, #tpu.memory_space<vmem>>
        %dma_start3A_48 = tpu.memref_squeeze %dma_start3A_47 : memref<1x88xi32, #tpu.memory_space<vmem>> -> memref<88xi32, #tpu.memory_space<vmem>>
        %dma_start3A_49 = arith.constant 0 : i32
        %dma_start3A_50 = arith.constant 0 : i32
        %dma_start3A_51 = tpu.memref_slice %arg15[%dma_start3A_49, %dma_start3A_50] : memref<10112x128xf32, #tpu.memory_space<vmem_shared>> -> memref<10112x128xf32, #tpu.memory_space<vmem_shared>>
        tpu.enqueue_indirect_dma source(%arg13 : memref<88x128xf32, #tpu.memory_space<vmem>>) target(%dma_start3A_51 : memref<10112x128xf32, #tpu.memory_space<vmem_shared>>) offsets(%dma_start3A_48 : memref<88xi32, #tpu.memory_space<vmem>>) semaphore(%arg17 : memref<!tpu.dma_semaphore, #tpu.memory_space<semaphore_mem>>) {add = true}
        %dma_start3A_52 = arith.constant 3 : i32
        %dma_start3A_53 = arith.constant 0 : i32
        %dma_start3A_54 = tpu.memref_slice %arg10[%dma_start3A_52, %dma_start3A_53] : memref<8x88xi32, #tpu.memory_space<vmem>> -> memref<1x88xi32, #tpu.memory_space<vmem>>
        %dma_start3A_55 = tpu.memref_squeeze %dma_start3A_54 : memref<1x88xi32, #tpu.memory_space<vmem>> -> memref<88xi32, #tpu.memory_space<vmem>>
        %dma_start3A_56 = arith.constant 0 : i32
        %dma_start3A_57 = arith.constant 0 : i32
        %dma_start3A_58 = tpu.memref_slice %arg15[%dma_start3A_56, %dma_start3A_57] : memref<10112x128xf32, #tpu.memory_space<vmem_shared>> -> memref<10112x128xf32, #tpu.memory_space<vmem_shared>>
        tpu.enqueue_indirect_dma source(%arg14 : memref<88x128xf32, #tpu.memory_space<vmem>>) target(%dma_start3A_58 : memref<10112x128xf32, #tpu.memory_space<vmem_shared>>) offsets(%dma_start3A_55 : memref<88xi32, #tpu.memory_space<vmem>>) semaphore(%arg17 : memref<!tpu.dma_semaphore, #tpu.memory_space<semaphore_mem>>) {add = true}
        %dma_wait3A = arith.constant 0 : i32
        %dma_wait3A_59 = arith.constant 0 : i32
        %dma_wait3A_60 = tpu.memref_slice %arg10[%dma_wait3A, %dma_wait3A_59] : memref<8x88xi32, #tpu.memory_space<vmem>> -> memref<1x88xi32, #tpu.memory_space<vmem>>
        %dma_wait3A_61 = tpu.memref_squeeze %dma_wait3A_60 : memref<1x88xi32, #tpu.memory_space<vmem>> -> memref<88xi32, #tpu.memory_space<vmem>>
        %dma_wait3A_62 = arith.constant 0 : i32
        %dma_wait3A_63 = arith.constant 0 : i32
        %dma_wait3A_64 = tpu.memref_slice %arg15[%dma_wait3A_62, %dma_wait3A_63] : memref<10112x128xf32, #tpu.memory_space<vmem_shared>> -> memref<10112x128xf32, #tpu.memory_space<vmem_shared>>
        tpu.wait_indirect_dma semaphore(%arg17 : memref<!tpu.dma_semaphore, #tpu.memory_space<semaphore_mem>>) src(%arg11 : memref<88x128xf32, #tpu.memory_space<vmem>>) dst(%dma_wait3A_64 : memref<10112x128xf32, #tpu.memory_space<vmem_shared>>)
        %dma_wait3A_65 = arith.constant 1 : i32
        %dma_wait3A_66 = arith.constant 0 : i32
        %dma_wait3A_67 = tpu.memref_slice %arg10[%dma_wait3A_65, %dma_wait3A_66] : memref<8x88xi32, #tpu.memory_space<vmem>> -> memref<1x88xi32, #tpu.memory_space<vmem>>
        %dma_wait3A_68 = tpu.memref_squeeze %dma_wait3A_67 : memref<1x88xi32, #tpu.memory_space<vmem>> -> memref<88xi32, #tpu.memory_space<vmem>>
        %dma_wait3A_69 = arith.constant 0 : i32
        %dma_wait3A_70 = arith.constant 0 : i32
        %dma_wait3A_71 = tpu.memref_slice %arg15[%dma_wait3A_69, %dma_wait3A_70] : memref<10112x128xf32, #tpu.memory_space<vmem_shared>> -> memref<10112x128xf32, #tpu.memory_space<vmem_shared>>
        tpu.wait_indirect_dma semaphore(%arg17 : memref<!tpu.dma_semaphore, #tpu.memory_space<semaphore_mem>>) src(%arg12 : memref<88x128xf32, #tpu.memory_space<vmem>>) dst(%dma_wait3A_71 : memref<10112x128xf32, #tpu.memory_space<vmem_shared>>)
        %dma_wait3A_72 = arith.constant 2 : i32
        %dma_wait3A_73 = arith.constant 0 : i32
        %dma_wait3A_74 = tpu.memref_slice %arg10[%dma_wait3A_72, %dma_wait3A_73] : memref<8x88xi32, #tpu.memory_space<vmem>> -> memref<1x88xi32, #tpu.memory_space<vmem>>
        %dma_wait3A_75 = tpu.memref_squeeze %dma_wait3A_74 : memref<1x88xi32, #tpu.memory_space<vmem>> -> memref<88xi32, #tpu.memory_space<vmem>>
        %dma_wait3A_76 = arith.constant 0 : i32
        %dma_wait3A_77 = arith.constant 0 : i32
        %dma_wait3A_78 = tpu.memref_slice %arg15[%dma_wait3A_76, %dma_wait3A_77] : memref<10112x128xf32, #tpu.memory_space<vmem_shared>> -> memref<10112x128xf32, #tpu.memory_space<vmem_shared>>
        tpu.wait_indirect_dma semaphore(%arg17 : memref<!tpu.dma_semaphore, #tpu.memory_space<semaphore_mem>>) src(%arg13 : memref<88x128xf32, #tpu.memory_space<vmem>>) dst(%dma_wait3A_78 : memref<10112x128xf32, #tpu.memory_space<vmem_shared>>)
        %dma_wait3A_79 = arith.constant 3 : i32
        %dma_wait3A_80 = arith.constant 0 : i32
        %dma_wait3A_81 = tpu.memref_slice %arg10[%dma_wait3A_79, %dma_wait3A_80] : memref<8x88xi32, #tpu.memory_space<vmem>> -> memref<1x88xi32, #tpu.memory_space<vmem>>
        %dma_wait3A_82 = tpu.memref_squeeze %dma_wait3A_81 : memref<1x88xi32, #tpu.memory_space<vmem>> -> memref<88xi32, #tpu.memory_space<vmem>>
        %dma_wait3A_83 = arith.constant 0 : i32
        %dma_wait3A_84 = arith.constant 0 : i32
        %dma_wait3A_85 = tpu.memref_slice %arg15[%dma_wait3A_83, %dma_wait3A_84] : memref<10112x128xf32, #tpu.memory_space<vmem_shared>> -> memref<10112x128xf32, #tpu.memory_space<vmem_shared>>
        tpu.wait_indirect_dma semaphore(%arg17 : memref<!tpu.dma_semaphore, #tpu.memory_space<semaphore_mem>>) src(%arg14 : memref<88x128xf32, #tpu.memory_space<vmem>>) dst(%dma_wait3A_85 : memref<10112x128xf32, #tpu.memory_space<vmem_shared>>)
        %dma_start3A_86 = arith.constant 4 : i32
        %dma_start3A_87 = arith.constant 0 : i32
        %dma_start3A_88 = tpu.memref_slice %arg10[%dma_start3A_86, %dma_start3A_87] : memref<8x88xi32, #tpu.memory_space<vmem>> -> memref<1x88xi32, #tpu.memory_space<vmem>>
        %dma_start3A_89 = tpu.memref_squeeze %dma_start3A_88 : memref<1x88xi32, #tpu.memory_space<vmem>> -> memref<88xi32, #tpu.memory_space<vmem>>
        %dma_start3A_90 = arith.constant 0 : i32
        %dma_start3A_91 = arith.constant 0 : i32
        %dma_start3A_92 = tpu.memref_slice %arg15[%dma_start3A_90, %dma_start3A_91] : memref<10112x128xf32, #tpu.memory_space<vmem_shared>> -> memref<10112x128xf32, #tpu.memory_space<vmem_shared>>
        tpu.enqueue_indirect_dma source(%arg11 : memref<88x128xf32, #tpu.memory_space<vmem>>) target(%dma_start3A_92 : memref<10112x128xf32, #tpu.memory_space<vmem_shared>>) offsets(%dma_start3A_89 : memref<88xi32, #tpu.memory_space<vmem>>) semaphore(%arg17 : memref<!tpu.dma_semaphore, #tpu.memory_space<semaphore_mem>>) {add = true}
        %dma_start3A_93 = arith.constant 5 : i32
        %dma_start3A_94 = arith.constant 0 : i32
        %dma_start3A_95 = tpu.memref_slice %arg10[%dma_start3A_93, %dma_start3A_94] : memref<8x88xi32, #tpu.memory_space<vmem>> -> memref<1x88xi32, #tpu.memory_space<vmem>>
        %dma_start3A_96 = tpu.memref_squeeze %dma_start3A_95 : memref<1x88xi32, #tpu.memory_space<vmem>> -> memref<88xi32, #tpu.memory_space<vmem>>
        %dma_start3A_97 = arith.constant 0 : i32
        %dma_start3A_98 = arith.constant 0 : i32
        %dma_start3A_99 = tpu.memref_slice %arg15[%dma_start3A_97, %dma_start3A_98] : memref<10112x128xf32, #tpu.memory_space<vmem_shared>> -> memref<10112x128xf32, #tpu.memory_space<vmem_shared>>
        tpu.enqueue_indirect_dma source(%arg12 : memref<88x128xf32, #tpu.memory_space<vmem>>) target(%dma_start3A_99 : memref<10112x128xf32, #tpu.memory_space<vmem_shared>>) offsets(%dma_start3A_96 : memref<88xi32, #tpu.memory_space<vmem>>) semaphore(%arg17 : memref<!tpu.dma_semaphore, #tpu.memory_space<semaphore_mem>>) {add = true}
        %dma_start3A_100 = arith.constant 6 : i32
        %dma_start3A_101 = arith.constant 0 : i32
        %dma_start3A_102 = tpu.memref_slice %arg10[%dma_start3A_100, %dma_start3A_101] : memref<8x88xi32, #tpu.memory_space<vmem>> -> memref<1x88xi32, #tpu.memory_space<vmem>>
        %dma_start3A_103 = tpu.memref_squeeze %dma_start3A_102 : memref<1x88xi32, #tpu.memory_space<vmem>> -> memref<88xi32, #tpu.memory_space<vmem>>
        %dma_start3A_104 = arith.constant 0 : i32
        %dma_start3A_105 = arith.constant 0 : i32
        %dma_start3A_106 = tpu.memref_slice %arg15[%dma_start3A_104, %dma_start3A_105] : memref<10112x128xf32, #tpu.memory_space<vmem_shared>> -> memref<10112x128xf32, #tpu.memory_space<vmem_shared>>
        tpu.enqueue_indirect_dma source(%arg13 : memref<88x128xf32, #tpu.memory_space<vmem>>) target(%dma_start3A_106 : memref<10112x128xf32, #tpu.memory_space<vmem_shared>>) offsets(%dma_start3A_103 : memref<88xi32, #tpu.memory_space<vmem>>) semaphore(%arg17 : memref<!tpu.dma_semaphore, #tpu.memory_space<semaphore_mem>>) {add = true}
        %dma_start3A_107 = arith.constant 7 : i32
        %dma_start3A_108 = arith.constant 0 : i32
        %dma_start3A_109 = tpu.memref_slice %arg10[%dma_start3A_107, %dma_start3A_108] : memref<8x88xi32, #tpu.memory_space<vmem>> -> memref<1x88xi32, #tpu.memory_space<vmem>>
        %dma_start3A_110 = tpu.memref_squeeze %dma_start3A_109 : memref<1x88xi32, #tpu.memory_space<vmem>> -> memref<88xi32, #tpu.memory_space<vmem>>
        %dma_start3A_111 = arith.constant 0 : i32
        %dma_start3A_112 = arith.constant 0 : i32
        %dma_start3A_113 = tpu.memref_slice %arg15[%dma_start3A_111, %dma_start3A_112] : memref<10112x128xf32, #tpu.memory_space<vmem_shared>> -> memref<10112x128xf32, #tpu.memory_space<vmem_shared>>
        tpu.enqueue_indirect_dma source(%arg14 : memref<88x128xf32, #tpu.memory_space<vmem>>) target(%dma_start3A_113 : memref<10112x128xf32, #tpu.memory_space<vmem_shared>>) offsets(%dma_start3A_110 : memref<88xi32, #tpu.memory_space<vmem>>) semaphore(%arg17 : memref<!tpu.dma_semaphore, #tpu.memory_space<semaphore_mem>>) {add = true}
        %dma_wait3A_114 = arith.constant 4 : i32
        %dma_wait3A_115 = arith.constant 0 : i32
        %dma_wait3A_116 = tpu.memref_slice %arg10[%dma_wait3A_114, %dma_wait3A_115] : memref<8x88xi32, #tpu.memory_space<vmem>> -> memref<1x88xi32, #tpu.memory_space<vmem>>
        %dma_wait3A_117 = tpu.memref_squeeze %dma_wait3A_116 : memref<1x88xi32, #tpu.memory_space<vmem>> -> memref<88xi32, #tpu.memory_space<vmem>>
        %dma_wait3A_118 = arith.constant 0 : i32
        %dma_wait3A_119 = arith.constant 0 : i32
        %dma_wait3A_120 = tpu.memref_slice %arg15[%dma_wait3A_118, %dma_wait3A_119] : memref<10112x128xf32, #tpu.memory_space<vmem_shared>> -> memref<10112x128xf32, #tpu.memory_space<vmem_shared>>
        tpu.wait_indirect_dma semaphore(%arg17 : memref<!tpu.dma_semaphore, #tpu.memory_space<semaphore_mem>>) src(%arg11 : memref<88x128xf32, #tpu.memory_space<vmem>>) dst(%dma_wait3A_120 : memref<10112x128xf32, #tpu.memory_space<vmem_shared>>)
        %dma_wait3A_121 = arith.constant 5 : i32
        %dma_wait3A_122 = arith.constant 0 : i32
        %dma_wait3A_123 = tpu.memref_slice %arg10[%dma_wait3A_121, %dma_wait3A_122] : memref<8x88xi32, #tpu.memory_space<vmem>> -> memref<1x88xi32, #tpu.memory_space<vmem>>
        %dma_wait3A_124 = tpu.memref_squeeze %dma_wait3A_123 : memref<1x88xi32, #tpu.memory_space<vmem>> -> memref<88xi32, #tpu.memory_space<vmem>>
        %dma_wait3A_125 = arith.constant 0 : i32
        %dma_wait3A_126 = arith.constant 0 : i32
        %dma_wait3A_127 = tpu.memref_slice %arg15[%dma_wait3A_125, %dma_wait3A_126] : memref<10112x128xf32, #tpu.memory_space<vmem_shared>> -> memref<10112x128xf32, #tpu.memory_space<vmem_shared>>
        tpu.wait_indirect_dma semaphore(%arg17 : memref<!tpu.dma_semaphore, #tpu.memory_space<semaphore_mem>>) src(%arg12 : memref<88x128xf32, #tpu.memory_space<vmem>>) dst(%dma_wait3A_127 : memref<10112x128xf32, #tpu.memory_space<vmem_shared>>)
        %dma_wait3A_128 = arith.constant 6 : i32
        %dma_wait3A_129 = arith.constant 0 : i32
        %dma_wait3A_130 = tpu.memref_slice %arg10[%dma_wait3A_128, %dma_wait3A_129] : memref<8x88xi32, #tpu.memory_space<vmem>> -> memref<1x88xi32, #tpu.memory_space<vmem>>
        %dma_wait3A_131 = tpu.memref_squeeze %dma_wait3A_130 : memref<1x88xi32, #tpu.memory_space<vmem>> -> memref<88xi32, #tpu.memory_space<vmem>>
        %dma_wait3A_132 = arith.constant 0 : i32
        %dma_wait3A_133 = arith.constant 0 : i32
        %dma_wait3A_134 = tpu.memref_slice %arg15[%dma_wait3A_132, %dma_wait3A_133] : memref<10112x128xf32, #tpu.memory_space<vmem_shared>> -> memref<10112x128xf32, #tpu.memory_space<vmem_shared>>
        tpu.wait_indirect_dma semaphore(%arg17 : memref<!tpu.dma_semaphore, #tpu.memory_space<semaphore_mem>>) src(%arg13 : memref<88x128xf32, #tpu.memory_space<vmem>>) dst(%dma_wait3A_134 : memref<10112x128xf32, #tpu.memory_space<vmem_shared>>)
        %dma_wait3A_135 = arith.constant 7 : i32
        %dma_wait3A_136 = arith.constant 0 : i32
        %dma_wait3A_137 = tpu.memref_slice %arg10[%dma_wait3A_135, %dma_wait3A_136] : memref<8x88xi32, #tpu.memory_space<vmem>> -> memref<1x88xi32, #tpu.memory_space<vmem>>
        %dma_wait3A_138 = tpu.memref_squeeze %dma_wait3A_137 : memref<1x88xi32, #tpu.memory_space<vmem>> -> memref<88xi32, #tpu.memory_space<vmem>>
        %dma_wait3A_139 = arith.constant 0 : i32
        %dma_wait3A_140 = arith.constant 0 : i32
        %dma_wait3A_141 = tpu.memref_slice %arg15[%dma_wait3A_139, %dma_wait3A_140] : memref<10112x128xf32, #tpu.memory_space<vmem_shared>> -> memref<10112x128xf32, #tpu.memory_space<vmem_shared>>
        tpu.wait_indirect_dma semaphore(%arg17 : memref<!tpu.dma_semaphore, #tpu.memory_space<semaphore_mem>>) src(%arg14 : memref<88x128xf32, #tpu.memory_space<vmem>>) dst(%dma_wait3A_141 : memref<10112x128xf32, #tpu.memory_space<vmem_shared>>)
      }
      %scan3A_28 = arith.constant 29 : i32
    } else {
    }
    %barrier3A_13 = arith.constant 0 : index
    tpu.barrier barrier_id(%barrier3A_13)
    %eq3A_14 = arith.constant 0 : i32
    %eq3A_15 = arith.cmpi eq, %arg0, %eq3A_14 : i32
    %convert_element_type3A_16 = arith.extui %eq3A_15 : i1 to i32
    %cond3A_17 = arith.constant 0 : i32
    %cond3A_18 = arith.cmpi ne, %convert_element_type3A_16, %cond3A_17 : i32
    scf.if %cond3A_18 {
      "tpu.region"() ({
        %run_scoped3A = tpu.sem_alloc : memref<!tpu.dma_semaphore, #tpu.memory_space<semaphore_mem>>
        %dma_start3A = arith.constant 0 : i32
        %dma_start3A_24 = tpu.memref_slice %arg7[%mul3A_0, %dma_start3A] : memref<10240x128xf32, #tpu.memory_space<hbm>> -> memref<632x128xf32, #tpu.memory_space<hbm>>
        %dma_start3A_25 = arith.constant 0 : i32
        %dma_start3A_26 = tpu.memref_slice %arg15[%mul3A_0, %dma_start3A_25] : memref<10112x128xf32, #tpu.memory_space<vmem_shared>> -> memref<632x128xf32, #tpu.memory_space<vmem_shared>>
        tpu.enqueue_dma source(%dma_start3A_26 : memref<632x128xf32, #tpu.memory_space<vmem_shared>>) target(%dma_start3A_24 : memref<632x128xf32, #tpu.memory_space<hbm>>) target_semaphore(%run_scoped3A : memref<!tpu.dma_semaphore, #tpu.memory_space<semaphore_mem>>)
        %dma_wait3A = arith.constant 0 : i32
        %dma_wait3A_27 = tpu.memref_slice %arg7[%mul3A_0, %dma_wait3A] : memref<10240x128xf32, #tpu.memory_space<hbm>> -> memref<632x128xf32, #tpu.memory_space<hbm>>
        %dma_wait3A_28 = arith.constant 0 : i32
        %dma_wait3A_29 = tpu.memref_slice %arg15[%mul3A_0, %dma_wait3A_28] : memref<10112x128xf32, #tpu.memory_space<vmem_shared>> -> memref<632x128xf32, #tpu.memory_space<vmem_shared>>
        tpu.wait_dma2 semaphore(%run_scoped3A : memref<!tpu.dma_semaphore, #tpu.memory_space<semaphore_mem>>) src(%dma_wait3A_29 : memref<632x128xf32, #tpu.memory_space<vmem_shared>>) dst(%dma_wait3A_27 : memref<632x128xf32, #tpu.memory_space<hbm>>)
        tpu.yield
      }) : () -> ()
    } else {
    }
    %eq3A_19 = arith.constant 1 : i32
    %eq3A_20 = arith.cmpi eq, %arg0, %eq3A_19 : i32
    %convert_element_type3A_21 = arith.extui %eq3A_20 : i1 to i32
    %cond3A_22 = arith.constant 0 : i32
    %cond3A_23 = arith.cmpi ne, %convert_element_type3A_21, %cond3A_22 : i32
    scf.if %cond3A_23 {
      "tpu.region"() ({
        %run_scoped3A = tpu.sem_alloc : memref<!tpu.dma_semaphore, #tpu.memory_space<semaphore_mem>>
        %dma_start3A = arith.constant 0 : i32
        %dma_start3A_24 = tpu.memref_slice %arg8[%mul3A_0, %dma_start3A] : memref<10240x128xf32, #tpu.memory_space<hbm>> -> memref<632x128xf32, #tpu.memory_space<hbm>>
        %dma_start3A_25 = arith.constant 0 : i32
        %dma_start3A_26 = tpu.memref_slice %arg15[%mul3A_0, %dma_start3A_25] : memref<10112x128xf32, #tpu.memory_space<vmem_shared>> -> memref<632x128xf32, #tpu.memory_space<vmem_shared>>
        tpu.enqueue_dma source(%dma_start3A_26 : memref<632x128xf32, #tpu.memory_space<vmem_shared>>) target(%dma_start3A_24 : memref<632x128xf32, #tpu.memory_space<hbm>>) target_semaphore(%run_scoped3A : memref<!tpu.dma_semaphore, #tpu.memory_space<semaphore_mem>>)
        %dma_wait3A = arith.constant 0 : i32
        %dma_wait3A_27 = tpu.memref_slice %arg8[%mul3A_0, %dma_wait3A] : memref<10240x128xf32, #tpu.memory_space<hbm>> -> memref<632x128xf32, #tpu.memory_space<hbm>>
        %dma_wait3A_28 = arith.constant 0 : i32
        %dma_wait3A_29 = tpu.memref_slice %arg15[%mul3A_0, %dma_wait3A_28] : memref<10112x128xf32, #tpu.memory_space<vmem_shared>> -> memref<632x128xf32, #tpu.memory_space<vmem_shared>>
        tpu.wait_dma2 semaphore(%run_scoped3A : memref<!tpu.dma_semaphore, #tpu.memory_space<semaphore_mem>>) src(%dma_wait3A_29 : memref<632x128xf32, #tpu.memory_space<vmem_shared>>) dst(%dma_wait3A_27 : memref<632x128xf32, #tpu.memory_space<hbm>>)
        tpu.yield
      }) : () -> ()
    } else {
    }
    return
  }
}

module attributes {stable_mosaic.version = 14 : i64} {
  func.func @body(%arg0: i32, %arg1: memref<1024x128xf32, #tpu.memory_space<vmem>>, %arg2: memref<1024x128xf32, #tpu.memory_space<vmem>>, %arg3: memref<1024x128xf32, #tpu.memory_space<vmem>>, %arg4: memref<128x256xf32, #tpu.memory_space<vmem>>, %arg5: memref<1x256xf32, #tpu.memory_space<vmem>>, %arg6: memref<128x256xf32, #tpu.memory_space<vmem>>, %arg7: memref<1x256xf32, #tpu.memory_space<vmem>>, %arg8: memref<1x256xf32, #tpu.memory_space<vmem>>, %arg9: memref<128x256xf32, #tpu.memory_space<vmem>>, %arg10: memref<1x256xf32, #tpu.memory_space<vmem>>, %arg11: memref<1024x128xf32, #tpu.memory_space<vmem>>, %arg12: memref<1024x128xf32, #tpu.memory_space<vmem>>) attributes {dimension_semantics = [#tpu.dimension_semantics<arbitrary>], iteration_bounds = array<i64: 10>, scalar_prefetch = 0 : i64, scratch_operands = 0 : i64, tpu.core_type = #tpu.core_type<tc>, window_params = [{transform_indices = @transform_0, window_bounds = array<i64: 1024, 128>}, {transform_indices = @transform_1, window_bounds = array<i64: 1024, 128>}, {transform_indices = @transform_2, window_bounds = array<i64: 1024, 128>}, {pipeline_mode = #tpu.pipeline_mode<synchronous>, transform_indices = @transform_3, window_bounds = array<i64: 128, 256>}, {pipeline_mode = #tpu.pipeline_mode<synchronous>, transform_indices = @transform_4, window_bounds = array<i64: 1, 256>}, {pipeline_mode = #tpu.pipeline_mode<synchronous>, transform_indices = @transform_5, window_bounds = array<i64: 128, 256>}, {pipeline_mode = #tpu.pipeline_mode<synchronous>, transform_indices = @transform_6, window_bounds = array<i64: 1, 256>}, {pipeline_mode = #tpu.pipeline_mode<synchronous>, transform_indices = @transform_7, window_bounds = array<i64: 1, 256>}, {pipeline_mode = #tpu.pipeline_mode<synchronous>, transform_indices = @transform_8, window_bounds = array<i64: 128, 256>}, {pipeline_mode = #tpu.pipeline_mode<synchronous>, transform_indices = @transform_9, window_bounds = array<i64: 1, 256>}, {transform_indices = @transform_10, window_bounds = array<i64: 1024, 128>}, {transform_indices = @transform_11, window_bounds = array<i64: 1024, 128>}]} {
    %get3A = arith.constant 0 : index
    %get3A_0 = arith.constant 0 : index
    %get3A_1 = vector.load %arg3[%get3A, %get3A_0] : memref<1024x128xf32, #tpu.memory_space<vmem>>, vector<1024x128xf32>
    %slice3A = vector.extract_strided_slice %get3A_1 {offsets = [0, 0], sizes = [1024, 1], strides = [1, 1]} : vector<1024x128xf32> to vector<1024x1xf32>
    %max3A = arith.constant 1.000000e+00 : f32
    %max3A_2 = vector.broadcast %max3A : f32 to vector<1024x1xf32>
    %max3A_3 = arith.maximumf %slice3A, %max3A_2 : vector<1024x1xf32>
    %div3A = arith.constant 1.000000e+00 : f32
    %div3A_4 = vector.broadcast %div3A : f32 to vector<1024x1xf32>
    %div3A_5 = arith.divf %div3A_4, %max3A_3 : vector<1024x1xf32>
    %get3A_6 = arith.constant 0 : index
    %get3A_7 = arith.constant 0 : index
    %get3A_8 = vector.load %arg2[%get3A_6, %get3A_7] : memref<1024x128xf32, #tpu.memory_space<vmem>>, vector<1024x128xf32>
    %get3A_9 = arith.constant 0 : index
    %get3A_10 = arith.constant 0 : index
    %get3A_11 = vector.load %arg4[%get3A_9, %get3A_10] : memref<128x256xf32, #tpu.memory_space<vmem>>, vector<128x256xf32>
    %dot_general3A = arith.constant dense<0.000000e+00> : vector<1024x256xf32>
    %dot_general3A_12 = tpu.matmul %get3A_8, %get3A_11, %dot_general3A {dimension_numbers = #tpu.dot_dimension_numbers<[1], [0], [0], [1], [0, 0, 1, 1], [], []>, transpose_lhs_hint = false} : vector<1024x128xf32>, vector<128x256xf32>, vector<1024x256xf32> -> vector<1024x256xf32>
    %mul3A = vector.broadcast %div3A_5 : vector<1024x1xf32> to vector<1024x256xf32>
    %mul3A_13 = arith.mulf %dot_general3A_12, %mul3A : vector<1024x256xf32>
    %get3A_14 = arith.constant 0 : index
    %get3A_15 = arith.constant 0 : index
    %get3A_16 = vector.load %arg5[%get3A_14, %get3A_15] : memref<1x256xf32, #tpu.memory_space<vmem>>, vector<1x256xf32>
    %add3A = vector.broadcast %get3A_16 : vector<1x256xf32> to vector<1024x256xf32>
    %add3A_17 = arith.addf %mul3A_13, %add3A : vector<1024x256xf32>
    %get3A_18 = arith.constant 0 : index
    %get3A_19 = arith.constant 0 : index
    %get3A_20 = vector.load %arg1[%get3A_18, %get3A_19] : memref<1024x128xf32, #tpu.memory_space<vmem>>, vector<1024x128xf32>
    %get3A_21 = arith.constant 0 : index
    %get3A_22 = arith.constant 0 : index
    %get3A_23 = vector.load %arg6[%get3A_21, %get3A_22] : memref<128x256xf32, #tpu.memory_space<vmem>>, vector<128x256xf32>
    %dot_general3A_24 = arith.constant dense<0.000000e+00> : vector<1024x256xf32>
    %dot_general3A_25 = tpu.matmul %get3A_20, %get3A_23, %dot_general3A_24 {dimension_numbers = #tpu.dot_dimension_numbers<[1], [0], [0], [1], [0, 0, 1, 1], [], []>, transpose_lhs_hint = false} : vector<1024x128xf32>, vector<128x256xf32>, vector<1024x256xf32> -> vector<1024x256xf32>
    %add3A_26 = arith.addf %add3A_17, %dot_general3A_25 : vector<1024x256xf32>
    %reduce_sum3A = arith.constant dense<0.000000e+00> : vector<1024xf32>
    %reduce_sum3A_27 = vector.multi_reduction <add>, %add3A_26, %reduce_sum3A [1] : vector<1024x256xf32> to vector<1024xf32>
    %broadcast_in_dim3A = vector.shape_cast %reduce_sum3A_27 : vector<1024xf32> to vector<1024x1xf32>
    %div3A_28 = arith.constant 2.560000e+02 : f32
    %div3A_29 = vector.broadcast %div3A_28 : f32 to vector<1024x1xf32>
    %div3A_30 = arith.divf %broadcast_in_dim3A, %div3A_29 : vector<1024x1xf32>
    %sub3A = vector.broadcast %div3A_30 : vector<1024x1xf32> to vector<1024x256xf32>
    %sub3A_31 = arith.subf %add3A_26, %sub3A : vector<1024x256xf32>
    %integer_pow3A = arith.mulf %sub3A_31, %sub3A_31 : vector<1024x256xf32>
    %reduce_sum3A_32 = arith.constant dense<0.000000e+00> : vector<1024xf32>
    %reduce_sum3A_33 = vector.multi_reduction <add>, %integer_pow3A, %reduce_sum3A_32 [1] : vector<1024x256xf32> to vector<1024xf32>
    %broadcast_in_dim3A_34 = vector.shape_cast %reduce_sum3A_33 : vector<1024xf32> to vector<1024x1xf32>
    %div3A_35 = arith.constant 2.560000e+02 : f32
    %div3A_36 = vector.broadcast %div3A_35 : f32 to vector<1024x1xf32>
    %div3A_37 = arith.divf %broadcast_in_dim3A_34, %div3A_36 : vector<1024x1xf32>
    %sub3A_38 = vector.broadcast %div3A_30 : vector<1024x1xf32> to vector<1024x256xf32>
    %sub3A_39 = arith.subf %add3A_26, %sub3A_38 : vector<1024x256xf32>
    %add3A_40 = arith.constant 9.99999974E-6 : f32
    %add3A_41 = vector.broadcast %add3A_40 : f32 to vector<1024x1xf32>
    %add3A_42 = arith.addf %div3A_37, %add3A_41 : vector<1024x1xf32>
    %rsqrt3A = math.rsqrt %add3A_42 : vector<1024x1xf32>
    %mul3A_43 = vector.broadcast %rsqrt3A : vector<1024x1xf32> to vector<1024x256xf32>
    %mul3A_44 = arith.mulf %sub3A_39, %mul3A_43 : vector<1024x256xf32>
    %get3A_45 = arith.constant 0 : index
    %get3A_46 = arith.constant 0 : index
    %get3A_47 = vector.load %arg7[%get3A_45, %get3A_46] : memref<1x256xf32, #tpu.memory_space<vmem>>, vector<1x256xf32>
    %mul3A_48 = vector.broadcast %get3A_47 : vector<1x256xf32> to vector<1024x256xf32>
    %mul3A_49 = arith.mulf %mul3A_44, %mul3A_48 : vector<1024x256xf32>
    %get3A_50 = arith.constant 0 : index
    %get3A_51 = arith.constant 0 : index
    %get3A_52 = vector.load %arg8[%get3A_50, %get3A_51] : memref<1x256xf32, #tpu.memory_space<vmem>>, vector<1x256xf32>
    %add3A_53 = vector.broadcast %get3A_52 : vector<1x256xf32> to vector<1024x256xf32>
    %add3A_54 = arith.addf %mul3A_49, %add3A_53 : vector<1024x256xf32>
    %max3A_55 = arith.constant 0.000000e+00 : f32
    %max3A_56 = vector.broadcast %max3A_55 : f32 to vector<1024x256xf32>
    %max3A_57 = arith.maximumf %add3A_54, %max3A_56 : vector<1024x256xf32>
    %get3A_58 = arith.constant 0 : index
    %get3A_59 = arith.constant 0 : index
    %get3A_60 = vector.load %arg1[%get3A_58, %get3A_59] : memref<1024x128xf32, #tpu.memory_space<vmem>>, vector<1024x128xf32>
    %get3A_61 = arith.constant 0 : index
    %get3A_62 = arith.constant 0 : index
    %get3A_63 = vector.load %arg9[%get3A_61, %get3A_62] : memref<128x256xf32, #tpu.memory_space<vmem>>, vector<128x256xf32>
    %dot_general3A_64 = arith.constant dense<0.000000e+00> : vector<1024x256xf32>
    %dot_general3A_65 = tpu.matmul %get3A_60, %get3A_63, %dot_general3A_64 {dimension_numbers = #tpu.dot_dimension_numbers<[1], [0], [0], [1], [0, 0, 1, 1], [], []>, transpose_lhs_hint = false} : vector<1024x128xf32>, vector<128x256xf32>, vector<1024x256xf32> -> vector<1024x256xf32>
    %add3A_66 = arith.addf %max3A_57, %dot_general3A_65 : vector<1024x256xf32>
    %get3A_67 = arith.constant 0 : index
    %get3A_68 = arith.constant 0 : index
    %get3A_69 = vector.load %arg10[%get3A_67, %get3A_68] : memref<1x256xf32, #tpu.memory_space<vmem>>, vector<1x256xf32>
    %add3A_70 = vector.broadcast %get3A_69 : vector<1x256xf32> to vector<1024x256xf32>
    %add3A_71 = arith.addf %add3A_66, %add3A_70 : vector<1024x256xf32>
    %slice3A_72 = vector.extract_strided_slice %add3A_71 {offsets = [0, 0], sizes = [1024, 128], strides = [1, 1]} : vector<1024x256xf32> to vector<1024x128xf32>
    %swap3A = arith.constant 0 : index
    %swap3A_73 = arith.constant 0 : index
    %swap3A_74 = vector.load %arg11[%swap3A, %swap3A_73] : memref<1024x128xf32, #tpu.memory_space<vmem>>, vector<1024x128xf32>
    tpu.vector_store %arg11[%swap3A, %swap3A_73], %slice3A_72 {strides = array<i32>} : memref<1024x128xf32, #tpu.memory_space<vmem>>, vector<1024x128xf32>,
    %slice3A_75 = vector.extract_strided_slice %add3A_71 {offsets = [0, 128], sizes = [1024, 128], strides = [1, 1]} : vector<1024x256xf32> to vector<1024x128xf32>
    %swap3A_76 = arith.constant 0 : index
    %swap3A_77 = arith.constant 0 : index
    %swap3A_78 = vector.load %arg12[%swap3A_76, %swap3A_77] : memref<1024x128xf32, #tpu.memory_space<vmem>>, vector<1024x128xf32>
    tpu.vector_store %arg12[%swap3A_76, %swap3A_77], %slice3A_75 {strides = array<i32>} : memref<1024x128xf32, #tpu.memory_space<vmem>>, vector<1024x128xf32>,
    return
  }
  func.func @transform_0(%arg0: i32) -> (i32, i32) {
    %c0_i32 = arith.constant 0 : i32
    %c0_i32_0 = arith.constant 0 : i32
    return %arg0, %c0_i32 : i32, i32
  }
  func.func @transform_1(%arg0: i32) -> (i32, i32) {
    %c0_i32 = arith.constant 0 : i32
    %c0_i32_0 = arith.constant 0 : i32
    return %arg0, %c0_i32 : i32, i32
  }
  func.func @transform_2(%arg0: i32) -> (i32, i32) {
    %c0_i32 = arith.constant 0 : i32
    %c0_i32_0 = arith.constant 0 : i32
    return %arg0, %c0_i32 : i32, i32
  }
  func.func @transform_3(%arg0: i32) -> (i32, i32) {
    %c0_i32 = arith.constant 0 : i32
    %c0_i32_0 = arith.constant 0 : i32
    %c0_i32_1 = arith.constant 0 : i32
    return %c0_i32, %c0_i32_0 : i32, i32
  }
  func.func @transform_4(%arg0: i32) -> (i32, i32) {
    %c0_i32 = arith.constant 0 : i32
    %c0_i32_0 = arith.constant 0 : i32
    %c0_i32_1 = arith.constant 0 : i32
    return %c0_i32, %c0_i32_0 : i32, i32
  }
  func.func @transform_5(%arg0: i32) -> (i32, i32) {
    %c0_i32 = arith.constant 0 : i32
    %c0_i32_0 = arith.constant 0 : i32
    %c0_i32_1 = arith.constant 0 : i32
    return %c0_i32, %c0_i32_0 : i32, i32
  }
  func.func @transform_6(%arg0: i32) -> (i32, i32) {
    %c0_i32 = arith.constant 0 : i32
    %c0_i32_0 = arith.constant 0 : i32
    %c0_i32_1 = arith.constant 0 : i32
    return %c0_i32, %c0_i32_0 : i32, i32
  }
  func.func @transform_7(%arg0: i32) -> (i32, i32) {
    %c0_i32 = arith.constant 0 : i32
    %c0_i32_0 = arith.constant 0 : i32
    %c0_i32_1 = arith.constant 0 : i32
    return %c0_i32, %c0_i32_0 : i32, i32
  }
  func.func @transform_8(%arg0: i32) -> (i32, i32) {
    %c0_i32 = arith.constant 0 : i32
    %c0_i32_0 = arith.constant 0 : i32
    %c0_i32_1 = arith.constant 0 : i32
    return %c0_i32, %c0_i32_0 : i32, i32
  }
  func.func @transform_9(%arg0: i32) -> (i32, i32) {
    %c0_i32 = arith.constant 0 : i32
    %c0_i32_0 = arith.constant 0 : i32
    %c0_i32_1 = arith.constant 0 : i32
    return %c0_i32, %c0_i32_0 : i32, i32
  }
  func.func @transform_10(%arg0: i32) -> (i32, i32) {
    %c0_i32 = arith.constant 0 : i32
    %c0_i32_0 = arith.constant 0 : i32
    return %arg0, %c0_i32 : i32, i32
  }
  func.func @transform_11(%arg0: i32) -> (i32, i32) {
    %c0_i32 = arith.constant 0 : i32
    %c0_i32_0 = arith.constant 0 : i32
    return %arg0, %c0_i32 : i32, i32
  }
}

module attributes {stable_mosaic.version = 14 : i64} {
  func.func @body(%arg0: i32, %arg1: memref<1024x128xf32, #tpu.memory_space<vmem>>, %arg2: memref<1024x128xf32, #tpu.memory_space<vmem>>, %arg3: memref<1024x128xf32, #tpu.memory_space<vmem>>, %arg4: memref<1024x128xf32, #tpu.memory_space<vmem>>, %arg5: memref<1024x128xf32, #tpu.memory_space<vmem>>, %arg6: memref<128x256xf32, #tpu.memory_space<vmem>>, %arg7: memref<128x256xf32, #tpu.memory_space<vmem>>, %arg8: memref<1x256xf32, #tpu.memory_space<vmem>>, %arg9: memref<128x256xf32, #tpu.memory_space<vmem>>, %arg10: memref<128x256xf32, #tpu.memory_space<vmem>>, %arg11: memref<1024x128xf32, #tpu.memory_space<vmem>>, %arg12: memref<1024x128xf32, #tpu.memory_space<vmem>>) attributes {dimension_semantics = [#tpu.dimension_semantics<arbitrary>], iteration_bounds = array<i64: 10>, scalar_prefetch = 0 : i64, scratch_operands = 0 : i64, tpu.core_type = #tpu.core_type<tc>, window_params = [{transform_indices = @transform_0, window_bounds = array<i64: 1024, 128>}, {transform_indices = @transform_1, window_bounds = array<i64: 1024, 128>}, {transform_indices = @transform_2, window_bounds = array<i64: 1024, 128>}, {transform_indices = @transform_3, window_bounds = array<i64: 1024, 128>}, {transform_indices = @transform_4, window_bounds = array<i64: 1024, 128>}, {pipeline_mode = #tpu.pipeline_mode<synchronous>, transform_indices = @transform_5, window_bounds = array<i64: 128, 256>}, {pipeline_mode = #tpu.pipeline_mode<synchronous>, transform_indices = @transform_6, window_bounds = array<i64: 128, 256>}, {pipeline_mode = #tpu.pipeline_mode<synchronous>, transform_indices = @transform_7, window_bounds = array<i64: 1, 256>}, {pipeline_mode = #tpu.pipeline_mode<synchronous>, transform_indices = @transform_8, window_bounds = array<i64: 128, 256>}, {pipeline_mode = #tpu.pipeline_mode<synchronous>, transform_indices = @transform_9, window_bounds = array<i64: 128, 256>}, {transform_indices = @transform_10, window_bounds = array<i64: 1024, 128>}, {transform_indices = @transform_11, window_bounds = array<i64: 1024, 128>}]} {
    %get3A = arith.constant 0 : index
    %get3A_0 = arith.constant 0 : index
    %get3A_1 = vector.load %arg5[%get3A, %get3A_0] : memref<1024x128xf32, #tpu.memory_space<vmem>>, vector<1024x128xf32>
    %slice3A = vector.extract_strided_slice %get3A_1 {offsets = [0, 0], sizes = [1024, 1], strides = [1, 1]} : vector<1024x128xf32> to vector<1024x1xf32>
    %max3A = arith.constant 1.000000e+00 : f32
    %max3A_2 = vector.broadcast %max3A : f32 to vector<1024x1xf32>
    %max3A_3 = arith.maximumf %slice3A, %max3A_2 : vector<1024x1xf32>
    %div3A = arith.constant 1.000000e+00 : f32
    %div3A_4 = vector.broadcast %div3A : f32 to vector<1024x1xf32>
    %div3A_5 = arith.divf %div3A_4, %max3A_3 : vector<1024x1xf32>
    %get3A_6 = arith.constant 0 : index
    %get3A_7 = arith.constant 0 : index
    %get3A_8 = vector.load %arg3[%get3A_6, %get3A_7] : memref<1024x128xf32, #tpu.memory_space<vmem>>, vector<1024x128xf32>
    %get3A_9 = arith.constant 0 : index
    %get3A_10 = arith.constant 0 : index
    %get3A_11 = vector.load %arg6[%get3A_9, %get3A_10] : memref<128x256xf32, #tpu.memory_space<vmem>>, vector<128x256xf32>
    %dot_general3A = arith.constant dense<0.000000e+00> : vector<1024x256xf32>
    %dot_general3A_12 = tpu.matmul %get3A_8, %get3A_11, %dot_general3A {dimension_numbers = #tpu.dot_dimension_numbers<[1], [0], [0], [1], [0, 0, 1, 1], [], []>, transpose_lhs_hint = false} : vector<1024x128xf32>, vector<128x256xf32>, vector<1024x256xf32> -> vector<1024x256xf32>
    %get3A_13 = arith.constant 0 : index
    %get3A_14 = arith.constant 0 : index
    %get3A_15 = vector.load %arg4[%get3A_13, %get3A_14] : memref<1024x128xf32, #tpu.memory_space<vmem>>, vector<1024x128xf32>
    %get3A_16 = arith.constant 0 : index
    %get3A_17 = arith.constant 0 : index
    %get3A_18 = vector.load %arg7[%get3A_16, %get3A_17] : memref<128x256xf32, #tpu.memory_space<vmem>>, vector<128x256xf32>
    %dot_general3A_19 = arith.constant dense<0.000000e+00> : vector<1024x256xf32>
    %dot_general3A_20 = tpu.matmul %get3A_15, %get3A_18, %dot_general3A_19 {dimension_numbers = #tpu.dot_dimension_numbers<[1], [0], [0], [1], [0, 0, 1, 1], [], []>, transpose_lhs_hint = false} : vector<1024x128xf32>, vector<128x256xf32>, vector<1024x256xf32> -> vector<1024x256xf32>
    %add3A = arith.addf %dot_general3A_12, %dot_general3A_20 : vector<1024x256xf32>
    %mul3A = vector.broadcast %div3A_5 : vector<1024x1xf32> to vector<1024x256xf32>
    %mul3A_21 = arith.mulf %add3A, %mul3A : vector<1024x256xf32>
    %get3A_22 = arith.constant 0 : index
    %get3A_23 = arith.constant 0 : index
    %get3A_24 = vector.load %arg8[%get3A_22, %get3A_23] : memref<1x256xf32, #tpu.memory_space<vmem>>, vector<1x256xf32>
    %add3A_25 = vector.broadcast %get3A_24 : vector<1x256xf32> to vector<1024x256xf32>
    %add3A_26 = arith.addf %mul3A_21, %add3A_25 : vector<1024x256xf32>
    %get3A_27 = arith.constant 0 : index
    %get3A_28 = arith.constant 0 : index
    %get3A_29 = vector.load %arg1[%get3A_27, %get3A_28] : memref<1024x128xf32, #tpu.memory_space<vmem>>, vector<1024x128xf32>
    %get3A_30 = arith.constant 0 : index
    %get3A_31 = arith.constant 0 : index
    %get3A_32 = vector.load %arg9[%get3A_30, %get3A_31] : memref<128x256xf32, #tpu.memory_space<vmem>>, vector<128x256xf32>
    %dot_general3A_33 = arith.constant dense<0.000000e+00> : vector<1024x256xf32>
    %dot_general3A_34 = tpu.matmul %get3A_29, %get3A_32, %dot_general3A_33 {dimension_numbers = #tpu.dot_dimension_numbers<[1], [0], [0], [1], [0, 0, 1, 1], [], []>, transpose_lhs_hint = false} : vector<1024x128xf32>, vector<128x256xf32>, vector<1024x256xf32> -> vector<1024x256xf32>
    %add3A_35 = arith.addf %add3A_26, %dot_general3A_34 : vector<1024x256xf32>
    %get3A_36 = arith.constant 0 : index
    %get3A_37 = arith.constant 0 : index
    %get3A_38 = vector.load %arg2[%get3A_36, %get3A_37] : memref<1024x128xf32, #tpu.memory_space<vmem>>, vector<1024x128xf32>
    %get3A_39 = arith.constant 0 : index
    %get3A_40 = arith.constant 0 : index
    %get3A_41 = vector.load %arg10[%get3A_39, %get3A_40] : memref<128x256xf32, #tpu.memory_space<vmem>>, vector<128x256xf32>
    %dot_general3A_42 = arith.constant dense<0.000000e+00> : vector<1024x256xf32>
    %dot_general3A_43 = tpu.matmul %get3A_38, %get3A_41, %dot_general3A_42 {dimension_numbers = #tpu.dot_dimension_numbers<[1], [0], [0], [1], [0, 0, 1, 1], [], []>, transpose_lhs_hint = false} : vector<1024x128xf32>, vector<128x256xf32>, vector<1024x256xf32> -> vector<1024x256xf32>
    %add3A_44 = arith.addf %add3A_35, %dot_general3A_43 : vector<1024x256xf32>
    %max3A_45 = arith.constant 0.000000e+00 : f32
    %max3A_46 = vector.broadcast %max3A_45 : f32 to vector<1024x256xf32>
    %max3A_47 = arith.maximumf %add3A_44, %max3A_46 : vector<1024x256xf32>
    %slice3A_48 = vector.extract_strided_slice %max3A_47 {offsets = [0, 0], sizes = [1024, 128], strides = [1, 1]} : vector<1024x256xf32> to vector<1024x128xf32>
    %swap3A = arith.constant 0 : index
    %swap3A_49 = arith.constant 0 : index
    %swap3A_50 = vector.load %arg11[%swap3A, %swap3A_49] : memref<1024x128xf32, #tpu.memory_space<vmem>>, vector<1024x128xf32>
    tpu.vector_store %arg11[%swap3A, %swap3A_49], %slice3A_48 {strides = array<i32>} : memref<1024x128xf32, #tpu.memory_space<vmem>>, vector<1024x128xf32>,
    %slice3A_51 = vector.extract_strided_slice %max3A_47 {offsets = [0, 128], sizes = [1024, 128], strides = [1, 1]} : vector<1024x256xf32> to vector<1024x128xf32>
    %swap3A_52 = arith.constant 0 : index
    %swap3A_53 = arith.constant 0 : index
    %swap3A_54 = vector.load %arg12[%swap3A_52, %swap3A_53] : memref<1024x128xf32, #tpu.memory_space<vmem>>, vector<1024x128xf32>
    tpu.vector_store %arg12[%swap3A_52, %swap3A_53], %slice3A_51 {strides = array<i32>} : memref<1024x128xf32, #tpu.memory_space<vmem>>, vector<1024x128xf32>,
    return
  }
  func.func @transform_0(%arg0: i32) -> (i32, i32) {
    %c0_i32 = arith.constant 0 : i32
    %c0_i32_0 = arith.constant 0 : i32
    return %arg0, %c0_i32 : i32, i32
  }
  func.func @transform_1(%arg0: i32) -> (i32, i32) {
    %c0_i32 = arith.constant 0 : i32
    %c0_i32_0 = arith.constant 0 : i32
    return %arg0, %c0_i32 : i32, i32
  }
  func.func @transform_2(%arg0: i32) -> (i32, i32) {
    %c0_i32 = arith.constant 0 : i32
    %c0_i32_0 = arith.constant 0 : i32
    return %arg0, %c0_i32 : i32, i32
  }
  func.func @transform_3(%arg0: i32) -> (i32, i32) {
    %c0_i32 = arith.constant 0 : i32
    %c0_i32_0 = arith.constant 0 : i32
    return %arg0, %c0_i32 : i32, i32
  }
  func.func @transform_4(%arg0: i32) -> (i32, i32) {
    %c0_i32 = arith.constant 0 : i32
    %c0_i32_0 = arith.constant 0 : i32
    return %arg0, %c0_i32 : i32, i32
  }
  func.func @transform_5(%arg0: i32) -> (i32, i32) {
    %c0_i32 = arith.constant 0 : i32
    %c0_i32_0 = arith.constant 0 : i32
    %c0_i32_1 = arith.constant 0 : i32
    return %c0_i32, %c0_i32_0 : i32, i32
  }
  func.func @transform_6(%arg0: i32) -> (i32, i32) {
    %c0_i32 = arith.constant 0 : i32
    %c0_i32_0 = arith.constant 0 : i32
    %c0_i32_1 = arith.constant 0 : i32
    return %c0_i32, %c0_i32_0 : i32, i32
  }
  func.func @transform_7(%arg0: i32) -> (i32, i32) {
    %c0_i32 = arith.constant 0 : i32
    %c0_i32_0 = arith.constant 0 : i32
    %c0_i32_1 = arith.constant 0 : i32
    return %c0_i32, %c0_i32_0 : i32, i32
  }
  func.func @transform_8(%arg0: i32) -> (i32, i32) {
    %c0_i32 = arith.constant 0 : i32
    %c0_i32_0 = arith.constant 0 : i32
    %c0_i32_1 = arith.constant 0 : i32
    return %c0_i32, %c0_i32_0 : i32, i32
  }
  func.func @transform_9(%arg0: i32) -> (i32, i32) {
    %c0_i32 = arith.constant 0 : i32
    %c0_i32_0 = arith.constant 0 : i32
    %c0_i32_1 = arith.constant 0 : i32
    return %c0_i32, %c0_i32_0 : i32, i32
  }
  func.func @transform_10(%arg0: i32) -> (i32, i32) {
    %c0_i32 = arith.constant 0 : i32
    %c0_i32_0 = arith.constant 0 : i32
    return %arg0, %c0_i32 : i32, i32
  }
  func.func @transform_11(%arg0: i32) -> (i32, i32) {
    %c0_i32 = arith.constant 0 : i32
    %c0_i32_0 = arith.constant 0 : i32
    return %arg0, %c0_i32 : i32, i32
  }
}

module attributes {stable_mosaic.version = 14 : i64} {
  func.func @body(%arg0: i32, %arg1: memref<1024x128xf32, #tpu.memory_space<vmem>>, %arg2: memref<1024x128xf32, #tpu.memory_space<vmem>>, %arg3: memref<1024x128xf32, #tpu.memory_space<vmem>>, %arg4: memref<1024x128xf32, #tpu.memory_space<vmem>>, %arg5: memref<1024x128xf32, #tpu.memory_space<vmem>>, %arg6: memref<128x256xf32, #tpu.memory_space<vmem>>, %arg7: memref<128x256xf32, #tpu.memory_space<vmem>>, %arg8: memref<1x256xf32, #tpu.memory_space<vmem>>, %arg9: memref<128x256xf32, #tpu.memory_space<vmem>>, %arg10: memref<128x256xf32, #tpu.memory_space<vmem>>, %arg11: memref<256x128xf32, #tpu.memory_space<vmem>>, %arg12: memref<256x128xf32, #tpu.memory_space<vmem>>, %arg13: memref<1x128xf32, #tpu.memory_space<vmem>>, %arg14: memref<1024x128xf32, #tpu.memory_space<vmem>>, %arg15: memref<1024x128xf32, #tpu.memory_space<vmem>>) attributes {dimension_semantics = [#tpu.dimension_semantics<arbitrary>], iteration_bounds = array<i64: 10>, scalar_prefetch = 0 : i64, scratch_operands = 0 : i64, tpu.core_type = #tpu.core_type<tc>, window_params = [{transform_indices = @transform_0, window_bounds = array<i64: 1024, 128>}, {transform_indices = @transform_1, window_bounds = array<i64: 1024, 128>}, {transform_indices = @transform_2, window_bounds = array<i64: 1024, 128>}, {transform_indices = @transform_3, window_bounds = array<i64: 1024, 128>}, {transform_indices = @transform_4, window_bounds = array<i64: 1024, 128>}, {pipeline_mode = #tpu.pipeline_mode<synchronous>, transform_indices = @transform_5, window_bounds = array<i64: 128, 256>}, {pipeline_mode = #tpu.pipeline_mode<synchronous>, transform_indices = @transform_6, window_bounds = array<i64: 128, 256>}, {pipeline_mode = #tpu.pipeline_mode<synchronous>, transform_indices = @transform_7, window_bounds = array<i64: 1, 256>}, {pipeline_mode = #tpu.pipeline_mode<synchronous>, transform_indices = @transform_8, window_bounds = array<i64: 128, 256>}, {pipeline_mode = #tpu.pipeline_mode<synchronous>, transform_indices = @transform_9, window_bounds = array<i64: 128, 256>}, {pipeline_mode = #tpu.pipeline_mode<synchronous>, transform_indices = @transform_10, window_bounds = array<i64: 256, 128>}, {pipeline_mode = #tpu.pipeline_mode<synchronous>, transform_indices = @transform_11, window_bounds = array<i64: 256, 128>}, {pipeline_mode = #tpu.pipeline_mode<synchronous>, transform_indices = @transform_12, window_bounds = array<i64: 1, 128>}, {transform_indices = @transform_13, window_bounds = array<i64: 1024, 128>}, {transform_indices = @transform_14, window_bounds = array<i64: 1024, 128>}]} {
    %get3A = arith.constant 0 : index
    %get3A_0 = arith.constant 0 : index
    %get3A_1 = vector.load %arg5[%get3A, %get3A_0] : memref<1024x128xf32, #tpu.memory_space<vmem>>, vector<1024x128xf32>
    %slice3A = vector.extract_strided_slice %get3A_1 {offsets = [0, 0], sizes = [1024, 1], strides = [1, 1]} : vector<1024x128xf32> to vector<1024x1xf32>
    %max3A = arith.constant 1.000000e+00 : f32
    %max3A_2 = vector.broadcast %max3A : f32 to vector<1024x1xf32>
    %max3A_3 = arith.maximumf %slice3A, %max3A_2 : vector<1024x1xf32>
    %div3A = arith.constant 1.000000e+00 : f32
    %div3A_4 = vector.broadcast %div3A : f32 to vector<1024x1xf32>
    %div3A_5 = arith.divf %div3A_4, %max3A_3 : vector<1024x1xf32>
    %get3A_6 = arith.constant 0 : index
    %get3A_7 = arith.constant 0 : index
    %get3A_8 = vector.load %arg3[%get3A_6, %get3A_7] : memref<1024x128xf32, #tpu.memory_space<vmem>>, vector<1024x128xf32>
    %get3A_9 = arith.constant 0 : index
    %get3A_10 = arith.constant 0 : index
    %get3A_11 = vector.load %arg6[%get3A_9, %get3A_10] : memref<128x256xf32, #tpu.memory_space<vmem>>, vector<128x256xf32>
    %dot_general3A = arith.constant dense<0.000000e+00> : vector<1024x256xf32>
    %dot_general3A_12 = tpu.matmul %get3A_8, %get3A_11, %dot_general3A {dimension_numbers = #tpu.dot_dimension_numbers<[1], [0], [0], [1], [0, 0, 1, 1], [], []>, transpose_lhs_hint = false} : vector<1024x128xf32>, vector<128x256xf32>, vector<1024x256xf32> -> vector<1024x256xf32>
    %get3A_13 = arith.constant 0 : index
    %get3A_14 = arith.constant 0 : index
    %get3A_15 = vector.load %arg4[%get3A_13, %get3A_14] : memref<1024x128xf32, #tpu.memory_space<vmem>>, vector<1024x128xf32>
    %get3A_16 = arith.constant 0 : index
    %get3A_17 = arith.constant 0 : index
    %get3A_18 = vector.load %arg7[%get3A_16, %get3A_17] : memref<128x256xf32, #tpu.memory_space<vmem>>, vector<128x256xf32>
    %dot_general3A_19 = arith.constant dense<0.000000e+00> : vector<1024x256xf32>
    %dot_general3A_20 = tpu.matmul %get3A_15, %get3A_18, %dot_general3A_19 {dimension_numbers = #tpu.dot_dimension_numbers<[1], [0], [0], [1], [0, 0, 1, 1], [], []>, transpose_lhs_hint = false} : vector<1024x128xf32>, vector<128x256xf32>, vector<1024x256xf32> -> vector<1024x256xf32>
    %add3A = arith.addf %dot_general3A_12, %dot_general3A_20 : vector<1024x256xf32>
    %mul3A = vector.broadcast %div3A_5 : vector<1024x1xf32> to vector<1024x256xf32>
    %mul3A_21 = arith.mulf %add3A, %mul3A : vector<1024x256xf32>
    %get3A_22 = arith.constant 0 : index
    %get3A_23 = arith.constant 0 : index
    %get3A_24 = vector.load %arg8[%get3A_22, %get3A_23] : memref<1x256xf32, #tpu.memory_space<vmem>>, vector<1x256xf32>
    %add3A_25 = vector.broadcast %get3A_24 : vector<1x256xf32> to vector<1024x256xf32>
    %add3A_26 = arith.addf %mul3A_21, %add3A_25 : vector<1024x256xf32>
    %get3A_27 = arith.constant 0 : index
    %get3A_28 = arith.constant 0 : index
    %get3A_29 = vector.load %arg1[%get3A_27, %get3A_28] : memref<1024x128xf32, #tpu.memory_space<vmem>>, vector<1024x128xf32>
    %get3A_30 = arith.constant 0 : index
    %get3A_31 = arith.constant 0 : index
    %get3A_32 = vector.load %arg9[%get3A_30, %get3A_31] : memref<128x256xf32, #tpu.memory_space<vmem>>, vector<128x256xf32>
    %dot_general3A_33 = arith.constant dense<0.000000e+00> : vector<1024x256xf32>
    %dot_general3A_34 = tpu.matmul %get3A_29, %get3A_32, %dot_general3A_33 {dimension_numbers = #tpu.dot_dimension_numbers<[1], [0], [0], [1], [0, 0, 1, 1], [], []>, transpose_lhs_hint = false} : vector<1024x128xf32>, vector<128x256xf32>, vector<1024x256xf32> -> vector<1024x256xf32>
    %add3A_35 = arith.addf %add3A_26, %dot_general3A_34 : vector<1024x256xf32>
    %get3A_36 = arith.constant 0 : index
    %get3A_37 = arith.constant 0 : index
    %get3A_38 = vector.load %arg2[%get3A_36, %get3A_37] : memref<1024x128xf32, #tpu.memory_space<vmem>>, vector<1024x128xf32>
    %get3A_39 = arith.constant 0 : index
    %get3A_40 = arith.constant 0 : index
    %get3A_41 = vector.load %arg10[%get3A_39, %get3A_40] : memref<128x256xf32, #tpu.memory_space<vmem>>, vector<128x256xf32>
    %dot_general3A_42 = arith.constant dense<0.000000e+00> : vector<1024x256xf32>
    %dot_general3A_43 = tpu.matmul %get3A_38, %get3A_41, %dot_general3A_42 {dimension_numbers = #tpu.dot_dimension_numbers<[1], [0], [0], [1], [0, 0, 1, 1], [], []>, transpose_lhs_hint = false} : vector<1024x128xf32>, vector<128x256xf32>, vector<1024x256xf32> -> vector<1024x256xf32>
    %add3A_44 = arith.addf %add3A_35, %dot_general3A_43 : vector<1024x256xf32>
    %max3A_45 = arith.constant 0.000000e+00 : f32
    %max3A_46 = vector.broadcast %max3A_45 : f32 to vector<1024x256xf32>
    %max3A_47 = arith.maximumf %add3A_44, %max3A_46 : vector<1024x256xf32>
    %get3A_48 = arith.constant 0 : index
    %get3A_49 = arith.constant 0 : index
    %get3A_50 = vector.load %arg11[%get3A_48, %get3A_49] : memref<256x128xf32, #tpu.memory_space<vmem>>, vector<256x128xf32>
    %dot_general3A_51 = arith.constant dense<0.000000e+00> : vector<1024x128xf32>
    %dot_general3A_52 = tpu.matmul %max3A_47, %get3A_50, %dot_general3A_51 {dimension_numbers = #tpu.dot_dimension_numbers<[1], [0], [0], [1], [0, 0, 1, 1], [], []>, transpose_lhs_hint = false} : vector<1024x256xf32>, vector<256x128xf32>, vector<1024x128xf32> -> vector<1024x128xf32>
    %swap3A = arith.constant 0 : index
    %swap3A_53 = arith.constant 0 : index
    %swap3A_54 = vector.load %arg14[%swap3A, %swap3A_53] : memref<1024x128xf32, #tpu.memory_space<vmem>>, vector<1024x128xf32>
    tpu.vector_store %arg14[%swap3A, %swap3A_53], %dot_general3A_52 {strides = array<i32>} : memref<1024x128xf32, #tpu.memory_space<vmem>>, vector<1024x128xf32>,
    %get3A_55 = arith.constant 0 : index
    %get3A_56 = arith.constant 0 : index
    %get3A_57 = vector.load %arg12[%get3A_55, %get3A_56] : memref<256x128xf32, #tpu.memory_space<vmem>>, vector<256x128xf32>
    %dot_general3A_58 = arith.constant dense<0.000000e+00> : vector<1024x128xf32>
    %dot_general3A_59 = tpu.matmul %max3A_47, %get3A_57, %dot_general3A_58 {dimension_numbers = #tpu.dot_dimension_numbers<[1], [0], [0], [1], [0, 0, 1, 1], [], []>, transpose_lhs_hint = false} : vector<1024x256xf32>, vector<256x128xf32>, vector<1024x128xf32> -> vector<1024x128xf32>
    %get3A_60 = arith.constant 0 : index
    %get3A_61 = arith.constant 0 : index
    %get3A_62 = vector.load %arg13[%get3A_60, %get3A_61] : memref<1x128xf32, #tpu.memory_space<vmem>>, vector<1x128xf32>
    %add3A_63 = vector.broadcast %get3A_62 : vector<1x128xf32> to vector<1024x128xf32>
    %add3A_64 = arith.addf %dot_general3A_59, %add3A_63 : vector<1024x128xf32>
    %swap3A_65 = arith.constant 0 : index
    %swap3A_66 = arith.constant 0 : index
    %swap3A_67 = vector.load %arg15[%swap3A_65, %swap3A_66] : memref<1024x128xf32, #tpu.memory_space<vmem>>, vector<1024x128xf32>
    tpu.vector_store %arg15[%swap3A_65, %swap3A_66], %add3A_64 {strides = array<i32>} : memref<1024x128xf32, #tpu.memory_space<vmem>>, vector<1024x128xf32>,
    return
  }
  func.func @transform_0(%arg0: i32) -> (i32, i32) {
    %c0_i32 = arith.constant 0 : i32
    %c0_i32_0 = arith.constant 0 : i32
    return %arg0, %c0_i32 : i32, i32
  }
  func.func @transform_1(%arg0: i32) -> (i32, i32) {
    %c0_i32 = arith.constant 0 : i32
    %c0_i32_0 = arith.constant 0 : i32
    return %arg0, %c0_i32 : i32, i32
  }
  func.func @transform_2(%arg0: i32) -> (i32, i32) {
    %c0_i32 = arith.constant 0 : i32
    %c0_i32_0 = arith.constant 0 : i32
    return %arg0, %c0_i32 : i32, i32
  }
  func.func @transform_3(%arg0: i32) -> (i32, i32) {
    %c0_i32 = arith.constant 0 : i32
    %c0_i32_0 = arith.constant 0 : i32
    return %arg0, %c0_i32 : i32, i32
  }
  func.func @transform_4(%arg0: i32) -> (i32, i32) {
    %c0_i32 = arith.constant 0 : i32
    %c0_i32_0 = arith.constant 0 : i32
    return %arg0, %c0_i32 : i32, i32
  }
  func.func @transform_5(%arg0: i32) -> (i32, i32) {
    %c0_i32 = arith.constant 0 : i32
    %c0_i32_0 = arith.constant 0 : i32
    %c0_i32_1 = arith.constant 0 : i32
    return %c0_i32, %c0_i32_0 : i32, i32
  }
  func.func @transform_6(%arg0: i32) -> (i32, i32) {
    %c0_i32 = arith.constant 0 : i32
    %c0_i32_0 = arith.constant 0 : i32
    %c0_i32_1 = arith.constant 0 : i32
    return %c0_i32, %c0_i32_0 : i32, i32
  }
  func.func @transform_7(%arg0: i32) -> (i32, i32) {
    %c0_i32 = arith.constant 0 : i32
    %c0_i32_0 = arith.constant 0 : i32
    %c0_i32_1 = arith.constant 0 : i32
    return %c0_i32, %c0_i32_0 : i32, i32
  }
  func.func @transform_8(%arg0: i32) -> (i32, i32) {
    %c0_i32 = arith.constant 0 : i32
    %c0_i32_0 = arith.constant 0 : i32
    %c0_i32_1 = arith.constant 0 : i32
    return %c0_i32, %c0_i32_0 : i32, i32
  }
  func.func @transform_9(%arg0: i32) -> (i32, i32) {
    %c0_i32 = arith.constant 0 : i32
    %c0_i32_0 = arith.constant 0 : i32
    %c0_i32_1 = arith.constant 0 : i32
    return %c0_i32, %c0_i32_0 : i32, i32
  }
  func.func @transform_10(%arg0: i32) -> (i32, i32) {
    %c0_i32 = arith.constant 0 : i32
    %c0_i32_0 = arith.constant 0 : i32
    %c0_i32_1 = arith.constant 0 : i32
    return %c0_i32, %c0_i32_0 : i32, i32
  }
  func.func @transform_11(%arg0: i32) -> (i32, i32) {
    %c0_i32 = arith.constant 0 : i32
    %c0_i32_0 = arith.constant 0 : i32
    %c0_i32_1 = arith.constant 0 : i32
    return %c0_i32, %c0_i32_0 : i32, i32
  }
  func.func @transform_12(%arg0: i32) -> (i32, i32) {
    %c0_i32 = arith.constant 0 : i32
    %c0_i32_0 = arith.constant 0 : i32
    %c0_i32_1 = arith.constant 0 : i32
    return %c0_i32, %c0_i32_0 : i32, i32
  }
  func.func @transform_13(%arg0: i32) -> (i32, i32) {
    %c0_i32 = arith.constant 0 : i32
    %c0_i32_0 = arith.constant 0 : i32
    return %arg0, %c0_i32 : i32, i32
  }
  func.func @transform_14(%arg0: i32) -> (i32, i32) {
    %c0_i32 = arith.constant 0 : i32
    %c0_i32_0 = arith.constant 0 : i32
    return %arg0, %c0_i32 : i32, i32
  }
}

module attributes {stable_mosaic.version = 14 : i64} {
  func.func @body(%arg0: i32, %arg1: memref<1024x128xf32, #tpu.memory_space<vmem>>, %arg2: memref<1024x128xf32, #tpu.memory_space<vmem>>, %arg3: memref<1024x128xf32, #tpu.memory_space<vmem>>, %arg4: memref<1024x128xf32, #tpu.memory_space<vmem>>, %arg5: memref<1024x128xf32, #tpu.memory_space<vmem>>) attributes {dimension_semantics = [#tpu.dimension_semantics<arbitrary>], iteration_bounds = array<i64: 10>, scalar_prefetch = 0 : i64, scratch_operands = 0 : i64, tpu.core_type = #tpu.core_type<tc>, window_params = [{transform_indices = @transform_0, window_bounds = array<i64: 1024, 128>}, {transform_indices = @transform_1, window_bounds = array<i64: 1024, 128>}, {transform_indices = @transform_2, window_bounds = array<i64: 1024, 128>}, {transform_indices = @transform_3, window_bounds = array<i64: 1024, 128>}, {transform_indices = @transform_4, window_bounds = array<i64: 1024, 128>}]} {
    %get3A = arith.constant 0 : index
    %get3A_0 = arith.constant 0 : index
    %get3A_1 = vector.load %arg3[%get3A, %get3A_0] : memref<1024x128xf32, #tpu.memory_space<vmem>>, vector<1024x128xf32>
    %slice3A = vector.extract_strided_slice %get3A_1 {offsets = [0, 0], sizes = [1024, 1], strides = [1, 1]} : vector<1024x128xf32> to vector<1024x1xf32>
    %max3A = arith.constant 1.000000e+00 : f32
    %max3A_2 = vector.broadcast %max3A : f32 to vector<1024x1xf32>
    %max3A_3 = arith.maximumf %slice3A, %max3A_2 : vector<1024x1xf32>
    %div3A = arith.constant 1.000000e+00 : f32
    %div3A_4 = vector.broadcast %div3A : f32 to vector<1024x1xf32>
    %div3A_5 = arith.divf %div3A_4, %max3A_3 : vector<1024x1xf32>
    %get3A_6 = arith.constant 0 : index
    %get3A_7 = arith.constant 0 : index
    %get3A_8 = vector.load %arg1[%get3A_6, %get3A_7] : memref<1024x128xf32, #tpu.memory_space<vmem>>, vector<1024x128xf32>
    %get3A_9 = arith.constant 0 : index
    %get3A_10 = arith.constant 0 : index
    %get3A_11 = vector.load %arg2[%get3A_9, %get3A_10] : memref<1024x128xf32, #tpu.memory_space<vmem>>, vector<1024x128xf32>
    %add3A = arith.addf %get3A_8, %get3A_11 : vector<1024x128xf32>
    %mul3A = vector.broadcast %div3A_5 : vector<1024x1xf32> to vector<1024x128xf32>
    %mul3A_12 = arith.mulf %add3A, %mul3A : vector<1024x128xf32>
    %get3A_13 = arith.constant 0 : index
    %get3A_14 = arith.constant 0 : index
    %get3A_15 = vector.load %arg4[%get3A_13, %get3A_14] : memref<1024x128xf32, #tpu.memory_space<vmem>>, vector<1024x128xf32>
    %add3A_16 = arith.addf %mul3A_12, %get3A_15 : vector<1024x128xf32>
    %swap3A = arith.constant 0 : index
    %swap3A_17 = arith.constant 0 : index
    %swap3A_18 = vector.load %arg5[%swap3A, %swap3A_17] : memref<1024x128xf32, #tpu.memory_space<vmem>>, vector<1024x128xf32>
    tpu.vector_store %arg5[%swap3A, %swap3A_17], %add3A_16 {strides = array<i32>} : memref<1024x128xf32, #tpu.memory_space<vmem>>, vector<1024x128xf32>,
    return
  }
  func.func @transform_0(%arg0: i32) -> (i32, i32) {
    %c0_i32 = arith.constant 0 : i32
    %c0_i32_0 = arith.constant 0 : i32
    return %arg0, %c0_i32 : i32, i32
  }
  func.func @transform_1(%arg0: i32) -> (i32, i32) {
    %c0_i32 = arith.constant 0 : i32
    %c0_i32_0 = arith.constant 0 : i32
    return %arg0, %c0_i32 : i32, i32
  }
  func.func @transform_2(%arg0: i32) -> (i32, i32) {
    %c0_i32 = arith.constant 0 : i32
    %c0_i32_0 = arith.constant 0 : i32
    return %arg0, %c0_i32 : i32, i32
  }
  func.func @transform_3(%arg0: i32) -> (i32, i32) {
    %c0_i32 = arith.constant 0 : i32
    %c0_i32_0 = arith.constant 0 : i32
    return %arg0, %c0_i32 : i32, i32
  }
  func.func @transform_4(%arg0: i32) -> (i32, i32) {
    %c0_i32 = arith.constant 0 : i32
    %c0_i32_0 = arith.constant 0 : i32
    return %arg0, %c0_i32 : i32, i32
  }
}

</mosaic_0001>

<sc_bundles>
// kernel: kernel.10.cloned.1.call-start
scs
__scs_entry_jumppad:
0x0: {  	(pc) =	sbr.rel $0x88, $3  }
0x1: {  	(tag) =	ssettag $0x0;
	lr =	simm.s32 $0x1  }
0x2: {  	[smem:$0x3F8F] =	sst lr;
	_ =	strace $0xD0000000  }
0x3: {  	_ = 	snop  }
0x4: {  	_ = 	snop  }
0x5: {  	_ = 	snop  }
0x6: {  	_ = 	snop  }
0x7: {  	_ = 	snop  }
__scs_overlays_trampoline_lowered:
0x8: {  	[smem:$0x3F9E] =	sst s0  }
0x9: {  	[smem:$0x3F9F] =	sst s1  }
0xa: {  	[smem:$0x3FA0] =	sst s2  }
0xb: {  	[smem:$0x3FA1] =	sst s3  }
0xc: {  	[smem:$0x3FA2] =	sst s4  }
0xd: {  	[smem:$0x3FA3] =	sst s5  }
0xe: {  	[smem:$0x3FA4] =	sst s6  }
0xf: {  	[smem:$0x3FA5] =	sst s7  }
0x10: {  	[smem:$0x3FA6] =	sst s8  }
0x11: {  	[smem:$0x3FA7] =	sst s9;
	s0 =	simm.s32 @!p0 $0x0  }
0x12: {  	s1 =	sld [smem:$0x3F8D];
	s0 =	simm.s32 @p0 $0x1  }
0x13: {  	[smem:$0x3FA8] =	sst s0;
	s0 =	simm.s32 @!p1 $0x0  }
0x14: {  	s2 =	sld [smem:$0x3F8C];
	s0 =	simm.s32 @p1 $0x1  }
0x15: {  	[smem:$0x3FA9] =	sst s0;
	s0 =	simm.s32 @!p2 $0x0  }
0x16: {  	s3 =	sld [smem:$0x3FDB];
	s0 =	simm.s32 @p2 $0x1  }
0x17: {  	s4 =	simm.s32 $0x1BF5;
	[smem:$0x3FAB] =	sst s0  }
0x18: {  	s0 =	sld [smem:$0x3F8E];
	_ =	swait.ge [sflag:s4], $0x0  }
0x19: {  	s7 =	sld [smem:$0x3F8F]  }
0x1a: {  	s8 =	sadd.s32 $0xFFFFE003, lr  }
0x1b: {  	s9 =	sadd.s32 $0xFFFFFEF7, lr;
	s5 =	simm.s32 $0xFFFFFFFF;
	p2 =	slt.u32 s8, $0xFFFFF086  }
0x1c: {  	p1 =	slt.u32 s9, $0xF7A;
	s5 =	simm.s32 @!p2 $0x0  }
0x1d: {  	s5 =	simm.s32 @p1 $0x1;
	p0 =	seq.s32 s7, s2  }
0x1e: {  	s7 =	smul.u32 @!p0 $0xF7A, s2;
	p2 =	seq.s32 @!p0 s5, $0x0  }
0x1f: {  	s9 =	smul.u32 $0xF7A, s1;
	s8 =	simm.s32 @!p0 $0x1BF5;
	p2 =	por !p2, p0  }
0x20: {  	[sflag:s8] =	ssyncset.s32 @!p0 $0xFFFFF086;
	s6 =	sadd.s32 @!p0 s3, s7;
	s7 =	simm.s32 @!p0 $0x108  }
0x21: {  	s3 =	sadd.s32 s3, s9;
	s6 =	sadd.s32 @!p0 $0x88, s6;
	s7 =	simm.s32 @p2 $0x1082  }
0x22: {  	[simem:s7], [sflag:s8] =	dma.local @!p0 [hbm:s6], $0xF7A  }
0x23: {  	s9 =	sor.u32 $0xD0000000, s2;
	s6 =	simm.s32 $0x108;
	_ =	swait.ge @!p0 [sflag:s8], $0x0  }
0x24: {  	s3 =	sadd.s32 $0x88, s3;
	s6 =	simm.s32 @!p1 $0x1082;
	[sflag:s4] =	ssyncset.s32 $0xFFFFF086  }
0x25: {  	[simem:s6], [sflag:s4] =	dma.local [hbm:s3], $0xF7A  }
0x26: {  	[smem:$0x3F8F] =	sst s1;
	(tag) =	ssettag s2;
	_ =	strace s9  }
0x27: {  	s1 =	sld [smem:$0x3F9F]  }
0x28: {  	s2 =	sld [smem:$0x3FA0]  }
0x29: {  	s4 =	sld [smem:$0x3FA2]  }
0x2a: {  	p0 =	seq.s32 s5, $0x0;
	s5 =	sld [smem:$0x3FA3]  }
0x2b: {  	s6 =	sld [smem:$0x3FA4]  }
0x2c: {  	s7 =	sld [smem:$0x3FA5]  }
0x2d: {  	s3 =	simm.s32 $0x108;
	s8 =	sld [smem:$0x3FA6]  }
0x2e: {  	s3 =	simm.s32 @!p0 $0x1082;
	s9 =	sld [smem:$0x3FA7]  }
0x2f: {  	lr =	sadd.s32 s0, s3;
	s0 =	sld [smem:$0x3F9E]  }
0x30: {  	s3 =	sld [smem:$0x3FA1]  }
0x31: {  	[smem:$0x3FAA] =	sst s10  }
0x32: {  	s10 =	sld [smem:$0x3FA8];
	_ =	sdelay $0x3  }
0x33: {  	p0 =	seq.s32 s10, $0x1;
	s10 =	sld [smem:$0x3FAA];
	_ =	sdelay $0x3  }
0x34: {  	[smem:$0x3FAA] =	sst s10  }
0x35: {  	s10 =	sld [smem:$0x3FA9];
	_ =	sdelay $0x3  }
0x36: {  	p1 =	seq.s32 s10, $0x1;
	s10 =	sld [smem:$0x3FAA];
	_ =	sdelay $0x3  }
0x37: {  	[smem:$0x3FAA] =	sst s10  }
0x38: {  	s10 =	sld [smem:$0x3FAB]  }
0x39: {  	_ = 	snop;
	(pc) =	sbr.ind lr, $3  }
0x3a: {  	_ = 	snop  }
0x3b: {  	_ = 	snop  }
0x3c: {  	p2 =	seq.s32 s10, $0x1;
	s10 =	sld [smem:$0x3FAA]  }
0x3d: {  	_ =	shalt  }
0x3e: {  	_ =	shalt  }
0x3f: {  	_ =	shalt  }
0x40: {  	_ =	shalt  }
0x41: {  	_ =	shalt  }
0x42: {  	_ =	shalt  }
0x43: {  	_ =	shalt  }
0x44: {  	_ =	shalt  }
0x45: {  	_ =	shalt  }
0x46: {  	_ =	shalt  }
0x47: {  	_ =	shalt  }
0x48: {  	_ =	shalt  }
0x49: {  	_ =	shalt  }
0x4a: {  	_ =	shalt  }
0x4b: {  	_ =	shalt  }
0x4c: {  	_ =	shalt  }
0x4d: {  	_ =	shalt  }
0x4e: {  	_ =	shalt  }
0x4f: {  	_ =	shalt  }
0x50: {  	_ =	shalt  }
0x51: {  	_ =	shalt  }
0x52: {  	_ =	shalt  }
0x53: {  	_ =	shalt  }
0x54: {  	_ =	shalt  }
0x55: {  	_ =	shalt  }
0x56: {  	_ =	shalt  }
0x57: {  	_ =	shalt  }
0x58: {  	_ =	shalt  }
0x59: {  	_ =	shalt  }
0x5a: {  	_ =	shalt  }
0x5b: {  	_ =	shalt  }
0x5c: {  	_ =	shalt  }
0x5d: {  	_ =	shalt  }
0x5e: {  	_ =	shalt  }
0x5f: {  	_ =	shalt  }
0x60: {  	_ =	shalt  }
0x61: {  	_ =	shalt  }
0x62: {  	_ =	shalt  }
0x63: {  	_ =	shalt  }
0x64: {  	_ =	shalt  }
0x65: {  	_ =	shalt  }
0x66: {  	_ =	shalt  }
0x67: {  	_ =	shalt  }
0x68: {  	_ =	shalt  }
0x69: {  	_ =	shalt  }
0x6a: {  	_ =	shalt  }
0x6b: {  	_ =	shalt  }
0x6c: {  	_ =	shalt  }
0x6d: {  	_ =	shalt  }
0x6e: {  	_ =	shalt  }
0x6f: {  	_ =	shalt  }
0x70: {  	_ =	shalt  }
0x71: {  	_ =	shalt  }
0x72: {  	_ =	shalt  }
0x73: {  	_ =	shalt  }
0x74: {  	_ =	shalt  }
0x75: {  	_ =	shalt  }
0x76: {  	_ =	shalt  }
0x77: {  	_ =	shalt  }
0x78: {  	_ =	shalt  }
0x79: {  	_ =	shalt  }
0x7a: {  	_ =	shalt  }
0x7b: {  	_ =	shalt  }
0x7c: {  	_ =	shalt  }
0x7d: {  	_ =	shalt  }
0x7e: {  	_ =	shalt  }
0x7f: {  	_ =	shalt  }
0x80: {  	_ =	shalt  }
0x81: {  	_ =	shalt  }
0x82: {  	_ =	shalt  }
0x83: {  	_ =	shalt  }
0x84: {  	_ =	shalt  }
0x85: {  	_ =	shalt  }
0x86: {  	_ =	shalt  }
0x87: {  	_ =	shalt  }
.Lfunc_end0:
.L_simem_size_0:
called_computation_lowered:
.L_overlay_start_0:
0x88: {  	s2 =	sld [smem:$0x3FD9]  }
0x89: {  	s3 =	sld [smem:$0x3FFE];
	_ =	sdelay $0x1  }
0x8a: {  	s1 =	srdreg.scid  }
0x8b: {  	s0 =	sand.u32 $0x1, s1  }
0x8c: {  	s16 =	sshll.u32 s0, $0xA;
	s2 =	sadd.s32 s3, s2  }
0x8d: {  	s2 =	sadd.s32 s2, s16  }
0x8e: {  	[smem:$0x3FB6] =	sst s2  }
0x8f: {  	_ = 	snop  }
0x90: {  	(tm) =	ssettm $0x1  }
0x91: {  	s17 =	sld [smem:$0x3FFB];
	_ =	sdelay $0x3  }
0x92: {  	_ =	strace s17  }
0x93: {  	s2 =	sld [smem:$0x3FFC];
	_ =	sdelay $0x3  }
0x94: {  	_ =	strace s2  }
0x95: {  	s2 =	sld [smem:$0x3FFD];
	_ =	sdelay $0x3  }
0x96: {  	_ =	strace s2  }
0x97: {  	_ =	strace $0x8FFFFFFF  }
0x98: {  	s18 =	sld [smem:$0x3FDB];
	_ =	sdelay $0x1  }
0x99: {  	s19 =	simm.s32 $_scs_section_size  }
0x9a: {  	s4 =	simm.s32 $_size__tile_overlayer_lowered;
	s5 =	simm.s32 $_tile_overlayer_lowered  }
0x9b: {  	s22 =	simm.s32 $0x1BFF;
	s21 =	sshll.u32 s5, $0x1;
	s2 =	sadd.s32 s19, s18  }
0x9c: {  	s6 =	simm.s32 $0x0;
	s20 =	sshll.u32 s4, $0x1;
	s4 =	sadd.s32 s21, s2  }
0x9d: {  	[timem:s6], [sflag:s22] =	dma.local [hbm:s4], s20  }
0x9e: {  	_ =	swait.ge [sflag:s22], s20  }
0x9f: {  	s3 =	ssub.s32 $0x0, s20;
	[sflag:s22] =	ssyncset.done $0x0  }
0xa0: {  	[sflag:s22] =	ssyncadd.s32 s3;
	_ =	sdelay $0x1  }
0xa1: {  	s23 =	simm.s32 $0x1B8B  }
0xa2: {  	_ =	swait.ge [sflag:s23], $0x1  }
0xa3: {  	[sflag:s23] =	ssyncset.done $0x0  }
0xa4: {  	s25 =	simm.s32 $0x1B8E;
	s24 =	sld [smem:$0x3FFE];
	[sflag:s23] =	ssyncadd.s32 $0xFFFFFFFF  }
0xa5: {  	s26 =	simm.s32 $execute0_lowered;
	[smem:$0x3FD2] =	sst s25  }
0xa6: {  	s4 =	sshll.u32 s26, $0x1;
	_ =	strace $0x80000046;
	[dreg:$0x1] =	wrdreg $0xFFFFFFFF  }
0xa7: {  	s28 =	simm.s32 $_size_execute0_lowered;
	s2 =	sadd.s32 s2, s4;
	[dreg:$0x0] =	wrdreg $0x0  }
0xa8: {  	s4 =	sshll.u32 s28, $0x1;
	[dreg:$0x2] =	wrdreg s2  }
0xa9: {  	[dreg:$0x3] =	wrdreg s4  }
0xaa: {  	[dreg:$0x4] =	wrdreg $0xC0  }
0xab: {  	_ =	task [dreg:s6], $0x5FFFF  }
0xac: {  	[dreg:$0x1] =	wrdreg $0xFFFFFFFF  }
0xad: {  	[dreg:$0x0] =	wrdreg $0x60  }
0xae: {  	[dreg:$0x2] =	wrdreg s24  }
0xaf: {  	[dreg:$0x3] =	wrdreg $0xB8000  }
0xb0: {  	[dreg:$0x4] =	wrdreg $0x9  }
0xb1: {  	_ =	task.clear_ibuf [dreg:s6], $0x5FFFF;
	_ =	strace $0x90000046  }
0xb2: {  	s29 =	simm.s32 $0x9;
	_ =	strace $0x80000048  }
0xb3: {  	_ =	swait.ge [sflag:s29], $0x1  }
0xb4: {  	[sflag:s29] =	ssyncadd.s32 $0xFFFFFFFF  }
0xb5: {  	_ =	strace $0x90000048  }
0xb6: {  	_ =	sfence  }
0xb7: {  	s30 =	sld [smem:$0x0];
	_ =	sdelay $0x2  }
0xb8: {  	s31 =	sshll.u32 s1, $0xD;
	s1 =	sshrl.u32 s1, $0x2  }
0xb9: {  	s3 =	sand.u32 $0x4000, s31;
	s1 =	sadd.s32 s1, s30  }
0xba: {  	s0 =	sor.u32 s3, s0;
	s1 =	sshll.u32 s1, $0x11  }
0xbb: {  	s0 =	sor.u32 s1, s0  }
0xbc: {  	s0 =	sadd.s32 $0x8F2B, s0  }
0xbd: {  	[sflag:s0] =	ssyncadd.remote.s32 $0x1  }
0xbe: {  	_ =	sfence.sel $0xFFFF  }
0xbf: {  	[dreg:$0x0] =	wrdreg $0xFFFFFFFF;
	(pc) =	sbr.abs _section_cstart, $3  }
0xc0: {  	[dreg:$0x1] =	wrdreg $0xFFFFFFFF  }
0xc1: {  	_ =	task.clear_ibuf [dreg:s6], $0x2FFFF;
	_ =	strace $0x9FFFFFFF  }
0xc2: {  	(tm) =	ssettm $0x7FFFFFFF  }
0xc3: {  	_ =	shalt  }
tec
execute0_lowered:
.L_overlay_start_1:
0x0: {  	(tag) =	ssettag $0x1  }
0x1: {  	s0 =	rddreg [dreg:$0x0]  }
0x2: {  	s2 =	rddreg [dreg:$0x1];
	s8 =	stileid.u32  }
0x3: {  	s3 =	simm.s32 $0x0;
	s5 =	srdreg.scid;
	s14 =	simm.s32 $0x3  }
0x4: {  	s15 =	simm.s32 $0x400;
	s16 =	simm.s32 $0x58;
	s17 =	simm.s32 $0x800  }
0x5: {  	s18 =	simm.s32 $0x80;
	s19 =	simm.s32 $0x3400;
	s28 =	simm.s32 $0x580  }
0x6: {  	s29 =	simm.s32 $0x2;
	s30 =	simm.s32 $0x200;
	s31 =	simm.s32 $0x280  }
0x7: {  	s10 =	simm.s32 $0x780;
	s11 =	simm.s32 $0x0;
	s1 =	smul.u32 $0xE80, s8  }
0x8: {  	[smem:$0x7FF] =	sst s3;
	s4 =	sadd.s32 $0x24C00, s0;
	s6 =	sadd.s32 $0x4D200, s0  }
0x9: {  	s5 =	sand.u32 $0x1, s5;
	s20 =	sadd.s32 $0x4CC00, s0;
	s7 =	smul.u32 $0x4F000, s8  }
0xa: {  	s9 =	sadd.s32 $0x4FA00, s0;
	_ =	strace $0x80000047;
	[dreg:$0x4] =	wrdreg s6  }
0xb: {  	s24 =	sshll.u32 s8, $0x6;
	s25 =	smul.u32 $0x2780, s8;
	[dreg:$0x5] =	wrdreg s20  }
0xc: {  	s8 =	simm.s32 $0x680;
	s21 =	ssub.s32 $0x2, s5;
	[dreg:$0x6] =	wrdreg s9  }
0xd: {  	s9 =	sor.u32 $0x1C03, s24;
	p0 =	sne.s32 s5, $0x0;
	s20 =	simm.s32 $0x100  }
0xe: {  	s24 =	simm.s32 $0x1;
	s5 =	simm.s32 $0x700;
	s1 =	sadd.s32 s1, s0  }
0xf: {  	s0 =	sadd.s32 $0x77A00, s0;
	s22 =	sshrl.u32 s21, $0x1;
	[dreg:$0x9] =	wrdreg s25  }
0x10: {  	s23 =	sshrl.u32 s7, $0x2;
	s25 =	simm.s32 $0x480;
	[dreg:$0x8] =	wrdreg s9  }
0x11: {  	s7 =	simm.s32 $0x600;
	[dreg:$0x7] =	wrdreg s0;
	s0 =	ssub.s32 s21, s22  }
.Ltmp0:
0x12: {  	s6 =	sadd.s32 s23, s2;
	s12 =	sadd.s32 $0x16400, s1;
	(pc) =	sbr.rel .LBB2_1-.Ltmp0, $4  }
0x13: {  	s26 =	sadd.s32 $0x7C00, s1;
	s21 =	simm.s32 $0x6000;
	s22 =	simm.s32 $0x180  }
0x14: {  	s23 =	simm.s32 $0x8C00;
	s0 =	smax.u32 s0, $0x1;
	[dreg:$0x3] =	wrdreg s26  }
0x15: {  	s1 =	simm.s32 $0x380;
	s13 =	sshrl.u32 s6, $0x3;
	[dreg:$0xa] =	wrdreg s0  }
0x16: {  	s26 =	simm.s32 $0x500;
	s0 =	simm.s32 $0x300;
	[dreg:$0xb] =	wrdreg s13  }
.LBB2_7:
0x17: {  	s6 =	sadd.s32 s6, s12;
	[sflag:s29] =	ssyncadd.s32 $0xFFFFD400  }
0x18: {  	[tilespmem:s15], [sflag:$0x3] =	stream.linear.gather [hbm4b:s6+s3], $0x400, $0x38;
	[tilespmem:$0x1F400] =	vst v63  }
0x19: {  	_ =	swait.ge [sflag:s14], $0x400  }
0x1a: {  	[sflag:s14] =	ssyncset.done $0x0  }
0x1b: {  	[sflag:s14] =	ssyncadd.s32 $0xFFFFFC00  }
0x1c: {  	[spmem:s2] =	stream.indirect.scatter.add.f32 [tilespmem:s17], [sflag:$0x2], $0x80, s15, s16, $0xb8;
	[tilespmem:$0x1F400] =	vst v63  }
0x1d: {  	_ = 	snop  }
0x1e: {  	[spmem:s2] =	stream.indirect.scatter.add.f32 [tilespmem:s19], [sflag:$0x2], $0x80, s25, s16, $0xb8;
	[tilespmem:$0x1F400] =	vst v63  }
0x1f: {  	_ = 	snop  }
0x20: {  	[spmem:s2] =	stream.indirect.scatter.add.f32 [tilespmem:s21], [sflag:$0x2], $0x80, s26, s16, $0xb8;
	[tilespmem:$0x1F400] =	vst v63  }
0x21: {  	_ = 	snop  }
0x22: {  	[spmem:s2] =	stream.indirect.scatter.add.f32 [tilespmem:s23], [sflag:$0x2], $0x80, s28, s16, $0xb8;
	[tilespmem:$0x1F400] =	vst v63  }
0x23: {  	_ =	swait.ge [sflag:s29], $0x2C00  }
0x24: {  	[sflag:s29] =	ssyncset.done $0x0  }
0x25: {  	[sflag:s29] =	ssyncadd.s32 $0xFFFFD400  }
0x26: {  	_ =	swait.ge [sflag:s29], $0x2C00  }
0x27: {  	[sflag:s29] =	ssyncset.done $0x0  }
0x28: {  	[sflag:s29] =	ssyncadd.s32 $0xFFFFD400  }
0x29: {  	_ =	swait.ge [sflag:s29], $0x2C00  }
0x2a: {  	[sflag:s29] =	ssyncset.done $0x0  }
0x2b: {  	[sflag:s29] =	ssyncadd.s32 $0xFFFFD400  }
0x2c: {  	_ =	swait.ge [sflag:s29], $0x2C00  }
0x2d: {  	[sflag:s29] =	ssyncset.done $0x0  }
0x2e: {  	[sflag:s29] =	ssyncadd.s32 $0xFFFFD400  }
0x2f: {  	[spmem:s2] =	stream.indirect.scatter.add.f32 [tilespmem:s17], [sflag:$0x2], $0x80, s7, s16, $0xb8;
	[tilespmem:$0x1F400] =	vst v63  }
0x30: {  	_ = 	snop  }
0x31: {  	[spmem:s2] =	stream.indirect.scatter.add.f32 [tilespmem:s19], [sflag:$0x2], $0x80, s8, s16, $0xb8;
	[tilespmem:$0x1F400] =	vst v63  }
0x32: {  	_ = 	snop  }
0x33: {  	[spmem:s2] =	stream.indirect.scatter.add.f32 [tilespmem:s21], [sflag:$0x2], $0x80, s5, s16, $0xb8;
	[tilespmem:$0x1F400] =	vst v63  }
0x34: {  	_ = 	snop  }
0x35: {  	[spmem:s2] =	stream.indirect.scatter.add.f32 [tilespmem:s23], [sflag:$0x2], $0x80, s10, s16, $0xb8;
	[tilespmem:$0x1F400] =	vst v63  }
0x36: {  	_ =	swait.ge [sflag:s29], $0x2C00  }
0x37: {  	[sflag:s29] =	ssyncset.done $0x0  }
0x38: {  	[sflag:s29] =	ssyncadd.s32 $0xFFFFD400  }
0x39: {  	_ =	swait.ge [sflag:s29], $0x2C00  }
0x3a: {  	[sflag:s29] =	ssyncset.done $0x0  }
0x3b: {  	[sflag:s29] =	ssyncadd.s32 $0xFFFFD400  }
0x3c: {  	_ =	swait.ge [sflag:s29], $0x2C00  }
0x3d: {  	[sflag:s29] =	ssyncset.done $0x0  }
0x3e: {  	[sflag:s29] =	ssyncadd.s32 $0xFFFFD400  }
0x3f: {  	_ =	swait.ge [sflag:s29], $0x2C00  }
0x40: {  	[sflag:s29] =	ssyncset.done $0x0;
	s6 =	rddreg [dreg:$0x7]  }
0x41: {  	s11 =	rddreg [dreg:$0xc];
	[sflag:s29] =	ssyncadd.s32 $0xFFFFD400  }
.LBB2_8:
0x42: {  	s9 =	rddreg [dreg:$0x9];
	[bflag:$0x0] =	sbarrier.arrive $0xFFFF  }
0x43: {  	s6 =	sadd.s32 s6, s9;
	s9 =	rddreg [dreg:$0x8]  }
0x44: {  	s13 =	rddreg [dreg:$0xb]  }
0x45: {  	[hbm:s6], [sflag:s9] =	dma.local [spmem:s13], $0x2780  }
0x46: {  	_ =	swait.ge [sflag:s14], $0x2780  }
0x47: {  	s11 =	sadd.s32 $0x1, s11;
	s6 =	rddreg [dreg:$0xa]  }
0x48: {  	p1 =	sne.s32 s11, s6  }
.Ltmp1:
0x49: {  	_ = 	snop;
	(pc) =	sbr.rel @!p1 .LBB2_9-.Ltmp1, $3  }
0x4a: {  	_ =	sdelay $0x1  }
0x4b: {  	[sflag:s14] =	ssyncset.done $0x0  }
0x4c: {  	[sflag:s14] =	ssyncadd.s32 $0xFFFFD880  }
.LBB2_1:
0x4d: {  	[dreg:$0xc] =	wrdreg s11  }
.Ltmp2:
0x4e: {  	s6 =	rddreg [dreg:$0x4];
	(pc) =	sbr.rel @p0 .LBB2_5-.Ltmp2, $4  }
0x4f: {  	[spmem:s13], [sflag:s9] =	dma.local [hbm:s6], $0x2780  }
0x50: {  	_ =	swait.ge [sflag:s14], $0x2780  }
0x51: {  	[sflag:s14] =	ssyncset.done $0x0  }
0x52: {  	[sflag:s14] =	ssyncadd.s32 $0xFFFFD880  }
0x53: {  	[bflag:$0x0] =	sbarrier.arrive $0xFFFF  }
0x54: {  	s6 =	rddreg [dreg:$0x3]  }
0x55: {  	s6 =	sadd.s32 $0x0, s6  }
0x56: {  	[tilespmem:s3], [sflag:$0x3] =	stream.linear.gather [hbm4b:s6+s3], $0x400, $0x38;
	[tilespmem:$0x1F400] =	vst v63  }
0x57: {  	_ =	swait.ge [sflag:s14], $0x400  }
0x58: {  	[sflag:s14] =	ssyncset.done $0x0  }
0x59: {  	s13 =	sadd.s32 $0x0, s12;
	[sflag:s14] =	ssyncadd.s32 $0xFFFFFC00  }
0x5a: {  	[tilespmem:s15], [sflag:$0x3] =	stream.linear.gather [hbm4b:s13+s3], $0x400, $0x38;
	[tilespmem:$0x1F400] =	vst v63  }
0x5b: {  	_ =	swait.ge [sflag:s14], $0x400  }
0x5c: {  	[sflag:s14] =	ssyncset.done $0x0  }
0x5d: {  	[sflag:s14] =	ssyncadd.s32 $0xFFFFFC00  }
0x5e: {  	[tilespmem:s17], [sflag:$0x1] =	stream.indirect.gather [hbm4b:s4+s16], $0x80, s3, s16, $0xb8;
	[tilespmem:$0x1F400] =	vst v63  }
0x5f: {  	_ = 	snop  }
0x60: {  	[tilespmem:s19], [sflag:$0x1] =	stream.indirect.gather [hbm4b:s4+s16], $0x80, s18, s16, $0xb8;
	[tilespmem:$0x1F400] =	vst v63  }
0x61: {  	_ = 	snop  }
0x62: {  	[tilespmem:s21], [sflag:$0x1] =	stream.indirect.gather [hbm4b:s4+s16], $0x80, s20, s16, $0xb8;
	[tilespmem:$0x1F400] =	vst v63  }
0x63: {  	_ = 	snop  }
0x64: {  	[tilespmem:s23], [sflag:$0x1] =	stream.indirect.gather [hbm4b:s4+s16], $0x80, s22, s16, $0xb8;
	[tilespmem:$0x1F400] =	vst v63  }
0x65: {  	_ =	swait.ge [sflag:s24], $0x2C00  }
0x66: {  	[sflag:s24] =	ssyncset.done $0x0  }
0x67: {  	[sflag:s24] =	ssyncadd.s32 $0xFFFFD400  }
0x68: {  	[spmem:s2] =	stream.indirect.scatter.add.f32 [tilespmem:s17], [sflag:$0x2], $0x80, s15, s16, $0xb8;
	[tilespmem:$0x1F400] =	vst v63  }
0x69: {  	_ =	swait.ge [sflag:s24], $0x2C00  }
0x6a: {  	[sflag:s24] =	ssyncset.done $0x0  }
0x6b: {  	[sflag:s24] =	ssyncadd.s32 $0xFFFFD400  }
0x6c: {  	[spmem:s2] =	stream.indirect.scatter.add.f32 [tilespmem:s19], [sflag:$0x2], $0x80, s25, s16, $0xb8;
	[tilespmem:$0x1F400] =	vst v63  }
0x6d: {  	_ =	swait.ge [sflag:s24], $0x2C00  }
0x6e: {  	[sflag:s24] =	ssyncset.done $0x0  }
0x6f: {  	[sflag:s24] =	ssyncadd.s32 $0xFFFFD400  }
0x70: {  	[spmem:s2] =	stream.indirect.scatter.add.f32 [tilespmem:s21], [sflag:$0x2], $0x80, s26, s16, $0xb8;
	[tilespmem:$0x1F400] =	vst v63  }
0x71: {  	_ =	swait.ge [sflag:s24], $0x2C00  }
0x72: {  	[sflag:s24] =	ssyncset.done $0x0  }
0x73: {  	[sflag:s24] =	ssyncadd.s32 $0xFFFFD400  }
0x74: {  	[spmem:s2] =	stream.indirect.scatter.add.f32 [tilespmem:s23], [sflag:$0x2], $0x80, s28, s16, $0xb8;
	[tilespmem:$0x1F400] =	vst v63  }
0x75: {  	_ =	swait.ge [sflag:s29], $0x2C00  }
0x76: {  	[sflag:s29] =	ssyncset.done $0x0  }
0x77: {  	[sflag:s29] =	ssyncadd.s32 $0xFFFFD400  }
0x78: {  	_ =	swait.ge [sflag:s29], $0x2C00  }
0x79: {  	[sflag:s29] =	ssyncset.done $0x0  }
0x7a: {  	[sflag:s29] =	ssyncadd.s32 $0xFFFFD400  }
0x7b: {  	_ =	swait.ge [sflag:s29], $0x2C00  }
0x7c: {  	[sflag:s29] =	ssyncset.done $0x0  }
0x7d: {  	[sflag:s29] =	ssyncadd.s32 $0xFFFFD400  }
0x7e: {  	_ =	swait.ge [sflag:s29], $0x2C00  }
0x7f: {  	[sflag:s29] =	ssyncset.done $0x0  }
0x80: {  	[sflag:s29] =	ssyncadd.s32 $0xFFFFD400  }
0x81: {  	[tilespmem:s17], [sflag:$0x1] =	stream.indirect.gather [hbm4b:s4+s16], $0x80, s30, s16, $0xb8;
	[tilespmem:$0x1F400] =	vst v63  }
0x82: {  	_ = 	snop  }
0x83: {  	[tilespmem:s19], [sflag:$0x1] =	stream.indirect.gather [hbm4b:s4+s16], $0x80, s31, s16, $0xb8;
	[tilespmem:$0x1F400] =	vst v63  }
0x84: {  	_ = 	snop  }
0x85: {  	[tilespmem:s21], [sflag:$0x1] =	stream.indirect.gather [hbm4b:s4+s16], $0x80, s0, s16, $0xb8;
	[tilespmem:$0x1F400] =	vst v63  }
0x86: {  	_ = 	snop  }
0x87: {  	[tilespmem:s23], [sflag:$0x1] =	stream.indirect.gather [hbm4b:s4+s16], $0x80, s1, s16, $0xb8;
	[tilespmem:$0x1F400] =	vst v63  }
0x88: {  	_ =	swait.ge [sflag:s24], $0x2C00  }
0x89: {  	[sflag:s24] =	ssyncset.done $0x0  }
0x8a: {  	[sflag:s24] =	ssyncadd.s32 $0xFFFFD400  }
0x8b: {  	[spmem:s2] =	stream.indirect.scatter.add.f32 [tilespmem:s17], [sflag:$0x2], $0x80, s7, s16, $0xb8;
	[tilespmem:$0x1F400] =	vst v63  }
0x8c: {  	_ =	swait.ge [sflag:s24], $0x2C00  }
0x8d: {  	[sflag:s24] =	ssyncset.done $0x0  }
0x8e: {  	[sflag:s24] =	ssyncadd.s32 $0xFFFFD400  }
0x8f: {  	[spmem:s2] =	stream.indirect.scatter.add.f32 [tilespmem:s19], [sflag:$0x2], $0x80, s8, s16, $0xb8;
	[tilespmem:$0x1F400] =	vst v63  }
0x90: {  	_ =	swait.ge [sflag:s24], $0x2C00  }
0x91: {  	[sflag:s24] =	ssyncset.done $0x0  }
0x92: {  	[sflag:s24] =	ssyncadd.s32 $0xFFFFD400  }
0x93: {  	[spmem:s2] =	stream.indirect.scatter.add.f32 [tilespmem:s21], [sflag:$0x2], $0x80, s5, s16, $0xb8;
	[tilespmem:$0x1F400] =	vst v63  }
0x94: {  	_ =	swait.ge [sflag:s24], $0x2C00  }
0x95: {  	[sflag:s24] =	ssyncset.done $0x0  }
0x96: {  	[sflag:s24] =	ssyncadd.s32 $0xFFFFD400  }
0x97: {  	[spmem:s2] =	stream.indirect.scatter.add.f32 [tilespmem:s23], [sflag:$0x2], $0x80, s10, s16, $0xb8;
	[tilespmem:$0x1F400] =	vst v63  }
0x98: {  	_ =	swait.ge [sflag:s29], $0x2C00  }
0x99: {  	[sflag:s29] =	ssyncset.done $0x0  }
0x9a: {  	[sflag:s29] =	ssyncadd.s32 $0xFFFFD400  }
0x9b: {  	_ =	swait.ge [sflag:s29], $0x2C00  }
0x9c: {  	[sflag:s29] =	ssyncset.done $0x0  }
0x9d: {  	[sflag:s29] =	ssyncadd.s32 $0xFFFFD400  }
0x9e: {  	_ =	swait.ge [sflag:s29], $0x2C00  }
0x9f: {  	[sflag:s29] =	ssyncset.done $0x0  }
0xa0: {  	[sflag:s29] =	ssyncadd.s32 $0xFFFFD400  }
0xa1: {  	s6 =	simm.s32 $0x80;
	_ =	swait.ge [sflag:s29], $0x2C00  }
.LBB2_3:
0xa2: {  	s9 =	rddreg [dreg:$0x3];
	s13 =	smov.u32 s6;
	[sflag:s29] =	ssyncset.done $0x0  }
0xa3: {  	s9 =	sadd.s32 s13, s9;
	[sflag:s29] =	ssyncadd.s32 $0xFFFFD400  }
0xa4: {  	[tilespmem:s3], [sflag:$0x3] =	stream.linear.gather [hbm4b:s9+s3], $0x400, $0x38;
	[tilespmem:$0x1F400] =	vst v63  }
0xa5: {  	_ =	swait.ge [sflag:s14], $0x400  }
0xa6: {  	[sflag:s14] =	ssyncset.done $0x0  }
0xa7: {  	s13 =	sadd.s32 s13, s12;
	[sflag:s14] =	ssyncadd.s32 $0xFFFFFC00  }
0xa8: {  	[tilespmem:s15], [sflag:$0x3] =	stream.linear.gather [hbm4b:s13+s3], $0x400, $0x38;
	[tilespmem:$0x1F400] =	vst v63  }
0xa9: {  	_ =	swait.ge [sflag:s14], $0x400  }
0xaa: {  	[sflag:s14] =	ssyncset.done $0x0  }
0xab: {  	[sflag:s14] =	ssyncadd.s32 $0xFFFFFC00  }
0xac: {  	[tilespmem:s17], [sflag:$0x1] =	stream.indirect.gather [hbm4b:s4+s16], $0x80, s3, s16, $0xb8;
	[tilespmem:$0x1F400] =	vst v63  }
0xad: {  	_ = 	snop  }
0xae: {  	[tilespmem:s19], [sflag:$0x1] =	stream.indirect.gather [hbm4b:s4+s16], $0x80, s18, s16, $0xb8;
	[tilespmem:$0x1F400] =	vst v63  }
0xaf: {  	_ = 	snop  }
0xb0: {  	[tilespmem:s21], [sflag:$0x1] =	stream.indirect.gather [hbm4b:s4+s16], $0x80, s20, s16, $0xb8;
	[tilespmem:$0x1F400] =	vst v63  }
0xb1: {  	_ = 	snop  }
0xb2: {  	[tilespmem:s23], [sflag:$0x1] =	stream.indirect.gather [hbm4b:s4+s16], $0x80, s22, s16, $0xb8;
	[tilespmem:$0x1F400] =	vst v63  }
0xb3: {  	_ =	swait.ge [sflag:s24], $0x2C00  }
0xb4: {  	[sflag:s24] =	ssyncset.done $0x0  }
0xb5: {  	[sflag:s24] =	ssyncadd.s32 $0xFFFFD400  }
0xb6: {  	[spmem:s2] =	stream.indirect.scatter.add.f32 [tilespmem:s17], [sflag:$0x2], $0x80, s15, s16, $0xb8;
	[tilespmem:$0x1F400] =	vst v63  }
0xb7: {  	_ =	swait.ge [sflag:s24], $0x2C00  }
0xb8: {  	[sflag:s24] =	ssyncset.done $0x0  }
0xb9: {  	[sflag:s24] =	ssyncadd.s32 $0xFFFFD400  }
0xba: {  	[spmem:s2] =	stream.indirect.scatter.add.f32 [tilespmem:s19], [sflag:$0x2], $0x80, s25, s16, $0xb8;
	[tilespmem:$0x1F400] =	vst v63  }
0xbb: {  	_ =	swait.ge [sflag:s24], $0x2C00  }
0xbc: {  	[sflag:s24] =	ssyncset.done $0x0  }
0xbd: {  	[sflag:s24] =	ssyncadd.s32 $0xFFFFD400  }
0xbe: {  	[spmem:s2] =	stream.indirect.scatter.add.f32 [tilespmem:s21], [sflag:$0x2], $0x80, s26, s16, $0xb8;
	[tilespmem:$0x1F400] =	vst v63  }
0xbf: {  	_ =	swait.ge [sflag:s24], $0x2C00  }
0xc0: {  	[sflag:s24] =	ssyncset.done $0x0  }
0xc1: {  	[sflag:s24] =	ssyncadd.s32 $0xFFFFD400  }
0xc2: {  	[spmem:s2] =	stream.indirect.scatter.add.f32 [tilespmem:s23], [sflag:$0x2], $0x80, s28, s16, $0xb8;
	[tilespmem:$0x1F400] =	vst v63  }
0xc3: {  	_ =	swait.ge [sflag:s29], $0x2C00  }
0xc4: {  	[sflag:s29] =	ssyncset.done $0x0  }
0xc5: {  	[sflag:s29] =	ssyncadd.s32 $0xFFFFD400  }
0xc6: {  	_ =	swait.ge [sflag:s29], $0x2C00  }
0xc7: {  	[sflag:s29] =	ssyncset.done $0x0  }
0xc8: {  	[sflag:s29] =	ssyncadd.s32 $0xFFFFD400  }
0xc9: {  	_ =	swait.ge [sflag:s29], $0x2C00  }
0xca: {  	[sflag:s29] =	ssyncset.done $0x0  }
0xcb: {  	[sflag:s29] =	ssyncadd.s32 $0xFFFFD400  }
0xcc: {  	_ =	swait.ge [sflag:s29], $0x2C00  }
0xcd: {  	[sflag:s29] =	ssyncset.done $0x0  }
0xce: {  	[sflag:s29] =	ssyncadd.s32 $0xFFFFD400  }
0xcf: {  	[tilespmem:s17], [sflag:$0x1] =	stream.indirect.gather [hbm4b:s4+s16], $0x80, s30, s16, $0xb8;
	[tilespmem:$0x1F400] =	vst v63  }
0xd0: {  	_ = 	snop  }
0xd1: {  	[tilespmem:s19], [sflag:$0x1] =	stream.indirect.gather [hbm4b:s4+s16], $0x80, s31, s16, $0xb8;
	[tilespmem:$0x1F400] =	vst v63  }
0xd2: {  	_ = 	snop  }
0xd3: {  	[tilespmem:s21], [sflag:$0x1] =	stream.indirect.gather [hbm4b:s4+s16], $0x80, s0, s16, $0xb8;
	[tilespmem:$0x1F400] =	vst v63  }
0xd4: {  	_ = 	snop  }
0xd5: {  	[tilespmem:s23], [sflag:$0x1] =	stream.indirect.gather [hbm4b:s4+s16], $0x80, s1, s16, $0xb8;
	[tilespmem:$0x1F400] =	vst v63  }
0xd6: {  	_ =	swait.ge [sflag:s24], $0x2C00  }
0xd7: {  	[sflag:s24] =	ssyncset.done $0x0  }
0xd8: {  	[sflag:s24] =	ssyncadd.s32 $0xFFFFD400  }
0xd9: {  	[spmem:s2] =	stream.indirect.scatter.add.f32 [tilespmem:s17], [sflag:$0x2], $0x80, s7, s16, $0xb8;
	[tilespmem:$0x1F400] =	vst v63  }
0xda: {  	_ =	swait.ge [sflag:s24], $0x2C00  }
0xdb: {  	[sflag:s24] =	ssyncset.done $0x0  }
0xdc: {  	[sflag:s24] =	ssyncadd.s32 $0xFFFFD400  }
0xdd: {  	[spmem:s2] =	stream.indirect.scatter.add.f32 [tilespmem:s19], [sflag:$0x2], $0x80, s8, s16, $0xb8;
	[tilespmem:$0x1F400] =	vst v63  }
0xde: {  	_ =	swait.ge [sflag:s24], $0x2C00  }
0xdf: {  	[sflag:s24] =	ssyncset.done $0x0  }
0xe0: {  	[sflag:s24] =	ssyncadd.s32 $0xFFFFD400  }
0xe1: {  	[spmem:s2] =	stream.indirect.scatter.add.f32 [tilespmem:s21], [sflag:$0x2], $0x80, s5, s16, $0xb8;
	[tilespmem:$0x1F400] =	vst v63  }
0xe2: {  	_ =	swait.ge [sflag:s24], $0x2C00  }
0xe3: {  	[sflag:s24] =	ssyncset.done $0x0  }
0xe4: {  	[sflag:s24] =	ssyncadd.s32 $0xFFFFD400  }
0xe5: {  	[spmem:s2] =	stream.indirect.scatter.add.f32 [tilespmem:s23], [sflag:$0x2], $0x80, s10, s16, $0xb8;
	[tilespmem:$0x1F400] =	vst v63  }
0xe6: {  	_ =	swait.ge [sflag:s29], $0x2C00  }
0xe7: {  	[sflag:s29] =	ssyncset.done $0x0  }
0xe8: {  	[sflag:s29] =	ssyncadd.s32 $0xFFFFD400  }
0xe9: {  	_ =	swait.ge [sflag:s29], $0x2C00  }
0xea: {  	p1 =	seq.s32 s6, $0xE00;
	[sflag:s29] =	ssyncset.done $0x0  }
.Ltmp3:
0xeb: {  	[sflag:s29] =	ssyncadd.s32 $0xFFFFD400;
	(pc) =	sbr.rel @!p1 .LBB2_3-.Ltmp3, $4  }
0xec: {  	_ =	swait.ge [sflag:s29], $0x2C00  }
0xed: {  	[sflag:s29] =	ssyncset.done $0x0  }
0xee: {  	[sflag:s29] =	ssyncadd.s32 $0xFFFFD400  }
0xef: {  	s6 =	sadd.s32 $0x80, s6;
	_ =	swait.ge [sflag:s29], $0x2C00  }
.Ltmp4:
0xf0: {  	(pc) =	sbr.rel .LBB2_8-.Ltmp4, $3  }
0xf1: {  	_ =	sdelay $0x1  }
0xf2: {  	[sflag:s29] =	ssyncset.done $0x0;
	s6 =	rddreg [dreg:$0x6]  }
0xf3: {  	s11 =	rddreg [dreg:$0xc];
	[sflag:s29] =	ssyncadd.s32 $0xFFFFD400  }
.LBB2_5:
0xf4: {  	s6 =	simm.s32 $0x0;
	s9 =	rddreg [dreg:$0x5]  }
0xf5: {  	[tilespmem:s17], [sflag:$0x3] =	stream.linear.gather [hbm4b:s9+s6], $0x2C00, $0x38;
	[tilespmem:$0x1F400] =	vst v63  }
0xf6: {  	_ =	swait.ge [sflag:s14], $0x2C00  }
0xf7: {  	[sflag:s14] =	ssyncset.done $0x0  }
0xf8: {  	[sflag:s14] =	ssyncadd.s32 $0xFFFFD400  }
0xf9: {  	[tilespmem:s19], [sflag:$0x3] =	stream.linear.gather [hbm4b:s9+s6], $0x2C00, $0x38;
	[tilespmem:$0x1F400] =	vst v63  }
0xfa: {  	_ =	swait.ge [sflag:s14], $0x2C00  }
0xfb: {  	[sflag:s14] =	ssyncset.done $0x0  }
0xfc: {  	[sflag:s14] =	ssyncadd.s32 $0xFFFFD400  }
0xfd: {  	[tilespmem:s21], [sflag:$0x3] =	stream.linear.gather [hbm4b:s9+s6], $0x2C00, $0x38;
	[tilespmem:$0x1F400] =	vst v63  }
0xfe: {  	_ =	swait.ge [sflag:s14], $0x2C00  }
0xff: {  	[sflag:s14] =	ssyncset.done $0x0  }
0x100: {  	[sflag:s14] =	ssyncadd.s32 $0xFFFFD400  }
0x101: {  	[tilespmem:s23], [sflag:$0x3] =	stream.linear.gather [hbm4b:s9+s6], $0x2C00, $0x38;
	[tilespmem:$0x1F400] =	vst v63  }
0x102: {  	_ =	swait.ge [sflag:s14], $0x2C00  }
0x103: {  	[sflag:s14] =	ssyncset.done $0x0  }
0x104: {  	[sflag:s14] =	ssyncadd.s32 $0xFFFFD400  }
0x105: {  	s13 =	sadd.s32 $0x0, s12;
	[bflag:$0x0] =	sbarrier.arrive $0xFFFF  }
0x106: {  	[tilespmem:s15], [sflag:$0x3] =	stream.linear.gather [hbm4b:s13+s3], $0x400, $0x38;
	[tilespmem:$0x1F400] =	vst v63  }
0x107: {  	_ =	swait.ge [sflag:s14], $0x400  }
0x108: {  	[sflag:s14] =	ssyncset.done $0x0  }
0x109: {  	[sflag:s14] =	ssyncadd.s32 $0xFFFFFC00  }
0x10a: {  	[spmem:s2] =	stream.indirect.scatter.add.f32 [tilespmem:s17], [sflag:$0x2], $0x80, s15, s16, $0xb8;
	[tilespmem:$0x1F400] =	vst v63  }
0x10b: {  	_ = 	snop  }
0x10c: {  	[spmem:s2] =	stream.indirect.scatter.add.f32 [tilespmem:s19], [sflag:$0x2], $0x80, s25, s16, $0xb8;
	[tilespmem:$0x1F400] =	vst v63  }
0x10d: {  	_ = 	snop  }
0x10e: {  	[spmem:s2] =	stream.indirect.scatter.add.f32 [tilespmem:s21], [sflag:$0x2], $0x80, s26, s16, $0xb8;
	[tilespmem:$0x1F400] =	vst v63  }
0x10f: {  	_ = 	snop  }
0x110: {  	[spmem:s2] =	stream.indirect.scatter.add.f32 [tilespmem:s23], [sflag:$0x2], $0x80, s28, s16, $0xb8;
	[tilespmem:$0x1F400] =	vst v63  }
0x111: {  	_ =	swait.ge [sflag:s29], $0x2C00  }
0x112: {  	[sflag:s29] =	ssyncset.done $0x0  }
0x113: {  	[sflag:s29] =	ssyncadd.s32 $0xFFFFD400  }
0x114: {  	_ =	swait.ge [sflag:s29], $0x2C00  }
0x115: {  	[sflag:s29] =	ssyncset.done $0x0  }
0x116: {  	[sflag:s29] =	ssyncadd.s32 $0xFFFFD400  }
0x117: {  	_ =	swait.ge [sflag:s29], $0x2C00  }
0x118: {  	[sflag:s29] =	ssyncset.done $0x0  }
0x119: {  	[sflag:s29] =	ssyncadd.s32 $0xFFFFD400  }
0x11a: {  	_ =	swait.ge [sflag:s29], $0x2C00  }
0x11b: {  	[sflag:s29] =	ssyncset.done $0x0  }
0x11c: {  	[sflag:s29] =	ssyncadd.s32 $0xFFFFD400  }
0x11d: {  	[spmem:s2] =	stream.indirect.scatter.add.f32 [tilespmem:s17], [sflag:$0x2], $0x80, s7, s16, $0xb8;
	[tilespmem:$0x1F400] =	vst v63  }
0x11e: {  	_ = 	snop  }
0x11f: {  	[spmem:s2] =	stream.indirect.scatter.add.f32 [tilespmem:s19], [sflag:$0x2], $0x80, s8, s16, $0xb8;
	[tilespmem:$0x1F400] =	vst v63  }
0x120: {  	_ = 	snop  }
0x121: {  	[spmem:s2] =	stream.indirect.scatter.add.f32 [tilespmem:s21], [sflag:$0x2], $0x80, s5, s16, $0xb8;
	[tilespmem:$0x1F400] =	vst v63  }
0x122: {  	_ = 	snop  }
0x123: {  	[spmem:s2] =	stream.indirect.scatter.add.f32 [tilespmem:s23], [sflag:$0x2], $0x80, s10, s16, $0xb8;
	[tilespmem:$0x1F400] =	vst v63  }
0x124: {  	_ =	swait.ge [sflag:s29], $0x2C00  }
0x125: {  	[sflag:s29] =	ssyncset.done $0x0  }
0x126: {  	[sflag:s29] =	ssyncadd.s32 $0xFFFFD400  }
0x127: {  	_ =	swait.ge [sflag:s29], $0x2C00  }
0x128: {  	[sflag:s29] =	ssyncset.done $0x0  }
0x129: {  	[sflag:s29] =	ssyncadd.s32 $0xFFFFD400  }
0x12a: {  	_ =	swait.ge [sflag:s29], $0x2C00  }
0x12b: {  	[sflag:s29] =	ssyncset.done $0x0  }
0x12c: {  	[sflag:s29] =	ssyncadd.s32 $0xFFFFD400  }
0x12d: {  	_ =	swait.ge [sflag:s29], $0x2C00  }
0x12e: {  	s6 =	simm.s32 $0x80;
	s9 =	simm.s32 $0x100;
	[sflag:s29] =	ssyncset.done $0x0  }
.LBB2_6:
0x12f: {  	s11 =	sadd.s32 s6, s12  }
0x130: {  	[sflag:s29] =	ssyncadd.s32 $0xFFFFD400;
	s6 =	smov.u32 s9;
	s13 =	sadd.s32 $0x80, s9  }
0x131: {  	[tilespmem:s15], [sflag:$0x3] =	stream.linear.gather [hbm4b:s11+s3], $0x400, $0x38;
	[tilespmem:$0x1F400] =	vst v63  }
0x132: {  	p1 =	sne.s32 s9, $0xE00;
	_ =	swait.ge [sflag:s14], $0x400  }
0x133: {  	[sflag:s14] =	ssyncset.done $0x0  }
0x134: {  	[sflag:s14] =	ssyncadd.s32 $0xFFFFFC00  }
0x135: {  	[spmem:s2] =	stream.indirect.scatter.add.f32 [tilespmem:s17], [sflag:$0x2], $0x80, s15, s16, $0xb8;
	[tilespmem:$0x1F400] =	vst v63  }
0x136: {  	_ = 	snop  }
0x137: {  	[spmem:s2] =	stream.indirect.scatter.add.f32 [tilespmem:s19], [sflag:$0x2], $0x80, s25, s16, $0xb8;
	[tilespmem:$0x1F400] =	vst v63  }
0x138: {  	_ = 	snop  }
0x139: {  	[spmem:s2] =	stream.indirect.scatter.add.f32 [tilespmem:s21], [sflag:$0x2], $0x80, s26, s16, $0xb8;
	[tilespmem:$0x1F400] =	vst v63  }
0x13a: {  	_ = 	snop  }
0x13b: {  	[spmem:s2] =	stream.indirect.scatter.add.f32 [tilespmem:s23], [sflag:$0x2], $0x80, s28, s16, $0xb8;
	[tilespmem:$0x1F400] =	vst v63  }
0x13c: {  	_ =	swait.ge [sflag:s29], $0x2C00  }
0x13d: {  	[sflag:s29] =	ssyncset.done $0x0  }
0x13e: {  	[sflag:s29] =	ssyncadd.s32 $0xFFFFD400  }
0x13f: {  	_ =	swait.ge [sflag:s29], $0x2C00  }
0x140: {  	[sflag:s29] =	ssyncset.done $0x0  }
0x141: {  	[sflag:s29] =	ssyncadd.s32 $0xFFFFD400  }
0x142: {  	_ =	swait.ge [sflag:s29], $0x2C00  }
0x143: {  	[sflag:s29] =	ssyncset.done $0x0  }
0x144: {  	[sflag:s29] =	ssyncadd.s32 $0xFFFFD400  }
0x145: {  	_ =	swait.ge [sflag:s29], $0x2C00  }
0x146: {  	[sflag:s29] =	ssyncset.done $0x0  }
0x147: {  	[sflag:s29] =	ssyncadd.s32 $0xFFFFD400  }
0x148: {  	[spmem:s2] =	stream.indirect.scatter.add.f32 [tilespmem:s17], [sflag:$0x2], $0x80, s7, s16, $0xb8;
	[tilespmem:$0x1F400] =	vst v63  }
0x149: {  	_ = 	snop  }
0x14a: {  	[spmem:s2] =	stream.indirect.scatter.add.f32 [tilespmem:s19], [sflag:$0x2], $0x80, s8, s16, $0xb8;
	[tilespmem:$0x1F400] =	vst v63  }
0x14b: {  	_ = 	snop  }
0x14c: {  	[spmem:s2] =	stream.indirect.scatter.add.f32 [tilespmem:s21], [sflag:$0x2], $0x80, s5, s16, $0xb8;
	[tilespmem:$0x1F400] =	vst v63  }
0x14d: {  	_ = 	snop  }
0x14e: {  	[spmem:s2] =	stream.indirect.scatter.add.f32 [tilespmem:s23], [sflag:$0x2], $0x80, s10, s16, $0xb8;
	[tilespmem:$0x1F400] =	vst v63  }
0x14f: {  	_ =	swait.ge [sflag:s29], $0x2C00  }
0x150: {  	[sflag:s29] =	ssyncset.done $0x0  }
0x151: {  	[sflag:s29] =	ssyncadd.s32 $0xFFFFD400  }
0x152: {  	_ =	swait.ge [sflag:s29], $0x2C00  }
0x153: {  	[sflag:s29] =	ssyncset.done $0x0  }
0x154: {  	[sflag:s29] =	ssyncadd.s32 $0xFFFFD400  }
.Ltmp5:
0x155: {  	_ =	swait.ge [sflag:s29], $0x2C00;
	(pc) =	sbr.rel @p1 .LBB2_6-.Ltmp5, $4  }
0x156: {  	[sflag:s29] =	ssyncset.done $0x0  }
0x157: {  	[sflag:s29] =	ssyncadd.s32 $0xFFFFD400  }
0x158: {  	_ =	swait.ge [sflag:s29], $0x2C00  }
0x159: {  	s9 =	smov.u32 s13;
	[sflag:s29] =	ssyncset.done $0x0  }
.Ltmp6:
0x15a: {  	_ = 	snop;
	(pc) =	sbr.rel .LBB2_7-.Ltmp6, $1  }
0x15b: {  	_ =	sdelay $0x3  }
.LBB2_9:
0x15c: {  	_ =	sfence.sel $0x180000  }
0x15d: {  	[bflag:$0x0] =	sbarrier.arrive $0xFFFF  }
0x15e: {  	_ =	strace $0x90000047  }
0x15f: {  	s0 =	stileid.u32;
	[bflag:$0x2] =	sbarrier.arrive $0xFFFF  }
0x160: {  	p0 =	sne.s32 s0, $0x0;
	s0 =	rddreg [dreg:$0x2]  }
0x161: {  	s0 =	sadd.s32 @!p0 $0x100000, s0  }
0x162: {  	[sflag:s0] =	ssyncadd.tile.s32 @!p0 $0x1;
	_ =	shalt  }
.Lfunc_end2:
_tile_overlayer_lowered:
.L_overlay_start_2:
0x163: {  	(tag) =	ssettag $0x2  }
0x164: {  	s0 =	rddreg [dreg:$0x0];
	s2 =	stileid.u32  }
0x165: {  	s1 =	rddreg [dreg:$0x1];
	p0 =	sne.s32 s2, $0x0  }
0x166: {  	s3 =	rddreg [dreg:$0x2];
	[bflag:$0x3] =	sbarrier.arrive $0xFFFF;
	s2 =	simm.s32 @!p0 $0x1C03  }
0x167: {  	[timem:s3], [sflag:s2] =	dma.local @!p0 [hbm:s0], s1  }
0x168: {  	s0 =	simm.s32 @!p0 $0x3  }
0x169: {  	_ =	swait.ge @!p0 [sflag:s0], s1  }
0x16a: {  	s1 =	ssub.s32 @!p0 $0x0, s1;
	[sflag:s0] =	ssyncset.done @!p0 $0x0  }
0x16b: {  	[sflag:s0] =	ssyncadd.s32 @!p0 s1  }
0x16c: {  	[bflag:$0x3] =	sbarrier.arrive $0xFFFF  }
0x16d: {  	_ =	shalt  }

// kernel: kernel.13.cloned.1.call-start
scs
__scs_entry_jumppad:
0x0: {  	(pc) =	sbr.rel $0x88, $3  }
0x1: {  	(tag) =	ssettag $0x0;
	lr =	simm.s32 $0x1  }
0x2: {  	[smem:$0x3F8F] =	sst lr;
	_ =	strace $0xD0000000  }
0x3: {  	_ = 	snop  }
0x4: {  	_ = 	snop  }
0x5: {  	_ = 	snop  }
0x6: {  	_ = 	snop  }
0x7: {  	_ = 	snop  }
__scs_overlays_trampoline_lowered:
0x8: {  	[smem:$0x3F9E] =	sst s0  }
0x9: {  	[smem:$0x3F9F] =	sst s1  }
0xa: {  	[smem:$0x3FA0] =	sst s2  }
0xb: {  	[smem:$0x3FA1] =	sst s3  }
0xc: {  	[smem:$0x3FA2] =	sst s4  }
0xd: {  	[smem:$0x3FA3] =	sst s5  }
0xe: {  	[smem:$0x3FA4] =	sst s6  }
0xf: {  	[smem:$0x3FA5] =	sst s7  }
0x10: {  	[smem:$0x3FA6] =	sst s8  }
0x11: {  	[smem:$0x3FA7] =	sst s9;
	s0 =	simm.s32 @!p0 $0x0  }
0x12: {  	s1 =	sld [smem:$0x3F8D];
	s0 =	simm.s32 @p0 $0x1  }
0x13: {  	[smem:$0x3FA8] =	sst s0;
	s0 =	simm.s32 @!p1 $0x0  }
0x14: {  	s2 =	sld [smem:$0x3F8C];
	s0 =	simm.s32 @p1 $0x1  }
0x15: {  	[smem:$0x3FA9] =	sst s0;
	s0 =	simm.s32 @!p2 $0x0  }
0x16: {  	s3 =	sld [smem:$0x3FDB];
	s0 =	simm.s32 @p2 $0x1  }
0x17: {  	s4 =	simm.s32 $0x1BF5;
	[smem:$0x3FAB] =	sst s0  }
0x18: {  	s0 =	sld [smem:$0x3F8E];
	_ =	swait.ge [sflag:s4], $0x0  }
0x19: {  	s7 =	sld [smem:$0x3F8F]  }
0x1a: {  	s8 =	sadd.s32 $0xFFFFE003, lr  }
0x1b: {  	s9 =	sadd.s32 $0xFFFFFEF7, lr;
	s5 =	simm.s32 $0xFFFFFFFF;
	p2 =	slt.u32 s8, $0xFFFFF086  }
0x1c: {  	p1 =	slt.u32 s9, $0xF7A;
	s5 =	simm.s32 @!p2 $0x0  }
0x1d: {  	s5 =	simm.s32 @p1 $0x1;
	p0 =	seq.s32 s7, s2  }
0x1e: {  	s7 =	smul.u32 @!p0 $0xF7A, s2;
	p2 =	seq.s32 @!p0 s5, $0x0  }
0x1f: {  	s9 =	smul.u32 $0xF7A, s1;
	s8 =	simm.s32 @!p0 $0x1BF5;
	p2 =	por !p2, p0  }
0x20: {  	[sflag:s8] =	ssyncset.s32 @!p0 $0xFFFFF086;
	s6 =	sadd.s32 @!p0 s3, s7;
	s7 =	simm.s32 @!p0 $0x108  }
0x21: {  	s3 =	sadd.s32 s3, s9;
	s6 =	sadd.s32 @!p0 $0x88, s6;
	s7 =	simm.s32 @p2 $0x1082  }
0x22: {  	[simem:s7], [sflag:s8] =	dma.local @!p0 [hbm:s6], $0xF7A  }
0x23: {  	s9 =	sor.u32 $0xD0000000, s2;
	s6 =	simm.s32 $0x108;
	_ =	swait.ge @!p0 [sflag:s8], $0x0  }
0x24: {  	s3 =	sadd.s32 $0x88, s3;
	s6 =	simm.s32 @!p1 $0x1082;
	[sflag:s4] =	ssyncset.s32 $0xFFFFF086  }
0x25: {  	[simem:s6], [sflag:s4] =	dma.local [hbm:s3], $0xF7A  }
0x26: {  	[smem:$0x3F8F] =	sst s1;
	(tag) =	ssettag s2;
	_ =	strace s9  }
0x27: {  	s1 =	sld [smem:$0x3F9F]  }
0x28: {  	s2 =	sld [smem:$0x3FA0]  }
0x29: {  	s4 =	sld [smem:$0x3FA2]  }
0x2a: {  	p0 =	seq.s32 s5, $0x0;
	s5 =	sld [smem:$0x3FA3]  }
0x2b: {  	s6 =	sld [smem:$0x3FA4]  }
0x2c: {  	s7 =	sld [smem:$0x3FA5]  }
0x2d: {  	s3 =	simm.s32 $0x108;
	s8 =	sld [smem:$0x3FA6]  }
0x2e: {  	s3 =	simm.s32 @!p0 $0x1082;
	s9 =	sld [smem:$0x3FA7]  }
0x2f: {  	lr =	sadd.s32 s0, s3;
	s0 =	sld [smem:$0x3F9E]  }
0x30: {  	s3 =	sld [smem:$0x3FA1]  }
0x31: {  	[smem:$0x3FAA] =	sst s10  }
0x32: {  	s10 =	sld [smem:$0x3FA8];
	_ =	sdelay $0x3  }
0x33: {  	p0 =	seq.s32 s10, $0x1;
	s10 =	sld [smem:$0x3FAA];
	_ =	sdelay $0x3  }
0x34: {  	[smem:$0x3FAA] =	sst s10  }
0x35: {  	s10 =	sld [smem:$0x3FA9];
	_ =	sdelay $0x3  }
0x36: {  	p1 =	seq.s32 s10, $0x1;
	s10 =	sld [smem:$0x3FAA];
	_ =	sdelay $0x3  }
0x37: {  	[smem:$0x3FAA] =	sst s10  }
0x38: {  	s10 =	sld [smem:$0x3FAB]  }
0x39: {  	_ = 	snop;
	(pc) =	sbr.ind lr, $3  }
0x3a: {  	_ = 	snop  }
0x3b: {  	_ = 	snop  }
0x3c: {  	p2 =	seq.s32 s10, $0x1;
	s10 =	sld [smem:$0x3FAA]  }
0x3d: {  	_ =	shalt  }
0x3e: {  	_ =	shalt  }
0x3f: {  	_ =	shalt  }
0x40: {  	_ =	shalt  }
0x41: {  	_ =	shalt  }
0x42: {  	_ =	shalt  }
0x43: {  	_ =	shalt  }
0x44: {  	_ =	shalt  }
0x45: {  	_ =	shalt  }
0x46: {  	_ =	shalt  }
0x47: {  	_ =	shalt  }
0x48: {  	_ =	shalt  }
0x49: {  	_ =	shalt  }
0x4a: {  	_ =	shalt  }
0x4b: {  	_ =	shalt  }
0x4c: {  	_ =	shalt  }
0x4d: {  	_ =	shalt  }
0x4e: {  	_ =	shalt  }
0x4f: {  	_ =	shalt  }
0x50: {  	_ =	shalt  }
0x51: {  	_ =	shalt  }
0x52: {  	_ =	shalt  }
0x53: {  	_ =	shalt  }
0x54: {  	_ =	shalt  }
0x55: {  	_ =	shalt  }
0x56: {  	_ =	shalt  }
0x57: {  	_ =	shalt  }
0x58: {  	_ =	shalt  }
0x59: {  	_ =	shalt  }
0x5a: {  	_ =	shalt  }
0x5b: {  	_ =	shalt  }
0x5c: {  	_ =	shalt  }
0x5d: {  	_ =	shalt  }
0x5e: {  	_ =	shalt  }
0x5f: {  	_ =	shalt  }
0x60: {  	_ =	shalt  }
0x61: {  	_ =	shalt  }
0x62: {  	_ =	shalt  }
0x63: {  	_ =	shalt  }
0x64: {  	_ =	shalt  }
0x65: {  	_ =	shalt  }
0x66: {  	_ =	shalt  }
0x67: {  	_ =	shalt  }
0x68: {  	_ =	shalt  }
0x69: {  	_ =	shalt  }
0x6a: {  	_ =	shalt  }
0x6b: {  	_ =	shalt  }
0x6c: {  	_ =	shalt  }
0x6d: {  	_ =	shalt  }
0x6e: {  	_ =	shalt  }
0x6f: {  	_ =	shalt  }
0x70: {  	_ =	shalt  }
0x71: {  	_ =	shalt  }
0x72: {  	_ =	shalt  }
0x73: {  	_ =	shalt  }
0x74: {  	_ =	shalt  }
0x75: {  	_ =	shalt  }
0x76: {  	_ =	shalt  }
0x77: {  	_ =	shalt  }
0x78: {  	_ =	shalt  }
0x79: {  	_ =	shalt  }
0x7a: {  	_ =	shalt  }
0x7b: {  	_ =	shalt  }
0x7c: {  	_ =	shalt  }
0x7d: {  	_ =	shalt  }
0x7e: {  	_ =	shalt  }
0x7f: {  	_ =	shalt  }
0x80: {  	_ =	shalt  }
0x81: {  	_ =	shalt  }
0x82: {  	_ =	shalt  }
0x83: {  	_ =	shalt  }
0x84: {  	_ =	shalt  }
0x85: {  	_ =	shalt  }
0x86: {  	_ =	shalt  }
0x87: {  	_ =	shalt  }
.Lfunc_end0:
.L_simem_size_0:
called_computation.1_lowered:
.L_overlay_start_0:
0x88: {  	s2 =	sld [smem:$0x3FD9]  }
0x89: {  	s3 =	sld [smem:$0x3FFE];
	_ =	sdelay $0x1  }
0x8a: {  	s1 =	srdreg.scid  }
0x8b: {  	s0 =	sand.u32 $0x1, s1  }
0x8c: {  	s16 =	sshll.u32 s0, $0xA;
	s2 =	sadd.s32 s3, s2  }
0x8d: {  	s2 =	sadd.s32 s2, s16  }
0x8e: {  	[smem:$0x3FB6] =	sst s2  }
0x8f: {  	_ = 	snop  }
0x90: {  	(tm) =	ssettm $0x1  }
0x91: {  	s17 =	sld [smem:$0x3FFB];
	_ =	sdelay $0x3  }
0x92: {  	_ =	strace s17  }
0x93: {  	s2 =	sld [smem:$0x3FFC];
	_ =	sdelay $0x3  }
0x94: {  	_ =	strace s2  }
0x95: {  	s2 =	sld [smem:$0x3FFD];
	_ =	sdelay $0x3  }
0x96: {  	_ =	strace s2  }
0x97: {  	_ =	strace $0x8FFFFFFF  }
0x98: {  	s18 =	sld [smem:$0x3FDB];
	_ =	sdelay $0x1  }
0x99: {  	s19 =	simm.s32 $_scs_section_size  }
0x9a: {  	s4 =	simm.s32 $_size__tile_overlayer_lowered;
	s5 =	simm.s32 $_tile_overlayer_lowered  }
0x9b: {  	s22 =	simm.s32 $0x1BFF;
	s21 =	sshll.u32 s5, $0x1;
	s2 =	sadd.s32 s19, s18  }
0x9c: {  	s6 =	simm.s32 $0x0;
	s20 =	sshll.u32 s4, $0x1;
	s4 =	sadd.s32 s21, s2  }
0x9d: {  	[timem:s6], [sflag:s22] =	dma.local [hbm:s4], s20  }
0x9e: {  	_ =	swait.ge [sflag:s22], s20  }
0x9f: {  	s3 =	ssub.s32 $0x0, s20;
	[sflag:s22] =	ssyncset.done $0x0  }
0xa0: {  	[sflag:s22] =	ssyncadd.s32 s3;
	_ =	sdelay $0x1  }
0xa1: {  	s23 =	simm.s32 $0x1B8B  }
0xa2: {  	_ =	swait.ge [sflag:s23], $0x1  }
0xa3: {  	[sflag:s23] =	ssyncset.done $0x0  }
0xa4: {  	s25 =	simm.s32 $0x1B8E;
	s24 =	sld [smem:$0x3FFE];
	[sflag:s23] =	ssyncadd.s32 $0xFFFFFFFF  }
0xa5: {  	s26 =	simm.s32 $execute0_lowered;
	[smem:$0x3FD2] =	sst s25  }
0xa6: {  	s4 =	sshll.u32 s26, $0x1;
	_ =	strace $0x80000049;
	[dreg:$0x1] =	wrdreg $0xFFFFFFFF  }
0xa7: {  	s28 =	simm.s32 $_size_execute0_lowered;
	s2 =	sadd.s32 s2, s4;
	[dreg:$0x0] =	wrdreg $0x0  }
0xa8: {  	s4 =	sshll.u32 s28, $0x1;
	[dreg:$0x2] =	wrdreg s2  }
0xa9: {  	[dreg:$0x3] =	wrdreg s4  }
0xaa: {  	[dreg:$0x4] =	wrdreg $0xC0  }
0xab: {  	_ =	task [dreg:s6], $0x5FFFF  }
0xac: {  	[dreg:$0x1] =	wrdreg $0xFFFFFFFF  }
0xad: {  	[dreg:$0x0] =	wrdreg $0x60  }
0xae: {  	[dreg:$0x2] =	wrdreg s24  }
0xaf: {  	[dreg:$0x3] =	wrdreg $0xB8000  }
0xb0: {  	[dreg:$0x4] =	wrdreg $0x9  }
0xb1: {  	_ =	task.clear_ibuf [dreg:s6], $0x5FFFF;
	_ =	strace $0x90000049  }
0xb2: {  	s29 =	simm.s32 $0x9;
	_ =	strace $0x8000004B  }
0xb3: {  	_ =	swait.ge [sflag:s29], $0x1  }
0xb4: {  	[sflag:s29] =	ssyncadd.s32 $0xFFFFFFFF  }
0xb5: {  	_ =	strace $0x9000004B  }
0xb6: {  	_ =	sfence  }
0xb7: {  	s30 =	sld [smem:$0x0];
	_ =	sdelay $0x2  }
0xb8: {  	s31 =	sshll.u32 s1, $0xD;
	s1 =	sshrl.u32 s1, $0x2  }
0xb9: {  	s3 =	sand.u32 $0x4000, s31;
	s1 =	sadd.s32 s1, s30  }
0xba: {  	s0 =	sor.u32 s3, s0;
	s1 =	sshll.u32 s1, $0x11  }
0xbb: {  	s0 =	sor.u32 s1, s0  }
0xbc: {  	s0 =	sadd.s32 $0x8F2B, s0  }
0xbd: {  	[sflag:s0] =	ssyncadd.remote.s32 $0x1  }
0xbe: {  	_ =	sfence.sel $0xFFFF  }
0xbf: {  	[dreg:$0x0] =	wrdreg $0xFFFFFFFF;
	(pc) =	sbr.abs _section_cstart, $3  }
0xc0: {  	[dreg:$0x1] =	wrdreg $0xFFFFFFFF  }
0xc1: {  	_ =	task.clear_ibuf [dreg:s6], $0x2FFFF;
	_ =	strace $0x9FFFFFFF  }
0xc2: {  	(tm) =	ssettm $0x7FFFFFFF  }
0xc3: {  	_ =	shalt  }
tec
execute0_lowered:
.L_overlay_start_1:
0x0: {  	(tag) =	ssettag $0x1  }
0x1: {  	s0 =	rddreg [dreg:$0x0]  }
0x2: {  	s2 =	rddreg [dreg:$0x1];
	s10 =	stileid.u32;
	s3 =	simm.s32 $0x0  }
0x3: {  	s6 =	srdreg.scid;
	s15 =	simm.s32 $0x3;
	s16 =	simm.s32 $0x400  }
0x4: {  	s17 =	simm.s32 $0x58;
	s18 =	simm.s32 $0x800;
	s21 =	simm.s32 $0x80  }
0x5: {  	s20 =	simm.s32 $0x3400;
	s23 =	simm.s32 $0x100;
	s22 =	simm.s32 $0x6000  }
0x6: {  	s24 =	simm.s32 $0x8C00;
	s25 =	simm.s32 $0x1;
	s30 =	simm.s32 $0x2  }
0x7: {  	s1 =	smul.u32 $0xE80, s10;
	[smem:$0x7FF] =	sst s3;
	s4 =	sadd.s32 $0x4FA00, s0  }
0x8: {  	s5 =	sadd.s32 $0x24C00, s0;
	s7 =	sadd.s32 $0x4D200, s0;
	s6 =	sand.u32 $0x1, s6  }
0x9: {  	s26 =	smul.u32 $0x4F000, s10;
	s8 =	sadd.s32 $0x9FA00, s0;
	s9 =	sshll.u32 s10, $0x6  }
0xa: {  	s31 =	smul.u32 $0x2780, s10;
	_ =	strace $0x8000004A;
	[dreg:$0x3] =	wrdreg s7  }
0xb: {  	[dreg:$0x4] =	wrdreg s8;
	s28 =	ssub.s32 $0x2, s6;
	s14 =	sor.u32 $0x1C03, s9  }
0xc: {  	p0 =	sne.s32 s6, $0x0;
	s1 =	sadd.s32 s1, s0;
	s0 =	sadd.s32 $0xC7A00, s0  }
.Ltmp0:
0xd: {  	s29 =	sshrl.u32 s28, $0x1;
	[dreg:$0x7] =	wrdreg s31;
	(pc) =	sbr.rel .LBB2_1-.Ltmp0, $4  }
0xe: {  	s7 =	sshrl.u32 s26, $0x2;
	[dreg:$0x5] =	wrdreg s0;
	s0 =	ssub.s32 s28, s29  }
0xf: {  	[dreg:$0x6] =	wrdreg s14;
	s7 =	sadd.s32 s7, s2;
	s0 =	smax.u32 s0, $0x1  }
0x10: {  	s12 =	sadd.s32 $0x16400, s1;
	s19 =	sshrl.u32 s7, $0x3;
	[dreg:$0x8] =	wrdreg s0  }
0x11: {  	s13 =	sadd.s32 $0x7C00, s1;
	s0 =	simm.s32 $0x0;
	[dreg:$0x9] =	wrdreg s19  }
.LBB2_7:
0x12: {  	s9 =	sadd.s32 s14, s13;
	[sflag:s30] =	ssyncadd.s32 $0xFFFFD400  }
0x13: {  	[tilespmem:s3], [sflag:$0x3] =	stream.linear.gather [hbm4b:s9+s3], $0x400, $0x38;
	[tilespmem:$0x1F400] =	vst v63  }
0x14: {  	_ =	swait.ge [sflag:s15], $0x400  }
0x15: {  	[sflag:s15] =	ssyncset.done $0x0  }
0x16: {  	s19 =	sadd.s32 s14, s12;
	[sflag:s15] =	ssyncadd.s32 $0xFFFFFC00  }
0x17: {  	[tilespmem:s16], [sflag:$0x3] =	stream.linear.gather [hbm4b:s19+s3], $0x400, $0x38;
	[tilespmem:$0x1F400] =	vst v63  }
0x18: {  	_ =	swait.ge [sflag:s15], $0x400  }
0x19: {  	[sflag:s15] =	ssyncset.done $0x0  }
0x1a: {  	[sflag:s15] =	ssyncadd.s32 $0xFFFFFC00  }
0x1b: {  	[tilespmem:s18], [sflag:$0x1] =	stream.indirect.gather [hbm4b:s5+s17], $0x80, s3, s17, $0xb8;
	[tilespmem:$0x1F400] =	vst v63  }
0x1c: {  	_ = 	snop  }
0x1d: {  	[tilespmem:s20], [sflag:$0x1] =	stream.indirect.gather [hbm4b:s5+s17], $0x80, s21, s17, $0xb8;
	[tilespmem:$0x1F400] =	vst v63  }
0x1e: {  	_ = 	snop  }
0x1f: {  	[tilespmem:s22], [sflag:$0x1] =	stream.indirect.gather [hbm4b:s5+s17], $0x80, s23, s17, $0xb8;
	[tilespmem:$0x1F400] =	vst v63  }
0x20: {  	_ = 	snop  }
0x21: {  	[tilespmem:s24], [sflag:$0x1] =	stream.indirect.gather [hbm4b:s5+s17], $0x80, s26, s17, $0xb8;
	[tilespmem:$0x1F400] =	vst v63  }
0x22: {  	_ =	swait.ge [sflag:s25], $0x2C00  }
0x23: {  	[sflag:s25] =	ssyncset.done $0x0  }
0x24: {  	[sflag:s25] =	ssyncadd.s32 $0xFFFFD400  }
0x25: {  	[spmem:s2] =	stream.indirect.scatter.add.f32 [tilespmem:s18], [sflag:$0x2], $0x80, s16, s17, $0xb8;
	[tilespmem:$0x1F400] =	vst v63  }
0x26: {  	_ =	swait.ge [sflag:s25], $0x2C00  }
0x27: {  	[sflag:s25] =	ssyncset.done $0x0  }
0x28: {  	[sflag:s25] =	ssyncadd.s32 $0xFFFFD400  }
0x29: {  	[spmem:s2] =	stream.indirect.scatter.add.f32 [tilespmem:s20], [sflag:$0x2], $0x80, s28, s17, $0xb8;
	[tilespmem:$0x1F400] =	vst v63  }
0x2a: {  	_ =	swait.ge [sflag:s25], $0x2C00  }
0x2b: {  	[sflag:s25] =	ssyncset.done $0x0  }
0x2c: {  	[sflag:s25] =	ssyncadd.s32 $0xFFFFD400  }
0x2d: {  	[spmem:s2] =	stream.indirect.scatter.add.f32 [tilespmem:s22], [sflag:$0x2], $0x80, s29, s17, $0xb8;
	[tilespmem:$0x1F400] =	vst v63  }
0x2e: {  	_ =	swait.ge [sflag:s25], $0x2C00  }
0x2f: {  	[sflag:s25] =	ssyncset.done $0x0  }
0x30: {  	[sflag:s25] =	ssyncadd.s32 $0xFFFFD400  }
0x31: {  	[spmem:s2] =	stream.indirect.scatter.add.f32 [tilespmem:s24], [sflag:$0x2], $0x80, s31, s17, $0xb8;
	[tilespmem:$0x1F400] =	vst v63  }
0x32: {  	_ =	swait.ge [sflag:s30], $0x2C00  }
0x33: {  	[sflag:s30] =	ssyncset.done $0x0  }
0x34: {  	[sflag:s30] =	ssyncadd.s32 $0xFFFFD400  }
0x35: {  	_ =	swait.ge [sflag:s30], $0x2C00  }
0x36: {  	[sflag:s30] =	ssyncset.done $0x0  }
0x37: {  	[sflag:s30] =	ssyncadd.s32 $0xFFFFD400  }
0x38: {  	_ =	swait.ge [sflag:s30], $0x2C00  }
0x39: {  	[sflag:s30] =	ssyncset.done $0x0  }
0x3a: {  	[sflag:s30] =	ssyncadd.s32 $0xFFFFD400  }
0x3b: {  	_ =	swait.ge [sflag:s30], $0x2C00  }
0x3c: {  	[sflag:s30] =	ssyncset.done $0x0  }
0x3d: {  	[sflag:s30] =	ssyncadd.s32 $0xFFFFD400  }
0x3e: {  	[tilespmem:s18], [sflag:$0x1] =	stream.indirect.gather [hbm4b:s5+s17], $0x80, s0, s17, $0xb8;
	[tilespmem:$0x1F400] =	vst v63  }
0x3f: {  	_ = 	snop  }
0x40: {  	[tilespmem:s20], [sflag:$0x1] =	stream.indirect.gather [hbm4b:s5+s17], $0x80, s1, s17, $0xb8;
	[tilespmem:$0x1F400] =	vst v63  }
0x41: {  	_ = 	snop  }
0x42: {  	[tilespmem:s22], [sflag:$0x1] =	stream.indirect.gather [hbm4b:s5+s17], $0x80, s7, s17, $0xb8;
	[tilespmem:$0x1F400] =	vst v63  }
0x43: {  	_ = 	snop  }
0x44: {  	[tilespmem:s24], [sflag:$0x1] =	stream.indirect.gather [hbm4b:s5+s17], $0x80, s8, s17, $0xb8;
	[tilespmem:$0x1F400] =	vst v63  }
0x45: {  	_ =	swait.ge [sflag:s25], $0x2C00  }
0x46: {  	[sflag:s25] =	ssyncset.done $0x0  }
0x47: {  	[sflag:s25] =	ssyncadd.s32 $0xFFFFD400  }
0x48: {  	[spmem:s2] =	stream.indirect.scatter.add.f32 [tilespmem:s18], [sflag:$0x2], $0x80, s6, s17, $0xb8;
	[tilespmem:$0x1F400] =	vst v63  }
0x49: {  	_ =	swait.ge [sflag:s25], $0x2C00  }
0x4a: {  	[sflag:s25] =	ssyncset.done $0x0  }
0x4b: {  	[sflag:s25] =	ssyncadd.s32 $0xFFFFD400  }
0x4c: {  	[spmem:s2] =	stream.indirect.scatter.add.f32 [tilespmem:s20], [sflag:$0x2], $0x80, s10, s17, $0xb8;
	[tilespmem:$0x1F400] =	vst v63  }
0x4d: {  	_ =	swait.ge [sflag:s25], $0x2C00  }
0x4e: {  	[sflag:s25] =	ssyncset.done $0x0  }
0x4f: {  	[sflag:s25] =	ssyncadd.s32 $0xFFFFD400  }
0x50: {  	[spmem:s2] =	stream.indirect.scatter.add.f32 [tilespmem:s22], [sflag:$0x2], $0x80, s11, s17, $0xb8;
	[tilespmem:$0x1F400] =	vst v63  }
0x51: {  	_ =	swait.ge [sflag:s25], $0x2C00  }
0x52: {  	[sflag:s25] =	ssyncset.done $0x0  }
0x53: {  	s31 =	simm.s32 $0x780;
	[sflag:s25] =	ssyncadd.s32 $0xFFFFD400  }
0x54: {  	[spmem:s2] =	stream.indirect.scatter.add.f32 [tilespmem:s24], [sflag:$0x2], $0x80, s31, s17, $0xb8;
	[tilespmem:$0x1F400] =	vst v63  }
0x55: {  	_ =	swait.ge [sflag:s30], $0x2C00  }
0x56: {  	[sflag:s30] =	ssyncset.done $0x0  }
0x57: {  	[sflag:s30] =	ssyncadd.s32 $0xFFFFD400  }
0x58: {  	_ =	swait.ge [sflag:s30], $0x2C00  }
0x59: {  	[sflag:s30] =	ssyncset.done $0x0  }
0x5a: {  	[sflag:s30] =	ssyncadd.s32 $0xFFFFD400  }
0x5b: {  	_ =	swait.ge [sflag:s30], $0x2C00  }
0x5c: {  	[sflag:s30] =	ssyncset.done $0x0  }
0x5d: {  	[sflag:s30] =	ssyncadd.s32 $0xFFFFD400  }
0x5e: {  	_ =	swait.ge [sflag:s30], $0x2C00  }
0x5f: {  	[sflag:s30] =	ssyncset.done $0x0;
	s9 =	rddreg [dreg:$0x5]  }
0x60: {  	s0 =	rddreg [dreg:$0xa];
	[sflag:s30] =	ssyncadd.s32 $0xFFFFD400  }
.LBB2_8:
0x61: {  	s14 =	rddreg [dreg:$0x7];
	[bflag:$0x0] =	sbarrier.arrive $0xFFFF  }
0x62: {  	s9 =	sadd.s32 s9, s14;
	s14 =	rddreg [dreg:$0x6]  }
0x63: {  	s19 =	rddreg [dreg:$0x9]  }
0x64: {  	[hbm:s9], [sflag:s14] =	dma.local [spmem:s19], $0x2780  }
0x65: {  	_ =	swait.ge [sflag:s15], $0x2780  }
0x66: {  	s0 =	sadd.s32 $0x1, s0;
	s31 =	rddreg [dreg:$0x8]  }
0x67: {  	p1 =	sne.s32 s0, s31  }
.Ltmp1:
0x68: {  	_ = 	snop;
	(pc) =	sbr.rel @!p1 .LBB2_9-.Ltmp1, $3  }
0x69: {  	_ =	sdelay $0x1  }
0x6a: {  	[sflag:s15] =	ssyncset.done $0x0  }
0x6b: {  	[sflag:s15] =	ssyncadd.s32 $0xFFFFD880  }
.LBB2_1:
0x6c: {  	[dreg:$0xa] =	wrdreg s0  }
0x6d: {  	s9 =	rddreg [dreg:$0x3]  }
0x6e: {  	[spmem:s19], [sflag:s14] =	dma.local [hbm:s9], $0x2780  }
.Ltmp2:
0x6f: {  	_ =	swait.ge [sflag:s15], $0x2780;
	(pc) =	sbr.rel @p0 .LBB2_5-.Ltmp2, $4  }
0x70: {  	[sflag:s15] =	ssyncset.done $0x0  }
0x71: {  	[sflag:s15] =	ssyncadd.s32 $0xFFFFD880  }
0x72: {  	[bflag:$0x0] =	sbarrier.arrive $0xFFFF  }
0x73: {  	s9 =	sadd.s32 $0x0, s13  }
0x74: {  	[tilespmem:s3], [sflag:$0x3] =	stream.linear.gather [hbm4b:s9+s3], $0x400, $0x38;
	[tilespmem:$0x1F400] =	vst v63  }
0x75: {  	_ =	swait.ge [sflag:s15], $0x400  }
0x76: {  	[sflag:s15] =	ssyncset.done $0x0  }
0x77: {  	s19 =	sadd.s32 $0x0, s12;
	[sflag:s15] =	ssyncadd.s32 $0xFFFFFC00  }
0x78: {  	[tilespmem:s16], [sflag:$0x3] =	stream.linear.gather [hbm4b:s19+s3], $0x400, $0x38;
	[tilespmem:$0x1F400] =	vst v63  }
0x79: {  	_ =	swait.ge [sflag:s15], $0x400  }
0x7a: {  	[sflag:s15] =	ssyncset.done $0x0  }
0x7b: {  	[sflag:s15] =	ssyncadd.s32 $0xFFFFFC00  }
0x7c: {  	[tilespmem:s18], [sflag:$0x1] =	stream.indirect.gather [hbm4b:s4+s17], $0x80, s3, s17, $0xb8;
	[tilespmem:$0x1F400] =	vst v63  }
0x7d: {  	_ = 	snop  }
0x7e: {  	[tilespmem:s20], [sflag:$0x1] =	stream.indirect.gather [hbm4b:s4+s17], $0x80, s21, s17, $0xb8;
	[tilespmem:$0x1F400] =	vst v63  }
0x7f: {  	_ = 	snop  }
0x80: {  	[tilespmem:s22], [sflag:$0x1] =	stream.indirect.gather [hbm4b:s4+s17], $0x80, s23, s17, $0xb8;
	[tilespmem:$0x1F400] =	vst v63  }
0x81: {  	s26 =	simm.s32 $0x180  }
0x82: {  	[tilespmem:s24], [sflag:$0x1] =	stream.indirect.gather [hbm4b:s4+s17], $0x80, s26, s17, $0xb8;
	[tilespmem:$0x1F400] =	vst v63  }
0x83: {  	_ =	swait.ge [sflag:s25], $0x2C00  }
0x84: {  	[sflag:s25] =	ssyncset.done $0x0  }
0x85: {  	[sflag:s25] =	ssyncadd.s32 $0xFFFFD400  }
0x86: {  	[spmem:s2] =	stream.indirect.scatter.add.f32 [tilespmem:s18], [sflag:$0x2], $0x80, s16, s17, $0xb8;
	[tilespmem:$0x1F400] =	vst v63  }
0x87: {  	_ =	swait.ge [sflag:s25], $0x2C00  }
0x88: {  	[sflag:s25] =	ssyncset.done $0x0  }
0x89: {  	s28 =	simm.s32 $0x480;
	[sflag:s25] =	ssyncadd.s32 $0xFFFFD400  }
0x8a: {  	[spmem:s2] =	stream.indirect.scatter.add.f32 [tilespmem:s20], [sflag:$0x2], $0x80, s28, s17, $0xb8;
	[tilespmem:$0x1F400] =	vst v63  }
0x8b: {  	_ =	swait.ge [sflag:s25], $0x2C00  }
0x8c: {  	[sflag:s25] =	ssyncset.done $0x0  }
0x8d: {  	s29 =	simm.s32 $0x500;
	[sflag:s25] =	ssyncadd.s32 $0xFFFFD400  }
0x8e: {  	[spmem:s2] =	stream.indirect.scatter.add.f32 [tilespmem:s22], [sflag:$0x2], $0x80, s29, s17, $0xb8;
	[tilespmem:$0x1F400] =	vst v63  }
0x8f: {  	_ =	swait.ge [sflag:s25], $0x2C00  }
0x90: {  	[sflag:s25] =	ssyncset.done $0x0  }
0x91: {  	s31 =	simm.s32 $0x580;
	[sflag:s25] =	ssyncadd.s32 $0xFFFFD400  }
0x92: {  	[spmem:s2] =	stream.indirect.scatter.add.f32 [tilespmem:s24], [sflag:$0x2], $0x80, s31, s17, $0xb8;
	[tilespmem:$0x1F400] =	vst v63  }
0x93: {  	_ =	swait.ge [sflag:s30], $0x2C00  }
0x94: {  	[sflag:s30] =	ssyncset.done $0x0  }
0x95: {  	[sflag:s30] =	ssyncadd.s32 $0xFFFFD400  }
0x96: {  	_ =	swait.ge [sflag:s30], $0x2C00  }
0x97: {  	[sflag:s30] =	ssyncset.done $0x0  }
0x98: {  	[sflag:s30] =	ssyncadd.s32 $0xFFFFD400  }
0x99: {  	_ =	swait.ge [sflag:s30], $0x2C00  }
0x9a: {  	[sflag:s30] =	ssyncset.done $0x0  }
0x9b: {  	[sflag:s30] =	ssyncadd.s32 $0xFFFFD400  }
0x9c: {  	_ =	swait.ge [sflag:s30], $0x2C00  }
0x9d: {  	[sflag:s30] =	ssyncset.done $0x0  }
0x9e: {  	s0 =	simm.s32 $0x200;
	[sflag:s30] =	ssyncadd.s32 $0xFFFFD400  }
0x9f: {  	[tilespmem:s18], [sflag:$0x1] =	stream.indirect.gather [hbm4b:s4+s17], $0x80, s0, s17, $0xb8;
	[tilespmem:$0x1F400] =	vst v63  }
0xa0: {  	s1 =	simm.s32 $0x280  }
0xa1: {  	[tilespmem:s20], [sflag:$0x1] =	stream.indirect.gather [hbm4b:s4+s17], $0x80, s1, s17, $0xb8;
	[tilespmem:$0x1F400] =	vst v63  }
0xa2: {  	s7 =	simm.s32 $0x300  }
0xa3: {  	[tilespmem:s22], [sflag:$0x1] =	stream.indirect.gather [hbm4b:s4+s17], $0x80, s7, s17, $0xb8;
	[tilespmem:$0x1F400] =	vst v63  }
0xa4: {  	s8 =	simm.s32 $0x380  }
0xa5: {  	[tilespmem:s24], [sflag:$0x1] =	stream.indirect.gather [hbm4b:s4+s17], $0x80, s8, s17, $0xb8;
	[tilespmem:$0x1F400] =	vst v63  }
0xa6: {  	_ =	swait.ge [sflag:s25], $0x2C00  }
0xa7: {  	[sflag:s25] =	ssyncset.done $0x0  }
0xa8: {  	s6 =	simm.s32 $0x600;
	[sflag:s25] =	ssyncadd.s32 $0xFFFFD400  }
0xa9: {  	[spmem:s2] =	stream.indirect.scatter.add.f32 [tilespmem:s18], [sflag:$0x2], $0x80, s6, s17, $0xb8;
	[tilespmem:$0x1F400] =	vst v63  }
0xaa: {  	_ =	swait.ge [sflag:s25], $0x2C00  }
0xab: {  	[sflag:s25] =	ssyncset.done $0x0  }
0xac: {  	s10 =	simm.s32 $0x680;
	[sflag:s25] =	ssyncadd.s32 $0xFFFFD400  }
0xad: {  	[spmem:s2] =	stream.indirect.scatter.add.f32 [tilespmem:s20], [sflag:$0x2], $0x80, s10, s17, $0xb8;
	[tilespmem:$0x1F400] =	vst v63  }
0xae: {  	_ =	swait.ge [sflag:s25], $0x2C00  }
0xaf: {  	[sflag:s25] =	ssyncset.done $0x0  }
0xb0: {  	s11 =	simm.s32 $0x700;
	[sflag:s25] =	ssyncadd.s32 $0xFFFFD400  }
0xb1: {  	[spmem:s2] =	stream.indirect.scatter.add.f32 [tilespmem:s22], [sflag:$0x2], $0x80, s11, s17, $0xb8;
	[tilespmem:$0x1F400] =	vst v63  }
0xb2: {  	_ =	swait.ge [sflag:s25], $0x2C00  }
0xb3: {  	[sflag:s25] =	ssyncset.done $0x0  }
0xb4: {  	s23 =	simm.s32 $0x780;
	[sflag:s25] =	ssyncadd.s32 $0xFFFFD400  }
0xb5: {  	[spmem:s2] =	stream.indirect.scatter.add.f32 [tilespmem:s24], [sflag:$0x2], $0x80, s23, s17, $0xb8;
	[tilespmem:$0x1F400] =	vst v63  }
0xb6: {  	_ =	swait.ge [sflag:s30], $0x2C00  }
0xb7: {  	[sflag:s30] =	ssyncset.done $0x0  }
0xb8: {  	[sflag:s30] =	ssyncadd.s32 $0xFFFFD400  }
0xb9: {  	_ =	swait.ge [sflag:s30], $0x2C00  }
0xba: {  	[sflag:s30] =	ssyncset.done $0x0  }
0xbb: {  	[sflag:s30] =	ssyncadd.s32 $0xFFFFD400  }
0xbc: {  	_ =	swait.ge [sflag:s30], $0x2C00  }
0xbd: {  	[sflag:s30] =	ssyncset.done $0x0  }
0xbe: {  	[sflag:s30] =	ssyncadd.s32 $0xFFFFD400  }
0xbf: {  	_ =	swait.ge [sflag:s30], $0x2C00  }
0xc0: {  	s14 =	simm.s32 $0x80;
	s9 =	simm.s32 $0x100;
	[sflag:s30] =	ssyncset.done $0x0  }
.LBB2_3:
0xc1: {  	s21 =	sadd.s32 s14, s13  }
0xc2: {  	[sflag:s30] =	ssyncadd.s32 $0xFFFFD400;
	s23 =	smov.u32 s9;
	s19 =	sadd.s32 $0x80, s9  }
0xc3: {  	[tilespmem:s3], [sflag:$0x3] =	stream.linear.gather [hbm4b:s21+s3], $0x400, $0x38;
	[tilespmem:$0x1F400] =	vst v63  }
0xc4: {  	s21 =	simm.s32 $0x80  }
0xc5: {  	p1 =	seq.s32 s9, $0xE00;
	_ =	swait.ge [sflag:s15], $0x400  }
0xc6: {  	s9 =	sadd.s32 s14, s12;
	[sflag:s15] =	ssyncset.done $0x0  }
0xc7: {  	s14 =	smov.u32 s23;
	s23 =	simm.s32 $0x100;
	[sflag:s15] =	ssyncadd.s32 $0xFFFFFC00  }
0xc8: {  	[tilespmem:s16], [sflag:$0x3] =	stream.linear.gather [hbm4b:s9+s3], $0x400, $0x38;
	[tilespmem:$0x1F400] =	vst v63  }
0xc9: {  	_ =	swait.ge [sflag:s15], $0x400  }
0xca: {  	[sflag:s15] =	ssyncset.done $0x0  }
0xcb: {  	[sflag:s15] =	ssyncadd.s32 $0xFFFFFC00  }
0xcc: {  	[tilespmem:s18], [sflag:$0x1] =	stream.indirect.gather [hbm4b:s4+s17], $0x80, s3, s17, $0xb8;
	[tilespmem:$0x1F400] =	vst v63  }
0xcd: {  	_ = 	snop  }
0xce: {  	[tilespmem:s20], [sflag:$0x1] =	stream.indirect.gather [hbm4b:s4+s17], $0x80, s21, s17, $0xb8;
	[tilespmem:$0x1F400] =	vst v63  }
0xcf: {  	_ = 	snop  }
0xd0: {  	[tilespmem:s22], [sflag:$0x1] =	stream.indirect.gather [hbm4b:s4+s17], $0x80, s23, s17, $0xb8;
	[tilespmem:$0x1F400] =	vst v63  }
0xd1: {  	_ = 	snop  }
0xd2: {  	[tilespmem:s24], [sflag:$0x1] =	stream.indirect.gather [hbm4b:s4+s17], $0x80, s26, s17, $0xb8;
	[tilespmem:$0x1F400] =	vst v63  }
0xd3: {  	_ =	swait.ge [sflag:s25], $0x2C00  }
0xd4: {  	[sflag:s25] =	ssyncset.done $0x0  }
0xd5: {  	[sflag:s25] =	ssyncadd.s32 $0xFFFFD400  }
0xd6: {  	[spmem:s2] =	stream.indirect.scatter.add.f32 [tilespmem:s18], [sflag:$0x2], $0x80, s16, s17, $0xb8;
	[tilespmem:$0x1F400] =	vst v63  }
0xd7: {  	_ =	swait.ge [sflag:s25], $0x2C00  }
0xd8: {  	[sflag:s25] =	ssyncset.done $0x0  }
0xd9: {  	[sflag:s25] =	ssyncadd.s32 $0xFFFFD400  }
0xda: {  	[spmem:s2] =	stream.indirect.scatter.add.f32 [tilespmem:s20], [sflag:$0x2], $0x80, s28, s17, $0xb8;
	[tilespmem:$0x1F400] =	vst v63  }
0xdb: {  	_ =	swait.ge [sflag:s25], $0x2C00  }
0xdc: {  	[sflag:s25] =	ssyncset.done $0x0  }
0xdd: {  	[sflag:s25] =	ssyncadd.s32 $0xFFFFD400  }
0xde: {  	[spmem:s2] =	stream.indirect.scatter.add.f32 [tilespmem:s22], [sflag:$0x2], $0x80, s29, s17, $0xb8;
	[tilespmem:$0x1F400] =	vst v63  }
0xdf: {  	_ =	swait.ge [sflag:s25], $0x2C00  }
0xe0: {  	[sflag:s25] =	ssyncset.done $0x0  }
0xe1: {  	[sflag:s25] =	ssyncadd.s32 $0xFFFFD400  }
0xe2: {  	[spmem:s2] =	stream.indirect.scatter.add.f32 [tilespmem:s24], [sflag:$0x2], $0x80, s31, s17, $0xb8;
	[tilespmem:$0x1F400] =	vst v63  }
0xe3: {  	_ =	swait.ge [sflag:s30], $0x2C00  }
0xe4: {  	[sflag:s30] =	ssyncset.done $0x0  }
0xe5: {  	[sflag:s30] =	ssyncadd.s32 $0xFFFFD400  }
0xe6: {  	_ =	swait.ge [sflag:s30], $0x2C00  }
0xe7: {  	[sflag:s30] =	ssyncset.done $0x0  }
0xe8: {  	[sflag:s30] =	ssyncadd.s32 $0xFFFFD400  }
0xe9: {  	_ =	swait.ge [sflag:s30], $0x2C00  }
0xea: {  	[sflag:s30] =	ssyncset.done $0x0  }
0xeb: {  	[sflag:s30] =	ssyncadd.s32 $0xFFFFD400  }
0xec: {  	_ =	swait.ge [sflag:s30], $0x2C00  }
0xed: {  	[sflag:s30] =	ssyncset.done $0x0  }
0xee: {  	[sflag:s30] =	ssyncadd.s32 $0xFFFFD400  }
0xef: {  	[tilespmem:s18], [sflag:$0x1] =	stream.indirect.gather [hbm4b:s4+s17], $0x80, s0, s17, $0xb8;
	[tilespmem:$0x1F400] =	vst v63  }
0xf0: {  	_ = 	snop  }
0xf1: {  	[tilespmem:s20], [sflag:$0x1] =	stream.indirect.gather [hbm4b:s4+s17], $0x80, s1, s17, $0xb8;
	[tilespmem:$0x1F400] =	vst v63  }
0xf2: {  	_ = 	snop  }
0xf3: {  	[tilespmem:s22], [sflag:$0x1] =	stream.indirect.gather [hbm4b:s4+s17], $0x80, s7, s17, $0xb8;
	[tilespmem:$0x1F400] =	vst v63  }
0xf4: {  	_ = 	snop  }
0xf5: {  	[tilespmem:s24], [sflag:$0x1] =	stream.indirect.gather [hbm4b:s4+s17], $0x80, s8, s17, $0xb8;
	[tilespmem:$0x1F400] =	vst v63  }
0xf6: {  	_ =	swait.ge [sflag:s25], $0x2C00  }
0xf7: {  	[sflag:s25] =	ssyncset.done $0x0  }
0xf8: {  	[sflag:s25] =	ssyncadd.s32 $0xFFFFD400  }
0xf9: {  	[spmem:s2] =	stream.indirect.scatter.add.f32 [tilespmem:s18], [sflag:$0x2], $0x80, s6, s17, $0xb8;
	[tilespmem:$0x1F400] =	vst v63  }
0xfa: {  	_ =	swait.ge [sflag:s25], $0x2C00  }
0xfb: {  	[sflag:s25] =	ssyncset.done $0x0  }
0xfc: {  	[sflag:s25] =	ssyncadd.s32 $0xFFFFD400  }
0xfd: {  	[spmem:s2] =	stream.indirect.scatter.add.f32 [tilespmem:s20], [sflag:$0x2], $0x80, s10, s17, $0xb8;
	[tilespmem:$0x1F400] =	vst v63  }
0xfe: {  	_ =	swait.ge [sflag:s25], $0x2C00  }
0xff: {  	[sflag:s25] =	ssyncset.done $0x0  }
0x100: {  	[sflag:s25] =	ssyncadd.s32 $0xFFFFD400  }
0x101: {  	[spmem:s2] =	stream.indirect.scatter.add.f32 [tilespmem:s22], [sflag:$0x2], $0x80, s11, s17, $0xb8;
	[tilespmem:$0x1F400] =	vst v63  }
0x102: {  	_ =	swait.ge [sflag:s25], $0x2C00  }
0x103: {  	[sflag:s25] =	ssyncset.done $0x0  }
0x104: {  	s9 =	simm.s32 $0x780;
	[sflag:s25] =	ssyncadd.s32 $0xFFFFD400  }
0x105: {  	[spmem:s2] =	stream.indirect.scatter.add.f32 [tilespmem:s24], [sflag:$0x2], $0x80, s9, s17, $0xb8;
	[tilespmem:$0x1F400] =	vst v63  }
0x106: {  	_ =	swait.ge [sflag:s30], $0x2C00  }
0x107: {  	[sflag:s30] =	ssyncset.done $0x0  }
0x108: {  	[sflag:s30] =	ssyncadd.s32 $0xFFFFD400  }
0x109: {  	_ =	swait.ge [sflag:s30], $0x2C00  }
0x10a: {  	[sflag:s30] =	ssyncset.done $0x0  }
0x10b: {  	[sflag:s30] =	ssyncadd.s32 $0xFFFFD400  }
.Ltmp3:
0x10c: {  	_ =	swait.ge [sflag:s30], $0x2C00;
	(pc) =	sbr.rel @!p1 .LBB2_3-.Ltmp3, $4  }
0x10d: {  	[sflag:s30] =	ssyncset.done $0x0  }
0x10e: {  	[sflag:s30] =	ssyncadd.s32 $0xFFFFD400  }
0x10f: {  	_ =	swait.ge [sflag:s30], $0x2C00  }
0x110: {  	s9 =	smov.u32 s19;
	[sflag:s30] =	ssyncset.done $0x0  }
0x111: {  	s9 =	sadd.s32 s14, s13;
	[sflag:s30] =	ssyncadd.s32 $0xFFFFD400  }
0x112: {  	[tilespmem:s3], [sflag:$0x3] =	stream.linear.gather [hbm4b:s9+s3], $0x400, $0x38;
	[tilespmem:$0x1F400] =	vst v63  }
0x113: {  	_ =	swait.ge [sflag:s15], $0x400  }
0x114: {  	[sflag:s15] =	ssyncset.done $0x0  }
0x115: {  	s19 =	sadd.s32 s14, s12;
	[sflag:s15] =	ssyncadd.s32 $0xFFFFFC00  }
0x116: {  	[tilespmem:s16], [sflag:$0x3] =	stream.linear.gather [hbm4b:s19+s3], $0x400, $0x38;
	[tilespmem:$0x1F400] =	vst v63  }
0x117: {  	_ =	swait.ge [sflag:s15], $0x400  }
0x118: {  	[sflag:s15] =	ssyncset.done $0x0  }
0x119: {  	[sflag:s15] =	ssyncadd.s32 $0xFFFFFC00  }
0x11a: {  	[tilespmem:s18], [sflag:$0x1] =	stream.indirect.gather [hbm4b:s4+s17], $0x80, s3, s17, $0xb8;
	[tilespmem:$0x1F400] =	vst v63  }
0x11b: {  	_ = 	snop  }
0x11c: {  	[tilespmem:s20], [sflag:$0x1] =	stream.indirect.gather [hbm4b:s4+s17], $0x80, s21, s17, $0xb8;
	[tilespmem:$0x1F400] =	vst v63  }
0x11d: {  	_ = 	snop  }
0x11e: {  	[tilespmem:s22], [sflag:$0x1] =	stream.indirect.gather [hbm4b:s4+s17], $0x80, s23, s17, $0xb8;
	[tilespmem:$0x1F400] =	vst v63  }
0x11f: {  	_ = 	snop  }
0x120: {  	[tilespmem:s24], [sflag:$0x1] =	stream.indirect.gather [hbm4b:s4+s17], $0x80, s26, s17, $0xb8;
	[tilespmem:$0x1F400] =	vst v63  }
0x121: {  	_ =	swait.ge [sflag:s25], $0x2C00  }
0x122: {  	[sflag:s25] =	ssyncset.done $0x0  }
0x123: {  	[sflag:s25] =	ssyncadd.s32 $0xFFFFD400  }
0x124: {  	[spmem:s2] =	stream.indirect.scatter.add.f32 [tilespmem:s18], [sflag:$0x2], $0x80, s16, s17, $0xb8;
	[tilespmem:$0x1F400] =	vst v63  }
0x125: {  	_ =	swait.ge [sflag:s25], $0x2C00  }
0x126: {  	[sflag:s25] =	ssyncset.done $0x0  }
0x127: {  	[sflag:s25] =	ssyncadd.s32 $0xFFFFD400  }
0x128: {  	[spmem:s2] =	stream.indirect.scatter.add.f32 [tilespmem:s20], [sflag:$0x2], $0x80, s28, s17, $0xb8;
	[tilespmem:$0x1F400] =	vst v63  }
0x129: {  	_ =	swait.ge [sflag:s25], $0x2C00  }
0x12a: {  	[sflag:s25] =	ssyncset.done $0x0  }
0x12b: {  	[sflag:s25] =	ssyncadd.s32 $0xFFFFD400  }
0x12c: {  	[spmem:s2] =	stream.indirect.scatter.add.f32 [tilespmem:s22], [sflag:$0x2], $0x80, s29, s17, $0xb8;
	[tilespmem:$0x1F400] =	vst v63  }
0x12d: {  	_ =	swait.ge [sflag:s25], $0x2C00  }
0x12e: {  	[sflag:s25] =	ssyncset.done $0x0  }
0x12f: {  	[sflag:s25] =	ssyncadd.s32 $0xFFFFD400  }
0x130: {  	[spmem:s2] =	stream.indirect.scatter.add.f32 [tilespmem:s24], [sflag:$0x2], $0x80, s31, s17, $0xb8;
	[tilespmem:$0x1F400] =	vst v63  }
0x131: {  	_ =	swait.ge [sflag:s30], $0x2C00  }
0x132: {  	[sflag:s30] =	ssyncset.done $0x0  }
0x133: {  	[sflag:s30] =	ssyncadd.s32 $0xFFFFD400  }
0x134: {  	_ =	swait.ge [sflag:s30], $0x2C00  }
0x135: {  	[sflag:s30] =	ssyncset.done $0x0  }
0x136: {  	[sflag:s30] =	ssyncadd.s32 $0xFFFFD400  }
0x137: {  	_ =	swait.ge [sflag:s30], $0x2C00  }
0x138: {  	[sflag:s30] =	ssyncset.done $0x0  }
0x139: {  	[sflag:s30] =	ssyncadd.s32 $0xFFFFD400  }
0x13a: {  	_ =	swait.ge [sflag:s30], $0x2C00  }
0x13b: {  	[sflag:s30] =	ssyncset.done $0x0  }
0x13c: {  	[sflag:s30] =	ssyncadd.s32 $0xFFFFD400  }
0x13d: {  	[tilespmem:s18], [sflag:$0x1] =	stream.indirect.gather [hbm4b:s4+s17], $0x80, s0, s17, $0xb8;
	[tilespmem:$0x1F400] =	vst v63  }
0x13e: {  	_ = 	snop  }
0x13f: {  	[tilespmem:s20], [sflag:$0x1] =	stream.indirect.gather [hbm4b:s4+s17], $0x80, s1, s17, $0xb8;
	[tilespmem:$0x1F400] =	vst v63  }
0x140: {  	_ = 	snop  }
0x141: {  	[tilespmem:s22], [sflag:$0x1] =	stream.indirect.gather [hbm4b:s4+s17], $0x80, s7, s17, $0xb8;
	[tilespmem:$0x1F400] =	vst v63  }
0x142: {  	_ = 	snop  }
0x143: {  	[tilespmem:s24], [sflag:$0x1] =	stream.indirect.gather [hbm4b:s4+s17], $0x80, s8, s17, $0xb8;
	[tilespmem:$0x1F400] =	vst v63  }
0x144: {  	_ =	swait.ge [sflag:s25], $0x2C00  }
0x145: {  	[sflag:s25] =	ssyncset.done $0x0  }
0x146: {  	[sflag:s25] =	ssyncadd.s32 $0xFFFFD400  }
0x147: {  	[spmem:s2] =	stream.indirect.scatter.add.f32 [tilespmem:s18], [sflag:$0x2], $0x80, s6, s17, $0xb8;
	[tilespmem:$0x1F400] =	vst v63  }
0x148: {  	_ =	swait.ge [sflag:s25], $0x2C00  }
0x149: {  	[sflag:s25] =	ssyncset.done $0x0  }
0x14a: {  	[sflag:s25] =	ssyncadd.s32 $0xFFFFD400  }
0x14b: {  	[spmem:s2] =	stream.indirect.scatter.add.f32 [tilespmem:s20], [sflag:$0x2], $0x80, s10, s17, $0xb8;
	[tilespmem:$0x1F400] =	vst v63  }
0x14c: {  	_ =	swait.ge [sflag:s25], $0x2C00  }
0x14d: {  	[sflag:s25] =	ssyncset.done $0x0  }
0x14e: {  	[sflag:s25] =	ssyncadd.s32 $0xFFFFD400  }
0x14f: {  	[spmem:s2] =	stream.indirect.scatter.add.f32 [tilespmem:s22], [sflag:$0x2], $0x80, s11, s17, $0xb8;
	[tilespmem:$0x1F400] =	vst v63  }
0x150: {  	_ =	swait.ge [sflag:s25], $0x2C00  }
0x151: {  	[sflag:s25] =	ssyncset.done $0x0  }
0x152: {  	s31 =	simm.s32 $0x780;
	[sflag:s25] =	ssyncadd.s32 $0xFFFFD400  }
0x153: {  	[spmem:s2] =	stream.indirect.scatter.add.f32 [tilespmem:s24], [sflag:$0x2], $0x80, s31, s17, $0xb8;
	[tilespmem:$0x1F400] =	vst v63  }
0x154: {  	_ =	swait.ge [sflag:s30], $0x2C00  }
0x155: {  	[sflag:s30] =	ssyncset.done $0x0  }
0x156: {  	[sflag:s30] =	ssyncadd.s32 $0xFFFFD400  }
0x157: {  	_ =	swait.ge [sflag:s30], $0x2C00  }
0x158: {  	[sflag:s30] =	ssyncset.done $0x0  }
0x159: {  	[sflag:s30] =	ssyncadd.s32 $0xFFFFD400  }
0x15a: {  	_ =	swait.ge [sflag:s30], $0x2C00  }
.Ltmp4:
0x15b: {  	[sflag:s30] =	ssyncset.done $0x0;
	(pc) =	sbr.rel .LBB2_8-.Ltmp4, $4  }
0x15c: {  	[sflag:s30] =	ssyncadd.s32 $0xFFFFD400  }
0x15d: {  	_ =	swait.ge [sflag:s30], $0x2C00  }
0x15e: {  	[sflag:s30] =	ssyncset.done $0x0;
	s9 =	rddreg [dreg:$0x4]  }
0x15f: {  	s0 =	rddreg [dreg:$0xa];
	[sflag:s30] =	ssyncadd.s32 $0xFFFFD400  }
.LBB2_5:
0x160: {  	[tilespmem:s3], [sflag:$0x3] =	stream.linear.gather [hbm4b:s9+s3], $0x400, $0x38;
	[tilespmem:$0x1F400] =	vst v63  }
0x161: {  	_ =	swait.ge [sflag:s15], $0x400  }
0x162: {  	[sflag:s15] =	ssyncset.done $0x0  }
0x163: {  	s19 =	sadd.s32 $0x0, s12;
	[sflag:s15] =	ssyncadd.s32 $0xFFFFFC00  }
0x164: {  	[tilespmem:s16], [sflag:$0x3] =	stream.linear.gather [hbm4b:s19+s3], $0x400, $0x38;
	[tilespmem:$0x1F400] =	vst v63  }
0x165: {  	_ =	swait.ge [sflag:s15], $0x400  }
0x166: {  	[sflag:s15] =	ssyncset.done $0x0  }
0x167: {  	[sflag:s15] =	ssyncadd.s32 $0xFFFFFC00  }
0x168: {  	[tilespmem:s18], [sflag:$0x1] =	stream.indirect.gather [hbm4b:s5+s17], $0x80, s3, s17, $0xb8;
	[tilespmem:$0x1F400] =	vst v63  }
0x169: {  	_ = 	snop  }
0x16a: {  	[tilespmem:s20], [sflag:$0x1] =	stream.indirect.gather [hbm4b:s5+s17], $0x80, s21, s17, $0xb8;
	[tilespmem:$0x1F400] =	vst v63  }
0x16b: {  	_ = 	snop  }
0x16c: {  	[tilespmem:s22], [sflag:$0x1] =	stream.indirect.gather [hbm4b:s5+s17], $0x80, s23, s17, $0xb8;
	[tilespmem:$0x1F400] =	vst v63  }
0x16d: {  	s26 =	simm.s32 $0x180  }
0x16e: {  	[tilespmem:s24], [sflag:$0x1] =	stream.indirect.gather [hbm4b:s5+s17], $0x80, s26, s17, $0xb8;
	[tilespmem:$0x1F400] =	vst v63  }
0x16f: {  	_ =	swait.ge [sflag:s25], $0x2C00  }
0x170: {  	[sflag:s25] =	ssyncset.done $0x0  }
0x171: {  	[sflag:s25] =	ssyncadd.s32 $0xFFFFD400  }
0x172: {  	[spmem:s2] =	stream.indirect.scatter.add.f32 [tilespmem:s18], [sflag:$0x2], $0x80, s16, s17, $0xb8;
	[tilespmem:$0x1F400] =	vst v63  }
0x173: {  	_ =	swait.ge [sflag:s25], $0x2C00  }
0x174: {  	[sflag:s25] =	ssyncset.done $0x0  }
0x175: {  	s28 =	simm.s32 $0x480;
	[sflag:s25] =	ssyncadd.s32 $0xFFFFD400  }
0x176: {  	[spmem:s2] =	stream.indirect.scatter.add.f32 [tilespmem:s20], [sflag:$0x2], $0x80, s28, s17, $0xb8;
	[tilespmem:$0x1F400] =	vst v63  }
0x177: {  	_ =	swait.ge [sflag:s25], $0x2C00  }
0x178: {  	[sflag:s25] =	ssyncset.done $0x0  }
0x179: {  	s29 =	simm.s32 $0x500;
	[sflag:s25] =	ssyncadd.s32 $0xFFFFD400  }
0x17a: {  	[spmem:s2] =	stream.indirect.scatter.add.f32 [tilespmem:s22], [sflag:$0x2], $0x80, s29, s17, $0xb8;
	[tilespmem:$0x1F400] =	vst v63  }
0x17b: {  	_ =	swait.ge [sflag:s25], $0x2C00  }
0x17c: {  	[sflag:s25] =	ssyncset.done $0x0  }
0x17d: {  	s31 =	simm.s32 $0x580;
	[sflag:s25] =	ssyncadd.s32 $0xFFFFD400  }
0x17e: {  	[spmem:s2] =	stream.indirect.scatter.add.f32 [tilespmem:s24], [sflag:$0x2], $0x80, s31, s17, $0xb8;
	[tilespmem:$0x1F400] =	vst v63  }
0x17f: {  	_ =	swait.ge [sflag:s30], $0x2C00  }
0x180: {  	[sflag:s30] =	ssyncset.done $0x0  }
0x181: {  	[sflag:s30] =	ssyncadd.s32 $0xFFFFD400  }
0x182: {  	_ =	swait.ge [sflag:s30], $0x2C00  }
0x183: {  	[sflag:s30] =	ssyncset.done $0x0  }
0x184: {  	[sflag:s30] =	ssyncadd.s32 $0xFFFFD400  }
0x185: {  	_ =	swait.ge [sflag:s30], $0x2C00  }
0x186: {  	[sflag:s30] =	ssyncset.done $0x0  }
0x187: {  	[sflag:s30] =	ssyncadd.s32 $0xFFFFD400  }
0x188: {  	_ =	swait.ge [sflag:s30], $0x2C00  }
0x189: {  	[sflag:s30] =	ssyncset.done $0x0  }
0x18a: {  	s0 =	simm.s32 $0x200;
	[sflag:s30] =	ssyncadd.s32 $0xFFFFD400  }
0x18b: {  	[tilespmem:s18], [sflag:$0x1] =	stream.indirect.gather [hbm4b:s5+s17], $0x80, s0, s17, $0xb8;
	[tilespmem:$0x1F400] =	vst v63  }
0x18c: {  	s1 =	simm.s32 $0x280  }
0x18d: {  	[tilespmem:s20], [sflag:$0x1] =	stream.indirect.gather [hbm4b:s5+s17], $0x80, s1, s17, $0xb8;
	[tilespmem:$0x1F400] =	vst v63  }
0x18e: {  	s7 =	simm.s32 $0x300  }
0x18f: {  	[tilespmem:s22], [sflag:$0x1] =	stream.indirect.gather [hbm4b:s5+s17], $0x80, s7, s17, $0xb8;
	[tilespmem:$0x1F400] =	vst v63  }
0x190: {  	s8 =	simm.s32 $0x380  }
0x191: {  	[tilespmem:s24], [sflag:$0x1] =	stream.indirect.gather [hbm4b:s5+s17], $0x80, s8, s17, $0xb8;
	[tilespmem:$0x1F400] =	vst v63  }
0x192: {  	_ =	swait.ge [sflag:s25], $0x2C00  }
0x193: {  	[sflag:s25] =	ssyncset.done $0x0  }
0x194: {  	s6 =	simm.s32 $0x600;
	[sflag:s25] =	ssyncadd.s32 $0xFFFFD400  }
0x195: {  	[spmem:s2] =	stream.indirect.scatter.add.f32 [tilespmem:s18], [sflag:$0x2], $0x80, s6, s17, $0xb8;
	[tilespmem:$0x1F400] =	vst v63  }
0x196: {  	_ =	swait.ge [sflag:s25], $0x2C00  }
0x197: {  	[sflag:s25] =	ssyncset.done $0x0  }
0x198: {  	s10 =	simm.s32 $0x680;
	[sflag:s25] =	ssyncadd.s32 $0xFFFFD400  }
0x199: {  	[spmem:s2] =	stream.indirect.scatter.add.f32 [tilespmem:s20], [sflag:$0x2], $0x80, s10, s17, $0xb8;
	[tilespmem:$0x1F400] =	vst v63  }
0x19a: {  	_ =	swait.ge [sflag:s25], $0x2C00  }
0x19b: {  	[sflag:s25] =	ssyncset.done $0x0  }
0x19c: {  	s11 =	simm.s32 $0x700;
	[sflag:s25] =	ssyncadd.s32 $0xFFFFD400  }
0x19d: {  	[spmem:s2] =	stream.indirect.scatter.add.f32 [tilespmem:s22], [sflag:$0x2], $0x80, s11, s17, $0xb8;
	[tilespmem:$0x1F400] =	vst v63  }
0x19e: {  	_ =	swait.ge [sflag:s25], $0x2C00  }
0x19f: {  	[sflag:s25] =	ssyncset.done $0x0  }
0x1a0: {  	s23 =	simm.s32 $0x780;
	[sflag:s25] =	ssyncadd.s32 $0xFFFFD400  }
0x1a1: {  	[spmem:s2] =	stream.indirect.scatter.add.f32 [tilespmem:s24], [sflag:$0x2], $0x80, s23, s17, $0xb8;
	[tilespmem:$0x1F400] =	vst v63  }
0x1a2: {  	_ =	swait.ge [sflag:s30], $0x2C00  }
0x1a3: {  	[sflag:s30] =	ssyncset.done $0x0  }
0x1a4: {  	[sflag:s30] =	ssyncadd.s32 $0xFFFFD400  }
0x1a5: {  	_ =	swait.ge [sflag:s30], $0x2C00  }
0x1a6: {  	[sflag:s30] =	ssyncset.done $0x0  }
0x1a7: {  	[sflag:s30] =	ssyncadd.s32 $0xFFFFD400  }
0x1a8: {  	_ =	swait.ge [sflag:s30], $0x2C00  }
0x1a9: {  	[sflag:s30] =	ssyncset.done $0x0  }
0x1aa: {  	[sflag:s30] =	ssyncadd.s32 $0xFFFFD400  }
0x1ab: {  	_ =	swait.ge [sflag:s30], $0x2C00  }
0x1ac: {  	s14 =	simm.s32 $0x80;
	s19 =	simm.s32 $0x100;
	[sflag:s30] =	ssyncset.done $0x0  }
.LBB2_6:
0x1ad: {  	s21 =	sadd.s32 s14, s13  }
0x1ae: {  	[sflag:s30] =	ssyncadd.s32 $0xFFFFD400;
	s23 =	smov.u32 s19;
	s9 =	sadd.s32 $0x80, s19  }
0x1af: {  	[tilespmem:s3], [sflag:$0x3] =	stream.linear.gather [hbm4b:s21+s3], $0x400, $0x38;
	[tilespmem:$0x1F400] =	vst v63  }
0x1b0: {  	s21 =	simm.s32 $0x80  }
0x1b1: {  	p1 =	sne.s32 s19, $0xE00;
	_ =	swait.ge [sflag:s15], $0x400  }
0x1b2: {  	s19 =	sadd.s32 s14, s12;
	[sflag:s15] =	ssyncset.done $0x0  }
0x1b3: {  	s14 =	smov.u32 s23;
	s23 =	simm.s32 $0x100;
	[sflag:s15] =	ssyncadd.s32 $0xFFFFFC00  }
0x1b4: {  	[tilespmem:s16], [sflag:$0x3] =	stream.linear.gather [hbm4b:s19+s3], $0x400, $0x38;
	[tilespmem:$0x1F400] =	vst v63  }
0x1b5: {  	_ =	swait.ge [sflag:s15], $0x400  }
0x1b6: {  	[sflag:s15] =	ssyncset.done $0x0  }
0x1b7: {  	[sflag:s15] =	ssyncadd.s32 $0xFFFFFC00  }
0x1b8: {  	[tilespmem:s18], [sflag:$0x1] =	stream.indirect.gather [hbm4b:s5+s17], $0x80, s3, s17, $0xb8;
	[tilespmem:$0x1F400] =	vst v63  }
0x1b9: {  	_ = 	snop  }
0x1ba: {  	[tilespmem:s20], [sflag:$0x1] =	stream.indirect.gather [hbm4b:s5+s17], $0x80, s21, s17, $0xb8;
	[tilespmem:$0x1F400] =	vst v63  }
0x1bb: {  	_ = 	snop  }
0x1bc: {  	[tilespmem:s22], [sflag:$0x1] =	stream.indirect.gather [hbm4b:s5+s17], $0x80, s23, s17, $0xb8;
	[tilespmem:$0x1F400] =	vst v63  }
0x1bd: {  	_ = 	snop  }
0x1be: {  	[tilespmem:s24], [sflag:$0x1] =	stream.indirect.gather [hbm4b:s5+s17], $0x80, s26, s17, $0xb8;
	[tilespmem:$0x1F400] =	vst v63  }
0x1bf: {  	_ =	swait.ge [sflag:s25], $0x2C00  }
0x1c0: {  	[sflag:s25] =	ssyncset.done $0x0  }
0x1c1: {  	[sflag:s25] =	ssyncadd.s32 $0xFFFFD400  }
0x1c2: {  	[spmem:s2] =	stream.indirect.scatter.add.f32 [tilespmem:s18], [sflag:$0x2], $0x80, s16, s17, $0xb8;
	[tilespmem:$0x1F400] =	vst v63  }
0x1c3: {  	_ =	swait.ge [sflag:s25], $0x2C00  }
0x1c4: {  	[sflag:s25] =	ssyncset.done $0x0  }
0x1c5: {  	[sflag:s25] =	ssyncadd.s32 $0xFFFFD400  }
0x1c6: {  	[spmem:s2] =	stream.indirect.scatter.add.f32 [tilespmem:s20], [sflag:$0x2], $0x80, s28, s17, $0xb8;
	[tilespmem:$0x1F400] =	vst v63  }
0x1c7: {  	_ =	swait.ge [sflag:s25], $0x2C00  }
0x1c8: {  	[sflag:s25] =	ssyncset.done $0x0  }
0x1c9: {  	[sflag:s25] =	ssyncadd.s32 $0xFFFFD400  }
0x1ca: {  	[spmem:s2] =	stream.indirect.scatter.add.f32 [tilespmem:s22], [sflag:$0x2], $0x80, s29, s17, $0xb8;
	[tilespmem:$0x1F400] =	vst v63  }
0x1cb: {  	_ =	swait.ge [sflag:s25], $0x2C00  }
0x1cc: {  	[sflag:s25] =	ssyncset.done $0x0  }
0x1cd: {  	[sflag:s25] =	ssyncadd.s32 $0xFFFFD400  }
0x1ce: {  	[spmem:s2] =	stream.indirect.scatter.add.f32 [tilespmem:s24], [sflag:$0x2], $0x80, s31, s17, $0xb8;
	[tilespmem:$0x1F400] =	vst v63  }
0x1cf: {  	_ =	swait.ge [sflag:s30], $0x2C00  }
0x1d0: {  	[sflag:s30] =	ssyncset.done $0x0  }
0x1d1: {  	[sflag:s30] =	ssyncadd.s32 $0xFFFFD400  }
0x1d2: {  	_ =	swait.ge [sflag:s30], $0x2C00  }
0x1d3: {  	[sflag:s30] =	ssyncset.done $0x0  }
0x1d4: {  	[sflag:s30] =	ssyncadd.s32 $0xFFFFD400  }
0x1d5: {  	_ =	swait.ge [sflag:s30], $0x2C00  }
0x1d6: {  	[sflag:s30] =	ssyncset.done $0x0  }
0x1d7: {  	[sflag:s30] =	ssyncadd.s32 $0xFFFFD400  }
0x1d8: {  	_ =	swait.ge [sflag:s30], $0x2C00  }
0x1d9: {  	[sflag:s30] =	ssyncset.done $0x0  }
0x1da: {  	[sflag:s30] =	ssyncadd.s32 $0xFFFFD400  }
0x1db: {  	[tilespmem:s18], [sflag:$0x1] =	stream.indirect.gather [hbm4b:s5+s17], $0x80, s0, s17, $0xb8;
	[tilespmem:$0x1F400] =	vst v63  }
0x1dc: {  	_ = 	snop  }
0x1dd: {  	[tilespmem:s20], [sflag:$0x1] =	stream.indirect.gather [hbm4b:s5+s17], $0x80, s1, s17, $0xb8;
	[tilespmem:$0x1F400] =	vst v63  }
0x1de: {  	_ = 	snop  }
0x1df: {  	[tilespmem:s22], [sflag:$0x1] =	stream.indirect.gather [hbm4b:s5+s17], $0x80, s7, s17, $0xb8;
	[tilespmem:$0x1F400] =	vst v63  }
0x1e0: {  	_ = 	snop  }
0x1e1: {  	[tilespmem:s24], [sflag:$0x1] =	stream.indirect.gather [hbm4b:s5+s17], $0x80, s8, s17, $0xb8;
	[tilespmem:$0x1F400] =	vst v63  }
0x1e2: {  	_ =	swait.ge [sflag:s25], $0x2C00  }
0x1e3: {  	[sflag:s25] =	ssyncset.done $0x0  }
0x1e4: {  	[sflag:s25] =	ssyncadd.s32 $0xFFFFD400  }
0x1e5: {  	[spmem:s2] =	stream.indirect.scatter.add.f32 [tilespmem:s18], [sflag:$0x2], $0x80, s6, s17, $0xb8;
	[tilespmem:$0x1F400] =	vst v63  }
0x1e6: {  	_ =	swait.ge [sflag:s25], $0x2C00  }
0x1e7: {  	[sflag:s25] =	ssyncset.done $0x0  }
0x1e8: {  	[sflag:s25] =	ssyncadd.s32 $0xFFFFD400  }
0x1e9: {  	[spmem:s2] =	stream.indirect.scatter.add.f32 [tilespmem:s20], [sflag:$0x2], $0x80, s10, s17, $0xb8;
	[tilespmem:$0x1F400] =	vst v63  }
0x1ea: {  	_ =	swait.ge [sflag:s25], $0x2C00  }
0x1eb: {  	[sflag:s25] =	ssyncset.done $0x0  }
0x1ec: {  	[sflag:s25] =	ssyncadd.s32 $0xFFFFD400  }
0x1ed: {  	[spmem:s2] =	stream.indirect.scatter.add.f32 [tilespmem:s22], [sflag:$0x2], $0x80, s11, s17, $0xb8;
	[tilespmem:$0x1F400] =	vst v63  }
0x1ee: {  	_ =	swait.ge [sflag:s25], $0x2C00  }
0x1ef: {  	[sflag:s25] =	ssyncset.done $0x0  }
0x1f0: {  	s19 =	simm.s32 $0x780;
	[sflag:s25] =	ssyncadd.s32 $0xFFFFD400  }
0x1f1: {  	[spmem:s2] =	stream.indirect.scatter.add.f32 [tilespmem:s24], [sflag:$0x2], $0x80, s19, s17, $0xb8;
	[tilespmem:$0x1F400] =	vst v63  }
0x1f2: {  	_ =	swait.ge [sflag:s30], $0x2C00  }
0x1f3: {  	[sflag:s30] =	ssyncset.done $0x0  }
0x1f4: {  	[sflag:s30] =	ssyncadd.s32 $0xFFFFD400  }
0x1f5: {  	_ =	swait.ge [sflag:s30], $0x2C00  }
0x1f6: {  	[sflag:s30] =	ssyncset.done $0x0  }
0x1f7: {  	[sflag:s30] =	ssyncadd.s32 $0xFFFFD400  }
.Ltmp5:
0x1f8: {  	_ =	swait.ge [sflag:s30], $0x2C00;
	(pc) =	sbr.rel @p1 .LBB2_6-.Ltmp5, $4  }
0x1f9: {  	[sflag:s30] =	ssyncset.done $0x0  }
0x1fa: {  	[sflag:s30] =	ssyncadd.s32 $0xFFFFD400  }
0x1fb: {  	_ =	swait.ge [sflag:s30], $0x2C00  }
0x1fc: {  	s19 =	smov.u32 s9;
	[sflag:s30] =	ssyncset.done $0x0  }
.Ltmp6:
0x1fd: {  	_ = 	snop;
	(pc) =	sbr.rel .LBB2_7-.Ltmp6, $1  }
0x1fe: {  	_ =	sdelay $0x3  }
.LBB2_9:
0x1ff: {  	_ =	sfence.sel $0x180000  }
0x200: {  	[bflag:$0x0] =	sbarrier.arrive $0xFFFF  }
0x201: {  	_ =	strace $0x9000004A  }
0x202: {  	s0 =	stileid.u32;
	[bflag:$0x2] =	sbarrier.arrive $0xFFFF  }
0x203: {  	p0 =	sne.s32 s0, $0x0;
	s0 =	rddreg [dreg:$0x2]  }
0x204: {  	s0 =	sadd.s32 @!p0 $0x100000, s0  }
0x205: {  	[sflag:s0] =	ssyncadd.tile.s32 @!p0 $0x1;
	_ =	shalt  }
.Lfunc_end2:
_tile_overlayer_lowered:
.L_overlay_start_2:
0x206: {  	(tag) =	ssettag $0x2  }
0x207: {  	s0 =	rddreg [dreg:$0x0];
	s2 =	stileid.u32  }
0x208: {  	s1 =	rddreg [dreg:$0x1];
	p0 =	sne.s32 s2, $0x0  }
0x209: {  	s3 =	rddreg [dreg:$0x2];
	[bflag:$0x3] =	sbarrier.arrive $0xFFFF;
	s2 =	simm.s32 @!p0 $0x1C03  }
0x20a: {  	[timem:s3], [sflag:s2] =	dma.local @!p0 [hbm:s0], s1  }
0x20b: {  	s0 =	simm.s32 @!p0 $0x3  }
0x20c: {  	_ =	swait.ge @!p0 [sflag:s0], s1  }
0x20d: {  	s1 =	ssub.s32 @!p0 $0x0, s1;
	[sflag:s0] =	ssyncset.done @!p0 $0x0  }
0x20e: {  	[sflag:s0] =	ssyncadd.s32 @!p0 s1  }
0x20f: {  	[bflag:$0x3] =	sbarrier.arrive $0xFFFF  }
0x210: {  	_ =	shalt  }

// kernel: kernel.16.cloned.1.call-start
scs
__scs_entry_jumppad:
0x0: {  	(pc) =	sbr.rel $0x88, $3  }
0x1: {  	(tag) =	ssettag $0x0;
	lr =	simm.s32 $0x1  }
0x2: {  	[smem:$0x3F8F] =	sst lr;
	_ =	strace $0xD0000000  }
0x3: {  	_ = 	snop  }
0x4: {  	_ = 	snop  }
0x5: {  	_ = 	snop  }
0x6: {  	_ = 	snop  }
0x7: {  	_ = 	snop  }
__scs_overlays_trampoline_lowered:
0x8: {  	[smem:$0x3F9E] =	sst s0  }
0x9: {  	[smem:$0x3F9F] =	sst s1  }
0xa: {  	[smem:$0x3FA0] =	sst s2  }
0xb: {  	[smem:$0x3FA1] =	sst s3  }
0xc: {  	[smem:$0x3FA2] =	sst s4  }
0xd: {  	[smem:$0x3FA3] =	sst s5  }
0xe: {  	[smem:$0x3FA4] =	sst s6  }
0xf: {  	[smem:$0x3FA5] =	sst s7  }
0x10: {  	[smem:$0x3FA6] =	sst s8  }
0x11: {  	[smem:$0x3FA7] =	sst s9;
	s0 =	simm.s32 @!p0 $0x0  }
0x12: {  	s1 =	sld [smem:$0x3F8D];
	s0 =	simm.s32 @p0 $0x1  }
0x13: {  	[smem:$0x3FA8] =	sst s0;
	s0 =	simm.s32 @!p1 $0x0  }
0x14: {  	s2 =	sld [smem:$0x3F8C];
	s0 =	simm.s32 @p1 $0x1  }
0x15: {  	[smem:$0x3FA9] =	sst s0;
	s0 =	simm.s32 @!p2 $0x0  }
0x16: {  	s3 =	sld [smem:$0x3FDB];
	s0 =	simm.s32 @p2 $0x1  }
0x17: {  	s4 =	simm.s32 $0x1BF5;
	[smem:$0x3FAB] =	sst s0  }
0x18: {  	s0 =	sld [smem:$0x3F8E];
	_ =	swait.ge [sflag:s4], $0x0  }
0x19: {  	s7 =	sld [smem:$0x3F8F]  }
0x1a: {  	s8 =	sadd.s32 $0xFFFFE003, lr  }
0x1b: {  	s9 =	sadd.s32 $0xFFFFFEF7, lr;
	s5 =	simm.s32 $0xFFFFFFFF;
	p2 =	slt.u32 s8, $0xFFFFF086  }
0x1c: {  	p1 =	slt.u32 s9, $0xF7A;
	s5 =	simm.s32 @!p2 $0x0  }
0x1d: {  	s5 =	simm.s32 @p1 $0x1;
	p0 =	seq.s32 s7, s2  }
0x1e: {  	s7 =	smul.u32 @!p0 $0xF7A, s2;
	p2 =	seq.s32 @!p0 s5, $0x0  }
0x1f: {  	s9 =	smul.u32 $0xF7A, s1;
	s8 =	simm.s32 @!p0 $0x1BF5;
	p2 =	por !p2, p0  }
0x20: {  	[sflag:s8] =	ssyncset.s32 @!p0 $0xFFFFF086;
	s6 =	sadd.s32 @!p0 s3, s7;
	s7 =	simm.s32 @!p0 $0x108  }
0x21: {  	s3 =	sadd.s32 s3, s9;
	s6 =	sadd.s32 @!p0 $0x88, s6;
	s7 =	simm.s32 @p2 $0x1082  }
0x22: {  	[simem:s7], [sflag:s8] =	dma.local @!p0 [hbm:s6], $0xF7A  }
0x23: {  	s9 =	sor.u32 $0xD0000000, s2;
	s6 =	simm.s32 $0x108;
	_ =	swait.ge @!p0 [sflag:s8], $0x0  }
0x24: {  	s3 =	sadd.s32 $0x88, s3;
	s6 =	simm.s32 @!p1 $0x1082;
	[sflag:s4] =	ssyncset.s32 $0xFFFFF086  }
0x25: {  	[simem:s6], [sflag:s4] =	dma.local [hbm:s3], $0xF7A  }
0x26: {  	[smem:$0x3F8F] =	sst s1;
	(tag) =	ssettag s2;
	_ =	strace s9  }
0x27: {  	s1 =	sld [smem:$0x3F9F]  }
0x28: {  	s2 =	sld [smem:$0x3FA0]  }
0x29: {  	s4 =	sld [smem:$0x3FA2]  }
0x2a: {  	p0 =	seq.s32 s5, $0x0;
	s5 =	sld [smem:$0x3FA3]  }
0x2b: {  	s6 =	sld [smem:$0x3FA4]  }
0x2c: {  	s7 =	sld [smem:$0x3FA5]  }
0x2d: {  	s3 =	simm.s32 $0x108;
	s8 =	sld [smem:$0x3FA6]  }
0x2e: {  	s3 =	simm.s32 @!p0 $0x1082;
	s9 =	sld [smem:$0x3FA7]  }
0x2f: {  	lr =	sadd.s32 s0, s3;
	s0 =	sld [smem:$0x3F9E]  }
0x30: {  	s3 =	sld [smem:$0x3FA1]  }
0x31: {  	[smem:$0x3FAA] =	sst s10  }
0x32: {  	s10 =	sld [smem:$0x3FA8];
	_ =	sdelay $0x3  }
0x33: {  	p0 =	seq.s32 s10, $0x1;
	s10 =	sld [smem:$0x3FAA];
	_ =	sdelay $0x3  }
0x34: {  	[smem:$0x3FAA] =	sst s10  }
0x35: {  	s10 =	sld [smem:$0x3FA9];
	_ =	sdelay $0x3  }
0x36: {  	p1 =	seq.s32 s10, $0x1;
	s10 =	sld [smem:$0x3FAA];
	_ =	sdelay $0x3  }
0x37: {  	[smem:$0x3FAA] =	sst s10  }
0x38: {  	s10 =	sld [smem:$0x3FAB]  }
0x39: {  	_ = 	snop;
	(pc) =	sbr.ind lr, $3  }
0x3a: {  	_ = 	snop  }
0x3b: {  	_ = 	snop  }
0x3c: {  	p2 =	seq.s32 s10, $0x1;
	s10 =	sld [smem:$0x3FAA]  }
0x3d: {  	_ =	shalt  }
0x3e: {  	_ =	shalt  }
0x3f: {  	_ =	shalt  }
0x40: {  	_ =	shalt  }
0x41: {  	_ =	shalt  }
0x42: {  	_ =	shalt  }
0x43: {  	_ =	shalt  }
0x44: {  	_ =	shalt  }
0x45: {  	_ =	shalt  }
0x46: {  	_ =	shalt  }
0x47: {  	_ =	shalt  }
0x48: {  	_ =	shalt  }
0x49: {  	_ =	shalt  }
0x4a: {  	_ =	shalt  }
0x4b: {  	_ =	shalt  }
0x4c: {  	_ =	shalt  }
0x4d: {  	_ =	shalt  }
0x4e: {  	_ =	shalt  }
0x4f: {  	_ =	shalt  }
0x50: {  	_ =	shalt  }
0x51: {  	_ =	shalt  }
0x52: {  	_ =	shalt  }
0x53: {  	_ =	shalt  }
0x54: {  	_ =	shalt  }
0x55: {  	_ =	shalt  }
0x56: {  	_ =	shalt  }
0x57: {  	_ =	shalt  }
0x58: {  	_ =	shalt  }
0x59: {  	_ =	shalt  }
0x5a: {  	_ =	shalt  }
0x5b: {  	_ =	shalt  }
0x5c: {  	_ =	shalt  }
0x5d: {  	_ =	shalt  }
0x5e: {  	_ =	shalt  }
0x5f: {  	_ =	shalt  }
0x60: {  	_ =	shalt  }
0x61: {  	_ =	shalt  }
0x62: {  	_ =	shalt  }
0x63: {  	_ =	shalt  }
0x64: {  	_ =	shalt  }
0x65: {  	_ =	shalt  }
0x66: {  	_ =	shalt  }
0x67: {  	_ =	shalt  }
0x68: {  	_ =	shalt  }
0x69: {  	_ =	shalt  }
0x6a: {  	_ =	shalt  }
0x6b: {  	_ =	shalt  }
0x6c: {  	_ =	shalt  }
0x6d: {  	_ =	shalt  }
0x6e: {  	_ =	shalt  }
0x6f: {  	_ =	shalt  }
0x70: {  	_ =	shalt  }
0x71: {  	_ =	shalt  }
0x72: {  	_ =	shalt  }
0x73: {  	_ =	shalt  }
0x74: {  	_ =	shalt  }
0x75: {  	_ =	shalt  }
0x76: {  	_ =	shalt  }
0x77: {  	_ =	shalt  }
0x78: {  	_ =	shalt  }
0x79: {  	_ =	shalt  }
0x7a: {  	_ =	shalt  }
0x7b: {  	_ =	shalt  }
0x7c: {  	_ =	shalt  }
0x7d: {  	_ =	shalt  }
0x7e: {  	_ =	shalt  }
0x7f: {  	_ =	shalt  }
0x80: {  	_ =	shalt  }
0x81: {  	_ =	shalt  }
0x82: {  	_ =	shalt  }
0x83: {  	_ =	shalt  }
0x84: {  	_ =	shalt  }
0x85: {  	_ =	shalt  }
0x86: {  	_ =	shalt  }
0x87: {  	_ =	shalt  }
.Lfunc_end0:
.L_simem_size_0:
called_computation.2_lowered:
.L_overlay_start_0:
0x88: {  	s2 =	sld [smem:$0x3FD9]  }
0x89: {  	s3 =	sld [smem:$0x3FFE];
	_ =	sdelay $0x1  }
0x8a: {  	s1 =	srdreg.scid  }
0x8b: {  	s0 =	sand.u32 $0x1, s1  }
0x8c: {  	s16 =	sshll.u32 s0, $0xA;
	s2 =	sadd.s32 s3, s2  }
0x8d: {  	s2 =	sadd.s32 s2, s16  }
0x8e: {  	[smem:$0x3FB6] =	sst s2  }
0x8f: {  	_ = 	snop  }
0x90: {  	(tm) =	ssettm $0x1  }
0x91: {  	s17 =	sld [smem:$0x3FFB];
	_ =	sdelay $0x3  }
0x92: {  	_ =	strace s17  }
0x93: {  	s2 =	sld [smem:$0x3FFC];
	_ =	sdelay $0x3  }
0x94: {  	_ =	strace s2  }
0x95: {  	s2 =	sld [smem:$0x3FFD];
	_ =	sdelay $0x3  }
0x96: {  	_ =	strace s2  }
0x97: {  	_ =	strace $0x8FFFFFFF  }
0x98: {  	s18 =	sld [smem:$0x3FDB];
	_ =	sdelay $0x1  }
0x99: {  	s19 =	simm.s32 $_scs_section_size  }
0x9a: {  	s4 =	simm.s32 $_size__tile_overlayer_lowered;
	s5 =	simm.s32 $_tile_overlayer_lowered  }
0x9b: {  	s22 =	simm.s32 $0x1BFF;
	s21 =	sshll.u32 s5, $0x1;
	s2 =	sadd.s32 s19, s18  }
0x9c: {  	s6 =	simm.s32 $0x0;
	s20 =	sshll.u32 s4, $0x1;
	s4 =	sadd.s32 s21, s2  }
0x9d: {  	[timem:s6], [sflag:s22] =	dma.local [hbm:s4], s20  }
0x9e: {  	_ =	swait.ge [sflag:s22], s20  }
0x9f: {  	s3 =	ssub.s32 $0x0, s20;
	[sflag:s22] =	ssyncset.done $0x0  }
0xa0: {  	[sflag:s22] =	ssyncadd.s32 s3;
	_ =	sdelay $0x1  }
0xa1: {  	s23 =	simm.s32 $0x1B8B  }
0xa2: {  	_ =	swait.ge [sflag:s23], $0x1  }
0xa3: {  	[sflag:s23] =	ssyncset.done $0x0  }
0xa4: {  	s25 =	simm.s32 $0x1B8E;
	s24 =	sld [smem:$0x3FFE];
	[sflag:s23] =	ssyncadd.s32 $0xFFFFFFFF  }
0xa5: {  	s26 =	simm.s32 $execute0_lowered;
	[smem:$0x3FD2] =	sst s25  }
0xa6: {  	s4 =	sshll.u32 s26, $0x1;
	_ =	strace $0x8000004C;
	[dreg:$0x1] =	wrdreg $0xFFFFFFFF  }
0xa7: {  	s28 =	simm.s32 $_size_execute0_lowered;
	s2 =	sadd.s32 s2, s4;
	[dreg:$0x0] =	wrdreg $0x0  }
0xa8: {  	s4 =	sshll.u32 s28, $0x1;
	[dreg:$0x2] =	wrdreg s2  }
0xa9: {  	[dreg:$0x3] =	wrdreg s4  }
0xaa: {  	[dreg:$0x4] =	wrdreg $0xC0  }
0xab: {  	_ =	task [dreg:s6], $0x5FFFF  }
0xac: {  	[dreg:$0x1] =	wrdreg $0xFFFFFFFF  }
0xad: {  	[dreg:$0x0] =	wrdreg $0x60  }
0xae: {  	[dreg:$0x2] =	wrdreg s24  }
0xaf: {  	[dreg:$0x3] =	wrdreg $0xB8000  }
0xb0: {  	[dreg:$0x4] =	wrdreg $0x9  }
0xb1: {  	_ =	task.clear_ibuf [dreg:s6], $0x5FFFF;
	_ =	strace $0x9000004C  }
0xb2: {  	s29 =	simm.s32 $0x9;
	_ =	strace $0x8000004E  }
0xb3: {  	_ =	swait.ge [sflag:s29], $0x1  }
0xb4: {  	[sflag:s29] =	ssyncadd.s32 $0xFFFFFFFF  }
0xb5: {  	_ =	strace $0x9000004E  }
0xb6: {  	_ =	sfence  }
0xb7: {  	s30 =	sld [smem:$0x0];
	_ =	sdelay $0x2  }
0xb8: {  	s31 =	sshll.u32 s1, $0xD;
	s1 =	sshrl.u32 s1, $0x2  }
0xb9: {  	s3 =	sand.u32 $0x4000, s31;
	s1 =	sadd.s32 s1, s30  }
0xba: {  	s0 =	sor.u32 s3, s0;
	s1 =	sshll.u32 s1, $0x11  }
0xbb: {  	s0 =	sor.u32 s1, s0  }
0xbc: {  	s0 =	sadd.s32 $0x8F2B, s0  }
0xbd: {  	[sflag:s0] =	ssyncadd.remote.s32 $0x1  }
0xbe: {  	_ =	sfence.sel $0xFFFF  }
0xbf: {  	[dreg:$0x0] =	wrdreg $0xFFFFFFFF;
	(pc) =	sbr.abs _section_cstart, $3  }
0xc0: {  	[dreg:$0x1] =	wrdreg $0xFFFFFFFF  }
0xc1: {  	_ =	task.clear_ibuf [dreg:s6], $0x2FFFF;
	_ =	strace $0x9FFFFFFF  }
0xc2: {  	(tm) =	ssettm $0x7FFFFFFF  }
0xc3: {  	_ =	shalt  }
tec
execute0_lowered:
.L_overlay_start_1:
0x0: {  	(tag) =	ssettag $0x1  }
0x1: {  	s0 =	rddreg [dreg:$0x0]  }
0x2: {  	s2 =	rddreg [dreg:$0x1];
	s10 =	stileid.u32;
	s3 =	simm.s32 $0x0  }
0x3: {  	s6 =	srdreg.scid;
	s15 =	simm.s32 $0x3;
	s16 =	simm.s32 $0x400  }
0x4: {  	s17 =	simm.s32 $0x58;
	s18 =	simm.s32 $0x800;
	s21 =	simm.s32 $0x80  }
0x5: {  	s20 =	simm.s32 $0x3400;
	s23 =	simm.s32 $0x100;
	s22 =	simm.s32 $0x6000  }
0x6: {  	s24 =	simm.s32 $0x8C00;
	s25 =	simm.s32 $0x1;
	s30 =	simm.s32 $0x2  }
0x7: {  	s1 =	smul.u32 $0xE80, s10;
	[smem:$0x7FF] =	sst s3;
	s4 =	sadd.s32 $0x4FA00, s0  }
0x8: {  	s5 =	sadd.s32 $0x24C00, s0;
	s7 =	sadd.s32 $0x4D200, s0;
	s6 =	sand.u32 $0x1, s6  }
0x9: {  	s26 =	smul.u32 $0x4F000, s10;
	s8 =	sadd.s32 $0x9FA00, s0;
	s9 =	sshll.u32 s10, $0x6  }
0xa: {  	s31 =	smul.u32 $0x2780, s10;
	_ =	strace $0x8000004D;
	[dreg:$0x3] =	wrdreg s7  }
0xb: {  	[dreg:$0x4] =	wrdreg s8;
	s28 =	ssub.s32 $0x2, s6;
	s14 =	sor.u32 $0x1C03, s9  }
0xc: {  	p0 =	sne.s32 s6, $0x0;
	s1 =	sadd.s32 s1, s0;
	s0 =	sadd.s32 $0xC7A00, s0  }
.Ltmp0:
0xd: {  	s29 =	sshrl.u32 s28, $0x1;
	[dreg:$0x7] =	wrdreg s31;
	(pc) =	sbr.rel .LBB2_1-.Ltmp0, $4  }
0xe: {  	s7 =	sshrl.u32 s26, $0x2;
	[dreg:$0x5] =	wrdreg s0;
	s0 =	ssub.s32 s28, s29  }
0xf: {  	[dreg:$0x6] =	wrdreg s14;
	s7 =	sadd.s32 s7, s2;
	s0 =	smax.u32 s0, $0x1  }
0x10: {  	s12 =	sadd.s32 $0x16400, s1;
	s19 =	sshrl.u32 s7, $0x3;
	[dreg:$0x8] =	wrdreg s0  }
0x11: {  	s13 =	sadd.s32 $0x7C00, s1;
	s0 =	simm.s32 $0x0;
	[dreg:$0x9] =	wrdreg s19  }
.LBB2_7:
0x12: {  	s9 =	sadd.s32 s14, s13;
	[sflag:s30] =	ssyncadd.s32 $0xFFFFD400  }
0x13: {  	[tilespmem:s3], [sflag:$0x3] =	stream.linear.gather [hbm4b:s9+s3], $0x400, $0x38;
	[tilespmem:$0x1F400] =	vst v63  }
0x14: {  	_ =	swait.ge [sflag:s15], $0x400  }
0x15: {  	[sflag:s15] =	ssyncset.done $0x0  }
0x16: {  	s19 =	sadd.s32 s14, s12;
	[sflag:s15] =	ssyncadd.s32 $0xFFFFFC00  }
0x17: {  	[tilespmem:s16], [sflag:$0x3] =	stream.linear.gather [hbm4b:s19+s3], $0x400, $0x38;
	[tilespmem:$0x1F400] =	vst v63  }
0x18: {  	_ =	swait.ge [sflag:s15], $0x400  }
0x19: {  	[sflag:s15] =	ssyncset.done $0x0  }
0x1a: {  	[sflag:s15] =	ssyncadd.s32 $0xFFFFFC00  }
0x1b: {  	[tilespmem:s18], [sflag:$0x1] =	stream.indirect.gather [hbm4b:s5+s17], $0x80, s3, s17, $0xb8;
	[tilespmem:$0x1F400] =	vst v63  }
0x1c: {  	_ = 	snop  }
0x1d: {  	[tilespmem:s20], [sflag:$0x1] =	stream.indirect.gather [hbm4b:s5+s17], $0x80, s21, s17, $0xb8;
	[tilespmem:$0x1F400] =	vst v63  }
0x1e: {  	_ = 	snop  }
0x1f: {  	[tilespmem:s22], [sflag:$0x1] =	stream.indirect.gather [hbm4b:s5+s17], $0x80, s23, s17, $0xb8;
	[tilespmem:$0x1F400] =	vst v63  }
0x20: {  	_ = 	snop  }
0x21: {  	[tilespmem:s24], [sflag:$0x1] =	stream.indirect.gather [hbm4b:s5+s17], $0x80, s26, s17, $0xb8;
	[tilespmem:$0x1F400] =	vst v63  }
0x22: {  	_ =	swait.ge [sflag:s25], $0x2C00  }
0x23: {  	[sflag:s25] =	ssyncset.done $0x0  }
0x24: {  	[sflag:s25] =	ssyncadd.s32 $0xFFFFD400  }
0x25: {  	[spmem:s2] =	stream.indirect.scatter.add.f32 [tilespmem:s18], [sflag:$0x2], $0x80, s16, s17, $0xb8;
	[tilespmem:$0x1F400] =	vst v63  }
0x26: {  	_ =	swait.ge [sflag:s25], $0x2C00  }
0x27: {  	[sflag:s25] =	ssyncset.done $0x0  }
0x28: {  	[sflag:s25] =	ssyncadd.s32 $0xFFFFD400  }
0x29: {  	[spmem:s2] =	stream.indirect.scatter.add.f32 [tilespmem:s20], [sflag:$0x2], $0x80, s28, s17, $0xb8;
	[tilespmem:$0x1F400] =	vst v63  }
0x2a: {  	_ =	swait.ge [sflag:s25], $0x2C00  }
0x2b: {  	[sflag:s25] =	ssyncset.done $0x0  }
0x2c: {  	[sflag:s25] =	ssyncadd.s32 $0xFFFFD400  }
0x2d: {  	[spmem:s2] =	stream.indirect.scatter.add.f32 [tilespmem:s22], [sflag:$0x2], $0x80, s29, s17, $0xb8;
	[tilespmem:$0x1F400] =	vst v63  }
0x2e: {  	_ =	swait.ge [sflag:s25], $0x2C00  }
0x2f: {  	[sflag:s25] =	ssyncset.done $0x0  }
0x30: {  	[sflag:s25] =	ssyncadd.s32 $0xFFFFD400  }
0x31: {  	[spmem:s2] =	stream.indirect.scatter.add.f32 [tilespmem:s24], [sflag:$0x2], $0x80, s31, s17, $0xb8;
	[tilespmem:$0x1F400] =	vst v63  }
0x32: {  	_ =	swait.ge [sflag:s30], $0x2C00  }
0x33: {  	[sflag:s30] =	ssyncset.done $0x0  }
0x34: {  	[sflag:s30] =	ssyncadd.s32 $0xFFFFD400  }
0x35: {  	_ =	swait.ge [sflag:s30], $0x2C00  }
0x36: {  	[sflag:s30] =	ssyncset.done $0x0  }
0x37: {  	[sflag:s30] =	ssyncadd.s32 $0xFFFFD400  }
0x38: {  	_ =	swait.ge [sflag:s30], $0x2C00  }
0x39: {  	[sflag:s30] =	ssyncset.done $0x0  }
0x3a: {  	[sflag:s30] =	ssyncadd.s32 $0xFFFFD400  }
0x3b: {  	_ =	swait.ge [sflag:s30], $0x2C00  }
0x3c: {  	[sflag:s30] =	ssyncset.done $0x0  }
0x3d: {  	[sflag:s30] =	ssyncadd.s32 $0xFFFFD400  }
0x3e: {  	[tilespmem:s18], [sflag:$0x1] =	stream.indirect.gather [hbm4b:s5+s17], $0x80, s0, s17, $0xb8;
	[tilespmem:$0x1F400] =	vst v63  }
0x3f: {  	_ = 	snop  }
0x40: {  	[tilespmem:s20], [sflag:$0x1] =	stream.indirect.gather [hbm4b:s5+s17], $0x80, s1, s17, $0xb8;
	[tilespmem:$0x1F400] =	vst v63  }
0x41: {  	_ = 	snop  }
0x42: {  	[tilespmem:s22], [sflag:$0x1] =	stream.indirect.gather [hbm4b:s5+s17], $0x80, s7, s17, $0xb8;
	[tilespmem:$0x1F400] =	vst v63  }
0x43: {  	_ = 	snop  }
0x44: {  	[tilespmem:s24], [sflag:$0x1] =	stream.indirect.gather [hbm4b:s5+s17], $0x80, s8, s17, $0xb8;
	[tilespmem:$0x1F400] =	vst v63  }
0x45: {  	_ =	swait.ge [sflag:s25], $0x2C00  }
0x46: {  	[sflag:s25] =	ssyncset.done $0x0  }
0x47: {  	[sflag:s25] =	ssyncadd.s32 $0xFFFFD400  }
0x48: {  	[spmem:s2] =	stream.indirect.scatter.add.f32 [tilespmem:s18], [sflag:$0x2], $0x80, s6, s17, $0xb8;
	[tilespmem:$0x1F400] =	vst v63  }
0x49: {  	_ =	swait.ge [sflag:s25], $0x2C00  }
0x4a: {  	[sflag:s25] =	ssyncset.done $0x0  }
0x4b: {  	[sflag:s25] =	ssyncadd.s32 $0xFFFFD400  }
0x4c: {  	[spmem:s2] =	stream.indirect.scatter.add.f32 [tilespmem:s20], [sflag:$0x2], $0x80, s10, s17, $0xb8;
	[tilespmem:$0x1F400] =	vst v63  }
0x4d: {  	_ =	swait.ge [sflag:s25], $0x2C00  }
0x4e: {  	[sflag:s25] =	ssyncset.done $0x0  }
0x4f: {  	[sflag:s25] =	ssyncadd.s32 $0xFFFFD400  }
0x50: {  	[spmem:s2] =	stream.indirect.scatter.add.f32 [tilespmem:s22], [sflag:$0x2], $0x80, s11, s17, $0xb8;
	[tilespmem:$0x1F400] =	vst v63  }
0x51: {  	_ =	swait.ge [sflag:s25], $0x2C00  }
0x52: {  	[sflag:s25] =	ssyncset.done $0x0  }
0x53: {  	s31 =	simm.s32 $0x780;
	[sflag:s25] =	ssyncadd.s32 $0xFFFFD400  }
0x54: {  	[spmem:s2] =	stream.indirect.scatter.add.f32 [tilespmem:s24], [sflag:$0x2], $0x80, s31, s17, $0xb8;
	[tilespmem:$0x1F400] =	vst v63  }
0x55: {  	_ =	swait.ge [sflag:s30], $0x2C00  }
0x56: {  	[sflag:s30] =	ssyncset.done $0x0  }
0x57: {  	[sflag:s30] =	ssyncadd.s32 $0xFFFFD400  }
0x58: {  	_ =	swait.ge [sflag:s30], $0x2C00  }
0x59: {  	[sflag:s30] =	ssyncset.done $0x0  }
0x5a: {  	[sflag:s30] =	ssyncadd.s32 $0xFFFFD400  }
0x5b: {  	_ =	swait.ge [sflag:s30], $0x2C00  }
0x5c: {  	[sflag:s30] =	ssyncset.done $0x0  }
0x5d: {  	[sflag:s30] =	ssyncadd.s32 $0xFFFFD400  }
0x5e: {  	_ =	swait.ge [sflag:s30], $0x2C00  }
0x5f: {  	[sflag:s30] =	ssyncset.done $0x0;
	s9 =	rddreg [dreg:$0x5]  }
0x60: {  	s0 =	rddreg [dreg:$0xa];
	[sflag:s30] =	ssyncadd.s32 $0xFFFFD400  }
.LBB2_8:
0x61: {  	s14 =	rddreg [dreg:$0x7];
	[bflag:$0x0] =	sbarrier.arrive $0xFFFF  }
0x62: {  	s9 =	sadd.s32 s9, s14;
	s14 =	rddreg [dreg:$0x6]  }
0x63: {  	s19 =	rddreg [dreg:$0x9]  }
0x64: {  	[hbm:s9], [sflag:s14] =	dma.local [spmem:s19], $0x2780  }
0x65: {  	_ =	swait.ge [sflag:s15], $0x2780  }
0x66: {  	s0 =	sadd.s32 $0x1, s0;
	s31 =	rddreg [dreg:$0x8]  }
0x67: {  	p1 =	sne.s32 s0, s31  }
.Ltmp1:
0x68: {  	_ = 	snop;
	(pc) =	sbr.rel @!p1 .LBB2_9-.Ltmp1, $3  }
0x69: {  	_ =	sdelay $0x1  }
0x6a: {  	[sflag:s15] =	ssyncset.done $0x0  }
0x6b: {  	[sflag:s15] =	ssyncadd.s32 $0xFFFFD880  }
.LBB2_1:
0x6c: {  	[dreg:$0xa] =	wrdreg s0  }
0x6d: {  	s9 =	rddreg [dreg:$0x3]  }
0x6e: {  	[spmem:s19], [sflag:s14] =	dma.local [hbm:s9], $0x2780  }
.Ltmp2:
0x6f: {  	_ =	swait.ge [sflag:s15], $0x2780;
	(pc) =	sbr.rel @p0 .LBB2_5-.Ltmp2, $4  }
0x70: {  	[sflag:s15] =	ssyncset.done $0x0  }
0x71: {  	[sflag:s15] =	ssyncadd.s32 $0xFFFFD880  }
0x72: {  	[bflag:$0x0] =	sbarrier.arrive $0xFFFF  }
0x73: {  	s9 =	sadd.s32 $0x0, s13  }
0x74: {  	[tilespmem:s3], [sflag:$0x3] =	stream.linear.gather [hbm4b:s9+s3], $0x400, $0x38;
	[tilespmem:$0x1F400] =	vst v63  }
0x75: {  	_ =	swait.ge [sflag:s15], $0x400  }
0x76: {  	[sflag:s15] =	ssyncset.done $0x0  }
0x77: {  	s19 =	sadd.s32 $0x0, s12;
	[sflag:s15] =	ssyncadd.s32 $0xFFFFFC00  }
0x78: {  	[tilespmem:s16], [sflag:$0x3] =	stream.linear.gather [hbm4b:s19+s3], $0x400, $0x38;
	[tilespmem:$0x1F400] =	vst v63  }
0x79: {  	_ =	swait.ge [sflag:s15], $0x400  }
0x7a: {  	[sflag:s15] =	ssyncset.done $0x0  }
0x7b: {  	[sflag:s15] =	ssyncadd.s32 $0xFFFFFC00  }
0x7c: {  	[tilespmem:s18], [sflag:$0x1] =	stream.indirect.gather [hbm4b:s4+s17], $0x80, s3, s17, $0xb8;
	[tilespmem:$0x1F400] =	vst v63  }
0x7d: {  	_ = 	snop  }
0x7e: {  	[tilespmem:s20], [sflag:$0x1] =	stream.indirect.gather [hbm4b:s4+s17], $0x80, s21, s17, $0xb8;
	[tilespmem:$0x1F400] =	vst v63  }
0x7f: {  	_ = 	snop  }
0x80: {  	[tilespmem:s22], [sflag:$0x1] =	stream.indirect.gather [hbm4b:s4+s17], $0x80, s23, s17, $0xb8;
	[tilespmem:$0x1F400] =	vst v63  }
0x81: {  	s26 =	simm.s32 $0x180  }
0x82: {  	[tilespmem:s24], [sflag:$0x1] =	stream.indirect.gather [hbm4b:s4+s17], $0x80, s26, s17, $0xb8;
	[tilespmem:$0x1F400] =	vst v63  }
0x83: {  	_ =	swait.ge [sflag:s25], $0x2C00  }
0x84: {  	[sflag:s25] =	ssyncset.done $0x0  }
0x85: {  	[sflag:s25] =	ssyncadd.s32 $0xFFFFD400  }
0x86: {  	[spmem:s2] =	stream.indirect.scatter.add.f32 [tilespmem:s18], [sflag:$0x2], $0x80, s16, s17, $0xb8;
	[tilespmem:$0x1F400] =	vst v63  }
0x87: {  	_ =	swait.ge [sflag:s25], $0x2C00  }
0x88: {  	[sflag:s25] =	ssyncset.done $0x0  }
0x89: {  	s28 =	simm.s32 $0x480;
	[sflag:s25] =	ssyncadd.s32 $0xFFFFD400  }
0x8a: {  	[spmem:s2] =	stream.indirect.scatter.add.f32 [tilespmem:s20], [sflag:$0x2], $0x80, s28, s17, $0xb8;
	[tilespmem:$0x1F400] =	vst v63  }
0x8b: {  	_ =	swait.ge [sflag:s25], $0x2C00  }
0x8c: {  	[sflag:s25] =	ssyncset.done $0x0  }
0x8d: {  	s29 =	simm.s32 $0x500;
	[sflag:s25] =	ssyncadd.s32 $0xFFFFD400  }
0x8e: {  	[spmem:s2] =	stream.indirect.scatter.add.f32 [tilespmem:s22], [sflag:$0x2], $0x80, s29, s17, $0xb8;
	[tilespmem:$0x1F400] =	vst v63  }
0x8f: {  	_ =	swait.ge [sflag:s25], $0x2C00  }
0x90: {  	[sflag:s25] =	ssyncset.done $0x0  }
0x91: {  	s31 =	simm.s32 $0x580;
	[sflag:s25] =	ssyncadd.s32 $0xFFFFD400  }
0x92: {  	[spmem:s2] =	stream.indirect.scatter.add.f32 [tilespmem:s24], [sflag:$0x2], $0x80, s31, s17, $0xb8;
	[tilespmem:$0x1F400] =	vst v63  }
0x93: {  	_ =	swait.ge [sflag:s30], $0x2C00  }
0x94: {  	[sflag:s30] =	ssyncset.done $0x0  }
0x95: {  	[sflag:s30] =	ssyncadd.s32 $0xFFFFD400  }
0x96: {  	_ =	swait.ge [sflag:s30], $0x2C00  }
0x97: {  	[sflag:s30] =	ssyncset.done $0x0  }
0x98: {  	[sflag:s30] =	ssyncadd.s32 $0xFFFFD400  }
0x99: {  	_ =	swait.ge [sflag:s30], $0x2C00  }
0x9a: {  	[sflag:s30] =	ssyncset.done $0x0  }
0x9b: {  	[sflag:s30] =	ssyncadd.s32 $0xFFFFD400  }
0x9c: {  	_ =	swait.ge [sflag:s30], $0x2C00  }
0x9d: {  	[sflag:s30] =	ssyncset.done $0x0  }
0x9e: {  	s0 =	simm.s32 $0x200;
	[sflag:s30] =	ssyncadd.s32 $0xFFFFD400  }
0x9f: {  	[tilespmem:s18], [sflag:$0x1] =	stream.indirect.gather [hbm4b:s4+s17], $0x80, s0, s17, $0xb8;
	[tilespmem:$0x1F400] =	vst v63  }
0xa0: {  	s1 =	simm.s32 $0x280  }
0xa1: {  	[tilespmem:s20], [sflag:$0x1] =	stream.indirect.gather [hbm4b:s4+s17], $0x80, s1, s17, $0xb8;
	[tilespmem:$0x1F400] =	vst v63  }
0xa2: {  	s7 =	simm.s32 $0x300  }
0xa3: {  	[tilespmem:s22], [sflag:$0x1] =	stream.indirect.gather [hbm4b:s4+s17], $0x80, s7, s17, $0xb8;
	[tilespmem:$0x1F400] =	vst v63  }
0xa4: {  	s8 =	simm.s32 $0x380  }
0xa5: {  	[tilespmem:s24], [sflag:$0x1] =	stream.indirect.gather [hbm4b:s4+s17], $0x80, s8, s17, $0xb8;
	[tilespmem:$0x1F400] =	vst v63  }
0xa6: {  	_ =	swait.ge [sflag:s25], $0x2C00  }
0xa7: {  	[sflag:s25] =	ssyncset.done $0x0  }
0xa8: {  	s6 =	simm.s32 $0x600;
	[sflag:s25] =	ssyncadd.s32 $0xFFFFD400  }
0xa9: {  	[spmem:s2] =	stream.indirect.scatter.add.f32 [tilespmem:s18], [sflag:$0x2], $0x80, s6, s17, $0xb8;
	[tilespmem:$0x1F400] =	vst v63  }
0xaa: {  	_ =	swait.ge [sflag:s25], $0x2C00  }
0xab: {  	[sflag:s25] =	ssyncset.done $0x0  }
0xac: {  	s10 =	simm.s32 $0x680;
	[sflag:s25] =	ssyncadd.s32 $0xFFFFD400  }
0xad: {  	[spmem:s2] =	stream.indirect.scatter.add.f32 [tilespmem:s20], [sflag:$0x2], $0x80, s10, s17, $0xb8;
	[tilespmem:$0x1F400] =	vst v63  }
0xae: {  	_ =	swait.ge [sflag:s25], $0x2C00  }
0xaf: {  	[sflag:s25] =	ssyncset.done $0x0  }
0xb0: {  	s11 =	simm.s32 $0x700;
	[sflag:s25] =	ssyncadd.s32 $0xFFFFD400  }
0xb1: {  	[spmem:s2] =	stream.indirect.scatter.add.f32 [tilespmem:s22], [sflag:$0x2], $0x80, s11, s17, $0xb8;
	[tilespmem:$0x1F400] =	vst v63  }
0xb2: {  	_ =	swait.ge [sflag:s25], $0x2C00  }
0xb3: {  	[sflag:s25] =	ssyncset.done $0x0  }
0xb4: {  	s23 =	simm.s32 $0x780;
	[sflag:s25] =	ssyncadd.s32 $0xFFFFD400  }
0xb5: {  	[spmem:s2] =	stream.indirect.scatter.add.f32 [tilespmem:s24], [sflag:$0x2], $0x80, s23, s17, $0xb8;
	[tilespmem:$0x1F400] =	vst v63  }
0xb6: {  	_ =	swait.ge [sflag:s30], $0x2C00  }
0xb7: {  	[sflag:s30] =	ssyncset.done $0x0  }
0xb8: {  	[sflag:s30] =	ssyncadd.s32 $0xFFFFD400  }
0xb9: {  	_ =	swait.ge [sflag:s30], $0x2C00  }
0xba: {  	[sflag:s30] =	ssyncset.done $0x0  }
0xbb: {  	[sflag:s30] =	ssyncadd.s32 $0xFFFFD400  }
0xbc: {  	_ =	swait.ge [sflag:s30], $0x2C00  }
0xbd: {  	[sflag:s30] =	ssyncset.done $0x0  }
0xbe: {  	[sflag:s30] =	ssyncadd.s32 $0xFFFFD400  }
0xbf: {  	_ =	swait.ge [sflag:s30], $0x2C00  }
0xc0: {  	s14 =	simm.s32 $0x80;
	s9 =	simm.s32 $0x100;
	[sflag:s30] =	ssyncset.done $0x0  }
.LBB2_3:
0xc1: {  	s21 =	sadd.s32 s14, s13  }
0xc2: {  	[sflag:s30] =	ssyncadd.s32 $0xFFFFD400;
	s23 =	smov.u32 s9;
	s19 =	sadd.s32 $0x80, s9  }
0xc3: {  	[tilespmem:s3], [sflag:$0x3] =	stream.linear.gather [hbm4b:s21+s3], $0x400, $0x38;
	[tilespmem:$0x1F400] =	vst v63  }
0xc4: {  	s21 =	simm.s32 $0x80  }
0xc5: {  	p1 =	seq.s32 s9, $0xE00;
	_ =	swait.ge [sflag:s15], $0x400  }
0xc6: {  	s9 =	sadd.s32 s14, s12;
	[sflag:s15] =	ssyncset.done $0x0  }
0xc7: {  	s14 =	smov.u32 s23;
	s23 =	simm.s32 $0x100;
	[sflag:s15] =	ssyncadd.s32 $0xFFFFFC00  }
0xc8: {  	[tilespmem:s16], [sflag:$0x3] =	stream.linear.gather [hbm4b:s9+s3], $0x400, $0x38;
	[tilespmem:$0x1F400] =	vst v63  }
0xc9: {  	_ =	swait.ge [sflag:s15], $0x400  }
0xca: {  	[sflag:s15] =	ssyncset.done $0x0  }
0xcb: {  	[sflag:s15] =	ssyncadd.s32 $0xFFFFFC00  }
0xcc: {  	[tilespmem:s18], [sflag:$0x1] =	stream.indirect.gather [hbm4b:s4+s17], $0x80, s3, s17, $0xb8;
	[tilespmem:$0x1F400] =	vst v63  }
0xcd: {  	_ = 	snop  }
0xce: {  	[tilespmem:s20], [sflag:$0x1] =	stream.indirect.gather [hbm4b:s4+s17], $0x80, s21, s17, $0xb8;
	[tilespmem:$0x1F400] =	vst v63  }
0xcf: {  	_ = 	snop  }
0xd0: {  	[tilespmem:s22], [sflag:$0x1] =	stream.indirect.gather [hbm4b:s4+s17], $0x80, s23, s17, $0xb8;
	[tilespmem:$0x1F400] =	vst v63  }
0xd1: {  	_ = 	snop  }
0xd2: {  	[tilespmem:s24], [sflag:$0x1] =	stream.indirect.gather [hbm4b:s4+s17], $0x80, s26, s17, $0xb8;
	[tilespmem:$0x1F400] =	vst v63  }
0xd3: {  	_ =	swait.ge [sflag:s25], $0x2C00  }
0xd4: {  	[sflag:s25] =	ssyncset.done $0x0  }
0xd5: {  	[sflag:s25] =	ssyncadd.s32 $0xFFFFD400  }
0xd6: {  	[spmem:s2] =	stream.indirect.scatter.add.f32 [tilespmem:s18], [sflag:$0x2], $0x80, s16, s17, $0xb8;
	[tilespmem:$0x1F400] =	vst v63  }
0xd7: {  	_ =	swait.ge [sflag:s25], $0x2C00  }
0xd8: {  	[sflag:s25] =	ssyncset.done $0x0  }
0xd9: {  	[sflag:s25] =	ssyncadd.s32 $0xFFFFD400  }
0xda: {  	[spmem:s2] =	stream.indirect.scatter.add.f32 [tilespmem:s20], [sflag:$0x2], $0x80, s28, s17, $0xb8;
	[tilespmem:$0x1F400] =	vst v63  }
0xdb: {  	_ =	swait.ge [sflag:s25], $0x2C00  }
0xdc: {  	[sflag:s25] =	ssyncset.done $0x0  }
0xdd: {  	[sflag:s25] =	ssyncadd.s32 $0xFFFFD400  }
0xde: {  	[spmem:s2] =	stream.indirect.scatter.add.f32 [tilespmem:s22], [sflag:$0x2], $0x80, s29, s17, $0xb8;
	[tilespmem:$0x1F400] =	vst v63  }
0xdf: {  	_ =	swait.ge [sflag:s25], $0x2C00  }
0xe0: {  	[sflag:s25] =	ssyncset.done $0x0  }
0xe1: {  	[sflag:s25] =	ssyncadd.s32 $0xFFFFD400  }
0xe2: {  	[spmem:s2] =	stream.indirect.scatter.add.f32 [tilespmem:s24], [sflag:$0x2], $0x80, s31, s17, $0xb8;
	[tilespmem:$0x1F400] =	vst v63  }
0xe3: {  	_ =	swait.ge [sflag:s30], $0x2C00  }
0xe4: {  	[sflag:s30] =	ssyncset.done $0x0  }
0xe5: {  	[sflag:s30] =	ssyncadd.s32 $0xFFFFD400  }
0xe6: {  	_ =	swait.ge [sflag:s30], $0x2C00  }
0xe7: {  	[sflag:s30] =	ssyncset.done $0x0  }
0xe8: {  	[sflag:s30] =	ssyncadd.s32 $0xFFFFD400  }
0xe9: {  	_ =	swait.ge [sflag:s30], $0x2C00  }
0xea: {  	[sflag:s30] =	ssyncset.done $0x0  }
0xeb: {  	[sflag:s30] =	ssyncadd.s32 $0xFFFFD400  }
0xec: {  	_ =	swait.ge [sflag:s30], $0x2C00  }
0xed: {  	[sflag:s30] =	ssyncset.done $0x0  }
0xee: {  	[sflag:s30] =	ssyncadd.s32 $0xFFFFD400  }
0xef: {  	[tilespmem:s18], [sflag:$0x1] =	stream.indirect.gather [hbm4b:s4+s17], $0x80, s0, s17, $0xb8;
	[tilespmem:$0x1F400] =	vst v63  }
0xf0: {  	_ = 	snop  }
0xf1: {  	[tilespmem:s20], [sflag:$0x1] =	stream.indirect.gather [hbm4b:s4+s17], $0x80, s1, s17, $0xb8;
	[tilespmem:$0x1F400] =	vst v63  }
0xf2: {  	_ = 	snop  }
0xf3: {  	[tilespmem:s22], [sflag:$0x1] =	stream.indirect.gather [hbm4b:s4+s17], $0x80, s7, s17, $0xb8;
	[tilespmem:$0x1F400] =	vst v63  }
0xf4: {  	_ = 	snop  }
0xf5: {  	[tilespmem:s24], [sflag:$0x1] =	stream.indirect.gather [hbm4b:s4+s17], $0x80, s8, s17, $0xb8;
	[tilespmem:$0x1F400] =	vst v63  }
0xf6: {  	_ =	swait.ge [sflag:s25], $0x2C00  }
0xf7: {  	[sflag:s25] =	ssyncset.done $0x0  }
0xf8: {  	[sflag:s25] =	ssyncadd.s32 $0xFFFFD400  }
0xf9: {  	[spmem:s2] =	stream.indirect.scatter.add.f32 [tilespmem:s18], [sflag:$0x2], $0x80, s6, s17, $0xb8;
	[tilespmem:$0x1F400] =	vst v63  }
0xfa: {  	_ =	swait.ge [sflag:s25], $0x2C00  }
0xfb: {  	[sflag:s25] =	ssyncset.done $0x0  }
0xfc: {  	[sflag:s25] =	ssyncadd.s32 $0xFFFFD400  }
0xfd: {  	[spmem:s2] =	stream.indirect.scatter.add.f32 [tilespmem:s20], [sflag:$0x2], $0x80, s10, s17, $0xb8;
	[tilespmem:$0x1F400] =	vst v63  }
0xfe: {  	_ =	swait.ge [sflag:s25], $0x2C00  }
0xff: {  	[sflag:s25] =	ssyncset.done $0x0  }
0x100: {  	[sflag:s25] =	ssyncadd.s32 $0xFFFFD400  }
0x101: {  	[spmem:s2] =	stream.indirect.scatter.add.f32 [tilespmem:s22], [sflag:$0x2], $0x80, s11, s17, $0xb8;
	[tilespmem:$0x1F400] =	vst v63  }
0x102: {  	_ =	swait.ge [sflag:s25], $0x2C00  }
0x103: {  	[sflag:s25] =	ssyncset.done $0x0  }
0x104: {  	s9 =	simm.s32 $0x780;
	[sflag:s25] =	ssyncadd.s32 $0xFFFFD400  }
0x105: {  	[spmem:s2] =	stream.indirect.scatter.add.f32 [tilespmem:s24], [sflag:$0x2], $0x80, s9, s17, $0xb8;
	[tilespmem:$0x1F400] =	vst v63  }
0x106: {  	_ =	swait.ge [sflag:s30], $0x2C00  }
0x107: {  	[sflag:s30] =	ssyncset.done $0x0  }
0x108: {  	[sflag:s30] =	ssyncadd.s32 $0xFFFFD400  }
0x109: {  	_ =	swait.ge [sflag:s30], $0x2C00  }
0x10a: {  	[sflag:s30] =	ssyncset.done $0x0  }
0x10b: {  	[sflag:s30] =	ssyncadd.s32 $0xFFFFD400  }
.Ltmp3:
0x10c: {  	_ =	swait.ge [sflag:s30], $0x2C00;
	(pc) =	sbr.rel @!p1 .LBB2_3-.Ltmp3, $4  }
0x10d: {  	[sflag:s30] =	ssyncset.done $0x0  }
0x10e: {  	[sflag:s30] =	ssyncadd.s32 $0xFFFFD400  }
0x10f: {  	_ =	swait.ge [sflag:s30], $0x2C00  }
0x110: {  	s9 =	smov.u32 s19;
	[sflag:s30] =	ssyncset.done $0x0  }
0x111: {  	s9 =	sadd.s32 s14, s13;
	[sflag:s30] =	ssyncadd.s32 $0xFFFFD400  }
0x112: {  	[tilespmem:s3], [sflag:$0x3] =	stream.linear.gather [hbm4b:s9+s3], $0x400, $0x38;
	[tilespmem:$0x1F400] =	vst v63  }
0x113: {  	_ =	swait.ge [sflag:s15], $0x400  }
0x114: {  	[sflag:s15] =	ssyncset.done $0x0  }
0x115: {  	s19 =	sadd.s32 s14, s12;
	[sflag:s15] =	ssyncadd.s32 $0xFFFFFC00  }
0x116: {  	[tilespmem:s16], [sflag:$0x3] =	stream.linear.gather [hbm4b:s19+s3], $0x400, $0x38;
	[tilespmem:$0x1F400] =	vst v63  }
0x117: {  	_ =	swait.ge [sflag:s15], $0x400  }
0x118: {  	[sflag:s15] =	ssyncset.done $0x0  }
0x119: {  	[sflag:s15] =	ssyncadd.s32 $0xFFFFFC00  }
0x11a: {  	[tilespmem:s18], [sflag:$0x1] =	stream.indirect.gather [hbm4b:s4+s17], $0x80, s3, s17, $0xb8;
	[tilespmem:$0x1F400] =	vst v63  }
0x11b: {  	_ = 	snop  }
0x11c: {  	[tilespmem:s20], [sflag:$0x1] =	stream.indirect.gather [hbm4b:s4+s17], $0x80, s21, s17, $0xb8;
	[tilespmem:$0x1F400] =	vst v63  }
0x11d: {  	_ = 	snop  }
0x11e: {  	[tilespmem:s22], [sflag:$0x1] =	stream.indirect.gather [hbm4b:s4+s17], $0x80, s23, s17, $0xb8;
	[tilespmem:$0x1F400] =	vst v63  }
0x11f: {  	_ = 	snop  }
0x120: {  	[tilespmem:s24], [sflag:$0x1] =	stream.indirect.gather [hbm4b:s4+s17], $0x80, s26, s17, $0xb8;
	[tilespmem:$0x1F400] =	vst v63  }
0x121: {  	_ =	swait.ge [sflag:s25], $0x2C00  }
0x122: {  	[sflag:s25] =	ssyncset.done $0x0  }
0x123: {  	[sflag:s25] =	ssyncadd.s32 $0xFFFFD400  }
0x124: {  	[spmem:s2] =	stream.indirect.scatter.add.f32 [tilespmem:s18], [sflag:$0x2], $0x80, s16, s17, $0xb8;
	[tilespmem:$0x1F400] =	vst v63  }
0x125: {  	_ =	swait.ge [sflag:s25], $0x2C00  }
0x126: {  	[sflag:s25] =	ssyncset.done $0x0  }
0x127: {  	[sflag:s25] =	ssyncadd.s32 $0xFFFFD400  }
0x128: {  	[spmem:s2] =	stream.indirect.scatter.add.f32 [tilespmem:s20], [sflag:$0x2], $0x80, s28, s17, $0xb8;
	[tilespmem:$0x1F400] =	vst v63  }
0x129: {  	_ =	swait.ge [sflag:s25], $0x2C00  }
0x12a: {  	[sflag:s25] =	ssyncset.done $0x0  }
0x12b: {  	[sflag:s25] =	ssyncadd.s32 $0xFFFFD400  }
0x12c: {  	[spmem:s2] =	stream.indirect.scatter.add.f32 [tilespmem:s22], [sflag:$0x2], $0x80, s29, s17, $0xb8;
	[tilespmem:$0x1F400] =	vst v63  }
0x12d: {  	_ =	swait.ge [sflag:s25], $0x2C00  }
0x12e: {  	[sflag:s25] =	ssyncset.done $0x0  }
0x12f: {  	[sflag:s25] =	ssyncadd.s32 $0xFFFFD400  }
0x130: {  	[spmem:s2] =	stream.indirect.scatter.add.f32 [tilespmem:s24], [sflag:$0x2], $0x80, s31, s17, $0xb8;
	[tilespmem:$0x1F400] =	vst v63  }
0x131: {  	_ =	swait.ge [sflag:s30], $0x2C00  }
0x132: {  	[sflag:s30] =	ssyncset.done $0x0  }
0x133: {  	[sflag:s30] =	ssyncadd.s32 $0xFFFFD400  }
0x134: {  	_ =	swait.ge [sflag:s30], $0x2C00  }
0x135: {  	[sflag:s30] =	ssyncset.done $0x0  }
0x136: {  	[sflag:s30] =	ssyncadd.s32 $0xFFFFD400  }
0x137: {  	_ =	swait.ge [sflag:s30], $0x2C00  }
0x138: {  	[sflag:s30] =	ssyncset.done $0x0  }
0x139: {  	[sflag:s30] =	ssyncadd.s32 $0xFFFFD400  }
0x13a: {  	_ =	swait.ge [sflag:s30], $0x2C00  }
0x13b: {  	[sflag:s30] =	ssyncset.done $0x0  }
0x13c: {  	[sflag:s30] =	ssyncadd.s32 $0xFFFFD400  }
0x13d: {  	[tilespmem:s18], [sflag:$0x1] =	stream.indirect.gather [hbm4b:s4+s17], $0x80, s0, s17, $0xb8;
	[tilespmem:$0x1F400] =	vst v63  }
0x13e: {  	_ = 	snop  }
0x13f: {  	[tilespmem:s20], [sflag:$0x1] =	stream.indirect.gather [hbm4b:s4+s17], $0x80, s1, s17, $0xb8;
	[tilespmem:$0x1F400] =	vst v63  }
0x140: {  	_ = 	snop  }
0x141: {  	[tilespmem:s22], [sflag:$0x1] =	stream.indirect.gather [hbm4b:s4+s17], $0x80, s7, s17, $0xb8;
	[tilespmem:$0x1F400] =	vst v63  }
0x142: {  	_ = 	snop  }
0x143: {  	[tilespmem:s24], [sflag:$0x1] =	stream.indirect.gather [hbm4b:s4+s17], $0x80, s8, s17, $0xb8;
	[tilespmem:$0x1F400] =	vst v63  }
0x144: {  	_ =	swait.ge [sflag:s25], $0x2C00  }
0x145: {  	[sflag:s25] =	ssyncset.done $0x0  }
0x146: {  	[sflag:s25] =	ssyncadd.s32 $0xFFFFD400  }
0x147: {  	[spmem:s2] =	stream.indirect.scatter.add.f32 [tilespmem:s18], [sflag:$0x2], $0x80, s6, s17, $0xb8;
	[tilespmem:$0x1F400] =	vst v63  }
0x148: {  	_ =	swait.ge [sflag:s25], $0x2C00  }
0x149: {  	[sflag:s25] =	ssyncset.done $0x0  }
0x14a: {  	[sflag:s25] =	ssyncadd.s32 $0xFFFFD400  }
0x14b: {  	[spmem:s2] =	stream.indirect.scatter.add.f32 [tilespmem:s20], [sflag:$0x2], $0x80, s10, s17, $0xb8;
	[tilespmem:$0x1F400] =	vst v63  }
0x14c: {  	_ =	swait.ge [sflag:s25], $0x2C00  }
0x14d: {  	[sflag:s25] =	ssyncset.done $0x0  }
0x14e: {  	[sflag:s25] =	ssyncadd.s32 $0xFFFFD400  }
0x14f: {  	[spmem:s2] =	stream.indirect.scatter.add.f32 [tilespmem:s22], [sflag:$0x2], $0x80, s11, s17, $0xb8;
	[tilespmem:$0x1F400] =	vst v63  }
0x150: {  	_ =	swait.ge [sflag:s25], $0x2C00  }
0x151: {  	[sflag:s25] =	ssyncset.done $0x0  }
0x152: {  	s31 =	simm.s32 $0x780;
	[sflag:s25] =	ssyncadd.s32 $0xFFFFD400  }
0x153: {  	[spmem:s2] =	stream.indirect.scatter.add.f32 [tilespmem:s24], [sflag:$0x2], $0x80, s31, s17, $0xb8;
	[tilespmem:$0x1F400] =	vst v63  }
0x154: {  	_ =	swait.ge [sflag:s30], $0x2C00  }
0x155: {  	[sflag:s30] =	ssyncset.done $0x0  }
0x156: {  	[sflag:s30] =	ssyncadd.s32 $0xFFFFD400  }
0x157: {  	_ =	swait.ge [sflag:s30], $0x2C00  }
0x158: {  	[sflag:s30] =	ssyncset.done $0x0  }
0x159: {  	[sflag:s30] =	ssyncadd.s32 $0xFFFFD400  }
0x15a: {  	_ =	swait.ge [sflag:s30], $0x2C00  }
.Ltmp4:
0x15b: {  	[sflag:s30] =	ssyncset.done $0x0;
	(pc) =	sbr.rel .LBB2_8-.Ltmp4, $4  }
0x15c: {  	[sflag:s30] =	ssyncadd.s32 $0xFFFFD400  }
0x15d: {  	_ =	swait.ge [sflag:s30], $0x2C00  }
0x15e: {  	[sflag:s30] =	ssyncset.done $0x0;
	s9 =	rddreg [dreg:$0x4]  }
0x15f: {  	s0 =	rddreg [dreg:$0xa];
	[sflag:s30] =	ssyncadd.s32 $0xFFFFD400  }
.LBB2_5:
0x160: {  	[tilespmem:s3], [sflag:$0x3] =	stream.linear.gather [hbm4b:s9+s3], $0x400, $0x38;
	[tilespmem:$0x1F400] =	vst v63  }
0x161: {  	_ =	swait.ge [sflag:s15], $0x400  }
0x162: {  	[sflag:s15] =	ssyncset.done $0x0  }
0x163: {  	s19 =	sadd.s32 $0x0, s12;
	[sflag:s15] =	ssyncadd.s32 $0xFFFFFC00  }
0x164: {  	[tilespmem:s16], [sflag:$0x3] =	stream.linear.gather [hbm4b:s19+s3], $0x400, $0x38;
	[tilespmem:$0x1F400] =	vst v63  }
0x165: {  	_ =	swait.ge [sflag:s15], $0x400  }
0x166: {  	[sflag:s15] =	ssyncset.done $0x0  }
0x167: {  	[sflag:s15] =	ssyncadd.s32 $0xFFFFFC00  }
0x168: {  	[tilespmem:s18], [sflag:$0x1] =	stream.indirect.gather [hbm4b:s5+s17], $0x80, s3, s17, $0xb8;
	[tilespmem:$0x1F400] =	vst v63  }
0x169: {  	_ = 	snop  }
0x16a: {  	[tilespmem:s20], [sflag:$0x1] =	stream.indirect.gather [hbm4b:s5+s17], $0x80, s21, s17, $0xb8;
	[tilespmem:$0x1F400] =	vst v63  }
0x16b: {  	_ = 	snop  }
0x16c: {  	[tilespmem:s22], [sflag:$0x1] =	stream.indirect.gather [hbm4b:s5+s17], $0x80, s23, s17, $0xb8;
	[tilespmem:$0x1F400] =	vst v63  }
0x16d: {  	s26 =	simm.s32 $0x180  }
0x16e: {  	[tilespmem:s24], [sflag:$0x1] =	stream.indirect.gather [hbm4b:s5+s17], $0x80, s26, s17, $0xb8;
	[tilespmem:$0x1F400] =	vst v63  }
0x16f: {  	_ =	swait.ge [sflag:s25], $0x2C00  }
0x170: {  	[sflag:s25] =	ssyncset.done $0x0  }
0x171: {  	[sflag:s25] =	ssyncadd.s32 $0xFFFFD400  }
0x172: {  	[spmem:s2] =	stream.indirect.scatter.add.f32 [tilespmem:s18], [sflag:$0x2], $0x80, s16, s17, $0xb8;
	[tilespmem:$0x1F400] =	vst v63  }
0x173: {  	_ =	swait.ge [sflag:s25], $0x2C00  }
0x174: {  	[sflag:s25] =	ssyncset.done $0x0  }
0x175: {  	s28 =	simm.s32 $0x480;
	[sflag:s25] =	ssyncadd.s32 $0xFFFFD400  }
0x176: {  	[spmem:s2] =	stream.indirect.scatter.add.f32 [tilespmem:s20], [sflag:$0x2], $0x80, s28, s17, $0xb8;
	[tilespmem:$0x1F400] =	vst v63  }
0x177: {  	_ =	swait.ge [sflag:s25], $0x2C00  }
0x178: {  	[sflag:s25] =	ssyncset.done $0x0  }
0x179: {  	s29 =	simm.s32 $0x500;
	[sflag:s25] =	ssyncadd.s32 $0xFFFFD400  }
0x17a: {  	[spmem:s2] =	stream.indirect.scatter.add.f32 [tilespmem:s22], [sflag:$0x2], $0x80, s29, s17, $0xb8;
	[tilespmem:$0x1F400] =	vst v63  }
0x17b: {  	_ =	swait.ge [sflag:s25], $0x2C00  }
0x17c: {  	[sflag:s25] =	ssyncset.done $0x0  }
0x17d: {  	s31 =	simm.s32 $0x580;
	[sflag:s25] =	ssyncadd.s32 $0xFFFFD400  }
0x17e: {  	[spmem:s2] =	stream.indirect.scatter.add.f32 [tilespmem:s24], [sflag:$0x2], $0x80, s31, s17, $0xb8;
	[tilespmem:$0x1F400] =	vst v63  }
0x17f: {  	_ =	swait.ge [sflag:s30], $0x2C00  }
0x180: {  	[sflag:s30] =	ssyncset.done $0x0  }
0x181: {  	[sflag:s30] =	ssyncadd.s32 $0xFFFFD400  }
0x182: {  	_ =	swait.ge [sflag:s30], $0x2C00  }
0x183: {  	[sflag:s30] =	ssyncset.done $0x0  }
0x184: {  	[sflag:s30] =	ssyncadd.s32 $0xFFFFD400  }
0x185: {  	_ =	swait.ge [sflag:s30], $0x2C00  }
0x186: {  	[sflag:s30] =	ssyncset.done $0x0  }
0x187: {  	[sflag:s30] =	ssyncadd.s32 $0xFFFFD400  }
0x188: {  	_ =	swait.ge [sflag:s30], $0x2C00  }
0x189: {  	[sflag:s30] =	ssyncset.done $0x0  }
0x18a: {  	s0 =	simm.s32 $0x200;
	[sflag:s30] =	ssyncadd.s32 $0xFFFFD400  }
0x18b: {  	[tilespmem:s18], [sflag:$0x1] =	stream.indirect.gather [hbm4b:s5+s17], $0x80, s0, s17, $0xb8;
	[tilespmem:$0x1F400] =	vst v63  }
0x18c: {  	s1 =	simm.s32 $0x280  }
0x18d: {  	[tilespmem:s20], [sflag:$0x1] =	stream.indirect.gather [hbm4b:s5+s17], $0x80, s1, s17, $0xb8;
	[tilespmem:$0x1F400] =	vst v63  }
0x18e: {  	s7 =	simm.s32 $0x300  }
0x18f: {  	[tilespmem:s22], [sflag:$0x1] =	stream.indirect.gather [hbm4b:s5+s17], $0x80, s7, s17, $0xb8;
	[tilespmem:$0x1F400] =	vst v63  }
0x190: {  	s8 =	simm.s32 $0x380  }
0x191: {  	[tilespmem:s24], [sflag:$0x1] =	stream.indirect.gather [hbm4b:s5+s17], $0x80, s8, s17, $0xb8;
	[tilespmem:$0x1F400] =	vst v63  }
0x192: {  	_ =	swait.ge [sflag:s25], $0x2C00  }
0x193: {  	[sflag:s25] =	ssyncset.done $0x0  }
0x194: {  	s6 =	simm.s32 $0x600;
	[sflag:s25] =	ssyncadd.s32 $0xFFFFD400  }
0x195: {  	[spmem:s2] =	stream.indirect.scatter.add.f32 [tilespmem:s18], [sflag:$0x2], $0x80, s6, s17, $0xb8;
	[tilespmem:$0x1F400] =	vst v63  }
0x196: {  	_ =	swait.ge [sflag:s25], $0x2C00  }
0x197: {  	[sflag:s25] =	ssyncset.done $0x0  }
0x198: {  	s10 =	simm.s32 $0x680;
	[sflag:s25] =	ssyncadd.s32 $0xFFFFD400  }
0x199: {  	[spmem:s2] =	stream.indirect.scatter.add.f32 [tilespmem:s20], [sflag:$0x2], $0x80, s10, s17, $0xb8;
	[tilespmem:$0x1F400] =	vst v63  }
0x19a: {  	_ =	swait.ge [sflag:s25], $0x2C00  }
0x19b: {  	[sflag:s25] =	ssyncset.done $0x0  }
0x19c: {  	s11 =	simm.s32 $0x700;
	[sflag:s25] =	ssyncadd.s32 $0xFFFFD400  }
0x19d: {  	[spmem:s2] =	stream.indirect.scatter.add.f32 [tilespmem:s22], [sflag:$0x2], $0x80, s11, s17, $0xb8;
	[tilespmem:$0x1F400] =	vst v63  }
0x19e: {  	_ =	swait.ge [sflag:s25], $0x2C00  }
0x19f: {  	[sflag:s25] =	ssyncset.done $0x0  }
0x1a0: {  	s23 =	simm.s32 $0x780;
	[sflag:s25] =	ssyncadd.s32 $0xFFFFD400  }
0x1a1: {  	[spmem:s2] =	stream.indirect.scatter.add.f32 [tilespmem:s24], [sflag:$0x2], $0x80, s23, s17, $0xb8;
	[tilespmem:$0x1F400] =	vst v63  }
0x1a2: {  	_ =	swait.ge [sflag:s30], $0x2C00  }
0x1a3: {  	[sflag:s30] =	ssyncset.done $0x0  }
0x1a4: {  	[sflag:s30] =	ssyncadd.s32 $0xFFFFD400  }
0x1a5: {  	_ =	swait.ge [sflag:s30], $0x2C00  }
0x1a6: {  	[sflag:s30] =	ssyncset.done $0x0  }
0x1a7: {  	[sflag:s30] =	ssyncadd.s32 $0xFFFFD400  }
0x1a8: {  	_ =	swait.ge [sflag:s30], $0x2C00  }
0x1a9: {  	[sflag:s30] =	ssyncset.done $0x0  }
0x1aa: {  	[sflag:s30] =	ssyncadd.s32 $0xFFFFD400  }
0x1ab: {  	_ =	swait.ge [sflag:s30], $0x2C00  }
0x1ac: {  	s14 =	simm.s32 $0x80;
	s19 =	simm.s32 $0x100;
	[sflag:s30] =	ssyncset.done $0x0  }
.LBB2_6:
0x1ad: {  	s21 =	sadd.s32 s14, s13  }
0x1ae: {  	[sflag:s30] =	ssyncadd.s32 $0xFFFFD400;
	s23 =	smov.u32 s19;
	s9 =	sadd.s32 $0x80, s19  }
0x1af: {  	[tilespmem:s3], [sflag:$0x3] =	stream.linear.gather [hbm4b:s21+s3], $0x400, $0x38;
	[tilespmem:$0x1F400] =	vst v63  }
0x1b0: {  	s21 =	simm.s32 $0x80  }
0x1b1: {  	p1 =	sne.s32 s19, $0xE00;
	_ =	swait.ge [sflag:s15], $0x400  }
0x1b2: {  	s19 =	sadd.s32 s14, s12;
	[sflag:s15] =	ssyncset.done $0x0  }
0x1b3: {  	s14 =	smov.u32 s23;
	s23 =	simm.s32 $0x100;
	[sflag:s15] =	ssyncadd.s32 $0xFFFFFC00  }
0x1b4: {  	[tilespmem:s16], [sflag:$0x3] =	stream.linear.gather [hbm4b:s19+s3], $0x400, $0x38;
	[tilespmem:$0x1F400] =	vst v63  }
0x1b5: {  	_ =	swait.ge [sflag:s15], $0x400  }
0x1b6: {  	[sflag:s15] =	ssyncset.done $0x0  }
0x1b7: {  	[sflag:s15] =	ssyncadd.s32 $0xFFFFFC00  }
0x1b8: {  	[tilespmem:s18], [sflag:$0x1] =	stream.indirect.gather [hbm4b:s5+s17], $0x80, s3, s17, $0xb8;
	[tilespmem:$0x1F400] =	vst v63  }
0x1b9: {  	_ = 	snop  }
0x1ba: {  	[tilespmem:s20], [sflag:$0x1] =	stream.indirect.gather [hbm4b:s5+s17], $0x80, s21, s17, $0xb8;
	[tilespmem:$0x1F400] =	vst v63  }
0x1bb: {  	_ = 	snop  }
0x1bc: {  	[tilespmem:s22], [sflag:$0x1] =	stream.indirect.gather [hbm4b:s5+s17], $0x80, s23, s17, $0xb8;
	[tilespmem:$0x1F400] =	vst v63  }
0x1bd: {  	_ = 	snop  }
0x1be: {  	[tilespmem:s24], [sflag:$0x1] =	stream.indirect.gather [hbm4b:s5+s17], $0x80, s26, s17, $0xb8;
	[tilespmem:$0x1F400] =	vst v63  }
0x1bf: {  	_ =	swait.ge [sflag:s25], $0x2C00  }
0x1c0: {  	[sflag:s25] =	ssyncset.done $0x0  }
0x1c1: {  	[sflag:s25] =	ssyncadd.s32 $0xFFFFD400  }
0x1c2: {  	[spmem:s2] =	stream.indirect.scatter.add.f32 [tilespmem:s18], [sflag:$0x2], $0x80, s16, s17, $0xb8;
	[tilespmem:$0x1F400] =	vst v63  }
0x1c3: {  	_ =	swait.ge [sflag:s25], $0x2C00  }
0x1c4: {  	[sflag:s25] =	ssyncset.done $0x0  }
0x1c5: {  	[sflag:s25] =	ssyncadd.s32 $0xFFFFD400  }
0x1c6: {  	[spmem:s2] =	stream.indirect.scatter.add.f32 [tilespmem:s20], [sflag:$0x2], $0x80, s28, s17, $0xb8;
	[tilespmem:$0x1F400] =	vst v63  }
0x1c7: {  	_ =	swait.ge [sflag:s25], $0x2C00  }
0x1c8: {  	[sflag:s25] =	ssyncset.done $0x0  }
0x1c9: {  	[sflag:s25] =	ssyncadd.s32 $0xFFFFD400  }
0x1ca: {  	[spmem:s2] =	stream.indirect.scatter.add.f32 [tilespmem:s22], [sflag:$0x2], $0x80, s29, s17, $0xb8;
	[tilespmem:$0x1F400] =	vst v63  }
0x1cb: {  	_ =	swait.ge [sflag:s25], $0x2C00  }
0x1cc: {  	[sflag:s25] =	ssyncset.done $0x0  }
0x1cd: {  	[sflag:s25] =	ssyncadd.s32 $0xFFFFD400  }
0x1ce: {  	[spmem:s2] =	stream.indirect.scatter.add.f32 [tilespmem:s24], [sflag:$0x2], $0x80, s31, s17, $0xb8;
	[tilespmem:$0x1F400] =	vst v63  }
0x1cf: {  	_ =	swait.ge [sflag:s30], $0x2C00  }
0x1d0: {  	[sflag:s30] =	ssyncset.done $0x0  }
0x1d1: {  	[sflag:s30] =	ssyncadd.s32 $0xFFFFD400  }
0x1d2: {  	_ =	swait.ge [sflag:s30], $0x2C00  }
0x1d3: {  	[sflag:s30] =	ssyncset.done $0x0  }
0x1d4: {  	[sflag:s30] =	ssyncadd.s32 $0xFFFFD400  }
0x1d5: {  	_ =	swait.ge [sflag:s30], $0x2C00  }
0x1d6: {  	[sflag:s30] =	ssyncset.done $0x0  }
0x1d7: {  	[sflag:s30] =	ssyncadd.s32 $0xFFFFD400  }
0x1d8: {  	_ =	swait.ge [sflag:s30], $0x2C00  }
0x1d9: {  	[sflag:s30] =	ssyncset.done $0x0  }
0x1da: {  	[sflag:s30] =	ssyncadd.s32 $0xFFFFD400  }
0x1db: {  	[tilespmem:s18], [sflag:$0x1] =	stream.indirect.gather [hbm4b:s5+s17], $0x80, s0, s17, $0xb8;
	[tilespmem:$0x1F400] =	vst v63  }
0x1dc: {  	_ = 	snop  }
0x1dd: {  	[tilespmem:s20], [sflag:$0x1] =	stream.indirect.gather [hbm4b:s5+s17], $0x80, s1, s17, $0xb8;
	[tilespmem:$0x1F400] =	vst v63  }
0x1de: {  	_ = 	snop  }
0x1df: {  	[tilespmem:s22], [sflag:$0x1] =	stream.indirect.gather [hbm4b:s5+s17], $0x80, s7, s17, $0xb8;
	[tilespmem:$0x1F400] =	vst v63  }
0x1e0: {  	_ = 	snop  }
0x1e1: {  	[tilespmem:s24], [sflag:$0x1] =	stream.indirect.gather [hbm4b:s5+s17], $0x80, s8, s17, $0xb8;
	[tilespmem:$0x1F400] =	vst v63  }
0x1e2: {  	_ =	swait.ge [sflag:s25], $0x2C00  }
0x1e3: {  	[sflag:s25] =	ssyncset.done $0x0  }
0x1e4: {  	[sflag:s25] =	ssyncadd.s32 $0xFFFFD400  }
0x1e5: {  	[spmem:s2] =	stream.indirect.scatter.add.f32 [tilespmem:s18], [sflag:$0x2], $0x80, s6, s17, $0xb8;
	[tilespmem:$0x1F400] =	vst v63  }
0x1e6: {  	_ =	swait.ge [sflag:s25], $0x2C00  }
0x1e7: {  	[sflag:s25] =	ssyncset.done $0x0  }
0x1e8: {  	[sflag:s25] =	ssyncadd.s32 $0xFFFFD400  }
0x1e9: {  	[spmem:s2] =	stream.indirect.scatter.add.f32 [tilespmem:s20], [sflag:$0x2], $0x80, s10, s17, $0xb8;
	[tilespmem:$0x1F400] =	vst v63  }
0x1ea: {  	_ =	swait.ge [sflag:s25], $0x2C00  }
0x1eb: {  	[sflag:s25] =	ssyncset.done $0x0  }
0x1ec: {  	[sflag:s25] =	ssyncadd.s32 $0xFFFFD400  }
0x1ed: {  	[spmem:s2] =	stream.indirect.scatter.add.f32 [tilespmem:s22], [sflag:$0x2], $0x80, s11, s17, $0xb8;
	[tilespmem:$0x1F400] =	vst v63  }
0x1ee: {  	_ =	swait.ge [sflag:s25], $0x2C00  }
0x1ef: {  	[sflag:s25] =	ssyncset.done $0x0  }
0x1f0: {  	s19 =	simm.s32 $0x780;
	[sflag:s25] =	ssyncadd.s32 $0xFFFFD400  }
0x1f1: {  	[spmem:s2] =	stream.indirect.scatter.add.f32 [tilespmem:s24], [sflag:$0x2], $0x80, s19, s17, $0xb8;
	[tilespmem:$0x1F400] =	vst v63  }
0x1f2: {  	_ =	swait.ge [sflag:s30], $0x2C00  }
0x1f3: {  	[sflag:s30] =	ssyncset.done $0x0  }
0x1f4: {  	[sflag:s30] =	ssyncadd.s32 $0xFFFFD400  }
0x1f5: {  	_ =	swait.ge [sflag:s30], $0x2C00  }
0x1f6: {  	[sflag:s30] =	ssyncset.done $0x0  }
0x1f7: {  	[sflag:s30] =	ssyncadd.s32 $0xFFFFD400  }
.Ltmp5:
0x1f8: {  	_ =	swait.ge [sflag:s30], $0x2C00;
	(pc) =	sbr.rel @p1 .LBB2_6-.Ltmp5, $4  }
0x1f9: {  	[sflag:s30] =	ssyncset.done $0x0  }
0x1fa: {  	[sflag:s30] =	ssyncadd.s32 $0xFFFFD400  }
0x1fb: {  	_ =	swait.ge [sflag:s30], $0x2C00  }
0x1fc: {  	s19 =	smov.u32 s9;
	[sflag:s30] =	ssyncset.done $0x0  }
.Ltmp6:
0x1fd: {  	_ = 	snop;
	(pc) =	sbr.rel .LBB2_7-.Ltmp6, $1  }
0x1fe: {  	_ =	sdelay $0x3  }
.LBB2_9:
0x1ff: {  	_ =	sfence.sel $0x180000  }
0x200: {  	[bflag:$0x0] =	sbarrier.arrive $0xFFFF  }
0x201: {  	_ =	strace $0x9000004D  }
0x202: {  	s0 =	stileid.u32;
	[bflag:$0x2] =	sbarrier.arrive $0xFFFF  }
0x203: {  	p0 =	sne.s32 s0, $0x0;
	s0 =	rddreg [dreg:$0x2]  }
0x204: {  	s0 =	sadd.s32 @!p0 $0x100000, s0  }
0x205: {  	[sflag:s0] =	ssyncadd.tile.s32 @!p0 $0x1;
	_ =	shalt  }
.Lfunc_end2:
_tile_overlayer_lowered:
.L_overlay_start_2:
0x206: {  	(tag) =	ssettag $0x2  }
0x207: {  	s0 =	rddreg [dreg:$0x0];
	s2 =	stileid.u32  }
0x208: {  	s1 =	rddreg [dreg:$0x1];
	p0 =	sne.s32 s2, $0x0  }
0x209: {  	s3 =	rddreg [dreg:$0x2];
	[bflag:$0x3] =	sbarrier.arrive $0xFFFF;
	s2 =	simm.s32 @!p0 $0x1C03  }
0x20a: {  	[timem:s3], [sflag:s2] =	dma.local @!p0 [hbm:s0], s1  }
0x20b: {  	s0 =	simm.s32 @!p0 $0x3  }
0x20c: {  	_ =	swait.ge @!p0 [sflag:s0], s1  }
0x20d: {  	s1 =	ssub.s32 @!p0 $0x0, s1;
	[sflag:s0] =	ssyncset.done @!p0 $0x0  }
0x20e: {  	[sflag:s0] =	ssyncadd.s32 @!p0 s1  }
0x20f: {  	[bflag:$0x3] =	sbarrier.arrive $0xFFFF  }
0x210: {  	_ =	shalt  }

// kernel: kernel.19.cloned.1.call-start
scs
__scs_entry_jumppad:
0x0: {  	(pc) =	sbr.rel $0x88, $3  }
0x1: {  	(tag) =	ssettag $0x0;
	lr =	simm.s32 $0x1  }
0x2: {  	[smem:$0x3F8F] =	sst lr;
	_ =	strace $0xD0000000  }
0x3: {  	_ = 	snop  }
0x4: {  	_ = 	snop  }
0x5: {  	_ = 	snop  }
0x6: {  	_ = 	snop  }
0x7: {  	_ = 	snop  }
__scs_overlays_trampoline_lowered:
0x8: {  	[smem:$0x3F9E] =	sst s0  }
0x9: {  	[smem:$0x3F9F] =	sst s1  }
0xa: {  	[smem:$0x3FA0] =	sst s2  }
0xb: {  	[smem:$0x3FA1] =	sst s3  }
0xc: {  	[smem:$0x3FA2] =	sst s4  }
0xd: {  	[smem:$0x3FA3] =	sst s5  }
0xe: {  	[smem:$0x3FA4] =	sst s6  }
0xf: {  	[smem:$0x3FA5] =	sst s7  }
0x10: {  	[smem:$0x3FA6] =	sst s8  }
0x11: {  	[smem:$0x3FA7] =	sst s9;
	s0 =	simm.s32 @!p0 $0x0  }
0x12: {  	s1 =	sld [smem:$0x3F8D];
	s0 =	simm.s32 @p0 $0x1  }
0x13: {  	[smem:$0x3FA8] =	sst s0;
	s0 =	simm.s32 @!p1 $0x0  }
0x14: {  	s2 =	sld [smem:$0x3F8C];
	s0 =	simm.s32 @p1 $0x1  }
0x15: {  	[smem:$0x3FA9] =	sst s0;
	s0 =	simm.s32 @!p2 $0x0  }
0x16: {  	s3 =	sld [smem:$0x3FDB];
	s0 =	simm.s32 @p2 $0x1  }
0x17: {  	s4 =	simm.s32 $0x1BF5;
	[smem:$0x3FAB] =	sst s0  }
0x18: {  	s0 =	sld [smem:$0x3F8E];
	_ =	swait.ge [sflag:s4], $0x0  }
0x19: {  	s7 =	sld [smem:$0x3F8F]  }
0x1a: {  	s8 =	sadd.s32 $0xFFFFE003, lr  }
0x1b: {  	s9 =	sadd.s32 $0xFFFFFEF7, lr;
	s5 =	simm.s32 $0xFFFFFFFF;
	p2 =	slt.u32 s8, $0xFFFFF086  }
0x1c: {  	p1 =	slt.u32 s9, $0xF7A;
	s5 =	simm.s32 @!p2 $0x0  }
0x1d: {  	s5 =	simm.s32 @p1 $0x1;
	p0 =	seq.s32 s7, s2  }
0x1e: {  	s7 =	smul.u32 @!p0 $0xF7A, s2;
	p2 =	seq.s32 @!p0 s5, $0x0  }
0x1f: {  	s9 =	smul.u32 $0xF7A, s1;
	s8 =	simm.s32 @!p0 $0x1BF5;
	p2 =	por !p2, p0  }
0x20: {  	[sflag:s8] =	ssyncset.s32 @!p0 $0xFFFFF086;
	s6 =	sadd.s32 @!p0 s3, s7;
	s7 =	simm.s32 @!p0 $0x108  }
0x21: {  	s3 =	sadd.s32 s3, s9;
	s6 =	sadd.s32 @!p0 $0x88, s6;
	s7 =	simm.s32 @p2 $0x1082  }
0x22: {  	[simem:s7], [sflag:s8] =	dma.local @!p0 [hbm:s6], $0xF7A  }
0x23: {  	s9 =	sor.u32 $0xD0000000, s2;
	s6 =	simm.s32 $0x108;
	_ =	swait.ge @!p0 [sflag:s8], $0x0  }
0x24: {  	s3 =	sadd.s32 $0x88, s3;
	s6 =	simm.s32 @!p1 $0x1082;
	[sflag:s4] =	ssyncset.s32 $0xFFFFF086  }
0x25: {  	[simem:s6], [sflag:s4] =	dma.local [hbm:s3], $0xF7A  }
0x26: {  	[smem:$0x3F8F] =	sst s1;
	(tag) =	ssettag s2;
	_ =	strace s9  }
0x27: {  	s1 =	sld [smem:$0x3F9F]  }
0x28: {  	s2 =	sld [smem:$0x3FA0]  }
0x29: {  	s4 =	sld [smem:$0x3FA2]  }
0x2a: {  	p0 =	seq.s32 s5, $0x0;
	s5 =	sld [smem:$0x3FA3]  }
0x2b: {  	s6 =	sld [smem:$0x3FA4]  }
0x2c: {  	s7 =	sld [smem:$0x3FA5]  }
0x2d: {  	s3 =	simm.s32 $0x108;
	s8 =	sld [smem:$0x3FA6]  }
0x2e: {  	s3 =	simm.s32 @!p0 $0x1082;
	s9 =	sld [smem:$0x3FA7]  }
0x2f: {  	lr =	sadd.s32 s0, s3;
	s0 =	sld [smem:$0x3F9E]  }
0x30: {  	s3 =	sld [smem:$0x3FA1]  }
0x31: {  	[smem:$0x3FAA] =	sst s10  }
0x32: {  	s10 =	sld [smem:$0x3FA8];
	_ =	sdelay $0x3  }
0x33: {  	p0 =	seq.s32 s10, $0x1;
	s10 =	sld [smem:$0x3FAA];
	_ =	sdelay $0x3  }
0x34: {  	[smem:$0x3FAA] =	sst s10  }
0x35: {  	s10 =	sld [smem:$0x3FA9];
	_ =	sdelay $0x3  }
0x36: {  	p1 =	seq.s32 s10, $0x1;
	s10 =	sld [smem:$0x3FAA];
	_ =	sdelay $0x3  }
0x37: {  	[smem:$0x3FAA] =	sst s10  }
0x38: {  	s10 =	sld [smem:$0x3FAB]  }
0x39: {  	_ = 	snop;
	(pc) =	sbr.ind lr, $3  }
0x3a: {  	_ = 	snop  }
0x3b: {  	_ = 	snop  }
0x3c: {  	p2 =	seq.s32 s10, $0x1;
	s10 =	sld [smem:$0x3FAA]  }
0x3d: {  	_ =	shalt  }
0x3e: {  	_ =	shalt  }
0x3f: {  	_ =	shalt  }
0x40: {  	_ =	shalt  }
0x41: {  	_ =	shalt  }
0x42: {  	_ =	shalt  }
0x43: {  	_ =	shalt  }
0x44: {  	_ =	shalt  }
0x45: {  	_ =	shalt  }
0x46: {  	_ =	shalt  }
0x47: {  	_ =	shalt  }
0x48: {  	_ =	shalt  }
0x49: {  	_ =	shalt  }
0x4a: {  	_ =	shalt  }
0x4b: {  	_ =	shalt  }
0x4c: {  	_ =	shalt  }
0x4d: {  	_ =	shalt  }
0x4e: {  	_ =	shalt  }
0x4f: {  	_ =	shalt  }
0x50: {  	_ =	shalt  }
0x51: {  	_ =	shalt  }
0x52: {  	_ =	shalt  }
0x53: {  	_ =	shalt  }
0x54: {  	_ =	shalt  }
0x55: {  	_ =	shalt  }
0x56: {  	_ =	shalt  }
0x57: {  	_ =	shalt  }
0x58: {  	_ =	shalt  }
0x59: {  	_ =	shalt  }
0x5a: {  	_ =	shalt  }
0x5b: {  	_ =	shalt  }
0x5c: {  	_ =	shalt  }
0x5d: {  	_ =	shalt  }
0x5e: {  	_ =	shalt  }
0x5f: {  	_ =	shalt  }
0x60: {  	_ =	shalt  }
0x61: {  	_ =	shalt  }
0x62: {  	_ =	shalt  }
0x63: {  	_ =	shalt  }
0x64: {  	_ =	shalt  }
0x65: {  	_ =	shalt  }
0x66: {  	_ =	shalt  }
0x67: {  	_ =	shalt  }
0x68: {  	_ =	shalt  }
0x69: {  	_ =	shalt  }
0x6a: {  	_ =	shalt  }
0x6b: {  	_ =	shalt  }
0x6c: {  	_ =	shalt  }
0x6d: {  	_ =	shalt  }
0x6e: {  	_ =	shalt  }
0x6f: {  	_ =	shalt  }
0x70: {  	_ =	shalt  }
0x71: {  	_ =	shalt  }
0x72: {  	_ =	shalt  }
0x73: {  	_ =	shalt  }
0x74: {  	_ =	shalt  }
0x75: {  	_ =	shalt  }
0x76: {  	_ =	shalt  }
0x77: {  	_ =	shalt  }
0x78: {  	_ =	shalt  }
0x79: {  	_ =	shalt  }
0x7a: {  	_ =	shalt  }
0x7b: {  	_ =	shalt  }
0x7c: {  	_ =	shalt  }
0x7d: {  	_ =	shalt  }
0x7e: {  	_ =	shalt  }
0x7f: {  	_ =	shalt  }
0x80: {  	_ =	shalt  }
0x81: {  	_ =	shalt  }
0x82: {  	_ =	shalt  }
0x83: {  	_ =	shalt  }
0x84: {  	_ =	shalt  }
0x85: {  	_ =	shalt  }
0x86: {  	_ =	shalt  }
0x87: {  	_ =	shalt  }
.Lfunc_end0:
.L_simem_size_0:
called_computation.3_lowered:
.L_overlay_start_0:
0x88: {  	s2 =	sld [smem:$0x3FD9]  }
0x89: {  	s3 =	sld [smem:$0x3FFE];
	_ =	sdelay $0x1  }
0x8a: {  	s1 =	srdreg.scid  }
0x8b: {  	s0 =	sand.u32 $0x1, s1  }
0x8c: {  	s16 =	sshll.u32 s0, $0xA;
	s2 =	sadd.s32 s3, s2  }
0x8d: {  	s2 =	sadd.s32 s2, s16  }
0x8e: {  	[smem:$0x3FB6] =	sst s2  }
0x8f: {  	_ = 	snop  }
0x90: {  	(tm) =	ssettm $0x1  }
0x91: {  	s17 =	sld [smem:$0x3FFB];
	_ =	sdelay $0x3  }
0x92: {  	_ =	strace s17  }
0x93: {  	s2 =	sld [smem:$0x3FFC];
	_ =	sdelay $0x3  }
0x94: {  	_ =	strace s2  }
0x95: {  	s2 =	sld [smem:$0x3FFD];
	_ =	sdelay $0x3  }
0x96: {  	_ =	strace s2  }
0x97: {  	_ =	strace $0x8FFFFFFF  }
0x98: {  	s18 =	sld [smem:$0x3FDB];
	_ =	sdelay $0x1  }
0x99: {  	s19 =	simm.s32 $_scs_section_size  }
0x9a: {  	s4 =	simm.s32 $_size__tile_overlayer_lowered;
	s5 =	simm.s32 $_tile_overlayer_lowered  }
0x9b: {  	s22 =	simm.s32 $0x1BFF;
	s21 =	sshll.u32 s5, $0x1;
	s2 =	sadd.s32 s19, s18  }
0x9c: {  	s6 =	simm.s32 $0x0;
	s20 =	sshll.u32 s4, $0x1;
	s4 =	sadd.s32 s21, s2  }
0x9d: {  	[timem:s6], [sflag:s22] =	dma.local [hbm:s4], s20  }
0x9e: {  	_ =	swait.ge [sflag:s22], s20  }
0x9f: {  	s3 =	ssub.s32 $0x0, s20;
	[sflag:s22] =	ssyncset.done $0x0  }
0xa0: {  	[sflag:s22] =	ssyncadd.s32 s3;
	_ =	sdelay $0x1  }
0xa1: {  	s23 =	simm.s32 $0x1B8B  }
0xa2: {  	_ =	swait.ge [sflag:s23], $0x1  }
0xa3: {  	[sflag:s23] =	ssyncset.done $0x0  }
0xa4: {  	s25 =	simm.s32 $0x1B8E;
	s24 =	sld [smem:$0x3FFE];
	[sflag:s23] =	ssyncadd.s32 $0xFFFFFFFF  }
0xa5: {  	s26 =	simm.s32 $execute0_lowered;
	[smem:$0x3FD2] =	sst s25  }
0xa6: {  	s4 =	sshll.u32 s26, $0x1;
	_ =	strace $0x8000004F;
	[dreg:$0x1] =	wrdreg $0xFFFFFFFF  }
0xa7: {  	s28 =	simm.s32 $_size_execute0_lowered;
	s2 =	sadd.s32 s2, s4;
	[dreg:$0x0] =	wrdreg $0x0  }
0xa8: {  	s4 =	sshll.u32 s28, $0x1;
	[dreg:$0x2] =	wrdreg s2  }
0xa9: {  	[dreg:$0x3] =	wrdreg s4  }
0xaa: {  	[dreg:$0x4] =	wrdreg $0xC0  }
0xab: {  	_ =	task [dreg:s6], $0x5FFFF  }
0xac: {  	[dreg:$0x1] =	wrdreg $0xFFFFFFFF  }
0xad: {  	[dreg:$0x0] =	wrdreg $0x60  }
0xae: {  	[dreg:$0x2] =	wrdreg s24  }
0xaf: {  	[dreg:$0x3] =	wrdreg $0xB8000  }
0xb0: {  	[dreg:$0x4] =	wrdreg $0x9  }
0xb1: {  	_ =	task.clear_ibuf [dreg:s6], $0x5FFFF;
	_ =	strace $0x9000004F  }
0xb2: {  	s29 =	simm.s32 $0x9;
	_ =	strace $0x80000051  }
0xb3: {  	_ =	swait.ge [sflag:s29], $0x1  }
0xb4: {  	[sflag:s29] =	ssyncadd.s32 $0xFFFFFFFF  }
0xb5: {  	_ =	strace $0x90000051  }
0xb6: {  	_ =	sfence  }
0xb7: {  	s30 =	sld [smem:$0x0];
	_ =	sdelay $0x2  }
0xb8: {  	s31 =	sshll.u32 s1, $0xD;
	s1 =	sshrl.u32 s1, $0x2  }
0xb9: {  	s3 =	sand.u32 $0x4000, s31;
	s1 =	sadd.s32 s1, s30  }
0xba: {  	s0 =	sor.u32 s3, s0;
	s1 =	sshll.u32 s1, $0x11  }
0xbb: {  	s0 =	sor.u32 s1, s0  }
0xbc: {  	s0 =	sadd.s32 $0x8F2B, s0  }
0xbd: {  	[sflag:s0] =	ssyncadd.remote.s32 $0x1  }
0xbe: {  	_ =	sfence.sel $0xFFFF  }
0xbf: {  	[dreg:$0x0] =	wrdreg $0xFFFFFFFF;
	(pc) =	sbr.abs _section_cstart, $3  }
0xc0: {  	[dreg:$0x1] =	wrdreg $0xFFFFFFFF  }
0xc1: {  	_ =	task.clear_ibuf [dreg:s6], $0x2FFFF;
	_ =	strace $0x9FFFFFFF  }
0xc2: {  	(tm) =	ssettm $0x7FFFFFFF  }
0xc3: {  	_ =	shalt  }
tec
execute0_lowered:
.L_overlay_start_1:
0x0: {  	(tag) =	ssettag $0x1  }
0x1: {  	s0 =	srdreg.scid;
	s1 =	rddreg [dreg:$0x0]  }
0x2: {  	s9 =	stileid.u32;
	s2 =	rddreg [dreg:$0x1];
	s3 =	simm.s32 $0x0  }
0x3: {  	s11 =	simm.s32 $0x3;
	s12 =	simm.s32 $0x400;
	s13 =	simm.s32 $0x58  }
0x4: {  	s14 =	simm.s32 $0x800;
	s16 =	simm.s32 $0x3400;
	s17 =	simm.s32 $0x100  }
0x5: {  	s18 =	simm.s32 $0x6000;
	s19 =	simm.s32 $0x180;
	s20 =	simm.s32 $0x8C00  }
0x6: {  	s21 =	simm.s32 $0x1;
	s28 =	simm.s32 $0x280;
	s29 =	simm.s32 $0x300  }
0x7: {  	s30 =	simm.s32 $0x380;
	s31 =	simm.s32 $0x600;
	s5 =	smul.u32 $0x3C00, s9  }
0x8: {  	s0 =	sand.u32 $0x1, s0;
	[smem:$0x7FF] =	sst s3;
	s8 =	smul.u32 $0x4F000, s9  }
0x9: {  	s10 =	sadd.s32 $0x4D200, s1;
	s24 =	sshll.u32 s9, $0x6;
	s9 =	smul.u32 $0x2780, s9  }
0xa: {  	s4 =	smul.u32 $0x3C000, s0;
	_ =	strace $0x80000050;
	s22 =	ssub.s32 $0x2, s0  }
0xb: {  	[dreg:$0x4] =	wrdreg s10;
	p0 =	seq.s32 s0, $0x1;
	s0 =	simm.s32 $0xC7A00  }
0xc: {  	s10 =	simm.s32 $0x0;
	s7 =	sshrl.u32 s22, $0x1;
	s23 =	sshrl.u32 s8, $0x2  }
0xd: {  	s0 =	simm.s32 @!p0 $0x9FA00;
	s8 =	sor.u32 $0x1C03, s24;
	s24 =	simm.s32 $0x580  }
0xe: {  	s4 =	sadd.s32 s5, s4;
	s5 =	ssub.s32 s22, s7;
	s7 =	sadd.s32 s23, s2  }
0xf: {  	s0 =	sadd.s32 s0, s1;
	s22 =	simm.s32 $0x480;
	s23 =	simm.s32 $0x500  }
0x10: {  	[dreg:$0x5] =	wrdreg s8;
	s4 =	sshrl.u32 s4, $0x3;
	s25 =	smax.u32 s5, $0x1  }
0x11: {  	s0 =	sadd.s32 s0, s9;
	s7 =	sshrl.u32 s7, $0x3;
	s5 =	simm.s32 $0x780  }
0x12: {  	s6 =	sadd.s32 s4, s1;
	s4 =	sadd.s32 $0x4FA00, s1;
	[dreg:$0x6] =	wrdreg s25  }
0x13: {  	[dreg:$0x7] =	wrdreg s0;
	s25 =	simm.s32 $0x2;
	s1 =	simm.s32 $0x680  }
0x14: {  	s0 =	simm.s32 $0x700;
	[dreg:$0x8] =	wrdreg s7;
	s26 =	sadd.s32 $0xFEA00, s6  }
0x15: {  	s9 =	sadd.s32 $0xEFA00, s6;
	[dreg:$0x3] =	wrdreg s26;
	s26 =	simm.s32 $0x200  }
.LBB2_1:
0x16: {  	[dreg:$0x9] =	wrdreg s10  }
0x17: {  	s6 =	rddreg [dreg:$0x4]  }
0x18: {  	[spmem:s7], [sflag:s8] =	dma.local [hbm:s6], $0x2780  }
0x19: {  	_ =	swait.ge [sflag:s11], $0x2780  }
0x1a: {  	[sflag:s11] =	ssyncset.done $0x0  }
0x1b: {  	[sflag:s11] =	ssyncadd.s32 $0xFFFFD880  }
0x1c: {  	s8 =	sadd.s32 $0x0, s9;
	[bflag:$0x0] =	sbarrier.arrive $0xFFFF  }
0x1d: {  	[tilespmem:s3], [sflag:$0x3] =	stream.linear.gather [hbm4b:s8+s3], $0x400, $0x38;
	[tilespmem:$0x1F400] =	vst v63  }
0x1e: {  	_ =	swait.ge [sflag:s11], $0x400  }
0x1f: {  	s10 =	rddreg [dreg:$0x3];
	[sflag:s11] =	ssyncset.done $0x0  }
0x20: {  	[sflag:s11] =	ssyncadd.s32 $0xFFFFFC00;
	s6 =	sadd.s32 $0x0, s10  }
0x21: {  	[tilespmem:s12], [sflag:$0x3] =	stream.linear.gather [hbm4b:s6+s3], $0x400, $0x38;
	[tilespmem:$0x1F400] =	vst v63  }
0x22: {  	_ =	swait.ge [sflag:s11], $0x400  }
0x23: {  	[sflag:s11] =	ssyncset.done $0x0  }
0x24: {  	[sflag:s11] =	ssyncadd.s32 $0xFFFFFC00  }
0x25: {  	[tilespmem:s14], [sflag:$0x1] =	stream.indirect.gather [hbm4b:s4+s13], $0x80, s3, s13, $0xb8;
	[tilespmem:$0x1F400] =	vst v63  }
0x26: {  	s15 =	simm.s32 $0x80  }
0x27: {  	[tilespmem:s16], [sflag:$0x1] =	stream.indirect.gather [hbm4b:s4+s13], $0x80, s15, s13, $0xb8;
	[tilespmem:$0x1F400] =	vst v63  }
0x28: {  	_ = 	snop  }
0x29: {  	[tilespmem:s18], [sflag:$0x1] =	stream.indirect.gather [hbm4b:s4+s13], $0x80, s17, s13, $0xb8;
	[tilespmem:$0x1F400] =	vst v63  }
0x2a: {  	_ = 	snop  }
0x2b: {  	[tilespmem:s20], [sflag:$0x1] =	stream.indirect.gather [hbm4b:s4+s13], $0x80, s19, s13, $0xb8;
	[tilespmem:$0x1F400] =	vst v63  }
0x2c: {  	_ =	swait.ge [sflag:s21], $0x2C00  }
0x2d: {  	[sflag:s21] =	ssyncset.done $0x0  }
0x2e: {  	[sflag:s21] =	ssyncadd.s32 $0xFFFFD400  }
0x2f: {  	[spmem:s2] =	stream.indirect.scatter.add.f32 [tilespmem:s14], [sflag:$0x2], $0x80, s12, s13, $0xb8;
	[tilespmem:$0x1F400] =	vst v63  }
0x30: {  	_ =	swait.ge [sflag:s21], $0x2C00  }
0x31: {  	[sflag:s21] =	ssyncset.done $0x0  }
0x32: {  	[sflag:s21] =	ssyncadd.s32 $0xFFFFD400  }
0x33: {  	[spmem:s2] =	stream.indirect.scatter.add.f32 [tilespmem:s16], [sflag:$0x2], $0x80, s22, s13, $0xb8;
	[tilespmem:$0x1F400] =	vst v63  }
0x34: {  	_ =	swait.ge [sflag:s21], $0x2C00  }
0x35: {  	[sflag:s21] =	ssyncset.done $0x0  }
0x36: {  	[sflag:s21] =	ssyncadd.s32 $0xFFFFD400  }
0x37: {  	[spmem:s2] =	stream.indirect.scatter.add.f32 [tilespmem:s18], [sflag:$0x2], $0x80, s23, s13, $0xb8;
	[tilespmem:$0x1F400] =	vst v63  }
0x38: {  	_ =	swait.ge [sflag:s21], $0x2C00  }
0x39: {  	[sflag:s21] =	ssyncset.done $0x0  }
0x3a: {  	[sflag:s21] =	ssyncadd.s32 $0xFFFFD400  }
0x3b: {  	[spmem:s2] =	stream.indirect.scatter.add.f32 [tilespmem:s20], [sflag:$0x2], $0x80, s24, s13, $0xb8;
	[tilespmem:$0x1F400] =	vst v63  }
0x3c: {  	_ =	swait.ge [sflag:s25], $0x2C00  }
0x3d: {  	[sflag:s25] =	ssyncset.done $0x0  }
0x3e: {  	[sflag:s25] =	ssyncadd.s32 $0xFFFFD400  }
0x3f: {  	_ =	swait.ge [sflag:s25], $0x2C00  }
0x40: {  	[sflag:s25] =	ssyncset.done $0x0  }
0x41: {  	[sflag:s25] =	ssyncadd.s32 $0xFFFFD400  }
0x42: {  	_ =	swait.ge [sflag:s25], $0x2C00  }
0x43: {  	[sflag:s25] =	ssyncset.done $0x0  }
0x44: {  	[sflag:s25] =	ssyncadd.s32 $0xFFFFD400  }
0x45: {  	_ =	swait.ge [sflag:s25], $0x2C00  }
0x46: {  	[sflag:s25] =	ssyncset.done $0x0  }
0x47: {  	[sflag:s25] =	ssyncadd.s32 $0xFFFFD400  }
0x48: {  	[tilespmem:s14], [sflag:$0x1] =	stream.indirect.gather [hbm4b:s4+s13], $0x80, s26, s13, $0xb8;
	[tilespmem:$0x1F400] =	vst v63  }
0x49: {  	_ = 	snop  }
0x4a: {  	[tilespmem:s16], [sflag:$0x1] =	stream.indirect.gather [hbm4b:s4+s13], $0x80, s28, s13, $0xb8;
	[tilespmem:$0x1F400] =	vst v63  }
0x4b: {  	_ = 	snop  }
0x4c: {  	[tilespmem:s18], [sflag:$0x1] =	stream.indirect.gather [hbm4b:s4+s13], $0x80, s29, s13, $0xb8;
	[tilespmem:$0x1F400] =	vst v63  }
0x4d: {  	_ = 	snop  }
0x4e: {  	[tilespmem:s20], [sflag:$0x1] =	stream.indirect.gather [hbm4b:s4+s13], $0x80, s30, s13, $0xb8;
	[tilespmem:$0x1F400] =	vst v63  }
0x4f: {  	_ =	swait.ge [sflag:s21], $0x2C00  }
0x50: {  	[sflag:s21] =	ssyncset.done $0x0  }
0x51: {  	[sflag:s21] =	ssyncadd.s32 $0xFFFFD400  }
0x52: {  	[spmem:s2] =	stream.indirect.scatter.add.f32 [tilespmem:s14], [sflag:$0x2], $0x80, s31, s13, $0xb8;
	[tilespmem:$0x1F400] =	vst v63  }
0x53: {  	_ =	swait.ge [sflag:s21], $0x2C00  }
0x54: {  	[sflag:s21] =	ssyncset.done $0x0  }
0x55: {  	[sflag:s21] =	ssyncadd.s32 $0xFFFFD400  }
0x56: {  	[spmem:s2] =	stream.indirect.scatter.add.f32 [tilespmem:s16], [sflag:$0x2], $0x80, s1, s13, $0xb8;
	[tilespmem:$0x1F400] =	vst v63  }
0x57: {  	_ =	swait.ge [sflag:s21], $0x2C00  }
0x58: {  	[sflag:s21] =	ssyncset.done $0x0  }
0x59: {  	[sflag:s21] =	ssyncadd.s32 $0xFFFFD400  }
0x5a: {  	[spmem:s2] =	stream.indirect.scatter.add.f32 [tilespmem:s18], [sflag:$0x2], $0x80, s0, s13, $0xb8;
	[tilespmem:$0x1F400] =	vst v63  }
0x5b: {  	_ =	swait.ge [sflag:s21], $0x2C00  }
0x5c: {  	[sflag:s21] =	ssyncset.done $0x0  }
0x5d: {  	[sflag:s21] =	ssyncadd.s32 $0xFFFFD400  }
0x5e: {  	[spmem:s2] =	stream.indirect.scatter.add.f32 [tilespmem:s20], [sflag:$0x2], $0x80, s5, s13, $0xb8;
	[tilespmem:$0x1F400] =	vst v63  }
0x5f: {  	_ =	swait.ge [sflag:s25], $0x2C00  }
0x60: {  	[sflag:s25] =	ssyncset.done $0x0  }
0x61: {  	[sflag:s25] =	ssyncadd.s32 $0xFFFFD400  }
0x62: {  	_ =	swait.ge [sflag:s25], $0x2C00  }
0x63: {  	[sflag:s25] =	ssyncset.done $0x0  }
0x64: {  	[sflag:s25] =	ssyncadd.s32 $0xFFFFD400  }
0x65: {  	_ =	swait.ge [sflag:s25], $0x2C00  }
0x66: {  	[sflag:s25] =	ssyncset.done $0x0  }
0x67: {  	[sflag:s25] =	ssyncadd.s32 $0xFFFFD400  }
0x68: {  	_ =	swait.ge [sflag:s25], $0x2C00  }
0x69: {  	s8 =	simm.s32 $0x80;
	s6 =	simm.s32 $0x100;
	[sflag:s25] =	ssyncset.done $0x0  }
.LBB2_2:
0x6a: {  	s7 =	sadd.s32 s8, s9;
	[sflag:s25] =	ssyncadd.s32 $0xFFFFD400  }
0x6b: {  	[tilespmem:s3], [sflag:$0x3] =	stream.linear.gather [hbm4b:s7+s3], $0x400, $0x38;
	[tilespmem:$0x1F400] =	vst v63  }
0x6c: {  	s15 =	smov.u32 s6;
	_ =	swait.ge [sflag:s11], $0x400  }
0x6d: {  	s10 =	sadd.s32 $0x80, s6;
	s7 =	rddreg [dreg:$0x3];
	[sflag:s11] =	ssyncset.done $0x0  }
0x6e: {  	p0 =	sne.s32 s6, $0x700;
	[sflag:s11] =	ssyncadd.s32 $0xFFFFFC00;
	s6 =	sadd.s32 s8, s7  }
0x6f: {  	[tilespmem:s12], [sflag:$0x3] =	stream.linear.gather [hbm4b:s6+s3], $0x400, $0x38;
	[tilespmem:$0x1F400] =	vst v63  }
0x70: {  	_ =	swait.ge [sflag:s11], $0x400  }
0x71: {  	[sflag:s11] =	ssyncset.done $0x0  }
0x72: {  	[sflag:s11] =	ssyncadd.s32 $0xFFFFFC00  }
0x73: {  	[tilespmem:s14], [sflag:$0x1] =	stream.indirect.gather [hbm4b:s4+s13], $0x80, s3, s13, $0xb8;
	[tilespmem:$0x1F400] =	vst v63  }
0x74: {  	s8 =	smov.u32 s15;
	s15 =	simm.s32 $0x80  }
0x75: {  	[tilespmem:s16], [sflag:$0x1] =	stream.indirect.gather [hbm4b:s4+s13], $0x80, s15, s13, $0xb8;
	[tilespmem:$0x1F400] =	vst v63  }
0x76: {  	_ = 	snop  }
0x77: {  	[tilespmem:s18], [sflag:$0x1] =	stream.indirect.gather [hbm4b:s4+s13], $0x80, s17, s13, $0xb8;
	[tilespmem:$0x1F400] =	vst v63  }
0x78: {  	_ = 	snop  }
0x79: {  	[tilespmem:s20], [sflag:$0x1] =	stream.indirect.gather [hbm4b:s4+s13], $0x80, s19, s13, $0xb8;
	[tilespmem:$0x1F400] =	vst v63  }
0x7a: {  	_ =	swait.ge [sflag:s21], $0x2C00  }
0x7b: {  	[sflag:s21] =	ssyncset.done $0x0  }
0x7c: {  	[sflag:s21] =	ssyncadd.s32 $0xFFFFD400  }
0x7d: {  	[spmem:s2] =	stream.indirect.scatter.add.f32 [tilespmem:s14], [sflag:$0x2], $0x80, s12, s13, $0xb8;
	[tilespmem:$0x1F400] =	vst v63  }
0x7e: {  	_ =	swait.ge [sflag:s21], $0x2C00  }
0x7f: {  	[sflag:s21] =	ssyncset.done $0x0  }
0x80: {  	[sflag:s21] =	ssyncadd.s32 $0xFFFFD400  }
0x81: {  	[spmem:s2] =	stream.indirect.scatter.add.f32 [tilespmem:s16], [sflag:$0x2], $0x80, s22, s13, $0xb8;
	[tilespmem:$0x1F400] =	vst v63  }
0x82: {  	_ =	swait.ge [sflag:s21], $0x2C00  }
0x83: {  	[sflag:s21] =	ssyncset.done $0x0  }
0x84: {  	[sflag:s21] =	ssyncadd.s32 $0xFFFFD400  }
0x85: {  	[spmem:s2] =	stream.indirect.scatter.add.f32 [tilespmem:s18], [sflag:$0x2], $0x80, s23, s13, $0xb8;
	[tilespmem:$0x1F400] =	vst v63  }
0x86: {  	_ =	swait.ge [sflag:s21], $0x2C00  }
0x87: {  	[sflag:s21] =	ssyncset.done $0x0  }
0x88: {  	[sflag:s21] =	ssyncadd.s32 $0xFFFFD400  }
0x89: {  	[spmem:s2] =	stream.indirect.scatter.add.f32 [tilespmem:s20], [sflag:$0x2], $0x80, s24, s13, $0xb8;
	[tilespmem:$0x1F400] =	vst v63  }
0x8a: {  	_ =	swait.ge [sflag:s25], $0x2C00  }
0x8b: {  	[sflag:s25] =	ssyncset.done $0x0  }
0x8c: {  	[sflag:s25] =	ssyncadd.s32 $0xFFFFD400  }
0x8d: {  	_ =	swait.ge [sflag:s25], $0x2C00  }
0x8e: {  	[sflag:s25] =	ssyncset.done $0x0  }
0x8f: {  	[sflag:s25] =	ssyncadd.s32 $0xFFFFD400  }
0x90: {  	_ =	swait.ge [sflag:s25], $0x2C00  }
0x91: {  	[sflag:s25] =	ssyncset.done $0x0  }
0x92: {  	[sflag:s25] =	ssyncadd.s32 $0xFFFFD400  }
0x93: {  	_ =	swait.ge [sflag:s25], $0x2C00  }
0x94: {  	[sflag:s25] =	ssyncset.done $0x0  }
0x95: {  	[sflag:s25] =	ssyncadd.s32 $0xFFFFD400  }
0x96: {  	[tilespmem:s14], [sflag:$0x1] =	stream.indirect.gather [hbm4b:s4+s13], $0x80, s26, s13, $0xb8;
	[tilespmem:$0x1F400] =	vst v63  }
0x97: {  	_ = 	snop  }
0x98: {  	[tilespmem:s16], [sflag:$0x1] =	stream.indirect.gather [hbm4b:s4+s13], $0x80, s28, s13, $0xb8;
	[tilespmem:$0x1F400] =	vst v63  }
0x99: {  	_ = 	snop  }
0x9a: {  	[tilespmem:s18], [sflag:$0x1] =	stream.indirect.gather [hbm4b:s4+s13], $0x80, s29, s13, $0xb8;
	[tilespmem:$0x1F400] =	vst v63  }
0x9b: {  	_ = 	snop  }
0x9c: {  	[tilespmem:s20], [sflag:$0x1] =	stream.indirect.gather [hbm4b:s4+s13], $0x80, s30, s13, $0xb8;
	[tilespmem:$0x1F400] =	vst v63  }
0x9d: {  	_ =	swait.ge [sflag:s21], $0x2C00  }
0x9e: {  	[sflag:s21] =	ssyncset.done $0x0  }
0x9f: {  	[sflag:s21] =	ssyncadd.s32 $0xFFFFD400  }
0xa0: {  	[spmem:s2] =	stream.indirect.scatter.add.f32 [tilespmem:s14], [sflag:$0x2], $0x80, s31, s13, $0xb8;
	[tilespmem:$0x1F400] =	vst v63  }
0xa1: {  	_ =	swait.ge [sflag:s21], $0x2C00  }
0xa2: {  	[sflag:s21] =	ssyncset.done $0x0  }
0xa3: {  	[sflag:s21] =	ssyncadd.s32 $0xFFFFD400  }
0xa4: {  	[spmem:s2] =	stream.indirect.scatter.add.f32 [tilespmem:s16], [sflag:$0x2], $0x80, s1, s13, $0xb8;
	[tilespmem:$0x1F400] =	vst v63  }
0xa5: {  	_ =	swait.ge [sflag:s21], $0x2C00  }
0xa6: {  	[sflag:s21] =	ssyncset.done $0x0  }
0xa7: {  	[sflag:s21] =	ssyncadd.s32 $0xFFFFD400  }
0xa8: {  	[spmem:s2] =	stream.indirect.scatter.add.f32 [tilespmem:s18], [sflag:$0x2], $0x80, s0, s13, $0xb8;
	[tilespmem:$0x1F400] =	vst v63  }
0xa9: {  	_ =	swait.ge [sflag:s21], $0x2C00  }
0xaa: {  	[sflag:s21] =	ssyncset.done $0x0  }
0xab: {  	[sflag:s21] =	ssyncadd.s32 $0xFFFFD400  }
0xac: {  	[spmem:s2] =	stream.indirect.scatter.add.f32 [tilespmem:s20], [sflag:$0x2], $0x80, s5, s13, $0xb8;
	[tilespmem:$0x1F400] =	vst v63  }
0xad: {  	_ =	swait.ge [sflag:s25], $0x2C00  }
0xae: {  	[sflag:s25] =	ssyncset.done $0x0  }
0xaf: {  	[sflag:s25] =	ssyncadd.s32 $0xFFFFD400  }
0xb0: {  	_ =	swait.ge [sflag:s25], $0x2C00  }
0xb1: {  	[sflag:s25] =	ssyncset.done $0x0  }
0xb2: {  	[sflag:s25] =	ssyncadd.s32 $0xFFFFD400  }
.Ltmp0:
0xb3: {  	_ =	swait.ge [sflag:s25], $0x2C00;
	(pc) =	sbr.rel @p0 .LBB2_2-.Ltmp0, $4  }
0xb4: {  	[sflag:s25] =	ssyncset.done $0x0  }
0xb5: {  	[sflag:s25] =	ssyncadd.s32 $0xFFFFD400  }
0xb6: {  	_ =	swait.ge [sflag:s25], $0x2C00  }
0xb7: {  	s6 =	smov.u32 s10;
	[sflag:s25] =	ssyncset.done $0x0  }
0xb8: {  	s6 =	sadd.s32 s8, s9;
	[sflag:s25] =	ssyncadd.s32 $0xFFFFD400  }
0xb9: {  	[tilespmem:s3], [sflag:$0x3] =	stream.linear.gather [hbm4b:s6+s3], $0x400, $0x38;
	[tilespmem:$0x1F400] =	vst v63  }
0xba: {  	_ =	swait.ge [sflag:s11], $0x400  }
0xbb: {  	s7 =	rddreg [dreg:$0x3];
	[sflag:s11] =	ssyncset.done $0x0  }
0xbc: {  	s6 =	sadd.s32 s8, s7;
	[sflag:s11] =	ssyncadd.s32 $0xFFFFFC00  }
0xbd: {  	[tilespmem:s12], [sflag:$0x3] =	stream.linear.gather [hbm4b:s6+s3], $0x400, $0x38;
	[tilespmem:$0x1F400] =	vst v63  }
0xbe: {  	_ =	swait.ge [sflag:s11], $0x400  }
0xbf: {  	[sflag:s11] =	ssyncset.done $0x0  }
0xc0: {  	[sflag:s11] =	ssyncadd.s32 $0xFFFFFC00  }
0xc1: {  	[tilespmem:s14], [sflag:$0x1] =	stream.indirect.gather [hbm4b:s4+s13], $0x80, s3, s13, $0xb8;
	[tilespmem:$0x1F400] =	vst v63  }
0xc2: {  	s8 =	simm.s32 $0x80  }
0xc3: {  	[tilespmem:s16], [sflag:$0x1] =	stream.indirect.gather [hbm4b:s4+s13], $0x80, s8, s13, $0xb8;
	[tilespmem:$0x1F400] =	vst v63  }
0xc4: {  	_ = 	snop  }
0xc5: {  	[tilespmem:s18], [sflag:$0x1] =	stream.indirect.gather [hbm4b:s4+s13], $0x80, s17, s13, $0xb8;
	[tilespmem:$0x1F400] =	vst v63  }
0xc6: {  	_ = 	snop  }
0xc7: {  	[tilespmem:s20], [sflag:$0x1] =	stream.indirect.gather [hbm4b:s4+s13], $0x80, s19, s13, $0xb8;
	[tilespmem:$0x1F400] =	vst v63  }
0xc8: {  	_ =	swait.ge [sflag:s21], $0x2C00  }
0xc9: {  	[sflag:s21] =	ssyncset.done $0x0  }
0xca: {  	[sflag:s21] =	ssyncadd.s32 $0xFFFFD400  }
0xcb: {  	[spmem:s2] =	stream.indirect.scatter.add.f32 [tilespmem:s14], [sflag:$0x2], $0x80, s12, s13, $0xb8;
	[tilespmem:$0x1F400] =	vst v63  }
0xcc: {  	_ =	swait.ge [sflag:s21], $0x2C00  }
0xcd: {  	[sflag:s21] =	ssyncset.done $0x0  }
0xce: {  	[sflag:s21] =	ssyncadd.s32 $0xFFFFD400  }
0xcf: {  	[spmem:s2] =	stream.indirect.scatter.add.f32 [tilespmem:s16], [sflag:$0x2], $0x80, s22, s13, $0xb8;
	[tilespmem:$0x1F400] =	vst v63  }
0xd0: {  	_ =	swait.ge [sflag:s21], $0x2C00  }
0xd1: {  	[sflag:s21] =	ssyncset.done $0x0  }
0xd2: {  	[sflag:s21] =	ssyncadd.s32 $0xFFFFD400  }
0xd3: {  	[spmem:s2] =	stream.indirect.scatter.add.f32 [tilespmem:s18], [sflag:$0x2], $0x80, s23, s13, $0xb8;
	[tilespmem:$0x1F400] =	vst v63  }
0xd4: {  	_ =	swait.ge [sflag:s21], $0x2C00  }
0xd5: {  	[sflag:s21] =	ssyncset.done $0x0  }
0xd6: {  	[sflag:s21] =	ssyncadd.s32 $0xFFFFD400  }
0xd7: {  	[spmem:s2] =	stream.indirect.scatter.add.f32 [tilespmem:s20], [sflag:$0x2], $0x80, s24, s13, $0xb8;
	[tilespmem:$0x1F400] =	vst v63  }
0xd8: {  	_ =	swait.ge [sflag:s25], $0x2C00  }
0xd9: {  	[sflag:s25] =	ssyncset.done $0x0  }
0xda: {  	[sflag:s25] =	ssyncadd.s32 $0xFFFFD400  }
0xdb: {  	_ =	swait.ge [sflag:s25], $0x2C00  }
0xdc: {  	[sflag:s25] =	ssyncset.done $0x0  }
0xdd: {  	[sflag:s25] =	ssyncadd.s32 $0xFFFFD400  }
0xde: {  	_ =	swait.ge [sflag:s25], $0x2C00  }
0xdf: {  	[sflag:s25] =	ssyncset.done $0x0  }
0xe0: {  	[sflag:s25] =	ssyncadd.s32 $0xFFFFD400  }
0xe1: {  	_ =	swait.ge [sflag:s25], $0x2C00  }
0xe2: {  	[sflag:s25] =	ssyncset.done $0x0  }
0xe3: {  	[sflag:s25] =	ssyncadd.s32 $0xFFFFD400  }
0xe4: {  	[tilespmem:s14], [sflag:$0x1] =	stream.indirect.gather [hbm4b:s4+s13], $0x80, s26, s13, $0xb8;
	[tilespmem:$0x1F400] =	vst v63  }
0xe5: {  	_ = 	snop  }
0xe6: {  	[tilespmem:s16], [sflag:$0x1] =	stream.indirect.gather [hbm4b:s4+s13], $0x80, s28, s13, $0xb8;
	[tilespmem:$0x1F400] =	vst v63  }
0xe7: {  	_ = 	snop  }
0xe8: {  	[tilespmem:s18], [sflag:$0x1] =	stream.indirect.gather [hbm4b:s4+s13], $0x80, s29, s13, $0xb8;
	[tilespmem:$0x1F400] =	vst v63  }
0xe9: {  	_ = 	snop  }
0xea: {  	[tilespmem:s20], [sflag:$0x1] =	stream.indirect.gather [hbm4b:s4+s13], $0x80, s30, s13, $0xb8;
	[tilespmem:$0x1F400] =	vst v63  }
0xeb: {  	_ =	swait.ge [sflag:s21], $0x2C00  }
0xec: {  	[sflag:s21] =	ssyncset.done $0x0  }
0xed: {  	[sflag:s21] =	ssyncadd.s32 $0xFFFFD400  }
0xee: {  	[spmem:s2] =	stream.indirect.scatter.add.f32 [tilespmem:s14], [sflag:$0x2], $0x80, s31, s13, $0xb8;
	[tilespmem:$0x1F400] =	vst v63  }
0xef: {  	_ =	swait.ge [sflag:s21], $0x2C00  }
0xf0: {  	[sflag:s21] =	ssyncset.done $0x0  }
0xf1: {  	[sflag:s21] =	ssyncadd.s32 $0xFFFFD400  }
0xf2: {  	[spmem:s2] =	stream.indirect.scatter.add.f32 [tilespmem:s16], [sflag:$0x2], $0x80, s1, s13, $0xb8;
	[tilespmem:$0x1F400] =	vst v63  }
0xf3: {  	_ =	swait.ge [sflag:s21], $0x2C00  }
0xf4: {  	[sflag:s21] =	ssyncset.done $0x0  }
0xf5: {  	[sflag:s21] =	ssyncadd.s32 $0xFFFFD400  }
0xf6: {  	[spmem:s2] =	stream.indirect.scatter.add.f32 [tilespmem:s18], [sflag:$0x2], $0x80, s0, s13, $0xb8;
	[tilespmem:$0x1F400] =	vst v63  }
0xf7: {  	_ =	swait.ge [sflag:s21], $0x2C00  }
0xf8: {  	[sflag:s21] =	ssyncset.done $0x0  }
0xf9: {  	[sflag:s21] =	ssyncadd.s32 $0xFFFFD400  }
0xfa: {  	[spmem:s2] =	stream.indirect.scatter.add.f32 [tilespmem:s20], [sflag:$0x2], $0x80, s5, s13, $0xb8;
	[tilespmem:$0x1F400] =	vst v63  }
0xfb: {  	_ =	swait.ge [sflag:s25], $0x2C00  }
0xfc: {  	[sflag:s25] =	ssyncset.done $0x0  }
0xfd: {  	[sflag:s25] =	ssyncadd.s32 $0xFFFFD400  }
0xfe: {  	_ =	swait.ge [sflag:s25], $0x2C00  }
0xff: {  	[sflag:s25] =	ssyncset.done $0x0  }
0x100: {  	[sflag:s25] =	ssyncadd.s32 $0xFFFFD400  }
0x101: {  	_ =	swait.ge [sflag:s25], $0x2C00  }
0x102: {  	[sflag:s25] =	ssyncset.done $0x0  }
0x103: {  	[sflag:s25] =	ssyncadd.s32 $0xFFFFD400  }
0x104: {  	_ =	swait.ge [sflag:s25], $0x2C00  }
0x105: {  	[sflag:s25] =	ssyncset.done $0x0  }
0x106: {  	[sflag:s25] =	ssyncadd.s32 $0xFFFFD400  }
0x107: {  	[bflag:$0x0] =	sbarrier.arrive $0xFFFF  }
0x108: {  	s8 =	rddreg [dreg:$0x5]  }
0x109: {  	s10 =	rddreg [dreg:$0x7]  }
0x10a: {  	s7 =	rddreg [dreg:$0x8]  }
0x10b: {  	[hbm:s10], [sflag:s8] =	dma.local [spmem:s7], $0x2780  }
0x10c: {  	_ =	swait.ge [sflag:s11], $0x2780  }
0x10d: {  	s10 =	rddreg [dreg:$0x9]  }
0x10e: {  	s15 =	rddreg [dreg:$0x6];
	s10 =	sadd.s32 $0x1, s10  }
0x10f: {  	p0 =	sne.s32 s10, s15  }
.Ltmp1:
0x110: {  	_ = 	snop;
	(pc) =	sbr.rel @p0 .LBB2_1-.Ltmp1, $3  }
0x111: {  	_ =	sdelay $0x1  }
0x112: {  	[sflag:s11] =	ssyncset.done $0x0  }
0x113: {  	[sflag:s11] =	ssyncadd.s32 $0xFFFFD880  }
0x114: {  	_ =	sfence.sel $0x180000  }
0x115: {  	[bflag:$0x0] =	sbarrier.arrive $0xFFFF  }
0x116: {  	_ =	strace $0x90000050  }
0x117: {  	s0 =	stileid.u32;
	[bflag:$0x2] =	sbarrier.arrive $0xFFFF  }
0x118: {  	p0 =	sne.s32 s0, $0x0;
	s0 =	rddreg [dreg:$0x2]  }
0x119: {  	s0 =	sadd.s32 @!p0 $0x100000, s0  }
0x11a: {  	[sflag:s0] =	ssyncadd.tile.s32 @!p0 $0x1;
	_ =	shalt  }
.Lfunc_end2:
_tile_overlayer_lowered:
.L_overlay_start_2:
0x11b: {  	(tag) =	ssettag $0x2  }
0x11c: {  	s0 =	rddreg [dreg:$0x0];
	s2 =	stileid.u32  }
0x11d: {  	s1 =	rddreg [dreg:$0x1];
	p0 =	sne.s32 s2, $0x0  }
0x11e: {  	s3 =	rddreg [dreg:$0x2];
	[bflag:$0x3] =	sbarrier.arrive $0xFFFF;
	s2 =	simm.s32 @!p0 $0x1C03  }
0x11f: {  	[timem:s3], [sflag:s2] =	dma.local @!p0 [hbm:s0], s1  }
0x120: {  	s0 =	simm.s32 @!p0 $0x3  }
0x121: {  	_ =	swait.ge @!p0 [sflag:s0], s1  }
0x122: {  	s1 =	ssub.s32 @!p0 $0x0, s1;
	[sflag:s0] =	ssyncset.done @!p0 $0x0  }
0x123: {  	[sflag:s0] =	ssyncadd.s32 @!p0 s1  }
0x124: {  	[bflag:$0x3] =	sbarrier.arrive $0xFFFF  }
0x125: {  	_ =	shalt  }

</sc_bundles>
